<compile_context>
chip_gen: v7x
topology: tpu7x:2x2x1
jax: 0.10.2.dev20260603
libtpu: 0.0.44.dev20260713+nightly
codegen_flags: <defaults>
</compile_context>

<pallas_src>
import functools

import jax
import jax.numpy as jnp
from jax import lax
from jax.experimental import pallas as pl
from jax.experimental.pallas import tpu as pltpu
from jax.experimental.pallas import tpu_sc as plsc

_N = 8192
_QBLK = 1024
_CH = 2048
_LANES = 128
_NW = 32
_BPW = _N // _NW
_L = 16


def _select_body(p_ref, gt_t_ref, r_ref, t_ref, out_ref):
    p = p_ref[...]
    r = r_ref[...]
    q = jnp.dot(p, r.T, preferred_element_type=jnp.float32) + t_ref[...]
    qb = q.astype(jnp.bfloat16)
    lhs = jnp.concatenate(
        [-2.0 * qb, jnp.ones((_QBLK, 3), jnp.bfloat16)], axis=1)

    gt = gt_t_ref[...]
    gb = gt.astype(jnp.bfloat16)
    gg = gt[0:1, :] * gt[0:1, :] + gt[1:2, :] * gt[1:2, :] + gt[2:3, :] * gt[2:3, :]
    gh = gg.astype(jnp.bfloat16)
    r1 = gg - gh.astype(jnp.float32)
    gm = r1.astype(jnp.bfloat16)
    gl = (r1 - gm.astype(jnp.float32)).astype(jnp.bfloat16)
    rhs = jnp.concatenate([gb, gh, gm, gl], axis=0)

    dn = (((1,), (0,)), ((), ()))
    inf = jnp.float32(jnp.inf)
    smin = jnp.full((_QBLK, _LANES), inf, dtype=jnp.float32)
    sid = jnp.zeros((_QBLK, _LANES), dtype=jnp.float32)
    for c in range(_N // _CH):
        lo, hi = c * _CH, (c + 1) * _CH
        s = lax.dot_general(lhs, rhs[:, lo:hi], dn,
                            preferred_element_type=jnp.float32)
        for k in range(_CH // _LANES):
            ss = s[:, k * _LANES:(k + 1) * _LANES]
            upd = ss < smin
            smin = jnp.where(upd, ss, smin)
            sid = jnp.where(upd, jnp.float32(c * (_CH // _LANES) + k), sid)
    srow = jnp.min(smin, axis=1, keepdims=True)
    lane = lax.broadcasted_iota(jnp.int32, (_QBLK, _LANES), 1).astype(jnp.float32)
    code = sid * jnp.float32(_LANES) + lane
    j = jnp.min(jnp.where(smin == srow, code, jnp.float32(2 * _N)),
                axis=1, keepdims=True)
    out_ref[...] = jnp.concatenate([j, q], axis=1)


def _sqrt16(x):
    i = lax.bitcast_convert_type(x, jnp.int32)
    y = lax.bitcast_convert_type(jnp.int32(0x5F3759DF) - (i >> 1), jnp.float32)
    for _ in range(4):
        y = y * (1.5 - 0.5 * x * y * y)
    return jnp.where(x < 1e-35, 0.0, x * y)


def _distance_body(gt_hbm, rec_hbm, syms_hbm, asyms_hbm,
                   list_v, rec_v, jlist_v, gsel_v, glin_v, acc_v,
                   sem_d, sem_g, sem_l):
    wid = lax.axis_index("s") * 2 + lax.axis_index("c")
    base = wid * _BPW
    b4 = base * 4
    ramp = lax.iota(jnp.int32, _L)
    ramp4 = ramp * 4

    for f in range(4):
        for c in range(_BPW // _L):
            list_v[pl.ds(f * _BPW + c * _L, _L)] = (
                ramp4 + jnp.int32(b4 + f + 4 * _L * c))
    deint = pltpu.async_copy(rec_hbm.at[list_v], rec_v, sem_d)
    l1 = pltpu.async_copy(gt_hbm.at[pl.ds(base, _BPW)],
                          glin_v.at[pl.ds(0, _BPW)], sem_l)
    l2 = pltpu.async_copy(gt_hbm.at[pl.ds(_N + base, _BPW)],
                          glin_v.at[pl.ds(_BPW, _BPW)], sem_l)
    l3 = pltpu.async_copy(gt_hbm.at[pl.ds(2 * _N + base, _BPW)],
                          glin_v.at[pl.ds(2 * _BPW, _BPW)], sem_l)
    deint.wait()

    for c in range(_BPW // _L):
        jv = rec_v[pl.ds(c * _L, _L)].astype(jnp.int32)
        jlist_v[pl.ds(c * _L, _L)] = jv
        jlist_v[pl.ds(_BPW + c * _L, _L)] = jv + jnp.int32(_N)
        jlist_v[pl.ds(2 * _BPW + c * _L, _L)] = jv + jnp.int32(2 * _N)
    gs = pltpu.async_copy(gt_hbm.at[jlist_v], gsel_v, sem_g)
    gs.wait()
    l1.wait(); l2.wait(); l3.wait()

    acc_s = jnp.zeros((_L,), jnp.float32)
    acc_a = jnp.zeros((_L,), jnp.float32)
    for c in range(_BPW // _L):
        o = c * _L
        qx = rec_v[pl.ds(_BPW + o, _L)]
        qy = rec_v[pl.ds(2 * _BPW + o, _L)]
        qz = rec_v[pl.ds(3 * _BPW + o, _L)]
        dx = qx - gsel_v[pl.ds(o, _L)]
        dy = qy - gsel_v[pl.ds(_BPW + o, _L)]
        dz = qz - gsel_v[pl.ds(2 * _BPW + o, _L)]
        acc_s = acc_s + _sqrt16(dx * dx + dy * dy + dz * dz)
        ax = qx - glin_v[pl.ds(o, _L)]
        ay = qy - glin_v[pl.ds(_BPW + o, _L)]
        az = qz - glin_v[pl.ds(2 * _BPW + o, _L)]
        acc_a = acc_a + _sqrt16(ax * ax + ay * ay + az * az)

    acc_v[...] = acc_s
    pltpu.sync_copy(acc_v, syms_hbm.at[wid])
    acc_v[...] = acc_a
    pltpu.sync_copy(acc_v, asyms_hbm.at[wid])


def kernel(pred_R, pred_t, pts_model, pts_gt, model_index, device):
    P = pts_model[0]
    G = pts_gt[0]
    GT = G.T
    R = pred_R[0]
    T = pred_t

    rec = pl.pallas_call(
        _select_body,
        grid=(_N // _QBLK,),
        in_specs=[
            pl.BlockSpec((_QBLK, 3), lambda i: (i, 0)),
            pl.BlockSpec((3, _N), lambda i: (0, 0)),
            pl.BlockSpec((3, 3), lambda i: (0, 0)),
            pl.BlockSpec((1, 3), lambda i: (0, 0)),
        ],
        out_specs=pl.BlockSpec((_QBLK, 4), lambda i: (i, 0)),
        out_shape=jax.ShapeDtypeStruct((_N, 4), jnp.float32),
        compiler_params=pltpu.CompilerParams(
            dimension_semantics=("arbitrary",)),
    )(P, GT, R, T)

    distance = functools.partial(
        pl.kernel,
        mesh=plsc.VectorSubcoreMesh(core_axis_name="c", subcore_axis_name="s"),
        out_type=[
            jax.ShapeDtypeStruct((_NW, _L), jnp.float32),
            jax.ShapeDtypeStruct((_NW, _L), jnp.float32),
        ],
        scratch_types=[
            pltpu.VMEM((_BPW * 4,), jnp.int32),
            pltpu.VMEM((_BPW * 4,), jnp.float32),
            pltpu.VMEM((_BPW * 3,), jnp.int32),
            pltpu.VMEM((_BPW * 3,), jnp.float32),
            pltpu.VMEM((_BPW * 3,), jnp.float32),
            pltpu.VMEM((_L,), jnp.float32),
            pltpu.SemaphoreType.DMA,
            pltpu.SemaphoreType.DMA,
            pltpu.SemaphoreType.DMA,
        ],
    )(_distance_body)
    sym_parts, asym_parts = distance(GT.reshape(3 * _N), rec.reshape(4 * _N))

    is_sym = model_index.reshape(-1)[0] == 0
    loss = jnp.where(is_sym, jnp.sum(sym_parts), jnp.sum(asym_parts)) / _N
    return loss.reshape(1)

# --- scband reference (transcript-rebuilt; emitter-appended) ---
"""Pipeline reference for scband-distance-loss-3058016715400 (READ-ONLY COPY).

The authoritative reference and input builder live on the scoring server;
editing this copy changes nothing except your own understanding.
"""

import jax, jax.numpy as jnp
import numpy as np

SYM_LIST = [0]


def setup_inputs(seed: int = 0) -> dict:
    key = jax.random.key(seed)
    k1, k2, k3, k4 = jax.random.split(key, 4)
    pred_R = jax.random.normal(k1, (1, 3, 3), dtype=jnp.float32)
    pred_t = jax.random.normal(k2, (1, 3), dtype=jnp.float32)
    pts_model = jax.random.normal(k3, (1, 8192, 3), dtype=jnp.float32)
    pts_gt = jax.random.normal(k4, (1, 8192, 3), dtype=jnp.float32)
    model_index = jnp.zeros((1,), dtype=jnp.int32)
    return {"pred_R": pred_R, "pred_t": pred_t, "pts_model": pts_model,
            "pts_gt": pts_gt, "model_index": model_index, "device": 0}


def _knn_inds(ref, query):
    # ref: (3, N) reference points; query: (3, M) query points.
    # Returns, for each query column, the index of the nearest ref column (0-based;
    # torch KNearestNeighbor returns 1-based and the module subtracts 1 -> equivalent).
    d = (jnp.sum(query ** 2, axis=0)[:, None]
         - 2.0 * (query.T @ ref)
         + jnp.sum(ref ** 2, axis=0)[None, :])
    return jnp.argmin(d, axis=1)


def reference(pred_R, pred_t, pts_model, pts_gt, model_index, device):
    bs, num_pts, _ = pts_model.shape
    # tf.assemble_pose + tf.transform_points: pts_pred = R @ p + t
    pts_pred = jnp.einsum('bij,bnj->bni', pred_R, pts_model) + pred_t[:, None, :]
    is_sym = jnp.isin(model_index.reshape(-1)[0], jnp.asarray(SYM_LIST, dtype=model_index.dtype))
    pg = pts_gt[0].T.reshape(3, -1)                      # (3, N)
    pp = jnp.transpose(pts_pred, (2, 0, 1)).reshape(3, -1)  # (3, bs*N)
    inds = _knn_inds(pg, pp)                             # nearest gt for each pred point
    pg_sel = pg[:, inds]                                 # (3, M)
    pts_gt_m = jnp.transpose(pg_sel[None, :, :], (0, 2, 1))   # (1, M, 3)
    pts_pred_m = jnp.transpose(pp[None, :, :], (0, 2, 1))     # (1, M, 3)
    dis_loss_sym = jnp.mean(jnp.linalg.norm(pts_pred_m - pts_gt_m, axis=2), axis=1)
    dis_loss_asym = jnp.mean(jnp.linalg.norm(pts_pred - pts_gt, axis=2), axis=1)
    dis_loss = jnp.where(is_sym, dis_loss_sym, dis_loss_asym)
    return dis_loss

if __name__ == "__main__":
    import jax
    _d = setup_inputs()
    print(jax.jit(kernel)(*tuple(_d.values())))

</pallas_src>

<mosaic_0001>
#map = affine_map<(d0, d1) -> (0)>
#map1 = affine_map<(d0, d1) -> (0, 0)>
module attributes {stable_mosaic.version = 14 : i64} {
  func.func @_distance_body(%arg0: i32, %arg1: i32, %arg2: memref<24576xf32, #tpu.memory_space<hbm>>, %arg3: memref<32768xf32, #tpu.memory_space<hbm>>, %arg4: memref<32x16xf32, #tpu.memory_space<hbm>>, %arg5: memref<32x16xf32, #tpu.memory_space<hbm>>, %arg6: memref<1024xi32, #tpu.memory_space<vmem>>, %arg7: memref<1024xf32, #tpu.memory_space<vmem>>, %arg8: memref<768xi32, #tpu.memory_space<vmem>>, %arg9: memref<768xf32, #tpu.memory_space<vmem>>, %arg10: memref<768xf32, #tpu.memory_space<vmem>>, %arg11: memref<16xf32, #tpu.memory_space<vmem>>, %arg12: memref<!tpu.dma_semaphore, #tpu.memory_space<semaphore_mem>>, %arg13: memref<!tpu.dma_semaphore, #tpu.memory_space<semaphore_mem>>, %arg14: memref<!tpu.dma_semaphore, #tpu.memory_space<semaphore_mem>>) attributes {dimension_semantics = [#tpu.dimension_semantics<core_parallel>, #tpu.dimension_semantics<subcore_parallel>], iteration_bounds = array<i64: 2, 16>, scalar_prefetch = 0 : i64, scratch_operands = 9 : i64, tpu.core_type = #tpu.core_type<sc_vector_subcore>, window_params = [{transform_indices = #map}, {transform_indices = #map}, {transform_indices = #map1}, {transform_indices = #map1}]} {
    %mul3A = arith.constant 2 : i32
    %mul3A_0 = arith.muli %arg1, %mul3A : i32
    %add3A = arith.addi %mul3A_0, %arg0 : i32
    %mul3A_1 = arith.constant 256 : i32
    %mul3A_2 = arith.muli %add3A, %mul3A_1 : i32
    %mul3A_3 = arith.constant 4 : i32
    %mul3A_4 = arith.muli %mul3A_2, %mul3A_3 : i32
    %iota3A = tpu.iota {dimensions = array<i32: 0>} : vector<16xi32>
    %mul3A_5 = arith.constant 4 : i32
    %mul3A_6 = vector.broadcast %mul3A_5 : i32 to vector<16xi32>
    %mul3A_7 = arith.muli %iota3A, %mul3A_6 : vector<16xi32>
    %add3A_8 = arith.constant 0 : i32
    %add3A_9 = arith.addi %mul3A_4, %add3A_8 : i32
    %add3A_10 = arith.constant 0 : i32
    %add3A_11 = arith.addi %add3A_9, %add3A_10 : i32
    %add3A_12 = vector.broadcast %add3A_11 : i32 to vector<16xi32>
    %add3A_13 = arith.addi %mul3A_7, %add3A_12 : vector<16xi32>
    %swap3A = arith.constant 0 : index
    %swap3A_14 = tpu.vector_load %arg6[%swap3A] {strides = array<i32>} : memref<1024xi32, #tpu.memory_space<vmem>>, vector<16xi32>,
    %swap3A_15 = vector.shape_cast %swap3A_14 : vector<16xi32> to vector<16xi32>
    %swap3A_16 = vector.shape_cast %add3A_13 : vector<16xi32> to vector<16xi32>
    tpu.vector_store %arg6[%swap3A], %swap3A_16 {strides = array<i32>} : memref<1024xi32, #tpu.memory_space<vmem>>, vector<16xi32>,
    %add3A_17 = arith.constant 0 : i32
    %add3A_18 = arith.addi %mul3A_4, %add3A_17 : i32
    %add3A_19 = arith.constant 64 : i32
    %add3A_20 = arith.addi %add3A_18, %add3A_19 : i32
    %add3A_21 = vector.broadcast %add3A_20 : i32 to vector<16xi32>
    %add3A_22 = arith.addi %mul3A_7, %add3A_21 : vector<16xi32>
    %swap3A_23 = arith.constant 16 : index
    %swap3A_24 = tpu.vector_load %arg6[%swap3A_23] {strides = array<i32>} : memref<1024xi32, #tpu.memory_space<vmem>>, vector<16xi32>,
    %swap3A_25 = vector.shape_cast %swap3A_24 : vector<16xi32> to vector<16xi32>
    %swap3A_26 = vector.shape_cast %add3A_22 : vector<16xi32> to vector<16xi32>
    tpu.vector_store %arg6[%swap3A_23], %swap3A_26 {strides = array<i32>} : memref<1024xi32, #tpu.memory_space<vmem>>, vector<16xi32>,
    %add3A_27 = arith.constant 0 : i32
    %add3A_28 = arith.addi %mul3A_4, %add3A_27 : i32
    %add3A_29 = arith.constant 128 : i32
    %add3A_30 = arith.addi %add3A_28, %add3A_29 : i32
    %add3A_31 = vector.broadcast %add3A_30 : i32 to vector<16xi32>
    %add3A_32 = arith.addi %mul3A_7, %add3A_31 : vector<16xi32>
    %swap3A_33 = arith.constant 32 : index
    %swap3A_34 = tpu.vector_load %arg6[%swap3A_33] {strides = array<i32>} : memref<1024xi32, #tpu.memory_space<vmem>>, vector<16xi32>,
    %swap3A_35 = vector.shape_cast %swap3A_34 : vector<16xi32> to vector<16xi32>
    %swap3A_36 = vector.shape_cast %add3A_32 : vector<16xi32> to vector<16xi32>
    tpu.vector_store %arg6[%swap3A_33], %swap3A_36 {strides = array<i32>} : memref<1024xi32, #tpu.memory_space<vmem>>, vector<16xi32>,
    %add3A_37 = arith.constant 0 : i32
    %add3A_38 = arith.addi %mul3A_4, %add3A_37 : i32
    %add3A_39 = arith.constant 192 : i32
    %add3A_40 = arith.addi %add3A_38, %add3A_39 : i32
    %add3A_41 = vector.broadcast %add3A_40 : i32 to vector<16xi32>
    %add3A_42 = arith.addi %mul3A_7, %add3A_41 : vector<16xi32>
    %swap3A_43 = arith.constant 48 : index
    %swap3A_44 = tpu.vector_load %arg6[%swap3A_43] {strides = array<i32>} : memref<1024xi32, #tpu.memory_space<vmem>>, vector<16xi32>,
    %swap3A_45 = vector.shape_cast %swap3A_44 : vector<16xi32> to vector<16xi32>
    %swap3A_46 = vector.shape_cast %add3A_42 : vector<16xi32> to vector<16xi32>
    tpu.vector_store %arg6[%swap3A_43], %swap3A_46 {strides = array<i32>} : memref<1024xi32, #tpu.memory_space<vmem>>, vector<16xi32>,
    %add3A_47 = arith.constant 0 : i32
    %add3A_48 = arith.addi %mul3A_4, %add3A_47 : i32
    %add3A_49 = arith.constant 256 : i32
    %add3A_50 = arith.addi %add3A_48, %add3A_49 : i32
    %add3A_51 = vector.broadcast %add3A_50 : i32 to vector<16xi32>
    %add3A_52 = arith.addi %mul3A_7, %add3A_51 : vector<16xi32>
    %swap3A_53 = arith.constant 64 : index
    %swap3A_54 = tpu.vector_load %arg6[%swap3A_53] {strides = array<i32>} : memref<1024xi32, #tpu.memory_space<vmem>>, vector<16xi32>,
    %swap3A_55 = vector.shape_cast %swap3A_54 : vector<16xi32> to vector<16xi32>
    %swap3A_56 = vector.shape_cast %add3A_52 : vector<16xi32> to vector<16xi32>
    tpu.vector_store %arg6[%swap3A_53], %swap3A_56 {strides = array<i32>} : memref<1024xi32, #tpu.memory_space<vmem>>, vector<16xi32>,
    %add3A_57 = arith.constant 0 : i32
    %add3A_58 = arith.addi %mul3A_4, %add3A_57 : i32
    %add3A_59 = arith.constant 320 : i32
    %add3A_60 = arith.addi %add3A_58, %add3A_59 : i32
    %add3A_61 = vector.broadcast %add3A_60 : i32 to vector<16xi32>
    %add3A_62 = arith.addi %mul3A_7, %add3A_61 : vector<16xi32>
    %swap3A_63 = arith.constant 80 : index
    %swap3A_64 = tpu.vector_load %arg6[%swap3A_63] {strides = array<i32>} : memref<1024xi32, #tpu.memory_space<vmem>>, vector<16xi32>,
    %swap3A_65 = vector.shape_cast %swap3A_64 : vector<16xi32> to vector<16xi32>
    %swap3A_66 = vector.shape_cast %add3A_62 : vector<16xi32> to vector<16xi32>
    tpu.vector_store %arg6[%swap3A_63], %swap3A_66 {strides = array<i32>} : memref<1024xi32, #tpu.memory_space<vmem>>, vector<16xi32>,
    %add3A_67 = arith.constant 0 : i32
    %add3A_68 = arith.addi %mul3A_4, %add3A_67 : i32
    %add3A_69 = arith.constant 384 : i32
    %add3A_70 = arith.addi %add3A_68, %add3A_69 : i32
    %add3A_71 = vector.broadcast %add3A_70 : i32 to vector<16xi32>
    %add3A_72 = arith.addi %mul3A_7, %add3A_71 : vector<16xi32>
    %swap3A_73 = arith.constant 96 : index
    %swap3A_74 = tpu.vector_load %arg6[%swap3A_73] {strides = array<i32>} : memref<1024xi32, #tpu.memory_space<vmem>>, vector<16xi32>,
    %swap3A_75 = vector.shape_cast %swap3A_74 : vector<16xi32> to vector<16xi32>
    %swap3A_76 = vector.shape_cast %add3A_72 : vector<16xi32> to vector<16xi32>
    tpu.vector_store %arg6[%swap3A_73], %swap3A_76 {strides = array<i32>} : memref<1024xi32, #tpu.memory_space<vmem>>, vector<16xi32>,
    %add3A_77 = arith.constant 0 : i32
    %add3A_78 = arith.addi %mul3A_4, %add3A_77 : i32
    %add3A_79 = arith.constant 448 : i32
    %add3A_80 = arith.addi %add3A_78, %add3A_79 : i32
    %add3A_81 = vector.broadcast %add3A_80 : i32 to vector<16xi32>
    %add3A_82 = arith.addi %mul3A_7, %add3A_81 : vector<16xi32>
    %swap3A_83 = arith.constant 112 : index
    %swap3A_84 = tpu.vector_load %arg6[%swap3A_83] {strides = array<i32>} : memref<1024xi32, #tpu.memory_space<vmem>>, vector<16xi32>,
    %swap3A_85 = vector.shape_cast %swap3A_84 : vector<16xi32> to vector<16xi32>
    %swap3A_86 = vector.shape_cast %add3A_82 : vector<16xi32> to vector<16xi32>
    tpu.vector_store %arg6[%swap3A_83], %swap3A_86 {strides = array<i32>} : memref<1024xi32, #tpu.memory_space<vmem>>, vector<16xi32>,
    %add3A_87 = arith.constant 0 : i32
    %add3A_88 = arith.addi %mul3A_4, %add3A_87 : i32
    %add3A_89 = arith.constant 512 : i32
    %add3A_90 = arith.addi %add3A_88, %add3A_89 : i32
    %add3A_91 = vector.broadcast %add3A_90 : i32 to vector<16xi32>
    %add3A_92 = arith.addi %mul3A_7, %add3A_91 : vector<16xi32>
    %swap3A_93 = arith.constant 128 : index
    %swap3A_94 = tpu.vector_load %arg6[%swap3A_93] {strides = array<i32>} : memref<1024xi32, #tpu.memory_space<vmem>>, vector<16xi32>,
    %swap3A_95 = vector.shape_cast %swap3A_94 : vector<16xi32> to vector<16xi32>
    %swap3A_96 = vector.shape_cast %add3A_92 : vector<16xi32> to vector<16xi32>
    tpu.vector_store %arg6[%swap3A_93], %swap3A_96 {strides = array<i32>} : memref<1024xi32, #tpu.memory_space<vmem>>, vector<16xi32>,
    %add3A_97 = arith.constant 0 : i32
    %add3A_98 = arith.addi %mul3A_4, %add3A_97 : i32
    %add3A_99 = arith.constant 576 : i32
    %add3A_100 = arith.addi %add3A_98, %add3A_99 : i32
    %add3A_101 = vector.broadcast %add3A_100 : i32 to vector<16xi32>
    %add3A_102 = arith.addi %mul3A_7, %add3A_101 : vector<16xi32>
    %swap3A_103 = arith.constant 144 : index
    %swap3A_104 = tpu.vector_load %arg6[%swap3A_103] {strides = array<i32>} : memref<1024xi32, #tpu.memory_space<vmem>>, vector<16xi32>,
    %swap3A_105 = vector.shape_cast %swap3A_104 : vector<16xi32> to vector<16xi32>
    %swap3A_106 = vector.shape_cast %add3A_102 : vector<16xi32> to vector<16xi32>
    tpu.vector_store %arg6[%swap3A_103], %swap3A_106 {strides = array<i32>} : memref<1024xi32, #tpu.memory_space<vmem>>, vector<16xi32>,
    %add3A_107 = arith.constant 0 : i32
    %add3A_108 = arith.addi %mul3A_4, %add3A_107 : i32
    %add3A_109 = arith.constant 640 : i32
    %add3A_110 = arith.addi %add3A_108, %add3A_109 : i32
    %add3A_111 = vector.broadcast %add3A_110 : i32 to vector<16xi32>
    %add3A_112 = arith.addi %mul3A_7, %add3A_111 : vector<16xi32>
    %swap3A_113 = arith.constant 160 : index
    %swap3A_114 = tpu.vector_load %arg6[%swap3A_113] {strides = array<i32>} : memref<1024xi32, #tpu.memory_space<vmem>>, vector<16xi32>,
    %swap3A_115 = vector.shape_cast %swap3A_114 : vector<16xi32> to vector<16xi32>
    %swap3A_116 = vector.shape_cast %add3A_112 : vector<16xi32> to vector<16xi32>
    tpu.vector_store %arg6[%swap3A_113], %swap3A_116 {strides = array<i32>} : memref<1024xi32, #tpu.memory_space<vmem>>, vector<16xi32>,
    %add3A_117 = arith.constant 0 : i32
    %add3A_118 = arith.addi %mul3A_4, %add3A_117 : i32
    %add3A_119 = arith.constant 704 : i32
    %add3A_120 = arith.addi %add3A_118, %add3A_119 : i32
    %add3A_121 = vector.broadcast %add3A_120 : i32 to vector<16xi32>
    %add3A_122 = arith.addi %mul3A_7, %add3A_121 : vector<16xi32>
    %swap3A_123 = arith.constant 176 : index
    %swap3A_124 = tpu.vector_load %arg6[%swap3A_123] {strides = array<i32>} : memref<1024xi32, #tpu.memory_space<vmem>>, vector<16xi32>,
    %swap3A_125 = vector.shape_cast %swap3A_124 : vector<16xi32> to vector<16xi32>
    %swap3A_126 = vector.shape_cast %add3A_122 : vector<16xi32> to vector<16xi32>
    tpu.vector_store %arg6[%swap3A_123], %swap3A_126 {strides = array<i32>} : memref<1024xi32, #tpu.memory_space<vmem>>, vector<16xi32>,
    %add3A_127 = arith.constant 0 : i32
    %add3A_128 = arith.addi %mul3A_4, %add3A_127 : i32
    %add3A_129 = arith.constant 768 : i32
    %add3A_130 = arith.addi %add3A_128, %add3A_129 : i32
    %add3A_131 = vector.broadcast %add3A_130 : i32 to vector<16xi32>
    %add3A_132 = arith.addi %mul3A_7, %add3A_131 : vector<16xi32>
    %swap3A_133 = arith.constant 192 : index
    %swap3A_134 = tpu.vector_load %arg6[%swap3A_133] {strides = array<i32>} : memref<1024xi32, #tpu.memory_space<vmem>>, vector<16xi32>,
    %swap3A_135 = vector.shape_cast %swap3A_134 : vector<16xi32> to vector<16xi32>
    %swap3A_136 = vector.shape_cast %add3A_132 : vector<16xi32> to vector<16xi32>
    tpu.vector_store %arg6[%swap3A_133], %swap3A_136 {strides = array<i32>} : memref<1024xi32, #tpu.memory_space<vmem>>, vector<16xi32>,
    %add3A_137 = arith.constant 0 : i32
    %add3A_138 = arith.addi %mul3A_4, %add3A_137 : i32
    %add3A_139 = arith.constant 832 : i32
    %add3A_140 = arith.addi %add3A_138, %add3A_139 : i32
    %add3A_141 = vector.broadcast %add3A_140 : i32 to vector<16xi32>
    %add3A_142 = arith.addi %mul3A_7, %add3A_141 : vector<16xi32>
    %swap3A_143 = arith.constant 208 : index
    %swap3A_144 = tpu.vector_load %arg6[%swap3A_143] {strides = array<i32>} : memref<1024xi32, #tpu.memory_space<vmem>>, vector<16xi32>,
    %swap3A_145 = vector.shape_cast %swap3A_144 : vector<16xi32> to vector<16xi32>
    %swap3A_146 = vector.shape_cast %add3A_142 : vector<16xi32> to vector<16xi32>
    tpu.vector_store %arg6[%swap3A_143], %swap3A_146 {strides = array<i32>} : memref<1024xi32, #tpu.memory_space<vmem>>, vector<16xi32>,
    %add3A_147 = arith.constant 0 : i32
    %add3A_148 = arith.addi %mul3A_4, %add3A_147 : i32
    %add3A_149 = arith.constant 896 : i32
    %add3A_150 = arith.addi %add3A_148, %add3A_149 : i32
    %add3A_151 = vector.broadcast %add3A_150 : i32 to vector<16xi32>
    %add3A_152 = arith.addi %mul3A_7, %add3A_151 : vector<16xi32>
    %swap3A_153 = arith.constant 224 : index
    %swap3A_154 = tpu.vector_load %arg6[%swap3A_153] {strides = array<i32>} : memref<1024xi32, #tpu.memory_space<vmem>>, vector<16xi32>,
    %swap3A_155 = vector.shape_cast %swap3A_154 : vector<16xi32> to vector<16xi32>
    %swap3A_156 = vector.shape_cast %add3A_152 : vector<16xi32> to vector<16xi32>
    tpu.vector_store %arg6[%swap3A_153], %swap3A_156 {strides = array<i32>} : memref<1024xi32, #tpu.memory_space<vmem>>, vector<16xi32>,
    %add3A_157 = arith.constant 0 : i32
    %add3A_158 = arith.addi %mul3A_4, %add3A_157 : i32
    %add3A_159 = arith.constant 960 : i32
    %add3A_160 = arith.addi %add3A_158, %add3A_159 : i32
    %add3A_161 = vector.broadcast %add3A_160 : i32 to vector<16xi32>
    %add3A_162 = arith.addi %mul3A_7, %add3A_161 : vector<16xi32>
    %swap3A_163 = arith.constant 240 : index
    %swap3A_164 = tpu.vector_load %arg6[%swap3A_163] {strides = array<i32>} : memref<1024xi32, #tpu.memory_space<vmem>>, vector<16xi32>,
    %swap3A_165 = vector.shape_cast %swap3A_164 : vector<16xi32> to vector<16xi32>
    %swap3A_166 = vector.shape_cast %add3A_162 : vector<16xi32> to vector<16xi32>
    tpu.vector_store %arg6[%swap3A_163], %swap3A_166 {strides = array<i32>} : memref<1024xi32, #tpu.memory_space<vmem>>, vector<16xi32>,
    %add3A_167 = arith.constant 1 : i32
    %add3A_168 = arith.addi %mul3A_4, %add3A_167 : i32
    %add3A_169 = arith.constant 0 : i32
    %add3A_170 = arith.addi %add3A_168, %add3A_169 : i32
    %add3A_171 = vector.broadcast %add3A_170 : i32 to vector<16xi32>
    %add3A_172 = arith.addi %mul3A_7, %add3A_171 : vector<16xi32>
    %swap3A_173 = arith.constant 256 : index
    %swap3A_174 = tpu.vector_load %arg6[%swap3A_173] {strides = array<i32>} : memref<1024xi32, #tpu.memory_space<vmem>>, vector<16xi32>,
    %swap3A_175 = vector.shape_cast %swap3A_174 : vector<16xi32> to vector<16xi32>
    %swap3A_176 = vector.shape_cast %add3A_172 : vector<16xi32> to vector<16xi32>
    tpu.vector_store %arg6[%swap3A_173], %swap3A_176 {strides = array<i32>} : memref<1024xi32, #tpu.memory_space<vmem>>, vector<16xi32>,
    %add3A_177 = arith.constant 1 : i32
    %add3A_178 = arith.addi %mul3A_4, %add3A_177 : i32
    %add3A_179 = arith.constant 64 : i32
    %add3A_180 = arith.addi %add3A_178, %add3A_179 : i32
    %add3A_181 = vector.broadcast %add3A_180 : i32 to vector<16xi32>
    %add3A_182 = arith.addi %mul3A_7, %add3A_181 : vector<16xi32>
    %swap3A_183 = arith.constant 272 : index
    %swap3A_184 = tpu.vector_load %arg6[%swap3A_183] {strides = array<i32>} : memref<1024xi32, #tpu.memory_space<vmem>>, vector<16xi32>,
    %swap3A_185 = vector.shape_cast %swap3A_184 : vector<16xi32> to vector<16xi32>
    %swap3A_186 = vector.shape_cast %add3A_182 : vector<16xi32> to vector<16xi32>
    tpu.vector_store %arg6[%swap3A_183], %swap3A_186 {strides = array<i32>} : memref<1024xi32, #tpu.memory_space<vmem>>, vector<16xi32>,
    %add3A_187 = arith.constant 1 : i32
    %add3A_188 = arith.addi %mul3A_4, %add3A_187 : i32
    %add3A_189 = arith.constant 128 : i32
    %add3A_190 = arith.addi %add3A_188, %add3A_189 : i32
    %add3A_191 = vector.broadcast %add3A_190 : i32 to vector<16xi32>
    %add3A_192 = arith.addi %mul3A_7, %add3A_191 : vector<16xi32>
    %swap3A_193 = arith.constant 288 : index
    %swap3A_194 = tpu.vector_load %arg6[%swap3A_193] {strides = array<i32>} : memref<1024xi32, #tpu.memory_space<vmem>>, vector<16xi32>,
    %swap3A_195 = vector.shape_cast %swap3A_194 : vector<16xi32> to vector<16xi32>
    %swap3A_196 = vector.shape_cast %add3A_192 : vector<16xi32> to vector<16xi32>
    tpu.vector_store %arg6[%swap3A_193], %swap3A_196 {strides = array<i32>} : memref<1024xi32, #tpu.memory_space<vmem>>, vector<16xi32>,
    %add3A_197 = arith.constant 1 : i32
    %add3A_198 = arith.addi %mul3A_4, %add3A_197 : i32
    %add3A_199 = arith.constant 192 : i32
    %add3A_200 = arith.addi %add3A_198, %add3A_199 : i32
    %add3A_201 = vector.broadcast %add3A_200 : i32 to vector<16xi32>
    %add3A_202 = arith.addi %mul3A_7, %add3A_201 : vector<16xi32>
    %swap3A_203 = arith.constant 304 : index
    %swap3A_204 = tpu.vector_load %arg6[%swap3A_203] {strides = array<i32>} : memref<1024xi32, #tpu.memory_space<vmem>>, vector<16xi32>,
    %swap3A_205 = vector.shape_cast %swap3A_204 : vector<16xi32> to vector<16xi32>
    %swap3A_206 = vector.shape_cast %add3A_202 : vector<16xi32> to vector<16xi32>
    tpu.vector_store %arg6[%swap3A_203], %swap3A_206 {strides = array<i32>} : memref<1024xi32, #tpu.memory_space<vmem>>, vector<16xi32>,
    %add3A_207 = arith.constant 1 : i32
    %add3A_208 = arith.addi %mul3A_4, %add3A_207 : i32
    %add3A_209 = arith.constant 256 : i32
    %add3A_210 = arith.addi %add3A_208, %add3A_209 : i32
    %add3A_211 = vector.broadcast %add3A_210 : i32 to vector<16xi32>
    %add3A_212 = arith.addi %mul3A_7, %add3A_211 : vector<16xi32>
    %swap3A_213 = arith.constant 320 : index
    %swap3A_214 = tpu.vector_load %arg6[%swap3A_213] {strides = array<i32>} : memref<1024xi32, #tpu.memory_space<vmem>>, vector<16xi32>,
    %swap3A_215 = vector.shape_cast %swap3A_214 : vector<16xi32> to vector<16xi32>
    %swap3A_216 = vector.shape_cast %add3A_212 : vector<16xi32> to vector<16xi32>
    tpu.vector_store %arg6[%swap3A_213], %swap3A_216 {strides = array<i32>} : memref<1024xi32, #tpu.memory_space<vmem>>, vector<16xi32>,
    %add3A_217 = arith.constant 1 : i32
    %add3A_218 = arith.addi %mul3A_4, %add3A_217 : i32
    %add3A_219 = arith.constant 320 : i32
    %add3A_220 = arith.addi %add3A_218, %add3A_219 : i32
    %add3A_221 = vector.broadcast %add3A_220 : i32 to vector<16xi32>
    %add3A_222 = arith.addi %mul3A_7, %add3A_221 : vector<16xi32>
    %swap3A_223 = arith.constant 336 : index
    %swap3A_224 = tpu.vector_load %arg6[%swap3A_223] {strides = array<i32>} : memref<1024xi32, #tpu.memory_space<vmem>>, vector<16xi32>,
    %swap3A_225 = vector.shape_cast %swap3A_224 : vector<16xi32> to vector<16xi32>
    %swap3A_226 = vector.shape_cast %add3A_222 : vector<16xi32> to vector<16xi32>
    tpu.vector_store %arg6[%swap3A_223], %swap3A_226 {strides = array<i32>} : memref<1024xi32, #tpu.memory_space<vmem>>, vector<16xi32>,
    %add3A_227 = arith.constant 1 : i32
    %add3A_228 = arith.addi %mul3A_4, %add3A_227 : i32
    %add3A_229 = arith.constant 384 : i32
    %add3A_230 = arith.addi %add3A_228, %add3A_229 : i32
    %add3A_231 = vector.broadcast %add3A_230 : i32 to vector<16xi32>
    %add3A_232 = arith.addi %mul3A_7, %add3A_231 : vector<16xi32>
    %swap3A_233 = arith.constant 352 : index
    %swap3A_234 = tpu.vector_load %arg6[%swap3A_233] {strides = array<i32>} : memref<1024xi32, #tpu.memory_space<vmem>>, vector<16xi32>,
    %swap3A_235 = vector.shape_cast %swap3A_234 : vector<16xi32> to vector<16xi32>
    %swap3A_236 = vector.shape_cast %add3A_232 : vector<16xi32> to vector<16xi32>
    tpu.vector_store %arg6[%swap3A_233], %swap3A_236 {strides = array<i32>} : memref<1024xi32, #tpu.memory_space<vmem>>, vector<16xi32>,
    %add3A_237 = arith.constant 1 : i32
    %add3A_238 = arith.addi %mul3A_4, %add3A_237 : i32
    %add3A_239 = arith.constant 448 : i32
    %add3A_240 = arith.addi %add3A_238, %add3A_239 : i32
    %add3A_241 = vector.broadcast %add3A_240 : i32 to vector<16xi32>
    %add3A_242 = arith.addi %mul3A_7, %add3A_241 : vector<16xi32>
    %swap3A_243 = arith.constant 368 : index
    %swap3A_244 = tpu.vector_load %arg6[%swap3A_243] {strides = array<i32>} : memref<1024xi32, #tpu.memory_space<vmem>>, vector<16xi32>,
    %swap3A_245 = vector.shape_cast %swap3A_244 : vector<16xi32> to vector<16xi32>
    %swap3A_246 = vector.shape_cast %add3A_242 : vector<16xi32> to vector<16xi32>
    tpu.vector_store %arg6[%swap3A_243], %swap3A_246 {strides = array<i32>} : memref<1024xi32, #tpu.memory_space<vmem>>, vector<16xi32>,
    %add3A_247 = arith.constant 1 : i32
    %add3A_248 = arith.addi %mul3A_4, %add3A_247 : i32
    %add3A_249 = arith.constant 512 : i32
    %add3A_250 = arith.addi %add3A_248, %add3A_249 : i32
    %add3A_251 = vector.broadcast %add3A_250 : i32 to vector<16xi32>
    %add3A_252 = arith.addi %mul3A_7, %add3A_251 : vector<16xi32>
    %swap3A_253 = arith.constant 384 : index
    %swap3A_254 = tpu.vector_load %arg6[%swap3A_253] {strides = array<i32>} : memref<1024xi32, #tpu.memory_space<vmem>>, vector<16xi32>,
    %swap3A_255 = vector.shape_cast %swap3A_254 : vector<16xi32> to vector<16xi32>
    %swap3A_256 = vector.shape_cast %add3A_252 : vector<16xi32> to vector<16xi32>
    tpu.vector_store %arg6[%swap3A_253], %swap3A_256 {strides = array<i32>} : memref<1024xi32, #tpu.memory_space<vmem>>, vector<16xi32>,
    %add3A_257 = arith.constant 1 : i32
    %add3A_258 = arith.addi %mul3A_4, %add3A_257 : i32
    %add3A_259 = arith.constant 576 : i32
    %add3A_260 = arith.addi %add3A_258, %add3A_259 : i32
    %add3A_261 = vector.broadcast %add3A_260 : i32 to vector<16xi32>
    %add3A_262 = arith.addi %mul3A_7, %add3A_261 : vector<16xi32>
    %swap3A_263 = arith.constant 400 : index
    %swap3A_264 = tpu.vector_load %arg6[%swap3A_263] {strides = array<i32>} : memref<1024xi32, #tpu.memory_space<vmem>>, vector<16xi32>,
    %swap3A_265 = vector.shape_cast %swap3A_264 : vector<16xi32> to vector<16xi32>
    %swap3A_266 = vector.shape_cast %add3A_262 : vector<16xi32> to vector<16xi32>
    tpu.vector_store %arg6[%swap3A_263], %swap3A_266 {strides = array<i32>} : memref<1024xi32, #tpu.memory_space<vmem>>, vector<16xi32>,
    %add3A_267 = arith.constant 1 : i32
    %add3A_268 = arith.addi %mul3A_4, %add3A_267 : i32
    %add3A_269 = arith.constant 640 : i32
    %add3A_270 = arith.addi %add3A_268, %add3A_269 : i32
    %add3A_271 = vector.broadcast %add3A_270 : i32 to vector<16xi32>
    %add3A_272 = arith.addi %mul3A_7, %add3A_271 : vector<16xi32>
    %swap3A_273 = arith.constant 416 : index
    %swap3A_274 = tpu.vector_load %arg6[%swap3A_273] {strides = array<i32>} : memref<1024xi32, #tpu.memory_space<vmem>>, vector<16xi32>,
    %swap3A_275 = vector.shape_cast %swap3A_274 : vector<16xi32> to vector<16xi32>
    %swap3A_276 = vector.shape_cast %add3A_272 : vector<16xi32> to vector<16xi32>
    tpu.vector_store %arg6[%swap3A_273], %swap3A_276 {strides = array<i32>} : memref<1024xi32, #tpu.memory_space<vmem>>, vector<16xi32>,
    %add3A_277 = arith.constant 1 : i32
    %add3A_278 = arith.addi %mul3A_4, %add3A_277 : i32
    %add3A_279 = arith.constant 704 : i32
    %add3A_280 = arith.addi %add3A_278, %add3A_279 : i32
    %add3A_281 = vector.broadcast %add3A_280 : i32 to vector<16xi32>
    %add3A_282 = arith.addi %mul3A_7, %add3A_281 : vector<16xi32>
    %swap3A_283 = arith.constant 432 : index
    %swap3A_284 = tpu.vector_load %arg6[%swap3A_283] {strides = array<i32>} : memref<1024xi32, #tpu.memory_space<vmem>>, vector<16xi32>,
    %swap3A_285 = vector.shape_cast %swap3A_284 : vector<16xi32> to vector<16xi32>
    %swap3A_286 = vector.shape_cast %add3A_282 : vector<16xi32> to vector<16xi32>
    tpu.vector_store %arg6[%swap3A_283], %swap3A_286 {strides = array<i32>} : memref<1024xi32, #tpu.memory_space<vmem>>, vector<16xi32>,
    %add3A_287 = arith.constant 1 : i32
    %add3A_288 = arith.addi %mul3A_4, %add3A_287 : i32
    %add3A_289 = arith.constant 768 : i32
    %add3A_290 = arith.addi %add3A_288, %add3A_289 : i32
    %add3A_291 = vector.broadcast %add3A_290 : i32 to vector<16xi32>
    %add3A_292 = arith.addi %mul3A_7, %add3A_291 : vector<16xi32>
    %swap3A_293 = arith.constant 448 : index
    %swap3A_294 = tpu.vector_load %arg6[%swap3A_293] {strides = array<i32>} : memref<1024xi32, #tpu.memory_space<vmem>>, vector<16xi32>,
    %swap3A_295 = vector.shape_cast %swap3A_294 : vector<16xi32> to vector<16xi32>
    %swap3A_296 = vector.shape_cast %add3A_292 : vector<16xi32> to vector<16xi32>
    tpu.vector_store %arg6[%swap3A_293], %swap3A_296 {strides = array<i32>} : memref<1024xi32, #tpu.memory_space<vmem>>, vector<16xi32>,
    %add3A_297 = arith.constant 1 : i32
    %add3A_298 = arith.addi %mul3A_4, %add3A_297 : i32
    %add3A_299 = arith.constant 832 : i32
    %add3A_300 = arith.addi %add3A_298, %add3A_299 : i32
    %add3A_301 = vector.broadcast %add3A_300 : i32 to vector<16xi32>
    %add3A_302 = arith.addi %mul3A_7, %add3A_301 : vector<16xi32>
    %swap3A_303 = arith.constant 464 : index
    %swap3A_304 = tpu.vector_load %arg6[%swap3A_303] {strides = array<i32>} : memref<1024xi32, #tpu.memory_space<vmem>>, vector<16xi32>,
    %swap3A_305 = vector.shape_cast %swap3A_304 : vector<16xi32> to vector<16xi32>
    %swap3A_306 = vector.shape_cast %add3A_302 : vector<16xi32> to vector<16xi32>
    tpu.vector_store %arg6[%swap3A_303], %swap3A_306 {strides = array<i32>} : memref<1024xi32, #tpu.memory_space<vmem>>, vector<16xi32>,
    %add3A_307 = arith.constant 1 : i32
    %add3A_308 = arith.addi %mul3A_4, %add3A_307 : i32
    %add3A_309 = arith.constant 896 : i32
    %add3A_310 = arith.addi %add3A_308, %add3A_309 : i32
    %add3A_311 = vector.broadcast %add3A_310 : i32 to vector<16xi32>
    %add3A_312 = arith.addi %mul3A_7, %add3A_311 : vector<16xi32>
    %swap3A_313 = arith.constant 480 : index
    %swap3A_314 = tpu.vector_load %arg6[%swap3A_313] {strides = array<i32>} : memref<1024xi32, #tpu.memory_space<vmem>>, vector<16xi32>,
    %swap3A_315 = vector.shape_cast %swap3A_314 : vector<16xi32> to vector<16xi32>
    %swap3A_316 = vector.shape_cast %add3A_312 : vector<16xi32> to vector<16xi32>
    tpu.vector_store %arg6[%swap3A_313], %swap3A_316 {strides = array<i32>} : memref<1024xi32, #tpu.memory_space<vmem>>, vector<16xi32>,
    %add3A_317 = arith.constant 1 : i32
    %add3A_318 = arith.addi %mul3A_4, %add3A_317 : i32
    %add3A_319 = arith.constant 960 : i32
    %add3A_320 = arith.addi %add3A_318, %add3A_319 : i32
    %add3A_321 = vector.broadcast %add3A_320 : i32 to vector<16xi32>
    %add3A_322 = arith.addi %mul3A_7, %add3A_321 : vector<16xi32>
    %swap3A_323 = arith.constant 496 : index
    %swap3A_324 = tpu.vector_load %arg6[%swap3A_323] {strides = array<i32>} : memref<1024xi32, #tpu.memory_space<vmem>>, vector<16xi32>,
    %swap3A_325 = vector.shape_cast %swap3A_324 : vector<16xi32> to vector<16xi32>
    %swap3A_326 = vector.shape_cast %add3A_322 : vector<16xi32> to vector<16xi32>
    tpu.vector_store %arg6[%swap3A_323], %swap3A_326 {strides = array<i32>} : memref<1024xi32, #tpu.memory_space<vmem>>, vector<16xi32>,
    %add3A_327 = arith.constant 2 : i32
    %add3A_328 = arith.addi %mul3A_4, %add3A_327 : i32
    %add3A_329 = arith.constant 0 : i32
    %add3A_330 = arith.addi %add3A_328, %add3A_329 : i32
    %add3A_331 = vector.broadcast %add3A_330 : i32 to vector<16xi32>
    %add3A_332 = arith.addi %mul3A_7, %add3A_331 : vector<16xi32>
    %swap3A_333 = arith.constant 512 : index
    %swap3A_334 = tpu.vector_load %arg6[%swap3A_333] {strides = array<i32>} : memref<1024xi32, #tpu.memory_space<vmem>>, vector<16xi32>,
    %swap3A_335 = vector.shape_cast %swap3A_334 : vector<16xi32> to vector<16xi32>
    %swap3A_336 = vector.shape_cast %add3A_332 : vector<16xi32> to vector<16xi32>
    tpu.vector_store %arg6[%swap3A_333], %swap3A_336 {strides = array<i32>} : memref<1024xi32, #tpu.memory_space<vmem>>, vector<16xi32>,
    %add3A_337 = arith.constant 2 : i32
    %add3A_338 = arith.addi %mul3A_4, %add3A_337 : i32
    %add3A_339 = arith.constant 64 : i32
    %add3A_340 = arith.addi %add3A_338, %add3A_339 : i32
    %add3A_341 = vector.broadcast %add3A_340 : i32 to vector<16xi32>
    %add3A_342 = arith.addi %mul3A_7, %add3A_341 : vector<16xi32>
    %swap3A_343 = arith.constant 528 : index
    %swap3A_344 = tpu.vector_load %arg6[%swap3A_343] {strides = array<i32>} : memref<1024xi32, #tpu.memory_space<vmem>>, vector<16xi32>,
    %swap3A_345 = vector.shape_cast %swap3A_344 : vector<16xi32> to vector<16xi32>
    %swap3A_346 = vector.shape_cast %add3A_342 : vector<16xi32> to vector<16xi32>
    tpu.vector_store %arg6[%swap3A_343], %swap3A_346 {strides = array<i32>} : memref<1024xi32, #tpu.memory_space<vmem>>, vector<16xi32>,
    %add3A_347 = arith.constant 2 : i32
    %add3A_348 = arith.addi %mul3A_4, %add3A_347 : i32
    %add3A_349 = arith.constant 128 : i32
    %add3A_350 = arith.addi %add3A_348, %add3A_349 : i32
    %add3A_351 = vector.broadcast %add3A_350 : i32 to vector<16xi32>
    %add3A_352 = arith.addi %mul3A_7, %add3A_351 : vector<16xi32>
    %swap3A_353 = arith.constant 544 : index
    %swap3A_354 = tpu.vector_load %arg6[%swap3A_353] {strides = array<i32>} : memref<1024xi32, #tpu.memory_space<vmem>>, vector<16xi32>,
    %swap3A_355 = vector.shape_cast %swap3A_354 : vector<16xi32> to vector<16xi32>
    %swap3A_356 = vector.shape_cast %add3A_352 : vector<16xi32> to vector<16xi32>
    tpu.vector_store %arg6[%swap3A_353], %swap3A_356 {strides = array<i32>} : memref<1024xi32, #tpu.memory_space<vmem>>, vector<16xi32>,
    %add3A_357 = arith.constant 2 : i32
    %add3A_358 = arith.addi %mul3A_4, %add3A_357 : i32
    %add3A_359 = arith.constant 192 : i32
    %add3A_360 = arith.addi %add3A_358, %add3A_359 : i32
    %add3A_361 = vector.broadcast %add3A_360 : i32 to vector<16xi32>
    %add3A_362 = arith.addi %mul3A_7, %add3A_361 : vector<16xi32>
    %swap3A_363 = arith.constant 560 : index
    %swap3A_364 = tpu.vector_load %arg6[%swap3A_363] {strides = array<i32>} : memref<1024xi32, #tpu.memory_space<vmem>>, vector<16xi32>,
    %swap3A_365 = vector.shape_cast %swap3A_364 : vector<16xi32> to vector<16xi32>
    %swap3A_366 = vector.shape_cast %add3A_362 : vector<16xi32> to vector<16xi32>
    tpu.vector_store %arg6[%swap3A_363], %swap3A_366 {strides = array<i32>} : memref<1024xi32, #tpu.memory_space<vmem>>, vector<16xi32>,
    %add3A_367 = arith.constant 2 : i32
    %add3A_368 = arith.addi %mul3A_4, %add3A_367 : i32
    %add3A_369 = arith.constant 256 : i32
    %add3A_370 = arith.addi %add3A_368, %add3A_369 : i32
    %add3A_371 = vector.broadcast %add3A_370 : i32 to vector<16xi32>
    %add3A_372 = arith.addi %mul3A_7, %add3A_371 : vector<16xi32>
    %swap3A_373 = arith.constant 576 : index
    %swap3A_374 = tpu.vector_load %arg6[%swap3A_373] {strides = array<i32>} : memref<1024xi32, #tpu.memory_space<vmem>>, vector<16xi32>,
    %swap3A_375 = vector.shape_cast %swap3A_374 : vector<16xi32> to vector<16xi32>
    %swap3A_376 = vector.shape_cast %add3A_372 : vector<16xi32> to vector<16xi32>
    tpu.vector_store %arg6[%swap3A_373], %swap3A_376 {strides = array<i32>} : memref<1024xi32, #tpu.memory_space<vmem>>, vector<16xi32>,
    %add3A_377 = arith.constant 2 : i32
    %add3A_378 = arith.addi %mul3A_4, %add3A_377 : i32
    %add3A_379 = arith.constant 320 : i32
    %add3A_380 = arith.addi %add3A_378, %add3A_379 : i32
    %add3A_381 = vector.broadcast %add3A_380 : i32 to vector<16xi32>
    %add3A_382 = arith.addi %mul3A_7, %add3A_381 : vector<16xi32>
    %swap3A_383 = arith.constant 592 : index
    %swap3A_384 = tpu.vector_load %arg6[%swap3A_383] {strides = array<i32>} : memref<1024xi32, #tpu.memory_space<vmem>>, vector<16xi32>,
    %swap3A_385 = vector.shape_cast %swap3A_384 : vector<16xi32> to vector<16xi32>
    %swap3A_386 = vector.shape_cast %add3A_382 : vector<16xi32> to vector<16xi32>
    tpu.vector_store %arg6[%swap3A_383], %swap3A_386 {strides = array<i32>} : memref<1024xi32, #tpu.memory_space<vmem>>, vector<16xi32>,
    %add3A_387 = arith.constant 2 : i32
    %add3A_388 = arith.addi %mul3A_4, %add3A_387 : i32
    %add3A_389 = arith.constant 384 : i32
    %add3A_390 = arith.addi %add3A_388, %add3A_389 : i32
    %add3A_391 = vector.broadcast %add3A_390 : i32 to vector<16xi32>
    %add3A_392 = arith.addi %mul3A_7, %add3A_391 : vector<16xi32>
    %swap3A_393 = arith.constant 608 : index
    %swap3A_394 = tpu.vector_load %arg6[%swap3A_393] {strides = array<i32>} : memref<1024xi32, #tpu.memory_space<vmem>>, vector<16xi32>,
    %swap3A_395 = vector.shape_cast %swap3A_394 : vector<16xi32> to vector<16xi32>
    %swap3A_396 = vector.shape_cast %add3A_392 : vector<16xi32> to vector<16xi32>
    tpu.vector_store %arg6[%swap3A_393], %swap3A_396 {strides = array<i32>} : memref<1024xi32, #tpu.memory_space<vmem>>, vector<16xi32>,
    %add3A_397 = arith.constant 2 : i32
    %add3A_398 = arith.addi %mul3A_4, %add3A_397 : i32
    %add3A_399 = arith.constant 448 : i32
    %add3A_400 = arith.addi %add3A_398, %add3A_399 : i32
    %add3A_401 = vector.broadcast %add3A_400 : i32 to vector<16xi32>
    %add3A_402 = arith.addi %mul3A_7, %add3A_401 : vector<16xi32>
    %swap3A_403 = arith.constant 624 : index
    %swap3A_404 = tpu.vector_load %arg6[%swap3A_403] {strides = array<i32>} : memref<1024xi32, #tpu.memory_space<vmem>>, vector<16xi32>,
    %swap3A_405 = vector.shape_cast %swap3A_404 : vector<16xi32> to vector<16xi32>
    %swap3A_406 = vector.shape_cast %add3A_402 : vector<16xi32> to vector<16xi32>
    tpu.vector_store %arg6[%swap3A_403], %swap3A_406 {strides = array<i32>} : memref<1024xi32, #tpu.memory_space<vmem>>, vector<16xi32>,
    %add3A_407 = arith.constant 2 : i32
    %add3A_408 = arith.addi %mul3A_4, %add3A_407 : i32
    %add3A_409 = arith.constant 512 : i32
    %add3A_410 = arith.addi %add3A_408, %add3A_409 : i32
    %add3A_411 = vector.broadcast %add3A_410 : i32 to vector<16xi32>
    %add3A_412 = arith.addi %mul3A_7, %add3A_411 : vector<16xi32>
    %swap3A_413 = arith.constant 640 : index
    %swap3A_414 = tpu.vector_load %arg6[%swap3A_413] {strides = array<i32>} : memref<1024xi32, #tpu.memory_space<vmem>>, vector<16xi32>,
    %swap3A_415 = vector.shape_cast %swap3A_414 : vector<16xi32> to vector<16xi32>
    %swap3A_416 = vector.shape_cast %add3A_412 : vector<16xi32> to vector<16xi32>
    tpu.vector_store %arg6[%swap3A_413], %swap3A_416 {strides = array<i32>} : memref<1024xi32, #tpu.memory_space<vmem>>, vector<16xi32>,
    %add3A_417 = arith.constant 2 : i32
    %add3A_418 = arith.addi %mul3A_4, %add3A_417 : i32
    %add3A_419 = arith.constant 576 : i32
    %add3A_420 = arith.addi %add3A_418, %add3A_419 : i32
    %add3A_421 = vector.broadcast %add3A_420 : i32 to vector<16xi32>
    %add3A_422 = arith.addi %mul3A_7, %add3A_421 : vector<16xi32>
    %swap3A_423 = arith.constant 656 : index
    %swap3A_424 = tpu.vector_load %arg6[%swap3A_423] {strides = array<i32>} : memref<1024xi32, #tpu.memory_space<vmem>>, vector<16xi32>,
    %swap3A_425 = vector.shape_cast %swap3A_424 : vector<16xi32> to vector<16xi32>
    %swap3A_426 = vector.shape_cast %add3A_422 : vector<16xi32> to vector<16xi32>
    tpu.vector_store %arg6[%swap3A_423], %swap3A_426 {strides = array<i32>} : memref<1024xi32, #tpu.memory_space<vmem>>, vector<16xi32>,
    %add3A_427 = arith.constant 2 : i32
    %add3A_428 = arith.addi %mul3A_4, %add3A_427 : i32
    %add3A_429 = arith.constant 640 : i32
    %add3A_430 = arith.addi %add3A_428, %add3A_429 : i32
    %add3A_431 = vector.broadcast %add3A_430 : i32 to vector<16xi32>
    %add3A_432 = arith.addi %mul3A_7, %add3A_431 : vector<16xi32>
    %swap3A_433 = arith.constant 672 : index
    %swap3A_434 = tpu.vector_load %arg6[%swap3A_433] {strides = array<i32>} : memref<1024xi32, #tpu.memory_space<vmem>>, vector<16xi32>,
    %swap3A_435 = vector.shape_cast %swap3A_434 : vector<16xi32> to vector<16xi32>
    %swap3A_436 = vector.shape_cast %add3A_432 : vector<16xi32> to vector<16xi32>
    tpu.vector_store %arg6[%swap3A_433], %swap3A_436 {strides = array<i32>} : memref<1024xi32, #tpu.memory_space<vmem>>, vector<16xi32>,
    %add3A_437 = arith.constant 2 : i32
    %add3A_438 = arith.addi %mul3A_4, %add3A_437 : i32
    %add3A_439 = arith.constant 704 : i32
    %add3A_440 = arith.addi %add3A_438, %add3A_439 : i32
    %add3A_441 = vector.broadcast %add3A_440 : i32 to vector<16xi32>
    %add3A_442 = arith.addi %mul3A_7, %add3A_441 : vector<16xi32>
    %swap3A_443 = arith.constant 688 : index
    %swap3A_444 = tpu.vector_load %arg6[%swap3A_443] {strides = array<i32>} : memref<1024xi32, #tpu.memory_space<vmem>>, vector<16xi32>,
    %swap3A_445 = vector.shape_cast %swap3A_444 : vector<16xi32> to vector<16xi32>
    %swap3A_446 = vector.shape_cast %add3A_442 : vector<16xi32> to vector<16xi32>
    tpu.vector_store %arg6[%swap3A_443], %swap3A_446 {strides = array<i32>} : memref<1024xi32, #tpu.memory_space<vmem>>, vector<16xi32>,
    %add3A_447 = arith.constant 2 : i32
    %add3A_448 = arith.addi %mul3A_4, %add3A_447 : i32
    %add3A_449 = arith.constant 768 : i32
    %add3A_450 = arith.addi %add3A_448, %add3A_449 : i32
    %add3A_451 = vector.broadcast %add3A_450 : i32 to vector<16xi32>
    %add3A_452 = arith.addi %mul3A_7, %add3A_451 : vector<16xi32>
    %swap3A_453 = arith.constant 704 : index
    %swap3A_454 = tpu.vector_load %arg6[%swap3A_453] {strides = array<i32>} : memref<1024xi32, #tpu.memory_space<vmem>>, vector<16xi32>,
    %swap3A_455 = vector.shape_cast %swap3A_454 : vector<16xi32> to vector<16xi32>
    %swap3A_456 = vector.shape_cast %add3A_452 : vector<16xi32> to vector<16xi32>
    tpu.vector_store %arg6[%swap3A_453], %swap3A_456 {strides = array<i32>} : memref<1024xi32, #tpu.memory_space<vmem>>, vector<16xi32>,
    %add3A_457 = arith.constant 2 : i32
    %add3A_458 = arith.addi %mul3A_4, %add3A_457 : i32
    %add3A_459 = arith.constant 832 : i32
    %add3A_460 = arith.addi %add3A_458, %add3A_459 : i32
    %add3A_461 = vector.broadcast %add3A_460 : i32 to vector<16xi32>
    %add3A_462 = arith.addi %mul3A_7, %add3A_461 : vector<16xi32>
    %swap3A_463 = arith.constant 720 : index
    %swap3A_464 = tpu.vector_load %arg6[%swap3A_463] {strides = array<i32>} : memref<1024xi32, #tpu.memory_space<vmem>>, vector<16xi32>,
    %swap3A_465 = vector.shape_cast %swap3A_464 : vector<16xi32> to vector<16xi32>
    %swap3A_466 = vector.shape_cast %add3A_462 : vector<16xi32> to vector<16xi32>
    tpu.vector_store %arg6[%swap3A_463], %swap3A_466 {strides = array<i32>} : memref<1024xi32, #tpu.memory_space<vmem>>, vector<16xi32>,
    %add3A_467 = arith.constant 2 : i32
    %add3A_468 = arith.addi %mul3A_4, %add3A_467 : i32
    %add3A_469 = arith.constant 896 : i32
    %add3A_470 = arith.addi %add3A_468, %add3A_469 : i32
    %add3A_471 = vector.broadcast %add3A_470 : i32 to vector<16xi32>
    %add3A_472 = arith.addi %mul3A_7, %add3A_471 : vector<16xi32>
    %swap3A_473 = arith.constant 736 : index
    %swap3A_474 = tpu.vector_load %arg6[%swap3A_473] {strides = array<i32>} : memref<1024xi32, #tpu.memory_space<vmem>>, vector<16xi32>,
    %swap3A_475 = vector.shape_cast %swap3A_474 : vector<16xi32> to vector<16xi32>
    %swap3A_476 = vector.shape_cast %add3A_472 : vector<16xi32> to vector<16xi32>
    tpu.vector_store %arg6[%swap3A_473], %swap3A_476 {strides = array<i32>} : memref<1024xi32, #tpu.memory_space<vmem>>, vector<16xi32>,
    %add3A_477 = arith.constant 2 : i32
    %add3A_478 = arith.addi %mul3A_4, %add3A_477 : i32
    %add3A_479 = arith.constant 960 : i32
    %add3A_480 = arith.addi %add3A_478, %add3A_479 : i32
    %add3A_481 = vector.broadcast %add3A_480 : i32 to vector<16xi32>
    %add3A_482 = arith.addi %mul3A_7, %add3A_481 : vector<16xi32>
    %swap3A_483 = arith.constant 752 : index
    %swap3A_484 = tpu.vector_load %arg6[%swap3A_483] {strides = array<i32>} : memref<1024xi32, #tpu.memory_space<vmem>>, vector<16xi32>,
    %swap3A_485 = vector.shape_cast %swap3A_484 : vector<16xi32> to vector<16xi32>
    %swap3A_486 = vector.shape_cast %add3A_482 : vector<16xi32> to vector<16xi32>
    tpu.vector_store %arg6[%swap3A_483], %swap3A_486 {strides = array<i32>} : memref<1024xi32, #tpu.memory_space<vmem>>, vector<16xi32>,
    %add3A_487 = arith.constant 3 : i32
    %add3A_488 = arith.addi %mul3A_4, %add3A_487 : i32
    %add3A_489 = arith.constant 0 : i32
    %add3A_490 = arith.addi %add3A_488, %add3A_489 : i32
    %add3A_491 = vector.broadcast %add3A_490 : i32 to vector<16xi32>
    %add3A_492 = arith.addi %mul3A_7, %add3A_491 : vector<16xi32>
    %swap3A_493 = arith.constant 768 : index
    %swap3A_494 = tpu.vector_load %arg6[%swap3A_493] {strides = array<i32>} : memref<1024xi32, #tpu.memory_space<vmem>>, vector<16xi32>,
    %swap3A_495 = vector.shape_cast %swap3A_494 : vector<16xi32> to vector<16xi32>
    %swap3A_496 = vector.shape_cast %add3A_492 : vector<16xi32> to vector<16xi32>
    tpu.vector_store %arg6[%swap3A_493], %swap3A_496 {strides = array<i32>} : memref<1024xi32, #tpu.memory_space<vmem>>, vector<16xi32>,
    %add3A_497 = arith.constant 3 : i32
    %add3A_498 = arith.addi %mul3A_4, %add3A_497 : i32
    %add3A_499 = arith.constant 64 : i32
    %add3A_500 = arith.addi %add3A_498, %add3A_499 : i32
    %add3A_501 = vector.broadcast %add3A_500 : i32 to vector<16xi32>
    %add3A_502 = arith.addi %mul3A_7, %add3A_501 : vector<16xi32>
    %swap3A_503 = arith.constant 784 : index
    %swap3A_504 = tpu.vector_load %arg6[%swap3A_503] {strides = array<i32>} : memref<1024xi32, #tpu.memory_space<vmem>>, vector<16xi32>,
    %swap3A_505 = vector.shape_cast %swap3A_504 : vector<16xi32> to vector<16xi32>
    %swap3A_506 = vector.shape_cast %add3A_502 : vector<16xi32> to vector<16xi32>
    tpu.vector_store %arg6[%swap3A_503], %swap3A_506 {strides = array<i32>} : memref<1024xi32, #tpu.memory_space<vmem>>, vector<16xi32>,
    %add3A_507 = arith.constant 3 : i32
    %add3A_508 = arith.addi %mul3A_4, %add3A_507 : i32
    %add3A_509 = arith.constant 128 : i32
    %add3A_510 = arith.addi %add3A_508, %add3A_509 : i32
    %add3A_511 = vector.broadcast %add3A_510 : i32 to vector<16xi32>
    %add3A_512 = arith.addi %mul3A_7, %add3A_511 : vector<16xi32>
    %swap3A_513 = arith.constant 800 : index
    %swap3A_514 = tpu.vector_load %arg6[%swap3A_513] {strides = array<i32>} : memref<1024xi32, #tpu.memory_space<vmem>>, vector<16xi32>,
    %swap3A_515 = vector.shape_cast %swap3A_514 : vector<16xi32> to vector<16xi32>
    %swap3A_516 = vector.shape_cast %add3A_512 : vector<16xi32> to vector<16xi32>
    tpu.vector_store %arg6[%swap3A_513], %swap3A_516 {strides = array<i32>} : memref<1024xi32, #tpu.memory_space<vmem>>, vector<16xi32>,
    %add3A_517 = arith.constant 3 : i32
    %add3A_518 = arith.addi %mul3A_4, %add3A_517 : i32
    %add3A_519 = arith.constant 192 : i32
    %add3A_520 = arith.addi %add3A_518, %add3A_519 : i32
    %add3A_521 = vector.broadcast %add3A_520 : i32 to vector<16xi32>
    %add3A_522 = arith.addi %mul3A_7, %add3A_521 : vector<16xi32>
    %swap3A_523 = arith.constant 816 : index
    %swap3A_524 = tpu.vector_load %arg6[%swap3A_523] {strides = array<i32>} : memref<1024xi32, #tpu.memory_space<vmem>>, vector<16xi32>,
    %swap3A_525 = vector.shape_cast %swap3A_524 : vector<16xi32> to vector<16xi32>
    %swap3A_526 = vector.shape_cast %add3A_522 : vector<16xi32> to vector<16xi32>
    tpu.vector_store %arg6[%swap3A_523], %swap3A_526 {strides = array<i32>} : memref<1024xi32, #tpu.memory_space<vmem>>, vector<16xi32>,
    %add3A_527 = arith.constant 3 : i32
    %add3A_528 = arith.addi %mul3A_4, %add3A_527 : i32
    %add3A_529 = arith.constant 256 : i32
    %add3A_530 = arith.addi %add3A_528, %add3A_529 : i32
    %add3A_531 = vector.broadcast %add3A_530 : i32 to vector<16xi32>
    %add3A_532 = arith.addi %mul3A_7, %add3A_531 : vector<16xi32>
    %swap3A_533 = arith.constant 832 : index
    %swap3A_534 = tpu.vector_load %arg6[%swap3A_533] {strides = array<i32>} : memref<1024xi32, #tpu.memory_space<vmem>>, vector<16xi32>,
    %swap3A_535 = vector.shape_cast %swap3A_534 : vector<16xi32> to vector<16xi32>
    %swap3A_536 = vector.shape_cast %add3A_532 : vector<16xi32> to vector<16xi32>
    tpu.vector_store %arg6[%swap3A_533], %swap3A_536 {strides = array<i32>} : memref<1024xi32, #tpu.memory_space<vmem>>, vector<16xi32>,
    %add3A_537 = arith.constant 3 : i32
    %add3A_538 = arith.addi %mul3A_4, %add3A_537 : i32
    %add3A_539 = arith.constant 320 : i32
    %add3A_540 = arith.addi %add3A_538, %add3A_539 : i32
    %add3A_541 = vector.broadcast %add3A_540 : i32 to vector<16xi32>
    %add3A_542 = arith.addi %mul3A_7, %add3A_541 : vector<16xi32>
    %swap3A_543 = arith.constant 848 : index
    %swap3A_544 = tpu.vector_load %arg6[%swap3A_543] {strides = array<i32>} : memref<1024xi32, #tpu.memory_space<vmem>>, vector<16xi32>,
    %swap3A_545 = vector.shape_cast %swap3A_544 : vector<16xi32> to vector<16xi32>
    %swap3A_546 = vector.shape_cast %add3A_542 : vector<16xi32> to vector<16xi32>
    tpu.vector_store %arg6[%swap3A_543], %swap3A_546 {strides = array<i32>} : memref<1024xi32, #tpu.memory_space<vmem>>, vector<16xi32>,
    %add3A_547 = arith.constant 3 : i32
    %add3A_548 = arith.addi %mul3A_4, %add3A_547 : i32
    %add3A_549 = arith.constant 384 : i32
    %add3A_550 = arith.addi %add3A_548, %add3A_549 : i32
    %add3A_551 = vector.broadcast %add3A_550 : i32 to vector<16xi32>
    %add3A_552 = arith.addi %mul3A_7, %add3A_551 : vector<16xi32>
    %swap3A_553 = arith.constant 864 : index
    %swap3A_554 = tpu.vector_load %arg6[%swap3A_553] {strides = array<i32>} : memref<1024xi32, #tpu.memory_space<vmem>>, vector<16xi32>,
    %swap3A_555 = vector.shape_cast %swap3A_554 : vector<16xi32> to vector<16xi32>
    %swap3A_556 = vector.shape_cast %add3A_552 : vector<16xi32> to vector<16xi32>
    tpu.vector_store %arg6[%swap3A_553], %swap3A_556 {strides = array<i32>} : memref<1024xi32, #tpu.memory_space<vmem>>, vector<16xi32>,
    %add3A_557 = arith.constant 3 : i32
    %add3A_558 = arith.addi %mul3A_4, %add3A_557 : i32
    %add3A_559 = arith.constant 448 : i32
    %add3A_560 = arith.addi %add3A_558, %add3A_559 : i32
    %add3A_561 = vector.broadcast %add3A_560 : i32 to vector<16xi32>
    %add3A_562 = arith.addi %mul3A_7, %add3A_561 : vector<16xi32>
    %swap3A_563 = arith.constant 880 : index
    %swap3A_564 = tpu.vector_load %arg6[%swap3A_563] {strides = array<i32>} : memref<1024xi32, #tpu.memory_space<vmem>>, vector<16xi32>,
    %swap3A_565 = vector.shape_cast %swap3A_564 : vector<16xi32> to vector<16xi32>
    %swap3A_566 = vector.shape_cast %add3A_562 : vector<16xi32> to vector<16xi32>
    tpu.vector_store %arg6[%swap3A_563], %swap3A_566 {strides = array<i32>} : memref<1024xi32, #tpu.memory_space<vmem>>, vector<16xi32>,
    %add3A_567 = arith.constant 3 : i32
    %add3A_568 = arith.addi %mul3A_4, %add3A_567 : i32
    %add3A_569 = arith.constant 512 : i32
    %add3A_570 = arith.addi %add3A_568, %add3A_569 : i32
    %add3A_571 = vector.broadcast %add3A_570 : i32 to vector<16xi32>
    %add3A_572 = arith.addi %mul3A_7, %add3A_571 : vector<16xi32>
    %swap3A_573 = arith.constant 896 : index
    %swap3A_574 = tpu.vector_load %arg6[%swap3A_573] {strides = array<i32>} : memref<1024xi32, #tpu.memory_space<vmem>>, vector<16xi32>,
    %swap3A_575 = vector.shape_cast %swap3A_574 : vector<16xi32> to vector<16xi32>
    %swap3A_576 = vector.shape_cast %add3A_572 : vector<16xi32> to vector<16xi32>
    tpu.vector_store %arg6[%swap3A_573], %swap3A_576 {strides = array<i32>} : memref<1024xi32, #tpu.memory_space<vmem>>, vector<16xi32>,
    %add3A_577 = arith.constant 3 : i32
    %add3A_578 = arith.addi %mul3A_4, %add3A_577 : i32
    %add3A_579 = arith.constant 576 : i32
    %add3A_580 = arith.addi %add3A_578, %add3A_579 : i32
    %add3A_581 = vector.broadcast %add3A_580 : i32 to vector<16xi32>
    %add3A_582 = arith.addi %mul3A_7, %add3A_581 : vector<16xi32>
    %swap3A_583 = arith.constant 912 : index
    %swap3A_584 = tpu.vector_load %arg6[%swap3A_583] {strides = array<i32>} : memref<1024xi32, #tpu.memory_space<vmem>>, vector<16xi32>,
    %swap3A_585 = vector.shape_cast %swap3A_584 : vector<16xi32> to vector<16xi32>
    %swap3A_586 = vector.shape_cast %add3A_582 : vector<16xi32> to vector<16xi32>
    tpu.vector_store %arg6[%swap3A_583], %swap3A_586 {strides = array<i32>} : memref<1024xi32, #tpu.memory_space<vmem>>, vector<16xi32>,
    %add3A_587 = arith.constant 3 : i32
    %add3A_588 = arith.addi %mul3A_4, %add3A_587 : i32
    %add3A_589 = arith.constant 640 : i32
    %add3A_590 = arith.addi %add3A_588, %add3A_589 : i32
    %add3A_591 = vector.broadcast %add3A_590 : i32 to vector<16xi32>
    %add3A_592 = arith.addi %mul3A_7, %add3A_591 : vector<16xi32>
    %swap3A_593 = arith.constant 928 : index
    %swap3A_594 = tpu.vector_load %arg6[%swap3A_593] {strides = array<i32>} : memref<1024xi32, #tpu.memory_space<vmem>>, vector<16xi32>,
    %swap3A_595 = vector.shape_cast %swap3A_594 : vector<16xi32> to vector<16xi32>
    %swap3A_596 = vector.shape_cast %add3A_592 : vector<16xi32> to vector<16xi32>
    tpu.vector_store %arg6[%swap3A_593], %swap3A_596 {strides = array<i32>} : memref<1024xi32, #tpu.memory_space<vmem>>, vector<16xi32>,
    %add3A_597 = arith.constant 3 : i32
    %add3A_598 = arith.addi %mul3A_4, %add3A_597 : i32
    %add3A_599 = arith.constant 704 : i32
    %add3A_600 = arith.addi %add3A_598, %add3A_599 : i32
    %add3A_601 = vector.broadcast %add3A_600 : i32 to vector<16xi32>
    %add3A_602 = arith.addi %mul3A_7, %add3A_601 : vector<16xi32>
    %swap3A_603 = arith.constant 944 : index
    %swap3A_604 = tpu.vector_load %arg6[%swap3A_603] {strides = array<i32>} : memref<1024xi32, #tpu.memory_space<vmem>>, vector<16xi32>,
    %swap3A_605 = vector.shape_cast %swap3A_604 : vector<16xi32> to vector<16xi32>
    %swap3A_606 = vector.shape_cast %add3A_602 : vector<16xi32> to vector<16xi32>
    tpu.vector_store %arg6[%swap3A_603], %swap3A_606 {strides = array<i32>} : memref<1024xi32, #tpu.memory_space<vmem>>, vector<16xi32>,
    %add3A_607 = arith.constant 3 : i32
    %add3A_608 = arith.addi %mul3A_4, %add3A_607 : i32
    %add3A_609 = arith.constant 768 : i32
    %add3A_610 = arith.addi %add3A_608, %add3A_609 : i32
    %add3A_611 = vector.broadcast %add3A_610 : i32 to vector<16xi32>
    %add3A_612 = arith.addi %mul3A_7, %add3A_611 : vector<16xi32>
    %swap3A_613 = arith.constant 960 : index
    %swap3A_614 = tpu.vector_load %arg6[%swap3A_613] {strides = array<i32>} : memref<1024xi32, #tpu.memory_space<vmem>>, vector<16xi32>,
    %swap3A_615 = vector.shape_cast %swap3A_614 : vector<16xi32> to vector<16xi32>
    %swap3A_616 = vector.shape_cast %add3A_612 : vector<16xi32> to vector<16xi32>
    tpu.vector_store %arg6[%swap3A_613], %swap3A_616 {strides = array<i32>} : memref<1024xi32, #tpu.memory_space<vmem>>, vector<16xi32>,
    %add3A_617 = arith.constant 3 : i32
    %add3A_618 = arith.addi %mul3A_4, %add3A_617 : i32
    %add3A_619 = arith.constant 832 : i32
    %add3A_620 = arith.addi %add3A_618, %add3A_619 : i32
    %add3A_621 = vector.broadcast %add3A_620 : i32 to vector<16xi32>
    %add3A_622 = arith.addi %mul3A_7, %add3A_621 : vector<16xi32>
    %swap3A_623 = arith.constant 976 : index
    %swap3A_624 = tpu.vector_load %arg6[%swap3A_623] {strides = array<i32>} : memref<1024xi32, #tpu.memory_space<vmem>>, vector<16xi32>,
    %swap3A_625 = vector.shape_cast %swap3A_624 : vector<16xi32> to vector<16xi32>
    %swap3A_626 = vector.shape_cast %add3A_622 : vector<16xi32> to vector<16xi32>
    tpu.vector_store %arg6[%swap3A_623], %swap3A_626 {strides = array<i32>} : memref<1024xi32, #tpu.memory_space<vmem>>, vector<16xi32>,
    %add3A_627 = arith.constant 3 : i32
    %add3A_628 = arith.addi %mul3A_4, %add3A_627 : i32
    %add3A_629 = arith.constant 896 : i32
    %add3A_630 = arith.addi %add3A_628, %add3A_629 : i32
    %add3A_631 = vector.broadcast %add3A_630 : i32 to vector<16xi32>
    %add3A_632 = arith.addi %mul3A_7, %add3A_631 : vector<16xi32>
    %swap3A_633 = arith.constant 992 : index
    %swap3A_634 = tpu.vector_load %arg6[%swap3A_633] {strides = array<i32>} : memref<1024xi32, #tpu.memory_space<vmem>>, vector<16xi32>,
    %swap3A_635 = vector.shape_cast %swap3A_634 : vector<16xi32> to vector<16xi32>
    %swap3A_636 = vector.shape_cast %add3A_632 : vector<16xi32> to vector<16xi32>
    tpu.vector_store %arg6[%swap3A_633], %swap3A_636 {strides = array<i32>} : memref<1024xi32, #tpu.memory_space<vmem>>, vector<16xi32>,
    %add3A_637 = arith.constant 3 : i32
    %add3A_638 = arith.addi %mul3A_4, %add3A_637 : i32
    %add3A_639 = arith.constant 960 : i32
    %add3A_640 = arith.addi %add3A_638, %add3A_639 : i32
    %add3A_641 = vector.broadcast %add3A_640 : i32 to vector<16xi32>
    %add3A_642 = arith.addi %mul3A_7, %add3A_641 : vector<16xi32>
    %swap3A_643 = arith.constant 1008 : index
    %swap3A_644 = tpu.vector_load %arg6[%swap3A_643] {strides = array<i32>} : memref<1024xi32, #tpu.memory_space<vmem>>, vector<16xi32>,
    %swap3A_645 = vector.shape_cast %swap3A_644 : vector<16xi32> to vector<16xi32>
    %swap3A_646 = vector.shape_cast %add3A_642 : vector<16xi32> to vector<16xi32>
    tpu.vector_store %arg6[%swap3A_643], %swap3A_646 {strides = array<i32>} : memref<1024xi32, #tpu.memory_space<vmem>>, vector<16xi32>,
    %dma_start3A = arith.constant 0 : i32
    %dma_start3A_647 = tpu.memref_slice %arg3[%dma_start3A] : memref<32768xf32, #tpu.memory_space<hbm>> -> memref<32768xf32, #tpu.memory_space<hbm>>
    tpu.enqueue_indirect_dma source(%dma_start3A_647 : memref<32768xf32, #tpu.memory_space<hbm>>) target(%arg7 : memref<1024xf32, #tpu.memory_space<vmem>>) offsets(%arg6 : memref<1024xi32, #tpu.memory_space<vmem>>) semaphore(%arg12 : memref<!tpu.dma_semaphore, #tpu.memory_space<semaphore_mem>>)
    %dma_start3A_648 = arith.constant 0 : i32
    %dma_start3A_649 = tpu.memref_slice %arg10[%dma_start3A_648] : memref<768xf32, #tpu.memory_space<vmem>> -> memref<256xf32, #tpu.memory_space<vmem>>
    %dma_start3A_650 = tpu.memref_slice %arg2[%mul3A_2] : memref<24576xf32, #tpu.memory_space<hbm>> -> memref<256xf32, #tpu.memory_space<hbm>>
    %dma_start3A_651 = arith.constant 0 : i32
    %dma_start3A_652 = tpu.memref_slice %arg10[%dma_start3A_651] : memref<768xf32, #tpu.memory_space<vmem>> -> memref<256xf32, #tpu.memory_space<vmem>>
    %dma_start3A_653 = tpu.memref_slice %arg2[%mul3A_2] : memref<24576xf32, #tpu.memory_space<hbm>> -> memref<256xf32, #tpu.memory_space<hbm>>
    tpu.enqueue_dma source(%dma_start3A_653 : memref<256xf32, #tpu.memory_space<hbm>>) target(%dma_start3A_652 : memref<256xf32, #tpu.memory_space<vmem>>) target_semaphore(%arg14 : memref<!tpu.dma_semaphore, #tpu.memory_space<semaphore_mem>>)
    %add3A_654 = arith.constant 8192 : i32
    %add3A_655 = arith.addi %add3A_654, %mul3A_2 : i32
    %dma_start3A_656 = arith.constant 256 : i32
    %dma_start3A_657 = tpu.memref_slice %arg10[%dma_start3A_656] : memref<768xf32, #tpu.memory_space<vmem>> -> memref<256xf32, #tpu.memory_space<vmem>>
    %dma_start3A_658 = tpu.memref_slice %arg2[%add3A_655] : memref<24576xf32, #tpu.memory_space<hbm>> -> memref<256xf32, #tpu.memory_space<hbm>>
    %dma_start3A_659 = arith.constant 256 : i32
    %dma_start3A_660 = tpu.memref_slice %arg10[%dma_start3A_659] : memref<768xf32, #tpu.memory_space<vmem>> -> memref<256xf32, #tpu.memory_space<vmem>>
    %dma_start3A_661 = tpu.memref_slice %arg2[%add3A_655] : memref<24576xf32, #tpu.memory_space<hbm>> -> memref<256xf32, #tpu.memory_space<hbm>>
    tpu.enqueue_dma source(%dma_start3A_661 : memref<256xf32, #tpu.memory_space<hbm>>) target(%dma_start3A_660 : memref<256xf32, #tpu.memory_space<vmem>>) target_semaphore(%arg14 : memref<!tpu.dma_semaphore, #tpu.memory_space<semaphore_mem>>)
    %add3A_662 = arith.constant 16384 : i32
    %add3A_663 = arith.addi %add3A_662, %mul3A_2 : i32
    %dma_start3A_664 = arith.constant 512 : i32
    %dma_start3A_665 = tpu.memref_slice %arg10[%dma_start3A_664] : memref<768xf32, #tpu.memory_space<vmem>> -> memref<256xf32, #tpu.memory_space<vmem>>
    %dma_start3A_666 = tpu.memref_slice %arg2[%add3A_663] : memref<24576xf32, #tpu.memory_space<hbm>> -> memref<256xf32, #tpu.memory_space<hbm>>
    %dma_start3A_667 = arith.constant 512 : i32
    %dma_start3A_668 = tpu.memref_slice %arg10[%dma_start3A_667] : memref<768xf32, #tpu.memory_space<vmem>> -> memref<256xf32, #tpu.memory_space<vmem>>
    %dma_start3A_669 = tpu.memref_slice %arg2[%add3A_663] : memref<24576xf32, #tpu.memory_space<hbm>> -> memref<256xf32, #tpu.memory_space<hbm>>
    tpu.enqueue_dma source(%dma_start3A_669 : memref<256xf32, #tpu.memory_space<hbm>>) target(%dma_start3A_668 : memref<256xf32, #tpu.memory_space<vmem>>) target_semaphore(%arg14 : memref<!tpu.dma_semaphore, #tpu.memory_space<semaphore_mem>>)
    %dma_wait3A = arith.constant 0 : i32
    %dma_wait3A_670 = tpu.memref_slice %arg3[%dma_wait3A] : memref<32768xf32, #tpu.memory_space<hbm>> -> memref<32768xf32, #tpu.memory_space<hbm>>
    tpu.wait_indirect_dma semaphore(%arg12 : memref<!tpu.dma_semaphore, #tpu.memory_space<semaphore_mem>>) src(%dma_wait3A_670 : memref<32768xf32, #tpu.memory_space<hbm>>) dst(%arg7 : memref<1024xf32, #tpu.memory_space<vmem>>)
    %get3A = arith.constant 0 : index
    %get3A_671 = tpu.vector_load %arg7[%get3A] {strides = array<i32>} : memref<1024xf32, #tpu.memory_space<vmem>>, vector<16xf32>,
    %get3A_672 = vector.shape_cast %get3A_671 : vector<16xf32> to vector<16xf32>
    %convert_element_type3A = arith.fptosi %get3A_672 : vector<16xf32> to vector<16xi32>
    %swap3A_673 = arith.constant 0 : index
    %swap3A_674 = tpu.vector_load %arg8[%swap3A_673] {strides = array<i32>} : memref<768xi32, #tpu.memory_space<vmem>>, vector<16xi32>,
    %swap3A_675 = vector.shape_cast %swap3A_674 : vector<16xi32> to vector<16xi32>
    %swap3A_676 = vector.shape_cast %convert_element_type3A : vector<16xi32> to vector<16xi32>
    tpu.vector_store %arg8[%swap3A_673], %swap3A_676 {strides = array<i32>} : memref<768xi32, #tpu.memory_space<vmem>>, vector<16xi32>,
    %add3A_677 = arith.constant 8192 : i32
    %add3A_678 = vector.broadcast %add3A_677 : i32 to vector<16xi32>
    %add3A_679 = arith.addi %convert_element_type3A, %add3A_678 : vector<16xi32>
    %swap3A_680 = arith.constant 256 : index
    %swap3A_681 = tpu.vector_load %arg8[%swap3A_680] {strides = array<i32>} : memref<768xi32, #tpu.memory_space<vmem>>, vector<16xi32>,
    %swap3A_682 = vector.shape_cast %swap3A_681 : vector<16xi32> to vector<16xi32>
    %swap3A_683 = vector.shape_cast %add3A_679 : vector<16xi32> to vector<16xi32>
    tpu.vector_store %arg8[%swap3A_680], %swap3A_683 {strides = array<i32>} : memref<768xi32, #tpu.memory_space<vmem>>, vector<16xi32>,
    %add3A_684 = arith.constant 16384 : i32
    %add3A_685 = vector.broadcast %add3A_684 : i32 to vector<16xi32>
    %add3A_686 = arith.addi %convert_element_type3A, %add3A_685 : vector<16xi32>
    %swap3A_687 = arith.constant 512 : index
    %swap3A_688 = tpu.vector_load %arg8[%swap3A_687] {strides = array<i32>} : memref<768xi32, #tpu.memory_space<vmem>>, vector<16xi32>,
    %swap3A_689 = vector.shape_cast %swap3A_688 : vector<16xi32> to vector<16xi32>
    %swap3A_690 = vector.shape_cast %add3A_686 : vector<16xi32> to vector<16xi32>
    tpu.vector_store %arg8[%swap3A_687], %swap3A_690 {strides = array<i32>} : memref<768xi32, #tpu.memory_space<vmem>>, vector<16xi32>,
    %get3A_691 = arith.constant 16 : index
    %get3A_692 = tpu.vector_load %arg7[%get3A_691] {strides = array<i32>} : memref<1024xf32, #tpu.memory_space<vmem>>, vector<16xf32>,
    %get3A_693 = vector.shape_cast %get3A_692 : vector<16xf32> to vector<16xf32>
    %convert_element_type3A_694 = arith.fptosi %get3A_693 : vector<16xf32> to vector<16xi32>
    %swap3A_695 = arith.constant 16 : index
    %swap3A_696 = tpu.vector_load %arg8[%swap3A_695] {strides = array<i32>} : memref<768xi32, #tpu.memory_space<vmem>>, vector<16xi32>,
    %swap3A_697 = vector.shape_cast %swap3A_696 : vector<16xi32> to vector<16xi32>
    %swap3A_698 = vector.shape_cast %convert_element_type3A_694 : vector<16xi32> to vector<16xi32>
    tpu.vector_store %arg8[%swap3A_695], %swap3A_698 {strides = array<i32>} : memref<768xi32, #tpu.memory_space<vmem>>, vector<16xi32>,
    %add3A_699 = arith.constant 8192 : i32
    %add3A_700 = vector.broadcast %add3A_699 : i32 to vector<16xi32>
    %add3A_701 = arith.addi %convert_element_type3A_694, %add3A_700 : vector<16xi32>
    %swap3A_702 = arith.constant 272 : index
    %swap3A_703 = tpu.vector_load %arg8[%swap3A_702] {strides = array<i32>} : memref<768xi32, #tpu.memory_space<vmem>>, vector<16xi32>,
    %swap3A_704 = vector.shape_cast %swap3A_703 : vector<16xi32> to vector<16xi32>
    %swap3A_705 = vector.shape_cast %add3A_701 : vector<16xi32> to vector<16xi32>
    tpu.vector_store %arg8[%swap3A_702], %swap3A_705 {strides = array<i32>} : memref<768xi32, #tpu.memory_space<vmem>>, vector<16xi32>,
    %add3A_706 = arith.constant 16384 : i32
    %add3A_707 = vector.broadcast %add3A_706 : i32 to vector<16xi32>
    %add3A_708 = arith.addi %convert_element_type3A_694, %add3A_707 : vector<16xi32>
    %swap3A_709 = arith.constant 528 : index
    %swap3A_710 = tpu.vector_load %arg8[%swap3A_709] {strides = array<i32>} : memref<768xi32, #tpu.memory_space<vmem>>, vector<16xi32>,
    %swap3A_711 = vector.shape_cast %swap3A_710 : vector<16xi32> to vector<16xi32>
    %swap3A_712 = vector.shape_cast %add3A_708 : vector<16xi32> to vector<16xi32>
    tpu.vector_store %arg8[%swap3A_709], %swap3A_712 {strides = array<i32>} : memref<768xi32, #tpu.memory_space<vmem>>, vector<16xi32>,
    %get3A_713 = arith.constant 32 : index
    %get3A_714 = tpu.vector_load %arg7[%get3A_713] {strides = array<i32>} : memref<1024xf32, #tpu.memory_space<vmem>>, vector<16xf32>,
    %get3A_715 = vector.shape_cast %get3A_714 : vector<16xf32> to vector<16xf32>
    %convert_element_type3A_716 = arith.fptosi %get3A_715 : vector<16xf32> to vector<16xi32>
    %swap3A_717 = arith.constant 32 : index
    %swap3A_718 = tpu.vector_load %arg8[%swap3A_717] {strides = array<i32>} : memref<768xi32, #tpu.memory_space<vmem>>, vector<16xi32>,
    %swap3A_719 = vector.shape_cast %swap3A_718 : vector<16xi32> to vector<16xi32>
    %swap3A_720 = vector.shape_cast %convert_element_type3A_716 : vector<16xi32> to vector<16xi32>
    tpu.vector_store %arg8[%swap3A_717], %swap3A_720 {strides = array<i32>} : memref<768xi32, #tpu.memory_space<vmem>>, vector<16xi32>,
    %add3A_721 = arith.constant 8192 : i32
    %add3A_722 = vector.broadcast %add3A_721 : i32 to vector<16xi32>
    %add3A_723 = arith.addi %convert_element_type3A_716, %add3A_722 : vector<16xi32>
    %swap3A_724 = arith.constant 288 : index
    %swap3A_725 = tpu.vector_load %arg8[%swap3A_724] {strides = array<i32>} : memref<768xi32, #tpu.memory_space<vmem>>, vector<16xi32>,
    %swap3A_726 = vector.shape_cast %swap3A_725 : vector<16xi32> to vector<16xi32>
    %swap3A_727 = vector.shape_cast %add3A_723 : vector<16xi32> to vector<16xi32>
    tpu.vector_store %arg8[%swap3A_724], %swap3A_727 {strides = array<i32>} : memref<768xi32, #tpu.memory_space<vmem>>, vector<16xi32>,
    %add3A_728 = arith.constant 16384 : i32
    %add3A_729 = vector.broadcast %add3A_728 : i32 to vector<16xi32>
    %add3A_730 = arith.addi %convert_element_type3A_716, %add3A_729 : vector<16xi32>
    %swap3A_731 = arith.constant 544 : index
    %swap3A_732 = tpu.vector_load %arg8[%swap3A_731] {strides = array<i32>} : memref<768xi32, #tpu.memory_space<vmem>>, vector<16xi32>,
    %swap3A_733 = vector.shape_cast %swap3A_732 : vector<16xi32> to vector<16xi32>
    %swap3A_734 = vector.shape_cast %add3A_730 : vector<16xi32> to vector<16xi32>
    tpu.vector_store %arg8[%swap3A_731], %swap3A_734 {strides = array<i32>} : memref<768xi32, #tpu.memory_space<vmem>>, vector<16xi32>,
    %get3A_735 = arith.constant 48 : index
    %get3A_736 = tpu.vector_load %arg7[%get3A_735] {strides = array<i32>} : memref<1024xf32, #tpu.memory_space<vmem>>, vector<16xf32>,
    %get3A_737 = vector.shape_cast %get3A_736 : vector<16xf32> to vector<16xf32>
    %convert_element_type3A_738 = arith.fptosi %get3A_737 : vector<16xf32> to vector<16xi32>
    %swap3A_739 = arith.constant 48 : index
    %swap3A_740 = tpu.vector_load %arg8[%swap3A_739] {strides = array<i32>} : memref<768xi32, #tpu.memory_space<vmem>>, vector<16xi32>,
    %swap3A_741 = vector.shape_cast %swap3A_740 : vector<16xi32> to vector<16xi32>
    %swap3A_742 = vector.shape_cast %convert_element_type3A_738 : vector<16xi32> to vector<16xi32>
    tpu.vector_store %arg8[%swap3A_739], %swap3A_742 {strides = array<i32>} : memref<768xi32, #tpu.memory_space<vmem>>, vector<16xi32>,
    %add3A_743 = arith.constant 8192 : i32
    %add3A_744 = vector.broadcast %add3A_743 : i32 to vector<16xi32>
    %add3A_745 = arith.addi %convert_element_type3A_738, %add3A_744 : vector<16xi32>
    %swap3A_746 = arith.constant 304 : index
    %swap3A_747 = tpu.vector_load %arg8[%swap3A_746] {strides = array<i32>} : memref<768xi32, #tpu.memory_space<vmem>>, vector<16xi32>,
    %swap3A_748 = vector.shape_cast %swap3A_747 : vector<16xi32> to vector<16xi32>
    %swap3A_749 = vector.shape_cast %add3A_745 : vector<16xi32> to vector<16xi32>
    tpu.vector_store %arg8[%swap3A_746], %swap3A_749 {strides = array<i32>} : memref<768xi32, #tpu.memory_space<vmem>>, vector<16xi32>,
    %add3A_750 = arith.constant 16384 : i32
    %add3A_751 = vector.broadcast %add3A_750 : i32 to vector<16xi32>
    %add3A_752 = arith.addi %convert_element_type3A_738, %add3A_751 : vector<16xi32>
    %swap3A_753 = arith.constant 560 : index
    %swap3A_754 = tpu.vector_load %arg8[%swap3A_753] {strides = array<i32>} : memref<768xi32, #tpu.memory_space<vmem>>, vector<16xi32>,
    %swap3A_755 = vector.shape_cast %swap3A_754 : vector<16xi32> to vector<16xi32>
    %swap3A_756 = vector.shape_cast %add3A_752 : vector<16xi32> to vector<16xi32>
    tpu.vector_store %arg8[%swap3A_753], %swap3A_756 {strides = array<i32>} : memref<768xi32, #tpu.memory_space<vmem>>, vector<16xi32>,
    %get3A_757 = arith.constant 64 : index
    %get3A_758 = tpu.vector_load %arg7[%get3A_757] {strides = array<i32>} : memref<1024xf32, #tpu.memory_space<vmem>>, vector<16xf32>,
    %get3A_759 = vector.shape_cast %get3A_758 : vector<16xf32> to vector<16xf32>
    %convert_element_type3A_760 = arith.fptosi %get3A_759 : vector<16xf32> to vector<16xi32>
    %swap3A_761 = arith.constant 64 : index
    %swap3A_762 = tpu.vector_load %arg8[%swap3A_761] {strides = array<i32>} : memref<768xi32, #tpu.memory_space<vmem>>, vector<16xi32>,
    %swap3A_763 = vector.shape_cast %swap3A_762 : vector<16xi32> to vector<16xi32>
    %swap3A_764 = vector.shape_cast %convert_element_type3A_760 : vector<16xi32> to vector<16xi32>
    tpu.vector_store %arg8[%swap3A_761], %swap3A_764 {strides = array<i32>} : memref<768xi32, #tpu.memory_space<vmem>>, vector<16xi32>,
    %add3A_765 = arith.constant 8192 : i32
    %add3A_766 = vector.broadcast %add3A_765 : i32 to vector<16xi32>
    %add3A_767 = arith.addi %convert_element_type3A_760, %add3A_766 : vector<16xi32>
    %swap3A_768 = arith.constant 320 : index
    %swap3A_769 = tpu.vector_load %arg8[%swap3A_768] {strides = array<i32>} : memref<768xi32, #tpu.memory_space<vmem>>, vector<16xi32>,
    %swap3A_770 = vector.shape_cast %swap3A_769 : vector<16xi32> to vector<16xi32>
    %swap3A_771 = vector.shape_cast %add3A_767 : vector<16xi32> to vector<16xi32>
    tpu.vector_store %arg8[%swap3A_768], %swap3A_771 {strides = array<i32>} : memref<768xi32, #tpu.memory_space<vmem>>, vector<16xi32>,
    %add3A_772 = arith.constant 16384 : i32
    %add3A_773 = vector.broadcast %add3A_772 : i32 to vector<16xi32>
    %add3A_774 = arith.addi %convert_element_type3A_760, %add3A_773 : vector<16xi32>
    %swap3A_775 = arith.constant 576 : index
    %swap3A_776 = tpu.vector_load %arg8[%swap3A_775] {strides = array<i32>} : memref<768xi32, #tpu.memory_space<vmem>>, vector<16xi32>,
    %swap3A_777 = vector.shape_cast %swap3A_776 : vector<16xi32> to vector<16xi32>
    %swap3A_778 = vector.shape_cast %add3A_774 : vector<16xi32> to vector<16xi32>
    tpu.vector_store %arg8[%swap3A_775], %swap3A_778 {strides = array<i32>} : memref<768xi32, #tpu.memory_space<vmem>>, vector<16xi32>,
    %get3A_779 = arith.constant 80 : index
    %get3A_780 = tpu.vector_load %arg7[%get3A_779] {strides = array<i32>} : memref<1024xf32, #tpu.memory_space<vmem>>, vector<16xf32>,
    %get3A_781 = vector.shape_cast %get3A_780 : vector<16xf32> to vector<16xf32>
    %convert_element_type3A_782 = arith.fptosi %get3A_781 : vector<16xf32> to vector<16xi32>
    %swap3A_783 = arith.constant 80 : index
    %swap3A_784 = tpu.vector_load %arg8[%swap3A_783] {strides = array<i32>} : memref<768xi32, #tpu.memory_space<vmem>>, vector<16xi32>,
    %swap3A_785 = vector.shape_cast %swap3A_784 : vector<16xi32> to vector<16xi32>
    %swap3A_786 = vector.shape_cast %convert_element_type3A_782 : vector<16xi32> to vector<16xi32>
    tpu.vector_store %arg8[%swap3A_783], %swap3A_786 {strides = array<i32>} : memref<768xi32, #tpu.memory_space<vmem>>, vector<16xi32>,
    %add3A_787 = arith.constant 8192 : i32
    %add3A_788 = vector.broadcast %add3A_787 : i32 to vector<16xi32>
    %add3A_789 = arith.addi %convert_element_type3A_782, %add3A_788 : vector<16xi32>
    %swap3A_790 = arith.constant 336 : index
    %swap3A_791 = tpu.vector_load %arg8[%swap3A_790] {strides = array<i32>} : memref<768xi32, #tpu.memory_space<vmem>>, vector<16xi32>,
    %swap3A_792 = vector.shape_cast %swap3A_791 : vector<16xi32> to vector<16xi32>
    %swap3A_793 = vector.shape_cast %add3A_789 : vector<16xi32> to vector<16xi32>
    tpu.vector_store %arg8[%swap3A_790], %swap3A_793 {strides = array<i32>} : memref<768xi32, #tpu.memory_space<vmem>>, vector<16xi32>,
    %add3A_794 = arith.constant 16384 : i32
    %add3A_795 = vector.broadcast %add3A_794 : i32 to vector<16xi32>
    %add3A_796 = arith.addi %convert_element_type3A_782, %add3A_795 : vector<16xi32>
    %swap3A_797 = arith.constant 592 : index
    %swap3A_798 = tpu.vector_load %arg8[%swap3A_797] {strides = array<i32>} : memref<768xi32, #tpu.memory_space<vmem>>, vector<16xi32>,
    %swap3A_799 = vector.shape_cast %swap3A_798 : vector<16xi32> to vector<16xi32>
    %swap3A_800 = vector.shape_cast %add3A_796 : vector<16xi32> to vector<16xi32>
    tpu.vector_store %arg8[%swap3A_797], %swap3A_800 {strides = array<i32>} : memref<768xi32, #tpu.memory_space<vmem>>, vector<16xi32>,
    %get3A_801 = arith.constant 96 : index
    %get3A_802 = tpu.vector_load %arg7[%get3A_801] {strides = array<i32>} : memref<1024xf32, #tpu.memory_space<vmem>>, vector<16xf32>,
    %get3A_803 = vector.shape_cast %get3A_802 : vector<16xf32> to vector<16xf32>
    %convert_element_type3A_804 = arith.fptosi %get3A_803 : vector<16xf32> to vector<16xi32>
    %swap3A_805 = arith.constant 96 : index
    %swap3A_806 = tpu.vector_load %arg8[%swap3A_805] {strides = array<i32>} : memref<768xi32, #tpu.memory_space<vmem>>, vector<16xi32>,
    %swap3A_807 = vector.shape_cast %swap3A_806 : vector<16xi32> to vector<16xi32>
    %swap3A_808 = vector.shape_cast %convert_element_type3A_804 : vector<16xi32> to vector<16xi32>
    tpu.vector_store %arg8[%swap3A_805], %swap3A_808 {strides = array<i32>} : memref<768xi32, #tpu.memory_space<vmem>>, vector<16xi32>,
    %add3A_809 = arith.constant 8192 : i32
    %add3A_810 = vector.broadcast %add3A_809 : i32 to vector<16xi32>
    %add3A_811 = arith.addi %convert_element_type3A_804, %add3A_810 : vector<16xi32>
    %swap3A_812 = arith.constant 352 : index
    %swap3A_813 = tpu.vector_load %arg8[%swap3A_812] {strides = array<i32>} : memref<768xi32, #tpu.memory_space<vmem>>, vector<16xi32>,
    %swap3A_814 = vector.shape_cast %swap3A_813 : vector<16xi32> to vector<16xi32>
    %swap3A_815 = vector.shape_cast %add3A_811 : vector<16xi32> to vector<16xi32>
    tpu.vector_store %arg8[%swap3A_812], %swap3A_815 {strides = array<i32>} : memref<768xi32, #tpu.memory_space<vmem>>, vector<16xi32>,
    %add3A_816 = arith.constant 16384 : i32
    %add3A_817 = vector.broadcast %add3A_816 : i32 to vector<16xi32>
    %add3A_818 = arith.addi %convert_element_type3A_804, %add3A_817 : vector<16xi32>
    %swap3A_819 = arith.constant 608 : index
    %swap3A_820 = tpu.vector_load %arg8[%swap3A_819] {strides = array<i32>} : memref<768xi32, #tpu.memory_space<vmem>>, vector<16xi32>,
    %swap3A_821 = vector.shape_cast %swap3A_820 : vector<16xi32> to vector<16xi32>
    %swap3A_822 = vector.shape_cast %add3A_818 : vector<16xi32> to vector<16xi32>
    tpu.vector_store %arg8[%swap3A_819], %swap3A_822 {strides = array<i32>} : memref<768xi32, #tpu.memory_space<vmem>>, vector<16xi32>,
    %get3A_823 = arith.constant 112 : index
    %get3A_824 = tpu.vector_load %arg7[%get3A_823] {strides = array<i32>} : memref<1024xf32, #tpu.memory_space<vmem>>, vector<16xf32>,
    %get3A_825 = vector.shape_cast %get3A_824 : vector<16xf32> to vector<16xf32>
    %convert_element_type3A_826 = arith.fptosi %get3A_825 : vector<16xf32> to vector<16xi32>
    %swap3A_827 = arith.constant 112 : index
    %swap3A_828 = tpu.vector_load %arg8[%swap3A_827] {strides = array<i32>} : memref<768xi32, #tpu.memory_space<vmem>>, vector<16xi32>,
    %swap3A_829 = vector.shape_cast %swap3A_828 : vector<16xi32> to vector<16xi32>
    %swap3A_830 = vector.shape_cast %convert_element_type3A_826 : vector<16xi32> to vector<16xi32>
    tpu.vector_store %arg8[%swap3A_827], %swap3A_830 {strides = array<i32>} : memref<768xi32, #tpu.memory_space<vmem>>, vector<16xi32>,
    %add3A_831 = arith.constant 8192 : i32
    %add3A_832 = vector.broadcast %add3A_831 : i32 to vector<16xi32>
    %add3A_833 = arith.addi %convert_element_type3A_826, %add3A_832 : vector<16xi32>
    %swap3A_834 = arith.constant 368 : index
    %swap3A_835 = tpu.vector_load %arg8[%swap3A_834] {strides = array<i32>} : memref<768xi32, #tpu.memory_space<vmem>>, vector<16xi32>,
    %swap3A_836 = vector.shape_cast %swap3A_835 : vector<16xi32> to vector<16xi32>
    %swap3A_837 = vector.shape_cast %add3A_833 : vector<16xi32> to vector<16xi32>
    tpu.vector_store %arg8[%swap3A_834], %swap3A_837 {strides = array<i32>} : memref<768xi32, #tpu.memory_space<vmem>>, vector<16xi32>,
    %add3A_838 = arith.constant 16384 : i32
    %add3A_839 = vector.broadcast %add3A_838 : i32 to vector<16xi32>
    %add3A_840 = arith.addi %convert_element_type3A_826, %add3A_839 : vector<16xi32>
    %swap3A_841 = arith.constant 624 : index
    %swap3A_842 = tpu.vector_load %arg8[%swap3A_841] {strides = array<i32>} : memref<768xi32, #tpu.memory_space<vmem>>, vector<16xi32>,
    %swap3A_843 = vector.shape_cast %swap3A_842 : vector<16xi32> to vector<16xi32>
    %swap3A_844 = vector.shape_cast %add3A_840 : vector<16xi32> to vector<16xi32>
    tpu.vector_store %arg8[%swap3A_841], %swap3A_844 {strides = array<i32>} : memref<768xi32, #tpu.memory_space<vmem>>, vector<16xi32>,
    %get3A_845 = arith.constant 128 : index
    %get3A_846 = tpu.vector_load %arg7[%get3A_845] {strides = array<i32>} : memref<1024xf32, #tpu.memory_space<vmem>>, vector<16xf32>,
    %get3A_847 = vector.shape_cast %get3A_846 : vector<16xf32> to vector<16xf32>
    %convert_element_type3A_848 = arith.fptosi %get3A_847 : vector<16xf32> to vector<16xi32>
    %swap3A_849 = arith.constant 128 : index
    %swap3A_850 = tpu.vector_load %arg8[%swap3A_849] {strides = array<i32>} : memref<768xi32, #tpu.memory_space<vmem>>, vector<16xi32>,
    %swap3A_851 = vector.shape_cast %swap3A_850 : vector<16xi32> to vector<16xi32>
    %swap3A_852 = vector.shape_cast %convert_element_type3A_848 : vector<16xi32> to vector<16xi32>
    tpu.vector_store %arg8[%swap3A_849], %swap3A_852 {strides = array<i32>} : memref<768xi32, #tpu.memory_space<vmem>>, vector<16xi32>,
    %add3A_853 = arith.constant 8192 : i32
    %add3A_854 = vector.broadcast %add3A_853 : i32 to vector<16xi32>
    %add3A_855 = arith.addi %convert_element_type3A_848, %add3A_854 : vector<16xi32>
    %swap3A_856 = arith.constant 384 : index
    %swap3A_857 = tpu.vector_load %arg8[%swap3A_856] {strides = array<i32>} : memref<768xi32, #tpu.memory_space<vmem>>, vector<16xi32>,
    %swap3A_858 = vector.shape_cast %swap3A_857 : vector<16xi32> to vector<16xi32>
    %swap3A_859 = vector.shape_cast %add3A_855 : vector<16xi32> to vector<16xi32>
    tpu.vector_store %arg8[%swap3A_856], %swap3A_859 {strides = array<i32>} : memref<768xi32, #tpu.memory_space<vmem>>, vector<16xi32>,
    %add3A_860 = arith.constant 16384 : i32
    %add3A_861 = vector.broadcast %add3A_860 : i32 to vector<16xi32>
    %add3A_862 = arith.addi %convert_element_type3A_848, %add3A_861 : vector<16xi32>
    %swap3A_863 = arith.constant 640 : index
    %swap3A_864 = tpu.vector_load %arg8[%swap3A_863] {strides = array<i32>} : memref<768xi32, #tpu.memory_space<vmem>>, vector<16xi32>,
    %swap3A_865 = vector.shape_cast %swap3A_864 : vector<16xi32> to vector<16xi32>
    %swap3A_866 = vector.shape_cast %add3A_862 : vector<16xi32> to vector<16xi32>
    tpu.vector_store %arg8[%swap3A_863], %swap3A_866 {strides = array<i32>} : memref<768xi32, #tpu.memory_space<vmem>>, vector<16xi32>,
    %get3A_867 = arith.constant 144 : index
    %get3A_868 = tpu.vector_load %arg7[%get3A_867] {strides = array<i32>} : memref<1024xf32, #tpu.memory_space<vmem>>, vector<16xf32>,
    %get3A_869 = vector.shape_cast %get3A_868 : vector<16xf32> to vector<16xf32>
    %convert_element_type3A_870 = arith.fptosi %get3A_869 : vector<16xf32> to vector<16xi32>
    %swap3A_871 = arith.constant 144 : index
    %swap3A_872 = tpu.vector_load %arg8[%swap3A_871] {strides = array<i32>} : memref<768xi32, #tpu.memory_space<vmem>>, vector<16xi32>,
    %swap3A_873 = vector.shape_cast %swap3A_872 : vector<16xi32> to vector<16xi32>
    %swap3A_874 = vector.shape_cast %convert_element_type3A_870 : vector<16xi32> to vector<16xi32>
    tpu.vector_store %arg8[%swap3A_871], %swap3A_874 {strides = array<i32>} : memref<768xi32, #tpu.memory_space<vmem>>, vector<16xi32>,
    %add3A_875 = arith.constant 8192 : i32
    %add3A_876 = vector.broadcast %add3A_875 : i32 to vector<16xi32>
    %add3A_877 = arith.addi %convert_element_type3A_870, %add3A_876 : vector<16xi32>
    %swap3A_878 = arith.constant 400 : index
    %swap3A_879 = tpu.vector_load %arg8[%swap3A_878] {strides = array<i32>} : memref<768xi32, #tpu.memory_space<vmem>>, vector<16xi32>,
    %swap3A_880 = vector.shape_cast %swap3A_879 : vector<16xi32> to vector<16xi32>
    %swap3A_881 = vector.shape_cast %add3A_877 : vector<16xi32> to vector<16xi32>
    tpu.vector_store %arg8[%swap3A_878], %swap3A_881 {strides = array<i32>} : memref<768xi32, #tpu.memory_space<vmem>>, vector<16xi32>,
    %add3A_882 = arith.constant 16384 : i32
    %add3A_883 = vector.broadcast %add3A_882 : i32 to vector<16xi32>
    %add3A_884 = arith.addi %convert_element_type3A_870, %add3A_883 : vector<16xi32>
    %swap3A_885 = arith.constant 656 : index
    %swap3A_886 = tpu.vector_load %arg8[%swap3A_885] {strides = array<i32>} : memref<768xi32, #tpu.memory_space<vmem>>, vector<16xi32>,
    %swap3A_887 = vector.shape_cast %swap3A_886 : vector<16xi32> to vector<16xi32>
    %swap3A_888 = vector.shape_cast %add3A_884 : vector<16xi32> to vector<16xi32>
    tpu.vector_store %arg8[%swap3A_885], %swap3A_888 {strides = array<i32>} : memref<768xi32, #tpu.memory_space<vmem>>, vector<16xi32>,
    %get3A_889 = arith.constant 160 : index
    %get3A_890 = tpu.vector_load %arg7[%get3A_889] {strides = array<i32>} : memref<1024xf32, #tpu.memory_space<vmem>>, vector<16xf32>,
    %get3A_891 = vector.shape_cast %get3A_890 : vector<16xf32> to vector<16xf32>
    %convert_element_type3A_892 = arith.fptosi %get3A_891 : vector<16xf32> to vector<16xi32>
    %swap3A_893 = arith.constant 160 : index
    %swap3A_894 = tpu.vector_load %arg8[%swap3A_893] {strides = array<i32>} : memref<768xi32, #tpu.memory_space<vmem>>, vector<16xi32>,
    %swap3A_895 = vector.shape_cast %swap3A_894 : vector<16xi32> to vector<16xi32>
    %swap3A_896 = vector.shape_cast %convert_element_type3A_892 : vector<16xi32> to vector<16xi32>
    tpu.vector_store %arg8[%swap3A_893], %swap3A_896 {strides = array<i32>} : memref<768xi32, #tpu.memory_space<vmem>>, vector<16xi32>,
    %add3A_897 = arith.constant 8192 : i32
    %add3A_898 = vector.broadcast %add3A_897 : i32 to vector<16xi32>
    %add3A_899 = arith.addi %convert_element_type3A_892, %add3A_898 : vector<16xi32>
    %swap3A_900 = arith.constant 416 : index
    %swap3A_901 = tpu.vector_load %arg8[%swap3A_900] {strides = array<i32>} : memref<768xi32, #tpu.memory_space<vmem>>, vector<16xi32>,
    %swap3A_902 = vector.shape_cast %swap3A_901 : vector<16xi32> to vector<16xi32>
    %swap3A_903 = vector.shape_cast %add3A_899 : vector<16xi32> to vector<16xi32>
    tpu.vector_store %arg8[%swap3A_900], %swap3A_903 {strides = array<i32>} : memref<768xi32, #tpu.memory_space<vmem>>, vector<16xi32>,
    %add3A_904 = arith.constant 16384 : i32
    %add3A_905 = vector.broadcast %add3A_904 : i32 to vector<16xi32>
    %add3A_906 = arith.addi %convert_element_type3A_892, %add3A_905 : vector<16xi32>
    %swap3A_907 = arith.constant 672 : index
    %swap3A_908 = tpu.vector_load %arg8[%swap3A_907] {strides = array<i32>} : memref<768xi32, #tpu.memory_space<vmem>>, vector<16xi32>,
    %swap3A_909 = vector.shape_cast %swap3A_908 : vector<16xi32> to vector<16xi32>
    %swap3A_910 = vector.shape_cast %add3A_906 : vector<16xi32> to vector<16xi32>
    tpu.vector_store %arg8[%swap3A_907], %swap3A_910 {strides = array<i32>} : memref<768xi32, #tpu.memory_space<vmem>>, vector<16xi32>,
    %get3A_911 = arith.constant 176 : index
    %get3A_912 = tpu.vector_load %arg7[%get3A_911] {strides = array<i32>} : memref<1024xf32, #tpu.memory_space<vmem>>, vector<16xf32>,
    %get3A_913 = vector.shape_cast %get3A_912 : vector<16xf32> to vector<16xf32>
    %convert_element_type3A_914 = arith.fptosi %get3A_913 : vector<16xf32> to vector<16xi32>
    %swap3A_915 = arith.constant 176 : index
    %swap3A_916 = tpu.vector_load %arg8[%swap3A_915] {strides = array<i32>} : memref<768xi32, #tpu.memory_space<vmem>>, vector<16xi32>,
    %swap3A_917 = vector.shape_cast %swap3A_916 : vector<16xi32> to vector<16xi32>
    %swap3A_918 = vector.shape_cast %convert_element_type3A_914 : vector<16xi32> to vector<16xi32>
    tpu.vector_store %arg8[%swap3A_915], %swap3A_918 {strides = array<i32>} : memref<768xi32, #tpu.memory_space<vmem>>, vector<16xi32>,
    %add3A_919 = arith.constant 8192 : i32
    %add3A_920 = vector.broadcast %add3A_919 : i32 to vector<16xi32>
    %add3A_921 = arith.addi %convert_element_type3A_914, %add3A_920 : vector<16xi32>
    %swap3A_922 = arith.constant 432 : index
    %swap3A_923 = tpu.vector_load %arg8[%swap3A_922] {strides = array<i32>} : memref<768xi32, #tpu.memory_space<vmem>>, vector<16xi32>,
    %swap3A_924 = vector.shape_cast %swap3A_923 : vector<16xi32> to vector<16xi32>
    %swap3A_925 = vector.shape_cast %add3A_921 : vector<16xi32> to vector<16xi32>
    tpu.vector_store %arg8[%swap3A_922], %swap3A_925 {strides = array<i32>} : memref<768xi32, #tpu.memory_space<vmem>>, vector<16xi32>,
    %add3A_926 = arith.constant 16384 : i32
    %add3A_927 = vector.broadcast %add3A_926 : i32 to vector<16xi32>
    %add3A_928 = arith.addi %convert_element_type3A_914, %add3A_927 : vector<16xi32>
    %swap3A_929 = arith.constant 688 : index
    %swap3A_930 = tpu.vector_load %arg8[%swap3A_929] {strides = array<i32>} : memref<768xi32, #tpu.memory_space<vmem>>, vector<16xi32>,
    %swap3A_931 = vector.shape_cast %swap3A_930 : vector<16xi32> to vector<16xi32>
    %swap3A_932 = vector.shape_cast %add3A_928 : vector<16xi32> to vector<16xi32>
    tpu.vector_store %arg8[%swap3A_929], %swap3A_932 {strides = array<i32>} : memref<768xi32, #tpu.memory_space<vmem>>, vector<16xi32>,
    %get3A_933 = arith.constant 192 : index
    %get3A_934 = tpu.vector_load %arg7[%get3A_933] {strides = array<i32>} : memref<1024xf32, #tpu.memory_space<vmem>>, vector<16xf32>,
    %get3A_935 = vector.shape_cast %get3A_934 : vector<16xf32> to vector<16xf32>
    %convert_element_type3A_936 = arith.fptosi %get3A_935 : vector<16xf32> to vector<16xi32>
    %swap3A_937 = arith.constant 192 : index
    %swap3A_938 = tpu.vector_load %arg8[%swap3A_937] {strides = array<i32>} : memref<768xi32, #tpu.memory_space<vmem>>, vector<16xi32>,
    %swap3A_939 = vector.shape_cast %swap3A_938 : vector<16xi32> to vector<16xi32>
    %swap3A_940 = vector.shape_cast %convert_element_type3A_936 : vector<16xi32> to vector<16xi32>
    tpu.vector_store %arg8[%swap3A_937], %swap3A_940 {strides = array<i32>} : memref<768xi32, #tpu.memory_space<vmem>>, vector<16xi32>,
    %add3A_941 = arith.constant 8192 : i32
    %add3A_942 = vector.broadcast %add3A_941 : i32 to vector<16xi32>
    %add3A_943 = arith.addi %convert_element_type3A_936, %add3A_942 : vector<16xi32>
    %swap3A_944 = arith.constant 448 : index
    %swap3A_945 = tpu.vector_load %arg8[%swap3A_944] {strides = array<i32>} : memref<768xi32, #tpu.memory_space<vmem>>, vector<16xi32>,
    %swap3A_946 = vector.shape_cast %swap3A_945 : vector<16xi32> to vector<16xi32>
    %swap3A_947 = vector.shape_cast %add3A_943 : vector<16xi32> to vector<16xi32>
    tpu.vector_store %arg8[%swap3A_944], %swap3A_947 {strides = array<i32>} : memref<768xi32, #tpu.memory_space<vmem>>, vector<16xi32>,
    %add3A_948 = arith.constant 16384 : i32
    %add3A_949 = vector.broadcast %add3A_948 : i32 to vector<16xi32>
    %add3A_950 = arith.addi %convert_element_type3A_936, %add3A_949 : vector<16xi32>
    %swap3A_951 = arith.constant 704 : index
    %swap3A_952 = tpu.vector_load %arg8[%swap3A_951] {strides = array<i32>} : memref<768xi32, #tpu.memory_space<vmem>>, vector<16xi32>,
    %swap3A_953 = vector.shape_cast %swap3A_952 : vector<16xi32> to vector<16xi32>
    %swap3A_954 = vector.shape_cast %add3A_950 : vector<16xi32> to vector<16xi32>
    tpu.vector_store %arg8[%swap3A_951], %swap3A_954 {strides = array<i32>} : memref<768xi32, #tpu.memory_space<vmem>>, vector<16xi32>,
    %get3A_955 = arith.constant 208 : index
    %get3A_956 = tpu.vector_load %arg7[%get3A_955] {strides = array<i32>} : memref<1024xf32, #tpu.memory_space<vmem>>, vector<16xf32>,
    %get3A_957 = vector.shape_cast %get3A_956 : vector<16xf32> to vector<16xf32>
    %convert_element_type3A_958 = arith.fptosi %get3A_957 : vector<16xf32> to vector<16xi32>
    %swap3A_959 = arith.constant 208 : index
    %swap3A_960 = tpu.vector_load %arg8[%swap3A_959] {strides = array<i32>} : memref<768xi32, #tpu.memory_space<vmem>>, vector<16xi32>,
    %swap3A_961 = vector.shape_cast %swap3A_960 : vector<16xi32> to vector<16xi32>
    %swap3A_962 = vector.shape_cast %convert_element_type3A_958 : vector<16xi32> to vector<16xi32>
    tpu.vector_store %arg8[%swap3A_959], %swap3A_962 {strides = array<i32>} : memref<768xi32, #tpu.memory_space<vmem>>, vector<16xi32>,
    %add3A_963 = arith.constant 8192 : i32
    %add3A_964 = vector.broadcast %add3A_963 : i32 to vector<16xi32>
    %add3A_965 = arith.addi %convert_element_type3A_958, %add3A_964 : vector<16xi32>
    %swap3A_966 = arith.constant 464 : index
    %swap3A_967 = tpu.vector_load %arg8[%swap3A_966] {strides = array<i32>} : memref<768xi32, #tpu.memory_space<vmem>>, vector<16xi32>,
    %swap3A_968 = vector.shape_cast %swap3A_967 : vector<16xi32> to vector<16xi32>
    %swap3A_969 = vector.shape_cast %add3A_965 : vector<16xi32> to vector<16xi32>
    tpu.vector_store %arg8[%swap3A_966], %swap3A_969 {strides = array<i32>} : memref<768xi32, #tpu.memory_space<vmem>>, vector<16xi32>,
    %add3A_970 = arith.constant 16384 : i32
    %add3A_971 = vector.broadcast %add3A_970 : i32 to vector<16xi32>
    %add3A_972 = arith.addi %convert_element_type3A_958, %add3A_971 : vector<16xi32>
    %swap3A_973 = arith.constant 720 : index
    %swap3A_974 = tpu.vector_load %arg8[%swap3A_973] {strides = array<i32>} : memref<768xi32, #tpu.memory_space<vmem>>, vector<16xi32>,
    %swap3A_975 = vector.shape_cast %swap3A_974 : vector<16xi32> to vector<16xi32>
    %swap3A_976 = vector.shape_cast %add3A_972 : vector<16xi32> to vector<16xi32>
    tpu.vector_store %arg8[%swap3A_973], %swap3A_976 {strides = array<i32>} : memref<768xi32, #tpu.memory_space<vmem>>, vector<16xi32>,
    %get3A_977 = arith.constant 224 : index
    %get3A_978 = tpu.vector_load %arg7[%get3A_977] {strides = array<i32>} : memref<1024xf32, #tpu.memory_space<vmem>>, vector<16xf32>,
    %get3A_979 = vector.shape_cast %get3A_978 : vector<16xf32> to vector<16xf32>
    %convert_element_type3A_980 = arith.fptosi %get3A_979 : vector<16xf32> to vector<16xi32>
    %swap3A_981 = arith.constant 224 : index
    %swap3A_982 = tpu.vector_load %arg8[%swap3A_981] {strides = array<i32>} : memref<768xi32, #tpu.memory_space<vmem>>, vector<16xi32>,
    %swap3A_983 = vector.shape_cast %swap3A_982 : vector<16xi32> to vector<16xi32>
    %swap3A_984 = vector.shape_cast %convert_element_type3A_980 : vector<16xi32> to vector<16xi32>
    tpu.vector_store %arg8[%swap3A_981], %swap3A_984 {strides = array<i32>} : memref<768xi32, #tpu.memory_space<vmem>>, vector<16xi32>,
    %add3A_985 = arith.constant 8192 : i32
    %add3A_986 = vector.broadcast %add3A_985 : i32 to vector<16xi32>
    %add3A_987 = arith.addi %convert_element_type3A_980, %add3A_986 : vector<16xi32>
    %swap3A_988 = arith.constant 480 : index
    %swap3A_989 = tpu.vector_load %arg8[%swap3A_988] {strides = array<i32>} : memref<768xi32, #tpu.memory_space<vmem>>, vector<16xi32>,
    %swap3A_990 = vector.shape_cast %swap3A_989 : vector<16xi32> to vector<16xi32>
    %swap3A_991 = vector.shape_cast %add3A_987 : vector<16xi32> to vector<16xi32>
    tpu.vector_store %arg8[%swap3A_988], %swap3A_991 {strides = array<i32>} : memref<768xi32, #tpu.memory_space<vmem>>, vector<16xi32>,
    %add3A_992 = arith.constant 16384 : i32
    %add3A_993 = vector.broadcast %add3A_992 : i32 to vector<16xi32>
    %add3A_994 = arith.addi %convert_element_type3A_980, %add3A_993 : vector<16xi32>
    %swap3A_995 = arith.constant 736 : index
    %swap3A_996 = tpu.vector_load %arg8[%swap3A_995] {strides = array<i32>} : memref<768xi32, #tpu.memory_space<vmem>>, vector<16xi32>,
    %swap3A_997 = vector.shape_cast %swap3A_996 : vector<16xi32> to vector<16xi32>
    %swap3A_998 = vector.shape_cast %add3A_994 : vector<16xi32> to vector<16xi32>
    tpu.vector_store %arg8[%swap3A_995], %swap3A_998 {strides = array<i32>} : memref<768xi32, #tpu.memory_space<vmem>>, vector<16xi32>,
    %get3A_999 = arith.constant 240 : index
    %get3A_1000 = tpu.vector_load %arg7[%get3A_999] {strides = array<i32>} : memref<1024xf32, #tpu.memory_space<vmem>>, vector<16xf32>,
    %get3A_1001 = vector.shape_cast %get3A_1000 : vector<16xf32> to vector<16xf32>
    %convert_element_type3A_1002 = arith.fptosi %get3A_1001 : vector<16xf32> to vector<16xi32>
    %swap3A_1003 = arith.constant 240 : index
    %swap3A_1004 = tpu.vector_load %arg8[%swap3A_1003] {strides = array<i32>} : memref<768xi32, #tpu.memory_space<vmem>>, vector<16xi32>,
    %swap3A_1005 = vector.shape_cast %swap3A_1004 : vector<16xi32> to vector<16xi32>
    %swap3A_1006 = vector.shape_cast %convert_element_type3A_1002 : vector<16xi32> to vector<16xi32>
    tpu.vector_store %arg8[%swap3A_1003], %swap3A_1006 {strides = array<i32>} : memref<768xi32, #tpu.memory_space<vmem>>, vector<16xi32>,
    %add3A_1007 = arith.constant 8192 : i32
    %add3A_1008 = vector.broadcast %add3A_1007 : i32 to vector<16xi32>
    %add3A_1009 = arith.addi %convert_element_type3A_1002, %add3A_1008 : vector<16xi32>
    %swap3A_1010 = arith.constant 496 : index
    %swap3A_1011 = tpu.vector_load %arg8[%swap3A_1010] {strides = array<i32>} : memref<768xi32, #tpu.memory_space<vmem>>, vector<16xi32>,
    %swap3A_1012 = vector.shape_cast %swap3A_1011 : vector<16xi32> to vector<16xi32>
    %swap3A_1013 = vector.shape_cast %add3A_1009 : vector<16xi32> to vector<16xi32>
    tpu.vector_store %arg8[%swap3A_1010], %swap3A_1013 {strides = array<i32>} : memref<768xi32, #tpu.memory_space<vmem>>, vector<16xi32>,
    %add3A_1014 = arith.constant 16384 : i32
    %add3A_1015 = vector.broadcast %add3A_1014 : i32 to vector<16xi32>
    %add3A_1016 = arith.addi %convert_element_type3A_1002, %add3A_1015 : vector<16xi32>
    %swap3A_1017 = arith.constant 752 : index
    %swap3A_1018 = tpu.vector_load %arg8[%swap3A_1017] {strides = array<i32>} : memref<768xi32, #tpu.memory_space<vmem>>, vector<16xi32>,
    %swap3A_1019 = vector.shape_cast %swap3A_1018 : vector<16xi32> to vector<16xi32>
    %swap3A_1020 = vector.shape_cast %add3A_1016 : vector<16xi32> to vector<16xi32>
    tpu.vector_store %arg8[%swap3A_1017], %swap3A_1020 {strides = array<i32>} : memref<768xi32, #tpu.memory_space<vmem>>, vector<16xi32>,
    %dma_start3A_1021 = arith.constant 0 : i32
    %dma_start3A_1022 = tpu.memref_slice %arg2[%dma_start3A_1021] : memref<24576xf32, #tpu.memory_space<hbm>> -> memref<24576xf32, #tpu.memory_space<hbm>>
    tpu.enqueue_indirect_dma source(%dma_start3A_1022 : memref<24576xf32, #tpu.memory_space<hbm>>) target(%arg9 : memref<768xf32, #tpu.memory_space<vmem>>) offsets(%arg8 : memref<768xi32, #tpu.memory_space<vmem>>) semaphore(%arg13 : memref<!tpu.dma_semaphore, #tpu.memory_space<semaphore_mem>>)
    %dma_wait3A_1023 = arith.constant 0 : i32
    %dma_wait3A_1024 = tpu.memref_slice %arg2[%dma_wait3A_1023] : memref<24576xf32, #tpu.memory_space<hbm>> -> memref<24576xf32, #tpu.memory_space<hbm>>
    tpu.wait_indirect_dma semaphore(%arg13 : memref<!tpu.dma_semaphore, #tpu.memory_space<semaphore_mem>>) src(%dma_wait3A_1024 : memref<24576xf32, #tpu.memory_space<hbm>>) dst(%arg9 : memref<768xf32, #tpu.memory_space<vmem>>)
    %dma_wait3A_1025 = arith.constant 0 : i32
    %dma_wait3A_1026 = tpu.memref_slice %arg10[%dma_wait3A_1025] : memref<768xf32, #tpu.memory_space<vmem>> -> memref<256xf32, #tpu.memory_space<vmem>>
    %dma_wait3A_1027 = tpu.memref_slice %arg2[%mul3A_2] : memref<24576xf32, #tpu.memory_space<hbm>> -> memref<256xf32, #tpu.memory_space<hbm>>
    %dma_wait3A_1028 = arith.constant 0 : i32
    %dma_wait3A_1029 = tpu.memref_slice %arg10[%dma_wait3A_1028] : memref<768xf32, #tpu.memory_space<vmem>> -> memref<256xf32, #tpu.memory_space<vmem>>
    %dma_wait3A_1030 = tpu.memref_slice %arg2[%mul3A_2] : memref<24576xf32, #tpu.memory_space<hbm>> -> memref<256xf32, #tpu.memory_space<hbm>>
    tpu.wait_dma2 semaphore(%arg14 : memref<!tpu.dma_semaphore, #tpu.memory_space<semaphore_mem>>) src(%dma_wait3A_1030 : memref<256xf32, #tpu.memory_space<hbm>>) dst(%dma_wait3A_1029 : memref<256xf32, #tpu.memory_space<vmem>>)
    %dma_wait3A_1031 = arith.constant 256 : i32
    %dma_wait3A_1032 = tpu.memref_slice %arg10[%dma_wait3A_1031] : memref<768xf32, #tpu.memory_space<vmem>> -> memref<256xf32, #tpu.memory_space<vmem>>
    %dma_wait3A_1033 = tpu.memref_slice %arg2[%add3A_655] : memref<24576xf32, #tpu.memory_space<hbm>> -> memref<256xf32, #tpu.memory_space<hbm>>
    %dma_wait3A_1034 = arith.constant 256 : i32
    %dma_wait3A_1035 = tpu.memref_slice %arg10[%dma_wait3A_1034] : memref<768xf32, #tpu.memory_space<vmem>> -> memref<256xf32, #tpu.memory_space<vmem>>
    %dma_wait3A_1036 = tpu.memref_slice %arg2[%add3A_655] : memref<24576xf32, #tpu.memory_space<hbm>> -> memref<256xf32, #tpu.memory_space<hbm>>
    tpu.wait_dma2 semaphore(%arg14 : memref<!tpu.dma_semaphore, #tpu.memory_space<semaphore_mem>>) src(%dma_wait3A_1036 : memref<256xf32, #tpu.memory_space<hbm>>) dst(%dma_wait3A_1035 : memref<256xf32, #tpu.memory_space<vmem>>)
    %dma_wait3A_1037 = arith.constant 512 : i32
    %dma_wait3A_1038 = tpu.memref_slice %arg10[%dma_wait3A_1037] : memref<768xf32, #tpu.memory_space<vmem>> -> memref<256xf32, #tpu.memory_space<vmem>>
    %dma_wait3A_1039 = tpu.memref_slice %arg2[%add3A_663] : memref<24576xf32, #tpu.memory_space<hbm>> -> memref<256xf32, #tpu.memory_space<hbm>>
    %dma_wait3A_1040 = arith.constant 512 : i32
    %dma_wait3A_1041 = tpu.memref_slice %arg10[%dma_wait3A_1040] : memref<768xf32, #tpu.memory_space<vmem>> -> memref<256xf32, #tpu.memory_space<vmem>>
    %dma_wait3A_1042 = tpu.memref_slice %arg2[%add3A_663] : memref<24576xf32, #tpu.memory_space<hbm>> -> memref<256xf32, #tpu.memory_space<hbm>>
    tpu.wait_dma2 semaphore(%arg14 : memref<!tpu.dma_semaphore, #tpu.memory_space<semaphore_mem>>) src(%dma_wait3A_1042 : memref<256xf32, #tpu.memory_space<hbm>>) dst(%dma_wait3A_1041 : memref<256xf32, #tpu.memory_space<vmem>>)
    %broadcast_in_dim3A = arith.constant 0.000000e+00 : f32
    %broadcast_in_dim3A_1043 = vector.broadcast %broadcast_in_dim3A : f32 to vector<16xf32>
    %broadcast_in_dim3A_1044 = arith.constant 0.000000e+00 : f32
    %broadcast_in_dim3A_1045 = vector.broadcast %broadcast_in_dim3A_1044 : f32 to vector<16xf32>
    %get3A_1046 = arith.constant 256 : index
    %get3A_1047 = tpu.vector_load %arg7[%get3A_1046] {strides = array<i32>} : memref<1024xf32, #tpu.memory_space<vmem>>, vector<16xf32>,
    %get3A_1048 = vector.shape_cast %get3A_1047 : vector<16xf32> to vector<16xf32>
    %get3A_1049 = arith.constant 512 : index
    %get3A_1050 = tpu.vector_load %arg7[%get3A_1049] {strides = array<i32>} : memref<1024xf32, #tpu.memory_space<vmem>>, vector<16xf32>,
    %get3A_1051 = vector.shape_cast %get3A_1050 : vector<16xf32> to vector<16xf32>
    %get3A_1052 = arith.constant 768 : index
    %get3A_1053 = tpu.vector_load %arg7[%get3A_1052] {strides = array<i32>} : memref<1024xf32, #tpu.memory_space<vmem>>, vector<16xf32>,
    %get3A_1054 = vector.shape_cast %get3A_1053 : vector<16xf32> to vector<16xf32>
    %get3A_1055 = arith.constant 0 : index
    %get3A_1056 = tpu.vector_load %arg9[%get3A_1055] {strides = array<i32>} : memref<768xf32, #tpu.memory_space<vmem>>, vector<16xf32>,
    %get3A_1057 = vector.shape_cast %get3A_1056 : vector<16xf32> to vector<16xf32>
    %sub3A = arith.subf %get3A_1048, %get3A_1057 : vector<16xf32>
    %get3A_1058 = arith.constant 256 : index
    %get3A_1059 = tpu.vector_load %arg9[%get3A_1058] {strides = array<i32>} : memref<768xf32, #tpu.memory_space<vmem>>, vector<16xf32>,
    %get3A_1060 = vector.shape_cast %get3A_1059 : vector<16xf32> to vector<16xf32>
    %sub3A_1061 = arith.subf %get3A_1051, %get3A_1060 : vector<16xf32>
    %get3A_1062 = arith.constant 512 : index
    %get3A_1063 = tpu.vector_load %arg9[%get3A_1062] {strides = array<i32>} : memref<768xf32, #tpu.memory_space<vmem>>, vector<16xf32>,
    %get3A_1064 = vector.shape_cast %get3A_1063 : vector<16xf32> to vector<16xf32>
    %sub3A_1065 = arith.subf %get3A_1054, %get3A_1064 : vector<16xf32>
    %mul3A_1066 = arith.mulf %sub3A, %sub3A : vector<16xf32>
    %mul3A_1067 = arith.mulf %sub3A_1061, %sub3A_1061 : vector<16xf32>
    %add3A_1068 = arith.addf %mul3A_1066, %mul3A_1067 : vector<16xf32>
    %mul3A_1069 = arith.mulf %sub3A_1065, %sub3A_1065 : vector<16xf32>
    %add3A_1070 = arith.addf %add3A_1068, %mul3A_1069 : vector<16xf32>
    %bitcast_convert_type3A = tpu.bitcast %add3A_1070 : vector<16xf32> -> vector<16xi32>
    %shift_right_arithmetic3A = arith.constant 1 : i32
    %shift_right_arithmetic3A_1071 = vector.broadcast %shift_right_arithmetic3A : i32 to vector<16xi32>
    %shift_right_arithmetic3A_1072 = arith.shrsi %bitcast_convert_type3A, %shift_right_arithmetic3A_1071 : vector<16xi32>
    %sub3A_1073 = arith.constant 1597463007 : i32
    %sub3A_1074 = vector.broadcast %sub3A_1073 : i32 to vector<16xi32>
    %sub3A_1075 = arith.subi %sub3A_1074, %shift_right_arithmetic3A_1072 : vector<16xi32>
    %bitcast_convert_type3A_1076 = tpu.bitcast %sub3A_1075 : vector<16xi32> -> vector<16xf32>
    %mul3A_1077 = arith.constant 5.000000e-01 : f32
    %mul3A_1078 = vector.broadcast %mul3A_1077 : f32 to vector<16xf32>
    %mul3A_1079 = arith.mulf %mul3A_1078, %add3A_1070 : vector<16xf32>
    %mul3A_1080 = arith.mulf %mul3A_1079, %bitcast_convert_type3A_1076 : vector<16xf32>
    %mul3A_1081 = arith.mulf %mul3A_1080, %bitcast_convert_type3A_1076 : vector<16xf32>
    %sub3A_1082 = arith.constant 1.500000e+00 : f32
    %sub3A_1083 = vector.broadcast %sub3A_1082 : f32 to vector<16xf32>
    %sub3A_1084 = arith.subf %sub3A_1083, %mul3A_1081 : vector<16xf32>
    %mul3A_1085 = arith.mulf %bitcast_convert_type3A_1076, %sub3A_1084 : vector<16xf32>
    %mul3A_1086 = arith.constant 5.000000e-01 : f32
    %mul3A_1087 = vector.broadcast %mul3A_1086 : f32 to vector<16xf32>
    %mul3A_1088 = arith.mulf %mul3A_1087, %add3A_1070 : vector<16xf32>
    %mul3A_1089 = arith.mulf %mul3A_1088, %mul3A_1085 : vector<16xf32>
    %mul3A_1090 = arith.mulf %mul3A_1089, %mul3A_1085 : vector<16xf32>
    %sub3A_1091 = arith.constant 1.500000e+00 : f32
    %sub3A_1092 = vector.broadcast %sub3A_1091 : f32 to vector<16xf32>
    %sub3A_1093 = arith.subf %sub3A_1092, %mul3A_1090 : vector<16xf32>
    %mul3A_1094 = arith.mulf %mul3A_1085, %sub3A_1093 : vector<16xf32>
    %mul3A_1095 = arith.constant 5.000000e-01 : f32
    %mul3A_1096 = vector.broadcast %mul3A_1095 : f32 to vector<16xf32>
    %mul3A_1097 = arith.mulf %mul3A_1096, %add3A_1070 : vector<16xf32>
    %mul3A_1098 = arith.mulf %mul3A_1097, %mul3A_1094 : vector<16xf32>
    %mul3A_1099 = arith.mulf %mul3A_1098, %mul3A_1094 : vector<16xf32>
    %sub3A_1100 = arith.constant 1.500000e+00 : f32
    %sub3A_1101 = vector.broadcast %sub3A_1100 : f32 to vector<16xf32>
    %sub3A_1102 = arith.subf %sub3A_1101, %mul3A_1099 : vector<16xf32>
    %mul3A_1103 = arith.mulf %mul3A_1094, %sub3A_1102 : vector<16xf32>
    %mul3A_1104 = arith.constant 5.000000e-01 : f32
    %mul3A_1105 = vector.broadcast %mul3A_1104 : f32 to vector<16xf32>
    %mul3A_1106 = arith.mulf %mul3A_1105, %add3A_1070 : vector<16xf32>
    %mul3A_1107 = arith.mulf %mul3A_1106, %mul3A_1103 : vector<16xf32>
    %mul3A_1108 = arith.mulf %mul3A_1107, %mul3A_1103 : vector<16xf32>
    %sub3A_1109 = arith.constant 1.500000e+00 : f32
    %sub3A_1110 = vector.broadcast %sub3A_1109 : f32 to vector<16xf32>
    %sub3A_1111 = arith.subf %sub3A_1110, %mul3A_1108 : vector<16xf32>
    %mul3A_1112 = arith.mulf %mul3A_1103, %sub3A_1111 : vector<16xf32>
    %lt3A = arith.constant 1.000000e-35 : f32
    %lt3A_1113 = vector.broadcast %lt3A : f32 to vector<16xf32>
    %lt3A_1114 = arith.cmpf olt, %add3A_1070, %lt3A_1113 : vector<16xf32>
    %mul3A_1115 = arith.mulf %add3A_1070, %mul3A_1112 : vector<16xf32>
    %jit3A = arith.constant 0.000000e+00 : f32
    %broadcast_in_dim3A_1116 = vector.broadcast %jit3A : f32 to vector<16xf32>
    %select_n3A = arith.select %lt3A_1114, %broadcast_in_dim3A_1116, %mul3A_1115 : vector<16xi1>, vector<16xf32>
    %add3A_1117 = arith.addf %broadcast_in_dim3A_1043, %select_n3A : vector<16xf32>
    %get3A_1118 = arith.constant 0 : index
    %get3A_1119 = tpu.vector_load %arg10[%get3A_1118] {strides = array<i32>} : memref<768xf32, #tpu.memory_space<vmem>>, vector<16xf32>,
    %get3A_1120 = vector.shape_cast %get3A_1119 : vector<16xf32> to vector<16xf32>
    %sub3A_1121 = arith.subf %get3A_1048, %get3A_1120 : vector<16xf32>
    %get3A_1122 = arith.constant 256 : index
    %get3A_1123 = tpu.vector_load %arg10[%get3A_1122] {strides = array<i32>} : memref<768xf32, #tpu.memory_space<vmem>>, vector<16xf32>,
    %get3A_1124 = vector.shape_cast %get3A_1123 : vector<16xf32> to vector<16xf32>
    %sub3A_1125 = arith.subf %get3A_1051, %get3A_1124 : vector<16xf32>
    %get3A_1126 = arith.constant 512 : index
    %get3A_1127 = tpu.vector_load %arg10[%get3A_1126] {strides = array<i32>} : memref<768xf32, #tpu.memory_space<vmem>>, vector<16xf32>,
    %get3A_1128 = vector.shape_cast %get3A_1127 : vector<16xf32> to vector<16xf32>
    %sub3A_1129 = arith.subf %get3A_1054, %get3A_1128 : vector<16xf32>
    %mul3A_1130 = arith.mulf %sub3A_1121, %sub3A_1121 : vector<16xf32>
    %mul3A_1131 = arith.mulf %sub3A_1125, %sub3A_1125 : vector<16xf32>
    %add3A_1132 = arith.addf %mul3A_1130, %mul3A_1131 : vector<16xf32>
    %mul3A_1133 = arith.mulf %sub3A_1129, %sub3A_1129 : vector<16xf32>
    %add3A_1134 = arith.addf %add3A_1132, %mul3A_1133 : vector<16xf32>
    %bitcast_convert_type3A_1135 = tpu.bitcast %add3A_1134 : vector<16xf32> -> vector<16xi32>
    %shift_right_arithmetic3A_1136 = arith.constant 1 : i32
    %shift_right_arithmetic3A_1137 = vector.broadcast %shift_right_arithmetic3A_1136 : i32 to vector<16xi32>
    %shift_right_arithmetic3A_1138 = arith.shrsi %bitcast_convert_type3A_1135, %shift_right_arithmetic3A_1137 : vector<16xi32>
    %sub3A_1139 = arith.constant 1597463007 : i32
    %sub3A_1140 = vector.broadcast %sub3A_1139 : i32 to vector<16xi32>
    %sub3A_1141 = arith.subi %sub3A_1140, %shift_right_arithmetic3A_1138 : vector<16xi32>
    %bitcast_convert_type3A_1142 = tpu.bitcast %sub3A_1141 : vector<16xi32> -> vector<16xf32>
    %mul3A_1143 = arith.constant 5.000000e-01 : f32
    %mul3A_1144 = vector.broadcast %mul3A_1143 : f32 to vector<16xf32>
    %mul3A_1145 = arith.mulf %mul3A_1144, %add3A_1134 : vector<16xf32>
    %mul3A_1146 = arith.mulf %mul3A_1145, %bitcast_convert_type3A_1142 : vector<16xf32>
    %mul3A_1147 = arith.mulf %mul3A_1146, %bitcast_convert_type3A_1142 : vector<16xf32>
    %sub3A_1148 = arith.constant 1.500000e+00 : f32
    %sub3A_1149 = vector.broadcast %sub3A_1148 : f32 to vector<16xf32>
    %sub3A_1150 = arith.subf %sub3A_1149, %mul3A_1147 : vector<16xf32>
    %mul3A_1151 = arith.mulf %bitcast_convert_type3A_1142, %sub3A_1150 : vector<16xf32>
    %mul3A_1152 = arith.constant 5.000000e-01 : f32
    %mul3A_1153 = vector.broadcast %mul3A_1152 : f32 to vector<16xf32>
    %mul3A_1154 = arith.mulf %mul3A_1153, %add3A_1134 : vector<16xf32>
    %mul3A_1155 = arith.mulf %mul3A_1154, %mul3A_1151 : vector<16xf32>
    %mul3A_1156 = arith.mulf %mul3A_1155, %mul3A_1151 : vector<16xf32>
    %sub3A_1157 = arith.constant 1.500000e+00 : f32
    %sub3A_1158 = vector.broadcast %sub3A_1157 : f32 to vector<16xf32>
    %sub3A_1159 = arith.subf %sub3A_1158, %mul3A_1156 : vector<16xf32>
    %mul3A_1160 = arith.mulf %mul3A_1151, %sub3A_1159 : vector<16xf32>
    %mul3A_1161 = arith.constant 5.000000e-01 : f32
    %mul3A_1162 = vector.broadcast %mul3A_1161 : f32 to vector<16xf32>
    %mul3A_1163 = arith.mulf %mul3A_1162, %add3A_1134 : vector<16xf32>
    %mul3A_1164 = arith.mulf %mul3A_1163, %mul3A_1160 : vector<16xf32>
    %mul3A_1165 = arith.mulf %mul3A_1164, %mul3A_1160 : vector<16xf32>
    %sub3A_1166 = arith.constant 1.500000e+00 : f32
    %sub3A_1167 = vector.broadcast %sub3A_1166 : f32 to vector<16xf32>
    %sub3A_1168 = arith.subf %sub3A_1167, %mul3A_1165 : vector<16xf32>
    %mul3A_1169 = arith.mulf %mul3A_1160, %sub3A_1168 : vector<16xf32>
    %mul3A_1170 = arith.constant 5.000000e-01 : f32
    %mul3A_1171 = vector.broadcast %mul3A_1170 : f32 to vector<16xf32>
    %mul3A_1172 = arith.mulf %mul3A_1171, %add3A_1134 : vector<16xf32>
    %mul3A_1173 = arith.mulf %mul3A_1172, %mul3A_1169 : vector<16xf32>
    %mul3A_1174 = arith.mulf %mul3A_1173, %mul3A_1169 : vector<16xf32>
    %sub3A_1175 = arith.constant 1.500000e+00 : f32
    %sub3A_1176 = vector.broadcast %sub3A_1175 : f32 to vector<16xf32>
    %sub3A_1177 = arith.subf %sub3A_1176, %mul3A_1174 : vector<16xf32>
    %mul3A_1178 = arith.mulf %mul3A_1169, %sub3A_1177 : vector<16xf32>
    %lt3A_1179 = arith.constant 1.000000e-35 : f32
    %lt3A_1180 = vector.broadcast %lt3A_1179 : f32 to vector<16xf32>
    %lt3A_1181 = arith.cmpf olt, %add3A_1134, %lt3A_1180 : vector<16xf32>
    %mul3A_1182 = arith.mulf %add3A_1134, %mul3A_1178 : vector<16xf32>
    %jit3A_1183 = arith.constant 0.000000e+00 : f32
    %broadcast_in_dim3A_1184 = vector.broadcast %jit3A_1183 : f32 to vector<16xf32>
    %select_n3A_1185 = arith.select %lt3A_1181, %broadcast_in_dim3A_1184, %mul3A_1182 : vector<16xi1>, vector<16xf32>
    %add3A_1186 = arith.addf %broadcast_in_dim3A_1045, %select_n3A_1185 : vector<16xf32>
    %get3A_1187 = arith.constant 272 : index
    %get3A_1188 = tpu.vector_load %arg7[%get3A_1187] {strides = array<i32>} : memref<1024xf32, #tpu.memory_space<vmem>>, vector<16xf32>,
    %get3A_1189 = vector.shape_cast %get3A_1188 : vector<16xf32> to vector<16xf32>
    %get3A_1190 = arith.constant 528 : index
    %get3A_1191 = tpu.vector_load %arg7[%get3A_1190] {strides = array<i32>} : memref<1024xf32, #tpu.memory_space<vmem>>, vector<16xf32>,
    %get3A_1192 = vector.shape_cast %get3A_1191 : vector<16xf32> to vector<16xf32>
    %get3A_1193 = arith.constant 784 : index
    %get3A_1194 = tpu.vector_load %arg7[%get3A_1193] {strides = array<i32>} : memref<1024xf32, #tpu.memory_space<vmem>>, vector<16xf32>,
    %get3A_1195 = vector.shape_cast %get3A_1194 : vector<16xf32> to vector<16xf32>
    %get3A_1196 = arith.constant 16 : index
    %get3A_1197 = tpu.vector_load %arg9[%get3A_1196] {strides = array<i32>} : memref<768xf32, #tpu.memory_space<vmem>>, vector<16xf32>,
    %get3A_1198 = vector.shape_cast %get3A_1197 : vector<16xf32> to vector<16xf32>
    %sub3A_1199 = arith.subf %get3A_1189, %get3A_1198 : vector<16xf32>
    %get3A_1200 = arith.constant 272 : index
    %get3A_1201 = tpu.vector_load %arg9[%get3A_1200] {strides = array<i32>} : memref<768xf32, #tpu.memory_space<vmem>>, vector<16xf32>,
    %get3A_1202 = vector.shape_cast %get3A_1201 : vector<16xf32> to vector<16xf32>
    %sub3A_1203 = arith.subf %get3A_1192, %get3A_1202 : vector<16xf32>
    %get3A_1204 = arith.constant 528 : index
    %get3A_1205 = tpu.vector_load %arg9[%get3A_1204] {strides = array<i32>} : memref<768xf32, #tpu.memory_space<vmem>>, vector<16xf32>,
    %get3A_1206 = vector.shape_cast %get3A_1205 : vector<16xf32> to vector<16xf32>
    %sub3A_1207 = arith.subf %get3A_1195, %get3A_1206 : vector<16xf32>
    %mul3A_1208 = arith.mulf %sub3A_1199, %sub3A_1199 : vector<16xf32>
    %mul3A_1209 = arith.mulf %sub3A_1203, %sub3A_1203 : vector<16xf32>
    %add3A_1210 = arith.addf %mul3A_1208, %mul3A_1209 : vector<16xf32>
    %mul3A_1211 = arith.mulf %sub3A_1207, %sub3A_1207 : vector<16xf32>
    %add3A_1212 = arith.addf %add3A_1210, %mul3A_1211 : vector<16xf32>
    %bitcast_convert_type3A_1213 = tpu.bitcast %add3A_1212 : vector<16xf32> -> vector<16xi32>
    %shift_right_arithmetic3A_1214 = arith.constant 1 : i32
    %shift_right_arithmetic3A_1215 = vector.broadcast %shift_right_arithmetic3A_1214 : i32 to vector<16xi32>
    %shift_right_arithmetic3A_1216 = arith.shrsi %bitcast_convert_type3A_1213, %shift_right_arithmetic3A_1215 : vector<16xi32>
    %sub3A_1217 = arith.constant 1597463007 : i32
    %sub3A_1218 = vector.broadcast %sub3A_1217 : i32 to vector<16xi32>
    %sub3A_1219 = arith.subi %sub3A_1218, %shift_right_arithmetic3A_1216 : vector<16xi32>
    %bitcast_convert_type3A_1220 = tpu.bitcast %sub3A_1219 : vector<16xi32> -> vector<16xf32>
    %mul3A_1221 = arith.constant 5.000000e-01 : f32
    %mul3A_1222 = vector.broadcast %mul3A_1221 : f32 to vector<16xf32>
    %mul3A_1223 = arith.mulf %mul3A_1222, %add3A_1212 : vector<16xf32>
    %mul3A_1224 = arith.mulf %mul3A_1223, %bitcast_convert_type3A_1220 : vector<16xf32>
    %mul3A_1225 = arith.mulf %mul3A_1224, %bitcast_convert_type3A_1220 : vector<16xf32>
    %sub3A_1226 = arith.constant 1.500000e+00 : f32
    %sub3A_1227 = vector.broadcast %sub3A_1226 : f32 to vector<16xf32>
    %sub3A_1228 = arith.subf %sub3A_1227, %mul3A_1225 : vector<16xf32>
    %mul3A_1229 = arith.mulf %bitcast_convert_type3A_1220, %sub3A_1228 : vector<16xf32>
    %mul3A_1230 = arith.constant 5.000000e-01 : f32
    %mul3A_1231 = vector.broadcast %mul3A_1230 : f32 to vector<16xf32>
    %mul3A_1232 = arith.mulf %mul3A_1231, %add3A_1212 : vector<16xf32>
    %mul3A_1233 = arith.mulf %mul3A_1232, %mul3A_1229 : vector<16xf32>
    %mul3A_1234 = arith.mulf %mul3A_1233, %mul3A_1229 : vector<16xf32>
    %sub3A_1235 = arith.constant 1.500000e+00 : f32
    %sub3A_1236 = vector.broadcast %sub3A_1235 : f32 to vector<16xf32>
    %sub3A_1237 = arith.subf %sub3A_1236, %mul3A_1234 : vector<16xf32>
    %mul3A_1238 = arith.mulf %mul3A_1229, %sub3A_1237 : vector<16xf32>
    %mul3A_1239 = arith.constant 5.000000e-01 : f32
    %mul3A_1240 = vector.broadcast %mul3A_1239 : f32 to vector<16xf32>
    %mul3A_1241 = arith.mulf %mul3A_1240, %add3A_1212 : vector<16xf32>
    %mul3A_1242 = arith.mulf %mul3A_1241, %mul3A_1238 : vector<16xf32>
    %mul3A_1243 = arith.mulf %mul3A_1242, %mul3A_1238 : vector<16xf32>
    %sub3A_1244 = arith.constant 1.500000e+00 : f32
    %sub3A_1245 = vector.broadcast %sub3A_1244 : f32 to vector<16xf32>
    %sub3A_1246 = arith.subf %sub3A_1245, %mul3A_1243 : vector<16xf32>
    %mul3A_1247 = arith.mulf %mul3A_1238, %sub3A_1246 : vector<16xf32>
    %mul3A_1248 = arith.constant 5.000000e-01 : f32
    %mul3A_1249 = vector.broadcast %mul3A_1248 : f32 to vector<16xf32>
    %mul3A_1250 = arith.mulf %mul3A_1249, %add3A_1212 : vector<16xf32>
    %mul3A_1251 = arith.mulf %mul3A_1250, %mul3A_1247 : vector<16xf32>
    %mul3A_1252 = arith.mulf %mul3A_1251, %mul3A_1247 : vector<16xf32>
    %sub3A_1253 = arith.constant 1.500000e+00 : f32
    %sub3A_1254 = vector.broadcast %sub3A_1253 : f32 to vector<16xf32>
    %sub3A_1255 = arith.subf %sub3A_1254, %mul3A_1252 : vector<16xf32>
    %mul3A_1256 = arith.mulf %mul3A_1247, %sub3A_1255 : vector<16xf32>
    %lt3A_1257 = arith.constant 1.000000e-35 : f32
    %lt3A_1258 = vector.broadcast %lt3A_1257 : f32 to vector<16xf32>
    %lt3A_1259 = arith.cmpf olt, %add3A_1212, %lt3A_1258 : vector<16xf32>
    %mul3A_1260 = arith.mulf %add3A_1212, %mul3A_1256 : vector<16xf32>
    %jit3A_1261 = arith.constant 0.000000e+00 : f32
    %broadcast_in_dim3A_1262 = vector.broadcast %jit3A_1261 : f32 to vector<16xf32>
    %select_n3A_1263 = arith.select %lt3A_1259, %broadcast_in_dim3A_1262, %mul3A_1260 : vector<16xi1>, vector<16xf32>
    %add3A_1264 = arith.addf %add3A_1117, %select_n3A_1263 : vector<16xf32>
    %get3A_1265 = arith.constant 16 : index
    %get3A_1266 = tpu.vector_load %arg10[%get3A_1265] {strides = array<i32>} : memref<768xf32, #tpu.memory_space<vmem>>, vector<16xf32>,
    %get3A_1267 = vector.shape_cast %get3A_1266 : vector<16xf32> to vector<16xf32>
    %sub3A_1268 = arith.subf %get3A_1189, %get3A_1267 : vector<16xf32>
    %get3A_1269 = arith.constant 272 : index
    %get3A_1270 = tpu.vector_load %arg10[%get3A_1269] {strides = array<i32>} : memref<768xf32, #tpu.memory_space<vmem>>, vector<16xf32>,
    %get3A_1271 = vector.shape_cast %get3A_1270 : vector<16xf32> to vector<16xf32>
    %sub3A_1272 = arith.subf %get3A_1192, %get3A_1271 : vector<16xf32>
    %get3A_1273 = arith.constant 528 : index
    %get3A_1274 = tpu.vector_load %arg10[%get3A_1273] {strides = array<i32>} : memref<768xf32, #tpu.memory_space<vmem>>, vector<16xf32>,
    %get3A_1275 = vector.shape_cast %get3A_1274 : vector<16xf32> to vector<16xf32>
    %sub3A_1276 = arith.subf %get3A_1195, %get3A_1275 : vector<16xf32>
    %mul3A_1277 = arith.mulf %sub3A_1268, %sub3A_1268 : vector<16xf32>
    %mul3A_1278 = arith.mulf %sub3A_1272, %sub3A_1272 : vector<16xf32>
    %add3A_1279 = arith.addf %mul3A_1277, %mul3A_1278 : vector<16xf32>
    %mul3A_1280 = arith.mulf %sub3A_1276, %sub3A_1276 : vector<16xf32>
    %add3A_1281 = arith.addf %add3A_1279, %mul3A_1280 : vector<16xf32>
    %bitcast_convert_type3A_1282 = tpu.bitcast %add3A_1281 : vector<16xf32> -> vector<16xi32>
    %shift_right_arithmetic3A_1283 = arith.constant 1 : i32
    %shift_right_arithmetic3A_1284 = vector.broadcast %shift_right_arithmetic3A_1283 : i32 to vector<16xi32>
    %shift_right_arithmetic3A_1285 = arith.shrsi %bitcast_convert_type3A_1282, %shift_right_arithmetic3A_1284 : vector<16xi32>
    %sub3A_1286 = arith.constant 1597463007 : i32
    %sub3A_1287 = vector.broadcast %sub3A_1286 : i32 to vector<16xi32>
    %sub3A_1288 = arith.subi %sub3A_1287, %shift_right_arithmetic3A_1285 : vector<16xi32>
    %bitcast_convert_type3A_1289 = tpu.bitcast %sub3A_1288 : vector<16xi32> -> vector<16xf32>
    %mul3A_1290 = arith.constant 5.000000e-01 : f32
    %mul3A_1291 = vector.broadcast %mul3A_1290 : f32 to vector<16xf32>
    %mul3A_1292 = arith.mulf %mul3A_1291, %add3A_1281 : vector<16xf32>
    %mul3A_1293 = arith.mulf %mul3A_1292, %bitcast_convert_type3A_1289 : vector<16xf32>
    %mul3A_1294 = arith.mulf %mul3A_1293, %bitcast_convert_type3A_1289 : vector<16xf32>
    %sub3A_1295 = arith.constant 1.500000e+00 : f32
    %sub3A_1296 = vector.broadcast %sub3A_1295 : f32 to vector<16xf32>
    %sub3A_1297 = arith.subf %sub3A_1296, %mul3A_1294 : vector<16xf32>
    %mul3A_1298 = arith.mulf %bitcast_convert_type3A_1289, %sub3A_1297 : vector<16xf32>
    %mul3A_1299 = arith.constant 5.000000e-01 : f32
    %mul3A_1300 = vector.broadcast %mul3A_1299 : f32 to vector<16xf32>
    %mul3A_1301 = arith.mulf %mul3A_1300, %add3A_1281 : vector<16xf32>
    %mul3A_1302 = arith.mulf %mul3A_1301, %mul3A_1298 : vector<16xf32>
    %mul3A_1303 = arith.mulf %mul3A_1302, %mul3A_1298 : vector<16xf32>
    %sub3A_1304 = arith.constant 1.500000e+00 : f32
    %sub3A_1305 = vector.broadcast %sub3A_1304 : f32 to vector<16xf32>
    %sub3A_1306 = arith.subf %sub3A_1305, %mul3A_1303 : vector<16xf32>
    %mul3A_1307 = arith.mulf %mul3A_1298, %sub3A_1306 : vector<16xf32>
    %mul3A_1308 = arith.constant 5.000000e-01 : f32
    %mul3A_1309 = vector.broadcast %mul3A_1308 : f32 to vector<16xf32>
    %mul3A_1310 = arith.mulf %mul3A_1309, %add3A_1281 : vector<16xf32>
    %mul3A_1311 = arith.mulf %mul3A_1310, %mul3A_1307 : vector<16xf32>
    %mul3A_1312 = arith.mulf %mul3A_1311, %mul3A_1307 : vector<16xf32>
    %sub3A_1313 = arith.constant 1.500000e+00 : f32
    %sub3A_1314 = vector.broadcast %sub3A_1313 : f32 to vector<16xf32>
    %sub3A_1315 = arith.subf %sub3A_1314, %mul3A_1312 : vector<16xf32>
    %mul3A_1316 = arith.mulf %mul3A_1307, %sub3A_1315 : vector<16xf32>
    %mul3A_1317 = arith.constant 5.000000e-01 : f32
    %mul3A_1318 = vector.broadcast %mul3A_1317 : f32 to vector<16xf32>
    %mul3A_1319 = arith.mulf %mul3A_1318, %add3A_1281 : vector<16xf32>
    %mul3A_1320 = arith.mulf %mul3A_1319, %mul3A_1316 : vector<16xf32>
    %mul3A_1321 = arith.mulf %mul3A_1320, %mul3A_1316 : vector<16xf32>
    %sub3A_1322 = arith.constant 1.500000e+00 : f32
    %sub3A_1323 = vector.broadcast %sub3A_1322 : f32 to vector<16xf32>
    %sub3A_1324 = arith.subf %sub3A_1323, %mul3A_1321 : vector<16xf32>
    %mul3A_1325 = arith.mulf %mul3A_1316, %sub3A_1324 : vector<16xf32>
    %lt3A_1326 = arith.constant 1.000000e-35 : f32
    %lt3A_1327 = vector.broadcast %lt3A_1326 : f32 to vector<16xf32>
    %lt3A_1328 = arith.cmpf olt, %add3A_1281, %lt3A_1327 : vector<16xf32>
    %mul3A_1329 = arith.mulf %add3A_1281, %mul3A_1325 : vector<16xf32>
    %jit3A_1330 = arith.constant 0.000000e+00 : f32
    %broadcast_in_dim3A_1331 = vector.broadcast %jit3A_1330 : f32 to vector<16xf32>
    %select_n3A_1332 = arith.select %lt3A_1328, %broadcast_in_dim3A_1331, %mul3A_1329 : vector<16xi1>, vector<16xf32>
    %add3A_1333 = arith.addf %add3A_1186, %select_n3A_1332 : vector<16xf32>
    %get3A_1334 = arith.constant 288 : index
    %get3A_1335 = tpu.vector_load %arg7[%get3A_1334] {strides = array<i32>} : memref<1024xf32, #tpu.memory_space<vmem>>, vector<16xf32>,
    %get3A_1336 = vector.shape_cast %get3A_1335 : vector<16xf32> to vector<16xf32>
    %get3A_1337 = arith.constant 544 : index
    %get3A_1338 = tpu.vector_load %arg7[%get3A_1337] {strides = array<i32>} : memref<1024xf32, #tpu.memory_space<vmem>>, vector<16xf32>,
    %get3A_1339 = vector.shape_cast %get3A_1338 : vector<16xf32> to vector<16xf32>
    %get3A_1340 = arith.constant 800 : index
    %get3A_1341 = tpu.vector_load %arg7[%get3A_1340] {strides = array<i32>} : memref<1024xf32, #tpu.memory_space<vmem>>, vector<16xf32>,
    %get3A_1342 = vector.shape_cast %get3A_1341 : vector<16xf32> to vector<16xf32>
    %get3A_1343 = arith.constant 32 : index
    %get3A_1344 = tpu.vector_load %arg9[%get3A_1343] {strides = array<i32>} : memref<768xf32, #tpu.memory_space<vmem>>, vector<16xf32>,
    %get3A_1345 = vector.shape_cast %get3A_1344 : vector<16xf32> to vector<16xf32>
    %sub3A_1346 = arith.subf %get3A_1336, %get3A_1345 : vector<16xf32>
    %get3A_1347 = arith.constant 288 : index
    %get3A_1348 = tpu.vector_load %arg9[%get3A_1347] {strides = array<i32>} : memref<768xf32, #tpu.memory_space<vmem>>, vector<16xf32>,
    %get3A_1349 = vector.shape_cast %get3A_1348 : vector<16xf32> to vector<16xf32>
    %sub3A_1350 = arith.subf %get3A_1339, %get3A_1349 : vector<16xf32>
    %get3A_1351 = arith.constant 544 : index
    %get3A_1352 = tpu.vector_load %arg9[%get3A_1351] {strides = array<i32>} : memref<768xf32, #tpu.memory_space<vmem>>, vector<16xf32>,
    %get3A_1353 = vector.shape_cast %get3A_1352 : vector<16xf32> to vector<16xf32>
    %sub3A_1354 = arith.subf %get3A_1342, %get3A_1353 : vector<16xf32>
    %mul3A_1355 = arith.mulf %sub3A_1346, %sub3A_1346 : vector<16xf32>
    %mul3A_1356 = arith.mulf %sub3A_1350, %sub3A_1350 : vector<16xf32>
    %add3A_1357 = arith.addf %mul3A_1355, %mul3A_1356 : vector<16xf32>
    %mul3A_1358 = arith.mulf %sub3A_1354, %sub3A_1354 : vector<16xf32>
    %add3A_1359 = arith.addf %add3A_1357, %mul3A_1358 : vector<16xf32>
    %bitcast_convert_type3A_1360 = tpu.bitcast %add3A_1359 : vector<16xf32> -> vector<16xi32>
    %shift_right_arithmetic3A_1361 = arith.constant 1 : i32
    %shift_right_arithmetic3A_1362 = vector.broadcast %shift_right_arithmetic3A_1361 : i32 to vector<16xi32>
    %shift_right_arithmetic3A_1363 = arith.shrsi %bitcast_convert_type3A_1360, %shift_right_arithmetic3A_1362 : vector<16xi32>
    %sub3A_1364 = arith.constant 1597463007 : i32
    %sub3A_1365 = vector.broadcast %sub3A_1364 : i32 to vector<16xi32>
    %sub3A_1366 = arith.subi %sub3A_1365, %shift_right_arithmetic3A_1363 : vector<16xi32>
    %bitcast_convert_type3A_1367 = tpu.bitcast %sub3A_1366 : vector<16xi32> -> vector<16xf32>
    %mul3A_1368 = arith.constant 5.000000e-01 : f32
    %mul3A_1369 = vector.broadcast %mul3A_1368 : f32 to vector<16xf32>
    %mul3A_1370 = arith.mulf %mul3A_1369, %add3A_1359 : vector<16xf32>
    %mul3A_1371 = arith.mulf %mul3A_1370, %bitcast_convert_type3A_1367 : vector<16xf32>
    %mul3A_1372 = arith.mulf %mul3A_1371, %bitcast_convert_type3A_1367 : vector<16xf32>
    %sub3A_1373 = arith.constant 1.500000e+00 : f32
    %sub3A_1374 = vector.broadcast %sub3A_1373 : f32 to vector<16xf32>
    %sub3A_1375 = arith.subf %sub3A_1374, %mul3A_1372 : vector<16xf32>
    %mul3A_1376 = arith.mulf %bitcast_convert_type3A_1367, %sub3A_1375 : vector<16xf32>
    %mul3A_1377 = arith.constant 5.000000e-01 : f32
    %mul3A_1378 = vector.broadcast %mul3A_1377 : f32 to vector<16xf32>
    %mul3A_1379 = arith.mulf %mul3A_1378, %add3A_1359 : vector<16xf32>
    %mul3A_1380 = arith.mulf %mul3A_1379, %mul3A_1376 : vector<16xf32>
    %mul3A_1381 = arith.mulf %mul3A_1380, %mul3A_1376 : vector<16xf32>
    %sub3A_1382 = arith.constant 1.500000e+00 : f32
    %sub3A_1383 = vector.broadcast %sub3A_1382 : f32 to vector<16xf32>
    %sub3A_1384 = arith.subf %sub3A_1383, %mul3A_1381 : vector<16xf32>
    %mul3A_1385 = arith.mulf %mul3A_1376, %sub3A_1384 : vector<16xf32>
    %mul3A_1386 = arith.constant 5.000000e-01 : f32
    %mul3A_1387 = vector.broadcast %mul3A_1386 : f32 to vector<16xf32>
    %mul3A_1388 = arith.mulf %mul3A_1387, %add3A_1359 : vector<16xf32>
    %mul3A_1389 = arith.mulf %mul3A_1388, %mul3A_1385 : vector<16xf32>
    %mul3A_1390 = arith.mulf %mul3A_1389, %mul3A_1385 : vector<16xf32>
    %sub3A_1391 = arith.constant 1.500000e+00 : f32
    %sub3A_1392 = vector.broadcast %sub3A_1391 : f32 to vector<16xf32>
    %sub3A_1393 = arith.subf %sub3A_1392, %mul3A_1390 : vector<16xf32>
    %mul3A_1394 = arith.mulf %mul3A_1385, %sub3A_1393 : vector<16xf32>
    %mul3A_1395 = arith.constant 5.000000e-01 : f32
    %mul3A_1396 = vector.broadcast %mul3A_1395 : f32 to vector<16xf32>
    %mul3A_1397 = arith.mulf %mul3A_1396, %add3A_1359 : vector<16xf32>
    %mul3A_1398 = arith.mulf %mul3A_1397, %mul3A_1394 : vector<16xf32>
    %mul3A_1399 = arith.mulf %mul3A_1398, %mul3A_1394 : vector<16xf32>
    %sub3A_1400 = arith.constant 1.500000e+00 : f32
    %sub3A_1401 = vector.broadcast %sub3A_1400 : f32 to vector<16xf32>
    %sub3A_1402 = arith.subf %sub3A_1401, %mul3A_1399 : vector<16xf32>
    %mul3A_1403 = arith.mulf %mul3A_1394, %sub3A_1402 : vector<16xf32>
    %lt3A_1404 = arith.constant 1.000000e-35 : f32
    %lt3A_1405 = vector.broadcast %lt3A_1404 : f32 to vector<16xf32>
    %lt3A_1406 = arith.cmpf olt, %add3A_1359, %lt3A_1405 : vector<16xf32>
    %mul3A_1407 = arith.mulf %add3A_1359, %mul3A_1403 : vector<16xf32>
    %jit3A_1408 = arith.constant 0.000000e+00 : f32
    %broadcast_in_dim3A_1409 = vector.broadcast %jit3A_1408 : f32 to vector<16xf32>
    %select_n3A_1410 = arith.select %lt3A_1406, %broadcast_in_dim3A_1409, %mul3A_1407 : vector<16xi1>, vector<16xf32>
    %add3A_1411 = arith.addf %add3A_1264, %select_n3A_1410 : vector<16xf32>
    %get3A_1412 = arith.constant 32 : index
    %get3A_1413 = tpu.vector_load %arg10[%get3A_1412] {strides = array<i32>} : memref<768xf32, #tpu.memory_space<vmem>>, vector<16xf32>,
    %get3A_1414 = vector.shape_cast %get3A_1413 : vector<16xf32> to vector<16xf32>
    %sub3A_1415 = arith.subf %get3A_1336, %get3A_1414 : vector<16xf32>
    %get3A_1416 = arith.constant 288 : index
    %get3A_1417 = tpu.vector_load %arg10[%get3A_1416] {strides = array<i32>} : memref<768xf32, #tpu.memory_space<vmem>>, vector<16xf32>,
    %get3A_1418 = vector.shape_cast %get3A_1417 : vector<16xf32> to vector<16xf32>
    %sub3A_1419 = arith.subf %get3A_1339, %get3A_1418 : vector<16xf32>
    %get3A_1420 = arith.constant 544 : index
    %get3A_1421 = tpu.vector_load %arg10[%get3A_1420] {strides = array<i32>} : memref<768xf32, #tpu.memory_space<vmem>>, vector<16xf32>,
    %get3A_1422 = vector.shape_cast %get3A_1421 : vector<16xf32> to vector<16xf32>
    %sub3A_1423 = arith.subf %get3A_1342, %get3A_1422 : vector<16xf32>
    %mul3A_1424 = arith.mulf %sub3A_1415, %sub3A_1415 : vector<16xf32>
    %mul3A_1425 = arith.mulf %sub3A_1419, %sub3A_1419 : vector<16xf32>
    %add3A_1426 = arith.addf %mul3A_1424, %mul3A_1425 : vector<16xf32>
    %mul3A_1427 = arith.mulf %sub3A_1423, %sub3A_1423 : vector<16xf32>
    %add3A_1428 = arith.addf %add3A_1426, %mul3A_1427 : vector<16xf32>
    %bitcast_convert_type3A_1429 = tpu.bitcast %add3A_1428 : vector<16xf32> -> vector<16xi32>
    %shift_right_arithmetic3A_1430 = arith.constant 1 : i32
    %shift_right_arithmetic3A_1431 = vector.broadcast %shift_right_arithmetic3A_1430 : i32 to vector<16xi32>
    %shift_right_arithmetic3A_1432 = arith.shrsi %bitcast_convert_type3A_1429, %shift_right_arithmetic3A_1431 : vector<16xi32>
    %sub3A_1433 = arith.constant 1597463007 : i32
    %sub3A_1434 = vector.broadcast %sub3A_1433 : i32 to vector<16xi32>
    %sub3A_1435 = arith.subi %sub3A_1434, %shift_right_arithmetic3A_1432 : vector<16xi32>
    %bitcast_convert_type3A_1436 = tpu.bitcast %sub3A_1435 : vector<16xi32> -> vector<16xf32>
    %mul3A_1437 = arith.constant 5.000000e-01 : f32
    %mul3A_1438 = vector.broadcast %mul3A_1437 : f32 to vector<16xf32>
    %mul3A_1439 = arith.mulf %mul3A_1438, %add3A_1428 : vector<16xf32>
    %mul3A_1440 = arith.mulf %mul3A_1439, %bitcast_convert_type3A_1436 : vector<16xf32>
    %mul3A_1441 = arith.mulf %mul3A_1440, %bitcast_convert_type3A_1436 : vector<16xf32>
    %sub3A_1442 = arith.constant 1.500000e+00 : f32
    %sub3A_1443 = vector.broadcast %sub3A_1442 : f32 to vector<16xf32>
    %sub3A_1444 = arith.subf %sub3A_1443, %mul3A_1441 : vector<16xf32>
    %mul3A_1445 = arith.mulf %bitcast_convert_type3A_1436, %sub3A_1444 : vector<16xf32>
    %mul3A_1446 = arith.constant 5.000000e-01 : f32
    %mul3A_1447 = vector.broadcast %mul3A_1446 : f32 to vector<16xf32>
    %mul3A_1448 = arith.mulf %mul3A_1447, %add3A_1428 : vector<16xf32>
    %mul3A_1449 = arith.mulf %mul3A_1448, %mul3A_1445 : vector<16xf32>
    %mul3A_1450 = arith.mulf %mul3A_1449, %mul3A_1445 : vector<16xf32>
    %sub3A_1451 = arith.constant 1.500000e+00 : f32
    %sub3A_1452 = vector.broadcast %sub3A_1451 : f32 to vector<16xf32>
    %sub3A_1453 = arith.subf %sub3A_1452, %mul3A_1450 : vector<16xf32>
    %mul3A_1454 = arith.mulf %mul3A_1445, %sub3A_1453 : vector<16xf32>
    %mul3A_1455 = arith.constant 5.000000e-01 : f32
    %mul3A_1456 = vector.broadcast %mul3A_1455 : f32 to vector<16xf32>
    %mul3A_1457 = arith.mulf %mul3A_1456, %add3A_1428 : vector<16xf32>
    %mul3A_1458 = arith.mulf %mul3A_1457, %mul3A_1454 : vector<16xf32>
    %mul3A_1459 = arith.mulf %mul3A_1458, %mul3A_1454 : vector<16xf32>
    %sub3A_1460 = arith.constant 1.500000e+00 : f32
    %sub3A_1461 = vector.broadcast %sub3A_1460 : f32 to vector<16xf32>
    %sub3A_1462 = arith.subf %sub3A_1461, %mul3A_1459 : vector<16xf32>
    %mul3A_1463 = arith.mulf %mul3A_1454, %sub3A_1462 : vector<16xf32>
    %mul3A_1464 = arith.constant 5.000000e-01 : f32
    %mul3A_1465 = vector.broadcast %mul3A_1464 : f32 to vector<16xf32>
    %mul3A_1466 = arith.mulf %mul3A_1465, %add3A_1428 : vector<16xf32>
    %mul3A_1467 = arith.mulf %mul3A_1466, %mul3A_1463 : vector<16xf32>
    %mul3A_1468 = arith.mulf %mul3A_1467, %mul3A_1463 : vector<16xf32>
    %sub3A_1469 = arith.constant 1.500000e+00 : f32
    %sub3A_1470 = vector.broadcast %sub3A_1469 : f32 to vector<16xf32>
    %sub3A_1471 = arith.subf %sub3A_1470, %mul3A_1468 : vector<16xf32>
    %mul3A_1472 = arith.mulf %mul3A_1463, %sub3A_1471 : vector<16xf32>
    %lt3A_1473 = arith.constant 1.000000e-35 : f32
    %lt3A_1474 = vector.broadcast %lt3A_1473 : f32 to vector<16xf32>
    %lt3A_1475 = arith.cmpf olt, %add3A_1428, %lt3A_1474 : vector<16xf32>
    %mul3A_1476 = arith.mulf %add3A_1428, %mul3A_1472 : vector<16xf32>
    %jit3A_1477 = arith.constant 0.000000e+00 : f32
    %broadcast_in_dim3A_1478 = vector.broadcast %jit3A_1477 : f32 to vector<16xf32>
    %select_n3A_1479 = arith.select %lt3A_1475, %broadcast_in_dim3A_1478, %mul3A_1476 : vector<16xi1>, vector<16xf32>
    %add3A_1480 = arith.addf %add3A_1333, %select_n3A_1479 : vector<16xf32>
    %get3A_1481 = arith.constant 304 : index
    %get3A_1482 = tpu.vector_load %arg7[%get3A_1481] {strides = array<i32>} : memref<1024xf32, #tpu.memory_space<vmem>>, vector<16xf32>,
    %get3A_1483 = vector.shape_cast %get3A_1482 : vector<16xf32> to vector<16xf32>
    %get3A_1484 = arith.constant 560 : index
    %get3A_1485 = tpu.vector_load %arg7[%get3A_1484] {strides = array<i32>} : memref<1024xf32, #tpu.memory_space<vmem>>, vector<16xf32>,
    %get3A_1486 = vector.shape_cast %get3A_1485 : vector<16xf32> to vector<16xf32>
    %get3A_1487 = arith.constant 816 : index
    %get3A_1488 = tpu.vector_load %arg7[%get3A_1487] {strides = array<i32>} : memref<1024xf32, #tpu.memory_space<vmem>>, vector<16xf32>,
    %get3A_1489 = vector.shape_cast %get3A_1488 : vector<16xf32> to vector<16xf32>
    %get3A_1490 = arith.constant 48 : index
    %get3A_1491 = tpu.vector_load %arg9[%get3A_1490] {strides = array<i32>} : memref<768xf32, #tpu.memory_space<vmem>>, vector<16xf32>,
    %get3A_1492 = vector.shape_cast %get3A_1491 : vector<16xf32> to vector<16xf32>
    %sub3A_1493 = arith.subf %get3A_1483, %get3A_1492 : vector<16xf32>
    %get3A_1494 = arith.constant 304 : index
    %get3A_1495 = tpu.vector_load %arg9[%get3A_1494] {strides = array<i32>} : memref<768xf32, #tpu.memory_space<vmem>>, vector<16xf32>,
    %get3A_1496 = vector.shape_cast %get3A_1495 : vector<16xf32> to vector<16xf32>
    %sub3A_1497 = arith.subf %get3A_1486, %get3A_1496 : vector<16xf32>
    %get3A_1498 = arith.constant 560 : index
    %get3A_1499 = tpu.vector_load %arg9[%get3A_1498] {strides = array<i32>} : memref<768xf32, #tpu.memory_space<vmem>>, vector<16xf32>,
    %get3A_1500 = vector.shape_cast %get3A_1499 : vector<16xf32> to vector<16xf32>
    %sub3A_1501 = arith.subf %get3A_1489, %get3A_1500 : vector<16xf32>
    %mul3A_1502 = arith.mulf %sub3A_1493, %sub3A_1493 : vector<16xf32>
    %mul3A_1503 = arith.mulf %sub3A_1497, %sub3A_1497 : vector<16xf32>
    %add3A_1504 = arith.addf %mul3A_1502, %mul3A_1503 : vector<16xf32>
    %mul3A_1505 = arith.mulf %sub3A_1501, %sub3A_1501 : vector<16xf32>
    %add3A_1506 = arith.addf %add3A_1504, %mul3A_1505 : vector<16xf32>
    %bitcast_convert_type3A_1507 = tpu.bitcast %add3A_1506 : vector<16xf32> -> vector<16xi32>
    %shift_right_arithmetic3A_1508 = arith.constant 1 : i32
    %shift_right_arithmetic3A_1509 = vector.broadcast %shift_right_arithmetic3A_1508 : i32 to vector<16xi32>
    %shift_right_arithmetic3A_1510 = arith.shrsi %bitcast_convert_type3A_1507, %shift_right_arithmetic3A_1509 : vector<16xi32>
    %sub3A_1511 = arith.constant 1597463007 : i32
    %sub3A_1512 = vector.broadcast %sub3A_1511 : i32 to vector<16xi32>
    %sub3A_1513 = arith.subi %sub3A_1512, %shift_right_arithmetic3A_1510 : vector<16xi32>
    %bitcast_convert_type3A_1514 = tpu.bitcast %sub3A_1513 : vector<16xi32> -> vector<16xf32>
    %mul3A_1515 = arith.constant 5.000000e-01 : f32
    %mul3A_1516 = vector.broadcast %mul3A_1515 : f32 to vector<16xf32>
    %mul3A_1517 = arith.mulf %mul3A_1516, %add3A_1506 : vector<16xf32>
    %mul3A_1518 = arith.mulf %mul3A_1517, %bitcast_convert_type3A_1514 : vector<16xf32>
    %mul3A_1519 = arith.mulf %mul3A_1518, %bitcast_convert_type3A_1514 : vector<16xf32>
    %sub3A_1520 = arith.constant 1.500000e+00 : f32
    %sub3A_1521 = vector.broadcast %sub3A_1520 : f32 to vector<16xf32>
    %sub3A_1522 = arith.subf %sub3A_1521, %mul3A_1519 : vector<16xf32>
    %mul3A_1523 = arith.mulf %bitcast_convert_type3A_1514, %sub3A_1522 : vector<16xf32>
    %mul3A_1524 = arith.constant 5.000000e-01 : f32
    %mul3A_1525 = vector.broadcast %mul3A_1524 : f32 to vector<16xf32>
    %mul3A_1526 = arith.mulf %mul3A_1525, %add3A_1506 : vector<16xf32>
    %mul3A_1527 = arith.mulf %mul3A_1526, %mul3A_1523 : vector<16xf32>
    %mul3A_1528 = arith.mulf %mul3A_1527, %mul3A_1523 : vector<16xf32>
    %sub3A_1529 = arith.constant 1.500000e+00 : f32
    %sub3A_1530 = vector.broadcast %sub3A_1529 : f32 to vector<16xf32>
    %sub3A_1531 = arith.subf %sub3A_1530, %mul3A_1528 : vector<16xf32>
    %mul3A_1532 = arith.mulf %mul3A_1523, %sub3A_1531 : vector<16xf32>
    %mul3A_1533 = arith.constant 5.000000e-01 : f32
    %mul3A_1534 = vector.broadcast %mul3A_1533 : f32 to vector<16xf32>
    %mul3A_1535 = arith.mulf %mul3A_1534, %add3A_1506 : vector<16xf32>
    %mul3A_1536 = arith.mulf %mul3A_1535, %mul3A_1532 : vector<16xf32>
    %mul3A_1537 = arith.mulf %mul3A_1536, %mul3A_1532 : vector<16xf32>
    %sub3A_1538 = arith.constant 1.500000e+00 : f32
    %sub3A_1539 = vector.broadcast %sub3A_1538 : f32 to vector<16xf32>
    %sub3A_1540 = arith.subf %sub3A_1539, %mul3A_1537 : vector<16xf32>
    %mul3A_1541 = arith.mulf %mul3A_1532, %sub3A_1540 : vector<16xf32>
    %mul3A_1542 = arith.constant 5.000000e-01 : f32
    %mul3A_1543 = vector.broadcast %mul3A_1542 : f32 to vector<16xf32>
    %mul3A_1544 = arith.mulf %mul3A_1543, %add3A_1506 : vector<16xf32>
    %mul3A_1545 = arith.mulf %mul3A_1544, %mul3A_1541 : vector<16xf32>
    %mul3A_1546 = arith.mulf %mul3A_1545, %mul3A_1541 : vector<16xf32>
    %sub3A_1547 = arith.constant 1.500000e+00 : f32
    %sub3A_1548 = vector.broadcast %sub3A_1547 : f32 to vector<16xf32>
    %sub3A_1549 = arith.subf %sub3A_1548, %mul3A_1546 : vector<16xf32>
    %mul3A_1550 = arith.mulf %mul3A_1541, %sub3A_1549 : vector<16xf32>
    %lt3A_1551 = arith.constant 1.000000e-35 : f32
    %lt3A_1552 = vector.broadcast %lt3A_1551 : f32 to vector<16xf32>
    %lt3A_1553 = arith.cmpf olt, %add3A_1506, %lt3A_1552 : vector<16xf32>
    %mul3A_1554 = arith.mulf %add3A_1506, %mul3A_1550 : vector<16xf32>
    %jit3A_1555 = arith.constant 0.000000e+00 : f32
    %broadcast_in_dim3A_1556 = vector.broadcast %jit3A_1555 : f32 to vector<16xf32>
    %select_n3A_1557 = arith.select %lt3A_1553, %broadcast_in_dim3A_1556, %mul3A_1554 : vector<16xi1>, vector<16xf32>
    %add3A_1558 = arith.addf %add3A_1411, %select_n3A_1557 : vector<16xf32>
    %get3A_1559 = arith.constant 48 : index
    %get3A_1560 = tpu.vector_load %arg10[%get3A_1559] {strides = array<i32>} : memref<768xf32, #tpu.memory_space<vmem>>, vector<16xf32>,
    %get3A_1561 = vector.shape_cast %get3A_1560 : vector<16xf32> to vector<16xf32>
    %sub3A_1562 = arith.subf %get3A_1483, %get3A_1561 : vector<16xf32>
    %get3A_1563 = arith.constant 304 : index
    %get3A_1564 = tpu.vector_load %arg10[%get3A_1563] {strides = array<i32>} : memref<768xf32, #tpu.memory_space<vmem>>, vector<16xf32>,
    %get3A_1565 = vector.shape_cast %get3A_1564 : vector<16xf32> to vector<16xf32>
    %sub3A_1566 = arith.subf %get3A_1486, %get3A_1565 : vector<16xf32>
    %get3A_1567 = arith.constant 560 : index
    %get3A_1568 = tpu.vector_load %arg10[%get3A_1567] {strides = array<i32>} : memref<768xf32, #tpu.memory_space<vmem>>, vector<16xf32>,
    %get3A_1569 = vector.shape_cast %get3A_1568 : vector<16xf32> to vector<16xf32>
    %sub3A_1570 = arith.subf %get3A_1489, %get3A_1569 : vector<16xf32>
    %mul3A_1571 = arith.mulf %sub3A_1562, %sub3A_1562 : vector<16xf32>
    %mul3A_1572 = arith.mulf %sub3A_1566, %sub3A_1566 : vector<16xf32>
    %add3A_1573 = arith.addf %mul3A_1571, %mul3A_1572 : vector<16xf32>
    %mul3A_1574 = arith.mulf %sub3A_1570, %sub3A_1570 : vector<16xf32>
    %add3A_1575 = arith.addf %add3A_1573, %mul3A_1574 : vector<16xf32>
    %bitcast_convert_type3A_1576 = tpu.bitcast %add3A_1575 : vector<16xf32> -> vector<16xi32>
    %shift_right_arithmetic3A_1577 = arith.constant 1 : i32
    %shift_right_arithmetic3A_1578 = vector.broadcast %shift_right_arithmetic3A_1577 : i32 to vector<16xi32>
    %shift_right_arithmetic3A_1579 = arith.shrsi %bitcast_convert_type3A_1576, %shift_right_arithmetic3A_1578 : vector<16xi32>
    %sub3A_1580 = arith.constant 1597463007 : i32
    %sub3A_1581 = vector.broadcast %sub3A_1580 : i32 to vector<16xi32>
    %sub3A_1582 = arith.subi %sub3A_1581, %shift_right_arithmetic3A_1579 : vector<16xi32>
    %bitcast_convert_type3A_1583 = tpu.bitcast %sub3A_1582 : vector<16xi32> -> vector<16xf32>
    %mul3A_1584 = arith.constant 5.000000e-01 : f32
    %mul3A_1585 = vector.broadcast %mul3A_1584 : f32 to vector<16xf32>
    %mul3A_1586 = arith.mulf %mul3A_1585, %add3A_1575 : vector<16xf32>
    %mul3A_1587 = arith.mulf %mul3A_1586, %bitcast_convert_type3A_1583 : vector<16xf32>
    %mul3A_1588 = arith.mulf %mul3A_1587, %bitcast_convert_type3A_1583 : vector<16xf32>
    %sub3A_1589 = arith.constant 1.500000e+00 : f32
    %sub3A_1590 = vector.broadcast %sub3A_1589 : f32 to vector<16xf32>
    %sub3A_1591 = arith.subf %sub3A_1590, %mul3A_1588 : vector<16xf32>
    %mul3A_1592 = arith.mulf %bitcast_convert_type3A_1583, %sub3A_1591 : vector<16xf32>
    %mul3A_1593 = arith.constant 5.000000e-01 : f32
    %mul3A_1594 = vector.broadcast %mul3A_1593 : f32 to vector<16xf32>
    %mul3A_1595 = arith.mulf %mul3A_1594, %add3A_1575 : vector<16xf32>
    %mul3A_1596 = arith.mulf %mul3A_1595, %mul3A_1592 : vector<16xf32>
    %mul3A_1597 = arith.mulf %mul3A_1596, %mul3A_1592 : vector<16xf32>
    %sub3A_1598 = arith.constant 1.500000e+00 : f32
    %sub3A_1599 = vector.broadcast %sub3A_1598 : f32 to vector<16xf32>
    %sub3A_1600 = arith.subf %sub3A_1599, %mul3A_1597 : vector<16xf32>
    %mul3A_1601 = arith.mulf %mul3A_1592, %sub3A_1600 : vector<16xf32>
    %mul3A_1602 = arith.constant 5.000000e-01 : f32
    %mul3A_1603 = vector.broadcast %mul3A_1602 : f32 to vector<16xf32>
    %mul3A_1604 = arith.mulf %mul3A_1603, %add3A_1575 : vector<16xf32>
    %mul3A_1605 = arith.mulf %mul3A_1604, %mul3A_1601 : vector<16xf32>
    %mul3A_1606 = arith.mulf %mul3A_1605, %mul3A_1601 : vector<16xf32>
    %sub3A_1607 = arith.constant 1.500000e+00 : f32
    %sub3A_1608 = vector.broadcast %sub3A_1607 : f32 to vector<16xf32>
    %sub3A_1609 = arith.subf %sub3A_1608, %mul3A_1606 : vector<16xf32>
    %mul3A_1610 = arith.mulf %mul3A_1601, %sub3A_1609 : vector<16xf32>
    %mul3A_1611 = arith.constant 5.000000e-01 : f32
    %mul3A_1612 = vector.broadcast %mul3A_1611 : f32 to vector<16xf32>
    %mul3A_1613 = arith.mulf %mul3A_1612, %add3A_1575 : vector<16xf32>
    %mul3A_1614 = arith.mulf %mul3A_1613, %mul3A_1610 : vector<16xf32>
    %mul3A_1615 = arith.mulf %mul3A_1614, %mul3A_1610 : vector<16xf32>
    %sub3A_1616 = arith.constant 1.500000e+00 : f32
    %sub3A_1617 = vector.broadcast %sub3A_1616 : f32 to vector<16xf32>
    %sub3A_1618 = arith.subf %sub3A_1617, %mul3A_1615 : vector<16xf32>
    %mul3A_1619 = arith.mulf %mul3A_1610, %sub3A_1618 : vector<16xf32>
    %lt3A_1620 = arith.constant 1.000000e-35 : f32
    %lt3A_1621 = vector.broadcast %lt3A_1620 : f32 to vector<16xf32>
    %lt3A_1622 = arith.cmpf olt, %add3A_1575, %lt3A_1621 : vector<16xf32>
    %mul3A_1623 = arith.mulf %add3A_1575, %mul3A_1619 : vector<16xf32>
    %jit3A_1624 = arith.constant 0.000000e+00 : f32
    %broadcast_in_dim3A_1625 = vector.broadcast %jit3A_1624 : f32 to vector<16xf32>
    %select_n3A_1626 = arith.select %lt3A_1622, %broadcast_in_dim3A_1625, %mul3A_1623 : vector<16xi1>, vector<16xf32>
    %add3A_1627 = arith.addf %add3A_1480, %select_n3A_1626 : vector<16xf32>
    %get3A_1628 = arith.constant 320 : index
    %get3A_1629 = tpu.vector_load %arg7[%get3A_1628] {strides = array<i32>} : memref<1024xf32, #tpu.memory_space<vmem>>, vector<16xf32>,
    %get3A_1630 = vector.shape_cast %get3A_1629 : vector<16xf32> to vector<16xf32>
    %get3A_1631 = arith.constant 576 : index
    %get3A_1632 = tpu.vector_load %arg7[%get3A_1631] {strides = array<i32>} : memref<1024xf32, #tpu.memory_space<vmem>>, vector<16xf32>,
    %get3A_1633 = vector.shape_cast %get3A_1632 : vector<16xf32> to vector<16xf32>
    %get3A_1634 = arith.constant 832 : index
    %get3A_1635 = tpu.vector_load %arg7[%get3A_1634] {strides = array<i32>} : memref<1024xf32, #tpu.memory_space<vmem>>, vector<16xf32>,
    %get3A_1636 = vector.shape_cast %get3A_1635 : vector<16xf32> to vector<16xf32>
    %get3A_1637 = arith.constant 64 : index
    %get3A_1638 = tpu.vector_load %arg9[%get3A_1637] {strides = array<i32>} : memref<768xf32, #tpu.memory_space<vmem>>, vector<16xf32>,
    %get3A_1639 = vector.shape_cast %get3A_1638 : vector<16xf32> to vector<16xf32>
    %sub3A_1640 = arith.subf %get3A_1630, %get3A_1639 : vector<16xf32>
    %get3A_1641 = arith.constant 320 : index
    %get3A_1642 = tpu.vector_load %arg9[%get3A_1641] {strides = array<i32>} : memref<768xf32, #tpu.memory_space<vmem>>, vector<16xf32>,
    %get3A_1643 = vector.shape_cast %get3A_1642 : vector<16xf32> to vector<16xf32>
    %sub3A_1644 = arith.subf %get3A_1633, %get3A_1643 : vector<16xf32>
    %get3A_1645 = arith.constant 576 : index
    %get3A_1646 = tpu.vector_load %arg9[%get3A_1645] {strides = array<i32>} : memref<768xf32, #tpu.memory_space<vmem>>, vector<16xf32>,
    %get3A_1647 = vector.shape_cast %get3A_1646 : vector<16xf32> to vector<16xf32>
    %sub3A_1648 = arith.subf %get3A_1636, %get3A_1647 : vector<16xf32>
    %mul3A_1649 = arith.mulf %sub3A_1640, %sub3A_1640 : vector<16xf32>
    %mul3A_1650 = arith.mulf %sub3A_1644, %sub3A_1644 : vector<16xf32>
    %add3A_1651 = arith.addf %mul3A_1649, %mul3A_1650 : vector<16xf32>
    %mul3A_1652 = arith.mulf %sub3A_1648, %sub3A_1648 : vector<16xf32>
    %add3A_1653 = arith.addf %add3A_1651, %mul3A_1652 : vector<16xf32>
    %bitcast_convert_type3A_1654 = tpu.bitcast %add3A_1653 : vector<16xf32> -> vector<16xi32>
    %shift_right_arithmetic3A_1655 = arith.constant 1 : i32
    %shift_right_arithmetic3A_1656 = vector.broadcast %shift_right_arithmetic3A_1655 : i32 to vector<16xi32>
    %shift_right_arithmetic3A_1657 = arith.shrsi %bitcast_convert_type3A_1654, %shift_right_arithmetic3A_1656 : vector<16xi32>
    %sub3A_1658 = arith.constant 1597463007 : i32
    %sub3A_1659 = vector.broadcast %sub3A_1658 : i32 to vector<16xi32>
    %sub3A_1660 = arith.subi %sub3A_1659, %shift_right_arithmetic3A_1657 : vector<16xi32>
    %bitcast_convert_type3A_1661 = tpu.bitcast %sub3A_1660 : vector<16xi32> -> vector<16xf32>
    %mul3A_1662 = arith.constant 5.000000e-01 : f32
    %mul3A_1663 = vector.broadcast %mul3A_1662 : f32 to vector<16xf32>
    %mul3A_1664 = arith.mulf %mul3A_1663, %add3A_1653 : vector<16xf32>
    %mul3A_1665 = arith.mulf %mul3A_1664, %bitcast_convert_type3A_1661 : vector<16xf32>
    %mul3A_1666 = arith.mulf %mul3A_1665, %bitcast_convert_type3A_1661 : vector<16xf32>
    %sub3A_1667 = arith.constant 1.500000e+00 : f32
    %sub3A_1668 = vector.broadcast %sub3A_1667 : f32 to vector<16xf32>
    %sub3A_1669 = arith.subf %sub3A_1668, %mul3A_1666 : vector<16xf32>
    %mul3A_1670 = arith.mulf %bitcast_convert_type3A_1661, %sub3A_1669 : vector<16xf32>
    %mul3A_1671 = arith.constant 5.000000e-01 : f32
    %mul3A_1672 = vector.broadcast %mul3A_1671 : f32 to vector<16xf32>
    %mul3A_1673 = arith.mulf %mul3A_1672, %add3A_1653 : vector<16xf32>
    %mul3A_1674 = arith.mulf %mul3A_1673, %mul3A_1670 : vector<16xf32>
    %mul3A_1675 = arith.mulf %mul3A_1674, %mul3A_1670 : vector<16xf32>
    %sub3A_1676 = arith.constant 1.500000e+00 : f32
    %sub3A_1677 = vector.broadcast %sub3A_1676 : f32 to vector<16xf32>
    %sub3A_1678 = arith.subf %sub3A_1677, %mul3A_1675 : vector<16xf32>
    %mul3A_1679 = arith.mulf %mul3A_1670, %sub3A_1678 : vector<16xf32>
    %mul3A_1680 = arith.constant 5.000000e-01 : f32
    %mul3A_1681 = vector.broadcast %mul3A_1680 : f32 to vector<16xf32>
    %mul3A_1682 = arith.mulf %mul3A_1681, %add3A_1653 : vector<16xf32>
    %mul3A_1683 = arith.mulf %mul3A_1682, %mul3A_1679 : vector<16xf32>
    %mul3A_1684 = arith.mulf %mul3A_1683, %mul3A_1679 : vector<16xf32>
    %sub3A_1685 = arith.constant 1.500000e+00 : f32
    %sub3A_1686 = vector.broadcast %sub3A_1685 : f32 to vector<16xf32>
    %sub3A_1687 = arith.subf %sub3A_1686, %mul3A_1684 : vector<16xf32>
    %mul3A_1688 = arith.mulf %mul3A_1679, %sub3A_1687 : vector<16xf32>
    %mul3A_1689 = arith.constant 5.000000e-01 : f32
    %mul3A_1690 = vector.broadcast %mul3A_1689 : f32 to vector<16xf32>
    %mul3A_1691 = arith.mulf %mul3A_1690, %add3A_1653 : vector<16xf32>
    %mul3A_1692 = arith.mulf %mul3A_1691, %mul3A_1688 : vector<16xf32>
    %mul3A_1693 = arith.mulf %mul3A_1692, %mul3A_1688 : vector<16xf32>
    %sub3A_1694 = arith.constant 1.500000e+00 : f32
    %sub3A_1695 = vector.broadcast %sub3A_1694 : f32 to vector<16xf32>
    %sub3A_1696 = arith.subf %sub3A_1695, %mul3A_1693 : vector<16xf32>
    %mul3A_1697 = arith.mulf %mul3A_1688, %sub3A_1696 : vector<16xf32>
    %lt3A_1698 = arith.constant 1.000000e-35 : f32
    %lt3A_1699 = vector.broadcast %lt3A_1698 : f32 to vector<16xf32>
    %lt3A_1700 = arith.cmpf olt, %add3A_1653, %lt3A_1699 : vector<16xf32>
    %mul3A_1701 = arith.mulf %add3A_1653, %mul3A_1697 : vector<16xf32>
    %jit3A_1702 = arith.constant 0.000000e+00 : f32
    %broadcast_in_dim3A_1703 = vector.broadcast %jit3A_1702 : f32 to vector<16xf32>
    %select_n3A_1704 = arith.select %lt3A_1700, %broadcast_in_dim3A_1703, %mul3A_1701 : vector<16xi1>, vector<16xf32>
    %add3A_1705 = arith.addf %add3A_1558, %select_n3A_1704 : vector<16xf32>
    %get3A_1706 = arith.constant 64 : index
    %get3A_1707 = tpu.vector_load %arg10[%get3A_1706] {strides = array<i32>} : memref<768xf32, #tpu.memory_space<vmem>>, vector<16xf32>,
    %get3A_1708 = vector.shape_cast %get3A_1707 : vector<16xf32> to vector<16xf32>
    %sub3A_1709 = arith.subf %get3A_1630, %get3A_1708 : vector<16xf32>
    %get3A_1710 = arith.constant 320 : index
    %get3A_1711 = tpu.vector_load %arg10[%get3A_1710] {strides = array<i32>} : memref<768xf32, #tpu.memory_space<vmem>>, vector<16xf32>,
    %get3A_1712 = vector.shape_cast %get3A_1711 : vector<16xf32> to vector<16xf32>
    %sub3A_1713 = arith.subf %get3A_1633, %get3A_1712 : vector<16xf32>
    %get3A_1714 = arith.constant 576 : index
    %get3A_1715 = tpu.vector_load %arg10[%get3A_1714] {strides = array<i32>} : memref<768xf32, #tpu.memory_space<vmem>>, vector<16xf32>,
    %get3A_1716 = vector.shape_cast %get3A_1715 : vector<16xf32> to vector<16xf32>
    %sub3A_1717 = arith.subf %get3A_1636, %get3A_1716 : vector<16xf32>
    %mul3A_1718 = arith.mulf %sub3A_1709, %sub3A_1709 : vector<16xf32>
    %mul3A_1719 = arith.mulf %sub3A_1713, %sub3A_1713 : vector<16xf32>
    %add3A_1720 = arith.addf %mul3A_1718, %mul3A_1719 : vector<16xf32>
    %mul3A_1721 = arith.mulf %sub3A_1717, %sub3A_1717 : vector<16xf32>
    %add3A_1722 = arith.addf %add3A_1720, %mul3A_1721 : vector<16xf32>
    %bitcast_convert_type3A_1723 = tpu.bitcast %add3A_1722 : vector<16xf32> -> vector<16xi32>
    %shift_right_arithmetic3A_1724 = arith.constant 1 : i32
    %shift_right_arithmetic3A_1725 = vector.broadcast %shift_right_arithmetic3A_1724 : i32 to vector<16xi32>
    %shift_right_arithmetic3A_1726 = arith.shrsi %bitcast_convert_type3A_1723, %shift_right_arithmetic3A_1725 : vector<16xi32>
    %sub3A_1727 = arith.constant 1597463007 : i32
    %sub3A_1728 = vector.broadcast %sub3A_1727 : i32 to vector<16xi32>
    %sub3A_1729 = arith.subi %sub3A_1728, %shift_right_arithmetic3A_1726 : vector<16xi32>
    %bitcast_convert_type3A_1730 = tpu.bitcast %sub3A_1729 : vector<16xi32> -> vector<16xf32>
    %mul3A_1731 = arith.constant 5.000000e-01 : f32
    %mul3A_1732 = vector.broadcast %mul3A_1731 : f32 to vector<16xf32>
    %mul3A_1733 = arith.mulf %mul3A_1732, %add3A_1722 : vector<16xf32>
    %mul3A_1734 = arith.mulf %mul3A_1733, %bitcast_convert_type3A_1730 : vector<16xf32>
    %mul3A_1735 = arith.mulf %mul3A_1734, %bitcast_convert_type3A_1730 : vector<16xf32>
    %sub3A_1736 = arith.constant 1.500000e+00 : f32
    %sub3A_1737 = vector.broadcast %sub3A_1736 : f32 to vector<16xf32>
    %sub3A_1738 = arith.subf %sub3A_1737, %mul3A_1735 : vector<16xf32>
    %mul3A_1739 = arith.mulf %bitcast_convert_type3A_1730, %sub3A_1738 : vector<16xf32>
    %mul3A_1740 = arith.constant 5.000000e-01 : f32
    %mul3A_1741 = vector.broadcast %mul3A_1740 : f32 to vector<16xf32>
    %mul3A_1742 = arith.mulf %mul3A_1741, %add3A_1722 : vector<16xf32>
    %mul3A_1743 = arith.mulf %mul3A_1742, %mul3A_1739 : vector<16xf32>
    %mul3A_1744 = arith.mulf %mul3A_1743, %mul3A_1739 : vector<16xf32>
    %sub3A_1745 = arith.constant 1.500000e+00 : f32
    %sub3A_1746 = vector.broadcast %sub3A_1745 : f32 to vector<16xf32>
    %sub3A_1747 = arith.subf %sub3A_1746, %mul3A_1744 : vector<16xf32>
    %mul3A_1748 = arith.mulf %mul3A_1739, %sub3A_1747 : vector<16xf32>
    %mul3A_1749 = arith.constant 5.000000e-01 : f32
    %mul3A_1750 = vector.broadcast %mul3A_1749 : f32 to vector<16xf32>
    %mul3A_1751 = arith.mulf %mul3A_1750, %add3A_1722 : vector<16xf32>
    %mul3A_1752 = arith.mulf %mul3A_1751, %mul3A_1748 : vector<16xf32>
    %mul3A_1753 = arith.mulf %mul3A_1752, %mul3A_1748 : vector<16xf32>
    %sub3A_1754 = arith.constant 1.500000e+00 : f32
    %sub3A_1755 = vector.broadcast %sub3A_1754 : f32 to vector<16xf32>
    %sub3A_1756 = arith.subf %sub3A_1755, %mul3A_1753 : vector<16xf32>
    %mul3A_1757 = arith.mulf %mul3A_1748, %sub3A_1756 : vector<16xf32>
    %mul3A_1758 = arith.constant 5.000000e-01 : f32
    %mul3A_1759 = vector.broadcast %mul3A_1758 : f32 to vector<16xf32>
    %mul3A_1760 = arith.mulf %mul3A_1759, %add3A_1722 : vector<16xf32>
    %mul3A_1761 = arith.mulf %mul3A_1760, %mul3A_1757 : vector<16xf32>
    %mul3A_1762 = arith.mulf %mul3A_1761, %mul3A_1757 : vector<16xf32>
    %sub3A_1763 = arith.constant 1.500000e+00 : f32
    %sub3A_1764 = vector.broadcast %sub3A_1763 : f32 to vector<16xf32>
    %sub3A_1765 = arith.subf %sub3A_1764, %mul3A_1762 : vector<16xf32>
    %mul3A_1766 = arith.mulf %mul3A_1757, %sub3A_1765 : vector<16xf32>
    %lt3A_1767 = arith.constant 1.000000e-35 : f32
    %lt3A_1768 = vector.broadcast %lt3A_1767 : f32 to vector<16xf32>
    %lt3A_1769 = arith.cmpf olt, %add3A_1722, %lt3A_1768 : vector<16xf32>
    %mul3A_1770 = arith.mulf %add3A_1722, %mul3A_1766 : vector<16xf32>
    %jit3A_1771 = arith.constant 0.000000e+00 : f32
    %broadcast_in_dim3A_1772 = vector.broadcast %jit3A_1771 : f32 to vector<16xf32>
    %select_n3A_1773 = arith.select %lt3A_1769, %broadcast_in_dim3A_1772, %mul3A_1770 : vector<16xi1>, vector<16xf32>
    %add3A_1774 = arith.addf %add3A_1627, %select_n3A_1773 : vector<16xf32>
    %get3A_1775 = arith.constant 336 : index
    %get3A_1776 = tpu.vector_load %arg7[%get3A_1775] {strides = array<i32>} : memref<1024xf32, #tpu.memory_space<vmem>>, vector<16xf32>,
    %get3A_1777 = vector.shape_cast %get3A_1776 : vector<16xf32> to vector<16xf32>
    %get3A_1778 = arith.constant 592 : index
    %get3A_1779 = tpu.vector_load %arg7[%get3A_1778] {strides = array<i32>} : memref<1024xf32, #tpu.memory_space<vmem>>, vector<16xf32>,
    %get3A_1780 = vector.shape_cast %get3A_1779 : vector<16xf32> to vector<16xf32>
    %get3A_1781 = arith.constant 848 : index
    %get3A_1782 = tpu.vector_load %arg7[%get3A_1781] {strides = array<i32>} : memref<1024xf32, #tpu.memory_space<vmem>>, vector<16xf32>,
    %get3A_1783 = vector.shape_cast %get3A_1782 : vector<16xf32> to vector<16xf32>
    %get3A_1784 = arith.constant 80 : index
    %get3A_1785 = tpu.vector_load %arg9[%get3A_1784] {strides = array<i32>} : memref<768xf32, #tpu.memory_space<vmem>>, vector<16xf32>,
    %get3A_1786 = vector.shape_cast %get3A_1785 : vector<16xf32> to vector<16xf32>
    %sub3A_1787 = arith.subf %get3A_1777, %get3A_1786 : vector<16xf32>
    %get3A_1788 = arith.constant 336 : index
    %get3A_1789 = tpu.vector_load %arg9[%get3A_1788] {strides = array<i32>} : memref<768xf32, #tpu.memory_space<vmem>>, vector<16xf32>,
    %get3A_1790 = vector.shape_cast %get3A_1789 : vector<16xf32> to vector<16xf32>
    %sub3A_1791 = arith.subf %get3A_1780, %get3A_1790 : vector<16xf32>
    %get3A_1792 = arith.constant 592 : index
    %get3A_1793 = tpu.vector_load %arg9[%get3A_1792] {strides = array<i32>} : memref<768xf32, #tpu.memory_space<vmem>>, vector<16xf32>,
    %get3A_1794 = vector.shape_cast %get3A_1793 : vector<16xf32> to vector<16xf32>
    %sub3A_1795 = arith.subf %get3A_1783, %get3A_1794 : vector<16xf32>
    %mul3A_1796 = arith.mulf %sub3A_1787, %sub3A_1787 : vector<16xf32>
    %mul3A_1797 = arith.mulf %sub3A_1791, %sub3A_1791 : vector<16xf32>
    %add3A_1798 = arith.addf %mul3A_1796, %mul3A_1797 : vector<16xf32>
    %mul3A_1799 = arith.mulf %sub3A_1795, %sub3A_1795 : vector<16xf32>
    %add3A_1800 = arith.addf %add3A_1798, %mul3A_1799 : vector<16xf32>
    %bitcast_convert_type3A_1801 = tpu.bitcast %add3A_1800 : vector<16xf32> -> vector<16xi32>
    %shift_right_arithmetic3A_1802 = arith.constant 1 : i32
    %shift_right_arithmetic3A_1803 = vector.broadcast %shift_right_arithmetic3A_1802 : i32 to vector<16xi32>
    %shift_right_arithmetic3A_1804 = arith.shrsi %bitcast_convert_type3A_1801, %shift_right_arithmetic3A_1803 : vector<16xi32>
    %sub3A_1805 = arith.constant 1597463007 : i32
    %sub3A_1806 = vector.broadcast %sub3A_1805 : i32 to vector<16xi32>
    %sub3A_1807 = arith.subi %sub3A_1806, %shift_right_arithmetic3A_1804 : vector<16xi32>
    %bitcast_convert_type3A_1808 = tpu.bitcast %sub3A_1807 : vector<16xi32> -> vector<16xf32>
    %mul3A_1809 = arith.constant 5.000000e-01 : f32
    %mul3A_1810 = vector.broadcast %mul3A_1809 : f32 to vector<16xf32>
    %mul3A_1811 = arith.mulf %mul3A_1810, %add3A_1800 : vector<16xf32>
    %mul3A_1812 = arith.mulf %mul3A_1811, %bitcast_convert_type3A_1808 : vector<16xf32>
    %mul3A_1813 = arith.mulf %mul3A_1812, %bitcast_convert_type3A_1808 : vector<16xf32>
    %sub3A_1814 = arith.constant 1.500000e+00 : f32
    %sub3A_1815 = vector.broadcast %sub3A_1814 : f32 to vector<16xf32>
    %sub3A_1816 = arith.subf %sub3A_1815, %mul3A_1813 : vector<16xf32>
    %mul3A_1817 = arith.mulf %bitcast_convert_type3A_1808, %sub3A_1816 : vector<16xf32>
    %mul3A_1818 = arith.constant 5.000000e-01 : f32
    %mul3A_1819 = vector.broadcast %mul3A_1818 : f32 to vector<16xf32>
    %mul3A_1820 = arith.mulf %mul3A_1819, %add3A_1800 : vector<16xf32>
    %mul3A_1821 = arith.mulf %mul3A_1820, %mul3A_1817 : vector<16xf32>
    %mul3A_1822 = arith.mulf %mul3A_1821, %mul3A_1817 : vector<16xf32>
    %sub3A_1823 = arith.constant 1.500000e+00 : f32
    %sub3A_1824 = vector.broadcast %sub3A_1823 : f32 to vector<16xf32>
    %sub3A_1825 = arith.subf %sub3A_1824, %mul3A_1822 : vector<16xf32>
    %mul3A_1826 = arith.mulf %mul3A_1817, %sub3A_1825 : vector<16xf32>
    %mul3A_1827 = arith.constant 5.000000e-01 : f32
    %mul3A_1828 = vector.broadcast %mul3A_1827 : f32 to vector<16xf32>
    %mul3A_1829 = arith.mulf %mul3A_1828, %add3A_1800 : vector<16xf32>
    %mul3A_1830 = arith.mulf %mul3A_1829, %mul3A_1826 : vector<16xf32>
    %mul3A_1831 = arith.mulf %mul3A_1830, %mul3A_1826 : vector<16xf32>
    %sub3A_1832 = arith.constant 1.500000e+00 : f32
    %sub3A_1833 = vector.broadcast %sub3A_1832 : f32 to vector<16xf32>
    %sub3A_1834 = arith.subf %sub3A_1833, %mul3A_1831 : vector<16xf32>
    %mul3A_1835 = arith.mulf %mul3A_1826, %sub3A_1834 : vector<16xf32>
    %mul3A_1836 = arith.constant 5.000000e-01 : f32
    %mul3A_1837 = vector.broadcast %mul3A_1836 : f32 to vector<16xf32>
    %mul3A_1838 = arith.mulf %mul3A_1837, %add3A_1800 : vector<16xf32>
    %mul3A_1839 = arith.mulf %mul3A_1838, %mul3A_1835 : vector<16xf32>
    %mul3A_1840 = arith.mulf %mul3A_1839, %mul3A_1835 : vector<16xf32>
    %sub3A_1841 = arith.constant 1.500000e+00 : f32
    %sub3A_1842 = vector.broadcast %sub3A_1841 : f32 to vector<16xf32>
    %sub3A_1843 = arith.subf %sub3A_1842, %mul3A_1840 : vector<16xf32>
    %mul3A_1844 = arith.mulf %mul3A_1835, %sub3A_1843 : vector<16xf32>
    %lt3A_1845 = arith.constant 1.000000e-35 : f32
    %lt3A_1846 = vector.broadcast %lt3A_1845 : f32 to vector<16xf32>
    %lt3A_1847 = arith.cmpf olt, %add3A_1800, %lt3A_1846 : vector<16xf32>
    %mul3A_1848 = arith.mulf %add3A_1800, %mul3A_1844 : vector<16xf32>
    %jit3A_1849 = arith.constant 0.000000e+00 : f32
    %broadcast_in_dim3A_1850 = vector.broadcast %jit3A_1849 : f32 to vector<16xf32>
    %select_n3A_1851 = arith.select %lt3A_1847, %broadcast_in_dim3A_1850, %mul3A_1848 : vector<16xi1>, vector<16xf32>
    %add3A_1852 = arith.addf %add3A_1705, %select_n3A_1851 : vector<16xf32>
    %get3A_1853 = arith.constant 80 : index
    %get3A_1854 = tpu.vector_load %arg10[%get3A_1853] {strides = array<i32>} : memref<768xf32, #tpu.memory_space<vmem>>, vector<16xf32>,
    %get3A_1855 = vector.shape_cast %get3A_1854 : vector<16xf32> to vector<16xf32>
    %sub3A_1856 = arith.subf %get3A_1777, %get3A_1855 : vector<16xf32>
    %get3A_1857 = arith.constant 336 : index
    %get3A_1858 = tpu.vector_load %arg10[%get3A_1857] {strides = array<i32>} : memref<768xf32, #tpu.memory_space<vmem>>, vector<16xf32>,
    %get3A_1859 = vector.shape_cast %get3A_1858 : vector<16xf32> to vector<16xf32>
    %sub3A_1860 = arith.subf %get3A_1780, %get3A_1859 : vector<16xf32>
    %get3A_1861 = arith.constant 592 : index
    %get3A_1862 = tpu.vector_load %arg10[%get3A_1861] {strides = array<i32>} : memref<768xf32, #tpu.memory_space<vmem>>, vector<16xf32>,
    %get3A_1863 = vector.shape_cast %get3A_1862 : vector<16xf32> to vector<16xf32>
    %sub3A_1864 = arith.subf %get3A_1783, %get3A_1863 : vector<16xf32>
    %mul3A_1865 = arith.mulf %sub3A_1856, %sub3A_1856 : vector<16xf32>
    %mul3A_1866 = arith.mulf %sub3A_1860, %sub3A_1860 : vector<16xf32>
    %add3A_1867 = arith.addf %mul3A_1865, %mul3A_1866 : vector<16xf32>
    %mul3A_1868 = arith.mulf %sub3A_1864, %sub3A_1864 : vector<16xf32>
    %add3A_1869 = arith.addf %add3A_1867, %mul3A_1868 : vector<16xf32>
    %bitcast_convert_type3A_1870 = tpu.bitcast %add3A_1869 : vector<16xf32> -> vector<16xi32>
    %shift_right_arithmetic3A_1871 = arith.constant 1 : i32
    %shift_right_arithmetic3A_1872 = vector.broadcast %shift_right_arithmetic3A_1871 : i32 to vector<16xi32>
    %shift_right_arithmetic3A_1873 = arith.shrsi %bitcast_convert_type3A_1870, %shift_right_arithmetic3A_1872 : vector<16xi32>
    %sub3A_1874 = arith.constant 1597463007 : i32
    %sub3A_1875 = vector.broadcast %sub3A_1874 : i32 to vector<16xi32>
    %sub3A_1876 = arith.subi %sub3A_1875, %shift_right_arithmetic3A_1873 : vector<16xi32>
    %bitcast_convert_type3A_1877 = tpu.bitcast %sub3A_1876 : vector<16xi32> -> vector<16xf32>
    %mul3A_1878 = arith.constant 5.000000e-01 : f32
    %mul3A_1879 = vector.broadcast %mul3A_1878 : f32 to vector<16xf32>
    %mul3A_1880 = arith.mulf %mul3A_1879, %add3A_1869 : vector<16xf32>
    %mul3A_1881 = arith.mulf %mul3A_1880, %bitcast_convert_type3A_1877 : vector<16xf32>
    %mul3A_1882 = arith.mulf %mul3A_1881, %bitcast_convert_type3A_1877 : vector<16xf32>
    %sub3A_1883 = arith.constant 1.500000e+00 : f32
    %sub3A_1884 = vector.broadcast %sub3A_1883 : f32 to vector<16xf32>
    %sub3A_1885 = arith.subf %sub3A_1884, %mul3A_1882 : vector<16xf32>
    %mul3A_1886 = arith.mulf %bitcast_convert_type3A_1877, %sub3A_1885 : vector<16xf32>
    %mul3A_1887 = arith.constant 5.000000e-01 : f32
    %mul3A_1888 = vector.broadcast %mul3A_1887 : f32 to vector<16xf32>
    %mul3A_1889 = arith.mulf %mul3A_1888, %add3A_1869 : vector<16xf32>
    %mul3A_1890 = arith.mulf %mul3A_1889, %mul3A_1886 : vector<16xf32>
    %mul3A_1891 = arith.mulf %mul3A_1890, %mul3A_1886 : vector<16xf32>
    %sub3A_1892 = arith.constant 1.500000e+00 : f32
    %sub3A_1893 = vector.broadcast %sub3A_1892 : f32 to vector<16xf32>
    %sub3A_1894 = arith.subf %sub3A_1893, %mul3A_1891 : vector<16xf32>
    %mul3A_1895 = arith.mulf %mul3A_1886, %sub3A_1894 : vector<16xf32>
    %mul3A_1896 = arith.constant 5.000000e-01 : f32
    %mul3A_1897 = vector.broadcast %mul3A_1896 : f32 to vector<16xf32>
    %mul3A_1898 = arith.mulf %mul3A_1897, %add3A_1869 : vector<16xf32>
    %mul3A_1899 = arith.mulf %mul3A_1898, %mul3A_1895 : vector<16xf32>
    %mul3A_1900 = arith.mulf %mul3A_1899, %mul3A_1895 : vector<16xf32>
    %sub3A_1901 = arith.constant 1.500000e+00 : f32
    %sub3A_1902 = vector.broadcast %sub3A_1901 : f32 to vector<16xf32>
    %sub3A_1903 = arith.subf %sub3A_1902, %mul3A_1900 : vector<16xf32>
    %mul3A_1904 = arith.mulf %mul3A_1895, %sub3A_1903 : vector<16xf32>
    %mul3A_1905 = arith.constant 5.000000e-01 : f32
    %mul3A_1906 = vector.broadcast %mul3A_1905 : f32 to vector<16xf32>
    %mul3A_1907 = arith.mulf %mul3A_1906, %add3A_1869 : vector<16xf32>
    %mul3A_1908 = arith.mulf %mul3A_1907, %mul3A_1904 : vector<16xf32>
    %mul3A_1909 = arith.mulf %mul3A_1908, %mul3A_1904 : vector<16xf32>
    %sub3A_1910 = arith.constant 1.500000e+00 : f32
    %sub3A_1911 = vector.broadcast %sub3A_1910 : f32 to vector<16xf32>
    %sub3A_1912 = arith.subf %sub3A_1911, %mul3A_1909 : vector<16xf32>
    %mul3A_1913 = arith.mulf %mul3A_1904, %sub3A_1912 : vector<16xf32>
    %lt3A_1914 = arith.constant 1.000000e-35 : f32
    %lt3A_1915 = vector.broadcast %lt3A_1914 : f32 to vector<16xf32>
    %lt3A_1916 = arith.cmpf olt, %add3A_1869, %lt3A_1915 : vector<16xf32>
    %mul3A_1917 = arith.mulf %add3A_1869, %mul3A_1913 : vector<16xf32>
    %jit3A_1918 = arith.constant 0.000000e+00 : f32
    %broadcast_in_dim3A_1919 = vector.broadcast %jit3A_1918 : f32 to vector<16xf32>
    %select_n3A_1920 = arith.select %lt3A_1916, %broadcast_in_dim3A_1919, %mul3A_1917 : vector<16xi1>, vector<16xf32>
    %add3A_1921 = arith.addf %add3A_1774, %select_n3A_1920 : vector<16xf32>
    %get3A_1922 = arith.constant 352 : index
    %get3A_1923 = tpu.vector_load %arg7[%get3A_1922] {strides = array<i32>} : memref<1024xf32, #tpu.memory_space<vmem>>, vector<16xf32>,
    %get3A_1924 = vector.shape_cast %get3A_1923 : vector<16xf32> to vector<16xf32>
    %get3A_1925 = arith.constant 608 : index
    %get3A_1926 = tpu.vector_load %arg7[%get3A_1925] {strides = array<i32>} : memref<1024xf32, #tpu.memory_space<vmem>>, vector<16xf32>,
    %get3A_1927 = vector.shape_cast %get3A_1926 : vector<16xf32> to vector<16xf32>
    %get3A_1928 = arith.constant 864 : index
    %get3A_1929 = tpu.vector_load %arg7[%get3A_1928] {strides = array<i32>} : memref<1024xf32, #tpu.memory_space<vmem>>, vector<16xf32>,
    %get3A_1930 = vector.shape_cast %get3A_1929 : vector<16xf32> to vector<16xf32>
    %get3A_1931 = arith.constant 96 : index
    %get3A_1932 = tpu.vector_load %arg9[%get3A_1931] {strides = array<i32>} : memref<768xf32, #tpu.memory_space<vmem>>, vector<16xf32>,
    %get3A_1933 = vector.shape_cast %get3A_1932 : vector<16xf32> to vector<16xf32>
    %sub3A_1934 = arith.subf %get3A_1924, %get3A_1933 : vector<16xf32>
    %get3A_1935 = arith.constant 352 : index
    %get3A_1936 = tpu.vector_load %arg9[%get3A_1935] {strides = array<i32>} : memref<768xf32, #tpu.memory_space<vmem>>, vector<16xf32>,
    %get3A_1937 = vector.shape_cast %get3A_1936 : vector<16xf32> to vector<16xf32>
    %sub3A_1938 = arith.subf %get3A_1927, %get3A_1937 : vector<16xf32>
    %get3A_1939 = arith.constant 608 : index
    %get3A_1940 = tpu.vector_load %arg9[%get3A_1939] {strides = array<i32>} : memref<768xf32, #tpu.memory_space<vmem>>, vector<16xf32>,
    %get3A_1941 = vector.shape_cast %get3A_1940 : vector<16xf32> to vector<16xf32>
    %sub3A_1942 = arith.subf %get3A_1930, %get3A_1941 : vector<16xf32>
    %mul3A_1943 = arith.mulf %sub3A_1934, %sub3A_1934 : vector<16xf32>
    %mul3A_1944 = arith.mulf %sub3A_1938, %sub3A_1938 : vector<16xf32>
    %add3A_1945 = arith.addf %mul3A_1943, %mul3A_1944 : vector<16xf32>
    %mul3A_1946 = arith.mulf %sub3A_1942, %sub3A_1942 : vector<16xf32>
    %add3A_1947 = arith.addf %add3A_1945, %mul3A_1946 : vector<16xf32>
    %bitcast_convert_type3A_1948 = tpu.bitcast %add3A_1947 : vector<16xf32> -> vector<16xi32>
    %shift_right_arithmetic3A_1949 = arith.constant 1 : i32
    %shift_right_arithmetic3A_1950 = vector.broadcast %shift_right_arithmetic3A_1949 : i32 to vector<16xi32>
    %shift_right_arithmetic3A_1951 = arith.shrsi %bitcast_convert_type3A_1948, %shift_right_arithmetic3A_1950 : vector<16xi32>
    %sub3A_1952 = arith.constant 1597463007 : i32
    %sub3A_1953 = vector.broadcast %sub3A_1952 : i32 to vector<16xi32>
    %sub3A_1954 = arith.subi %sub3A_1953, %shift_right_arithmetic3A_1951 : vector<16xi32>
    %bitcast_convert_type3A_1955 = tpu.bitcast %sub3A_1954 : vector<16xi32> -> vector<16xf32>
    %mul3A_1956 = arith.constant 5.000000e-01 : f32
    %mul3A_1957 = vector.broadcast %mul3A_1956 : f32 to vector<16xf32>
    %mul3A_1958 = arith.mulf %mul3A_1957, %add3A_1947 : vector<16xf32>
    %mul3A_1959 = arith.mulf %mul3A_1958, %bitcast_convert_type3A_1955 : vector<16xf32>
    %mul3A_1960 = arith.mulf %mul3A_1959, %bitcast_convert_type3A_1955 : vector<16xf32>
    %sub3A_1961 = arith.constant 1.500000e+00 : f32
    %sub3A_1962 = vector.broadcast %sub3A_1961 : f32 to vector<16xf32>
    %sub3A_1963 = arith.subf %sub3A_1962, %mul3A_1960 : vector<16xf32>
    %mul3A_1964 = arith.mulf %bitcast_convert_type3A_1955, %sub3A_1963 : vector<16xf32>
    %mul3A_1965 = arith.constant 5.000000e-01 : f32
    %mul3A_1966 = vector.broadcast %mul3A_1965 : f32 to vector<16xf32>
    %mul3A_1967 = arith.mulf %mul3A_1966, %add3A_1947 : vector<16xf32>
    %mul3A_1968 = arith.mulf %mul3A_1967, %mul3A_1964 : vector<16xf32>
    %mul3A_1969 = arith.mulf %mul3A_1968, %mul3A_1964 : vector<16xf32>
    %sub3A_1970 = arith.constant 1.500000e+00 : f32
    %sub3A_1971 = vector.broadcast %sub3A_1970 : f32 to vector<16xf32>
    %sub3A_1972 = arith.subf %sub3A_1971, %mul3A_1969 : vector<16xf32>
    %mul3A_1973 = arith.mulf %mul3A_1964, %sub3A_1972 : vector<16xf32>
    %mul3A_1974 = arith.constant 5.000000e-01 : f32
    %mul3A_1975 = vector.broadcast %mul3A_1974 : f32 to vector<16xf32>
    %mul3A_1976 = arith.mulf %mul3A_1975, %add3A_1947 : vector<16xf32>
    %mul3A_1977 = arith.mulf %mul3A_1976, %mul3A_1973 : vector<16xf32>
    %mul3A_1978 = arith.mulf %mul3A_1977, %mul3A_1973 : vector<16xf32>
    %sub3A_1979 = arith.constant 1.500000e+00 : f32
    %sub3A_1980 = vector.broadcast %sub3A_1979 : f32 to vector<16xf32>
    %sub3A_1981 = arith.subf %sub3A_1980, %mul3A_1978 : vector<16xf32>
    %mul3A_1982 = arith.mulf %mul3A_1973, %sub3A_1981 : vector<16xf32>
    %mul3A_1983 = arith.constant 5.000000e-01 : f32
    %mul3A_1984 = vector.broadcast %mul3A_1983 : f32 to vector<16xf32>
    %mul3A_1985 = arith.mulf %mul3A_1984, %add3A_1947 : vector<16xf32>
    %mul3A_1986 = arith.mulf %mul3A_1985, %mul3A_1982 : vector<16xf32>
    %mul3A_1987 = arith.mulf %mul3A_1986, %mul3A_1982 : vector<16xf32>
    %sub3A_1988 = arith.constant 1.500000e+00 : f32
    %sub3A_1989 = vector.broadcast %sub3A_1988 : f32 to vector<16xf32>
    %sub3A_1990 = arith.subf %sub3A_1989, %mul3A_1987 : vector<16xf32>
    %mul3A_1991 = arith.mulf %mul3A_1982, %sub3A_1990 : vector<16xf32>
    %lt3A_1992 = arith.constant 1.000000e-35 : f32
    %lt3A_1993 = vector.broadcast %lt3A_1992 : f32 to vector<16xf32>
    %lt3A_1994 = arith.cmpf olt, %add3A_1947, %lt3A_1993 : vector<16xf32>
    %mul3A_1995 = arith.mulf %add3A_1947, %mul3A_1991 : vector<16xf32>
    %jit3A_1996 = arith.constant 0.000000e+00 : f32
    %broadcast_in_dim3A_1997 = vector.broadcast %jit3A_1996 : f32 to vector<16xf32>
    %select_n3A_1998 = arith.select %lt3A_1994, %broadcast_in_dim3A_1997, %mul3A_1995 : vector<16xi1>, vector<16xf32>
    %add3A_1999 = arith.addf %add3A_1852, %select_n3A_1998 : vector<16xf32>
    %get3A_2000 = arith.constant 96 : index
    %get3A_2001 = tpu.vector_load %arg10[%get3A_2000] {strides = array<i32>} : memref<768xf32, #tpu.memory_space<vmem>>, vector<16xf32>,
    %get3A_2002 = vector.shape_cast %get3A_2001 : vector<16xf32> to vector<16xf32>
    %sub3A_2003 = arith.subf %get3A_1924, %get3A_2002 : vector<16xf32>
    %get3A_2004 = arith.constant 352 : index
    %get3A_2005 = tpu.vector_load %arg10[%get3A_2004] {strides = array<i32>} : memref<768xf32, #tpu.memory_space<vmem>>, vector<16xf32>,
    %get3A_2006 = vector.shape_cast %get3A_2005 : vector<16xf32> to vector<16xf32>
    %sub3A_2007 = arith.subf %get3A_1927, %get3A_2006 : vector<16xf32>
    %get3A_2008 = arith.constant 608 : index
    %get3A_2009 = tpu.vector_load %arg10[%get3A_2008] {strides = array<i32>} : memref<768xf32, #tpu.memory_space<vmem>>, vector<16xf32>,
    %get3A_2010 = vector.shape_cast %get3A_2009 : vector<16xf32> to vector<16xf32>
    %sub3A_2011 = arith.subf %get3A_1930, %get3A_2010 : vector<16xf32>
    %mul3A_2012 = arith.mulf %sub3A_2003, %sub3A_2003 : vector<16xf32>
    %mul3A_2013 = arith.mulf %sub3A_2007, %sub3A_2007 : vector<16xf32>
    %add3A_2014 = arith.addf %mul3A_2012, %mul3A_2013 : vector<16xf32>
    %mul3A_2015 = arith.mulf %sub3A_2011, %sub3A_2011 : vector<16xf32>
    %add3A_2016 = arith.addf %add3A_2014, %mul3A_2015 : vector<16xf32>
    %bitcast_convert_type3A_2017 = tpu.bitcast %add3A_2016 : vector<16xf32> -> vector<16xi32>
    %shift_right_arithmetic3A_2018 = arith.constant 1 : i32
    %shift_right_arithmetic3A_2019 = vector.broadcast %shift_right_arithmetic3A_2018 : i32 to vector<16xi32>
    %shift_right_arithmetic3A_2020 = arith.shrsi %bitcast_convert_type3A_2017, %shift_right_arithmetic3A_2019 : vector<16xi32>
    %sub3A_2021 = arith.constant 1597463007 : i32
    %sub3A_2022 = vector.broadcast %sub3A_2021 : i32 to vector<16xi32>
    %sub3A_2023 = arith.subi %sub3A_2022, %shift_right_arithmetic3A_2020 : vector<16xi32>
    %bitcast_convert_type3A_2024 = tpu.bitcast %sub3A_2023 : vector<16xi32> -> vector<16xf32>
    %mul3A_2025 = arith.constant 5.000000e-01 : f32
    %mul3A_2026 = vector.broadcast %mul3A_2025 : f32 to vector<16xf32>
    %mul3A_2027 = arith.mulf %mul3A_2026, %add3A_2016 : vector<16xf32>
    %mul3A_2028 = arith.mulf %mul3A_2027, %bitcast_convert_type3A_2024 : vector<16xf32>
    %mul3A_2029 = arith.mulf %mul3A_2028, %bitcast_convert_type3A_2024 : vector<16xf32>
    %sub3A_2030 = arith.constant 1.500000e+00 : f32
    %sub3A_2031 = vector.broadcast %sub3A_2030 : f32 to vector<16xf32>
    %sub3A_2032 = arith.subf %sub3A_2031, %mul3A_2029 : vector<16xf32>
    %mul3A_2033 = arith.mulf %bitcast_convert_type3A_2024, %sub3A_2032 : vector<16xf32>
    %mul3A_2034 = arith.constant 5.000000e-01 : f32
    %mul3A_2035 = vector.broadcast %mul3A_2034 : f32 to vector<16xf32>
    %mul3A_2036 = arith.mulf %mul3A_2035, %add3A_2016 : vector<16xf32>
    %mul3A_2037 = arith.mulf %mul3A_2036, %mul3A_2033 : vector<16xf32>
    %mul3A_2038 = arith.mulf %mul3A_2037, %mul3A_2033 : vector<16xf32>
    %sub3A_2039 = arith.constant 1.500000e+00 : f32
    %sub3A_2040 = vector.broadcast %sub3A_2039 : f32 to vector<16xf32>
    %sub3A_2041 = arith.subf %sub3A_2040, %mul3A_2038 : vector<16xf32>
    %mul3A_2042 = arith.mulf %mul3A_2033, %sub3A_2041 : vector<16xf32>
    %mul3A_2043 = arith.constant 5.000000e-01 : f32
    %mul3A_2044 = vector.broadcast %mul3A_2043 : f32 to vector<16xf32>
    %mul3A_2045 = arith.mulf %mul3A_2044, %add3A_2016 : vector<16xf32>
    %mul3A_2046 = arith.mulf %mul3A_2045, %mul3A_2042 : vector<16xf32>
    %mul3A_2047 = arith.mulf %mul3A_2046, %mul3A_2042 : vector<16xf32>
    %sub3A_2048 = arith.constant 1.500000e+00 : f32
    %sub3A_2049 = vector.broadcast %sub3A_2048 : f32 to vector<16xf32>
    %sub3A_2050 = arith.subf %sub3A_2049, %mul3A_2047 : vector<16xf32>
    %mul3A_2051 = arith.mulf %mul3A_2042, %sub3A_2050 : vector<16xf32>
    %mul3A_2052 = arith.constant 5.000000e-01 : f32
    %mul3A_2053 = vector.broadcast %mul3A_2052 : f32 to vector<16xf32>
    %mul3A_2054 = arith.mulf %mul3A_2053, %add3A_2016 : vector<16xf32>
    %mul3A_2055 = arith.mulf %mul3A_2054, %mul3A_2051 : vector<16xf32>
    %mul3A_2056 = arith.mulf %mul3A_2055, %mul3A_2051 : vector<16xf32>
    %sub3A_2057 = arith.constant 1.500000e+00 : f32
    %sub3A_2058 = vector.broadcast %sub3A_2057 : f32 to vector<16xf32>
    %sub3A_2059 = arith.subf %sub3A_2058, %mul3A_2056 : vector<16xf32>
    %mul3A_2060 = arith.mulf %mul3A_2051, %sub3A_2059 : vector<16xf32>
    %lt3A_2061 = arith.constant 1.000000e-35 : f32
    %lt3A_2062 = vector.broadcast %lt3A_2061 : f32 to vector<16xf32>
    %lt3A_2063 = arith.cmpf olt, %add3A_2016, %lt3A_2062 : vector<16xf32>
    %mul3A_2064 = arith.mulf %add3A_2016, %mul3A_2060 : vector<16xf32>
    %jit3A_2065 = arith.constant 0.000000e+00 : f32
    %broadcast_in_dim3A_2066 = vector.broadcast %jit3A_2065 : f32 to vector<16xf32>
    %select_n3A_2067 = arith.select %lt3A_2063, %broadcast_in_dim3A_2066, %mul3A_2064 : vector<16xi1>, vector<16xf32>
    %add3A_2068 = arith.addf %add3A_1921, %select_n3A_2067 : vector<16xf32>
    %get3A_2069 = arith.constant 368 : index
    %get3A_2070 = tpu.vector_load %arg7[%get3A_2069] {strides = array<i32>} : memref<1024xf32, #tpu.memory_space<vmem>>, vector<16xf32>,
    %get3A_2071 = vector.shape_cast %get3A_2070 : vector<16xf32> to vector<16xf32>
    %get3A_2072 = arith.constant 624 : index
    %get3A_2073 = tpu.vector_load %arg7[%get3A_2072] {strides = array<i32>} : memref<1024xf32, #tpu.memory_space<vmem>>, vector<16xf32>,
    %get3A_2074 = vector.shape_cast %get3A_2073 : vector<16xf32> to vector<16xf32>
    %get3A_2075 = arith.constant 880 : index
    %get3A_2076 = tpu.vector_load %arg7[%get3A_2075] {strides = array<i32>} : memref<1024xf32, #tpu.memory_space<vmem>>, vector<16xf32>,
    %get3A_2077 = vector.shape_cast %get3A_2076 : vector<16xf32> to vector<16xf32>
    %get3A_2078 = arith.constant 112 : index
    %get3A_2079 = tpu.vector_load %arg9[%get3A_2078] {strides = array<i32>} : memref<768xf32, #tpu.memory_space<vmem>>, vector<16xf32>,
    %get3A_2080 = vector.shape_cast %get3A_2079 : vector<16xf32> to vector<16xf32>
    %sub3A_2081 = arith.subf %get3A_2071, %get3A_2080 : vector<16xf32>
    %get3A_2082 = arith.constant 368 : index
    %get3A_2083 = tpu.vector_load %arg9[%get3A_2082] {strides = array<i32>} : memref<768xf32, #tpu.memory_space<vmem>>, vector<16xf32>,
    %get3A_2084 = vector.shape_cast %get3A_2083 : vector<16xf32> to vector<16xf32>
    %sub3A_2085 = arith.subf %get3A_2074, %get3A_2084 : vector<16xf32>
    %get3A_2086 = arith.constant 624 : index
    %get3A_2087 = tpu.vector_load %arg9[%get3A_2086] {strides = array<i32>} : memref<768xf32, #tpu.memory_space<vmem>>, vector<16xf32>,
    %get3A_2088 = vector.shape_cast %get3A_2087 : vector<16xf32> to vector<16xf32>
    %sub3A_2089 = arith.subf %get3A_2077, %get3A_2088 : vector<16xf32>
    %mul3A_2090 = arith.mulf %sub3A_2081, %sub3A_2081 : vector<16xf32>
    %mul3A_2091 = arith.mulf %sub3A_2085, %sub3A_2085 : vector<16xf32>
    %add3A_2092 = arith.addf %mul3A_2090, %mul3A_2091 : vector<16xf32>
    %mul3A_2093 = arith.mulf %sub3A_2089, %sub3A_2089 : vector<16xf32>
    %add3A_2094 = arith.addf %add3A_2092, %mul3A_2093 : vector<16xf32>
    %bitcast_convert_type3A_2095 = tpu.bitcast %add3A_2094 : vector<16xf32> -> vector<16xi32>
    %shift_right_arithmetic3A_2096 = arith.constant 1 : i32
    %shift_right_arithmetic3A_2097 = vector.broadcast %shift_right_arithmetic3A_2096 : i32 to vector<16xi32>
    %shift_right_arithmetic3A_2098 = arith.shrsi %bitcast_convert_type3A_2095, %shift_right_arithmetic3A_2097 : vector<16xi32>
    %sub3A_2099 = arith.constant 1597463007 : i32
    %sub3A_2100 = vector.broadcast %sub3A_2099 : i32 to vector<16xi32>
    %sub3A_2101 = arith.subi %sub3A_2100, %shift_right_arithmetic3A_2098 : vector<16xi32>
    %bitcast_convert_type3A_2102 = tpu.bitcast %sub3A_2101 : vector<16xi32> -> vector<16xf32>
    %mul3A_2103 = arith.constant 5.000000e-01 : f32
    %mul3A_2104 = vector.broadcast %mul3A_2103 : f32 to vector<16xf32>
    %mul3A_2105 = arith.mulf %mul3A_2104, %add3A_2094 : vector<16xf32>
    %mul3A_2106 = arith.mulf %mul3A_2105, %bitcast_convert_type3A_2102 : vector<16xf32>
    %mul3A_2107 = arith.mulf %mul3A_2106, %bitcast_convert_type3A_2102 : vector<16xf32>
    %sub3A_2108 = arith.constant 1.500000e+00 : f32
    %sub3A_2109 = vector.broadcast %sub3A_2108 : f32 to vector<16xf32>
    %sub3A_2110 = arith.subf %sub3A_2109, %mul3A_2107 : vector<16xf32>
    %mul3A_2111 = arith.mulf %bitcast_convert_type3A_2102, %sub3A_2110 : vector<16xf32>
    %mul3A_2112 = arith.constant 5.000000e-01 : f32
    %mul3A_2113 = vector.broadcast %mul3A_2112 : f32 to vector<16xf32>
    %mul3A_2114 = arith.mulf %mul3A_2113, %add3A_2094 : vector<16xf32>
    %mul3A_2115 = arith.mulf %mul3A_2114, %mul3A_2111 : vector<16xf32>
    %mul3A_2116 = arith.mulf %mul3A_2115, %mul3A_2111 : vector<16xf32>
    %sub3A_2117 = arith.constant 1.500000e+00 : f32
    %sub3A_2118 = vector.broadcast %sub3A_2117 : f32 to vector<16xf32>
    %sub3A_2119 = arith.subf %sub3A_2118, %mul3A_2116 : vector<16xf32>
    %mul3A_2120 = arith.mulf %mul3A_2111, %sub3A_2119 : vector<16xf32>
    %mul3A_2121 = arith.constant 5.000000e-01 : f32
    %mul3A_2122 = vector.broadcast %mul3A_2121 : f32 to vector<16xf32>
    %mul3A_2123 = arith.mulf %mul3A_2122, %add3A_2094 : vector<16xf32>
    %mul3A_2124 = arith.mulf %mul3A_2123, %mul3A_2120 : vector<16xf32>
    %mul3A_2125 = arith.mulf %mul3A_2124, %mul3A_2120 : vector<16xf32>
    %sub3A_2126 = arith.constant 1.500000e+00 : f32
    %sub3A_2127 = vector.broadcast %sub3A_2126 : f32 to vector<16xf32>
    %sub3A_2128 = arith.subf %sub3A_2127, %mul3A_2125 : vector<16xf32>
    %mul3A_2129 = arith.mulf %mul3A_2120, %sub3A_2128 : vector<16xf32>
    %mul3A_2130 = arith.constant 5.000000e-01 : f32
    %mul3A_2131 = vector.broadcast %mul3A_2130 : f32 to vector<16xf32>
    %mul3A_2132 = arith.mulf %mul3A_2131, %add3A_2094 : vector<16xf32>
    %mul3A_2133 = arith.mulf %mul3A_2132, %mul3A_2129 : vector<16xf32>
    %mul3A_2134 = arith.mulf %mul3A_2133, %mul3A_2129 : vector<16xf32>
    %sub3A_2135 = arith.constant 1.500000e+00 : f32
    %sub3A_2136 = vector.broadcast %sub3A_2135 : f32 to vector<16xf32>
    %sub3A_2137 = arith.subf %sub3A_2136, %mul3A_2134 : vector<16xf32>
    %mul3A_2138 = arith.mulf %mul3A_2129, %sub3A_2137 : vector<16xf32>
    %lt3A_2139 = arith.constant 1.000000e-35 : f32
    %lt3A_2140 = vector.broadcast %lt3A_2139 : f32 to vector<16xf32>
    %lt3A_2141 = arith.cmpf olt, %add3A_2094, %lt3A_2140 : vector<16xf32>
    %mul3A_2142 = arith.mulf %add3A_2094, %mul3A_2138 : vector<16xf32>
    %jit3A_2143 = arith.constant 0.000000e+00 : f32
    %broadcast_in_dim3A_2144 = vector.broadcast %jit3A_2143 : f32 to vector<16xf32>
    %select_n3A_2145 = arith.select %lt3A_2141, %broadcast_in_dim3A_2144, %mul3A_2142 : vector<16xi1>, vector<16xf32>
    %add3A_2146 = arith.addf %add3A_1999, %select_n3A_2145 : vector<16xf32>
    %get3A_2147 = arith.constant 112 : index
    %get3A_2148 = tpu.vector_load %arg10[%get3A_2147] {strides = array<i32>} : memref<768xf32, #tpu.memory_space<vmem>>, vector<16xf32>,
    %get3A_2149 = vector.shape_cast %get3A_2148 : vector<16xf32> to vector<16xf32>
    %sub3A_2150 = arith.subf %get3A_2071, %get3A_2149 : vector<16xf32>
    %get3A_2151 = arith.constant 368 : index
    %get3A_2152 = tpu.vector_load %arg10[%get3A_2151] {strides = array<i32>} : memref<768xf32, #tpu.memory_space<vmem>>, vector<16xf32>,
    %get3A_2153 = vector.shape_cast %get3A_2152 : vector<16xf32> to vector<16xf32>
    %sub3A_2154 = arith.subf %get3A_2074, %get3A_2153 : vector<16xf32>
    %get3A_2155 = arith.constant 624 : index
    %get3A_2156 = tpu.vector_load %arg10[%get3A_2155] {strides = array<i32>} : memref<768xf32, #tpu.memory_space<vmem>>, vector<16xf32>,
    %get3A_2157 = vector.shape_cast %get3A_2156 : vector<16xf32> to vector<16xf32>
    %sub3A_2158 = arith.subf %get3A_2077, %get3A_2157 : vector<16xf32>
    %mul3A_2159 = arith.mulf %sub3A_2150, %sub3A_2150 : vector<16xf32>
    %mul3A_2160 = arith.mulf %sub3A_2154, %sub3A_2154 : vector<16xf32>
    %add3A_2161 = arith.addf %mul3A_2159, %mul3A_2160 : vector<16xf32>
    %mul3A_2162 = arith.mulf %sub3A_2158, %sub3A_2158 : vector<16xf32>
    %add3A_2163 = arith.addf %add3A_2161, %mul3A_2162 : vector<16xf32>
    %bitcast_convert_type3A_2164 = tpu.bitcast %add3A_2163 : vector<16xf32> -> vector<16xi32>
    %shift_right_arithmetic3A_2165 = arith.constant 1 : i32
    %shift_right_arithmetic3A_2166 = vector.broadcast %shift_right_arithmetic3A_2165 : i32 to vector<16xi32>
    %shift_right_arithmetic3A_2167 = arith.shrsi %bitcast_convert_type3A_2164, %shift_right_arithmetic3A_2166 : vector<16xi32>
    %sub3A_2168 = arith.constant 1597463007 : i32
    %sub3A_2169 = vector.broadcast %sub3A_2168 : i32 to vector<16xi32>
    %sub3A_2170 = arith.subi %sub3A_2169, %shift_right_arithmetic3A_2167 : vector<16xi32>
    %bitcast_convert_type3A_2171 = tpu.bitcast %sub3A_2170 : vector<16xi32> -> vector<16xf32>
    %mul3A_2172 = arith.constant 5.000000e-01 : f32
    %mul3A_2173 = vector.broadcast %mul3A_2172 : f32 to vector<16xf32>
    %mul3A_2174 = arith.mulf %mul3A_2173, %add3A_2163 : vector<16xf32>
    %mul3A_2175 = arith.mulf %mul3A_2174, %bitcast_convert_type3A_2171 : vector<16xf32>
    %mul3A_2176 = arith.mulf %mul3A_2175, %bitcast_convert_type3A_2171 : vector<16xf32>
    %sub3A_2177 = arith.constant 1.500000e+00 : f32
    %sub3A_2178 = vector.broadcast %sub3A_2177 : f32 to vector<16xf32>
    %sub3A_2179 = arith.subf %sub3A_2178, %mul3A_2176 : vector<16xf32>
    %mul3A_2180 = arith.mulf %bitcast_convert_type3A_2171, %sub3A_2179 : vector<16xf32>
    %mul3A_2181 = arith.constant 5.000000e-01 : f32
    %mul3A_2182 = vector.broadcast %mul3A_2181 : f32 to vector<16xf32>
    %mul3A_2183 = arith.mulf %mul3A_2182, %add3A_2163 : vector<16xf32>
    %mul3A_2184 = arith.mulf %mul3A_2183, %mul3A_2180 : vector<16xf32>
    %mul3A_2185 = arith.mulf %mul3A_2184, %mul3A_2180 : vector<16xf32>
    %sub3A_2186 = arith.constant 1.500000e+00 : f32
    %sub3A_2187 = vector.broadcast %sub3A_2186 : f32 to vector<16xf32>
    %sub3A_2188 = arith.subf %sub3A_2187, %mul3A_2185 : vector<16xf32>
    %mul3A_2189 = arith.mulf %mul3A_2180, %sub3A_2188 : vector<16xf32>
    %mul3A_2190 = arith.constant 5.000000e-01 : f32
    %mul3A_2191 = vector.broadcast %mul3A_2190 : f32 to vector<16xf32>
    %mul3A_2192 = arith.mulf %mul3A_2191, %add3A_2163 : vector<16xf32>
    %mul3A_2193 = arith.mulf %mul3A_2192, %mul3A_2189 : vector<16xf32>
    %mul3A_2194 = arith.mulf %mul3A_2193, %mul3A_2189 : vector<16xf32>
    %sub3A_2195 = arith.constant 1.500000e+00 : f32
    %sub3A_2196 = vector.broadcast %sub3A_2195 : f32 to vector<16xf32>
    %sub3A_2197 = arith.subf %sub3A_2196, %mul3A_2194 : vector<16xf32>
    %mul3A_2198 = arith.mulf %mul3A_2189, %sub3A_2197 : vector<16xf32>
    %mul3A_2199 = arith.constant 5.000000e-01 : f32
    %mul3A_2200 = vector.broadcast %mul3A_2199 : f32 to vector<16xf32>
    %mul3A_2201 = arith.mulf %mul3A_2200, %add3A_2163 : vector<16xf32>
    %mul3A_2202 = arith.mulf %mul3A_2201, %mul3A_2198 : vector<16xf32>
    %mul3A_2203 = arith.mulf %mul3A_2202, %mul3A_2198 : vector<16xf32>
    %sub3A_2204 = arith.constant 1.500000e+00 : f32
    %sub3A_2205 = vector.broadcast %sub3A_2204 : f32 to vector<16xf32>
    %sub3A_2206 = arith.subf %sub3A_2205, %mul3A_2203 : vector<16xf32>
    %mul3A_2207 = arith.mulf %mul3A_2198, %sub3A_2206 : vector<16xf32>
    %lt3A_2208 = arith.constant 1.000000e-35 : f32
    %lt3A_2209 = vector.broadcast %lt3A_2208 : f32 to vector<16xf32>
    %lt3A_2210 = arith.cmpf olt, %add3A_2163, %lt3A_2209 : vector<16xf32>
    %mul3A_2211 = arith.mulf %add3A_2163, %mul3A_2207 : vector<16xf32>
    %jit3A_2212 = arith.constant 0.000000e+00 : f32
    %broadcast_in_dim3A_2213 = vector.broadcast %jit3A_2212 : f32 to vector<16xf32>
    %select_n3A_2214 = arith.select %lt3A_2210, %broadcast_in_dim3A_2213, %mul3A_2211 : vector<16xi1>, vector<16xf32>
    %add3A_2215 = arith.addf %add3A_2068, %select_n3A_2214 : vector<16xf32>
    %get3A_2216 = arith.constant 384 : index
    %get3A_2217 = tpu.vector_load %arg7[%get3A_2216] {strides = array<i32>} : memref<1024xf32, #tpu.memory_space<vmem>>, vector<16xf32>,
    %get3A_2218 = vector.shape_cast %get3A_2217 : vector<16xf32> to vector<16xf32>
    %get3A_2219 = arith.constant 640 : index
    %get3A_2220 = tpu.vector_load %arg7[%get3A_2219] {strides = array<i32>} : memref<1024xf32, #tpu.memory_space<vmem>>, vector<16xf32>,
    %get3A_2221 = vector.shape_cast %get3A_2220 : vector<16xf32> to vector<16xf32>
    %get3A_2222 = arith.constant 896 : index
    %get3A_2223 = tpu.vector_load %arg7[%get3A_2222] {strides = array<i32>} : memref<1024xf32, #tpu.memory_space<vmem>>, vector<16xf32>,
    %get3A_2224 = vector.shape_cast %get3A_2223 : vector<16xf32> to vector<16xf32>
    %get3A_2225 = arith.constant 128 : index
    %get3A_2226 = tpu.vector_load %arg9[%get3A_2225] {strides = array<i32>} : memref<768xf32, #tpu.memory_space<vmem>>, vector<16xf32>,
    %get3A_2227 = vector.shape_cast %get3A_2226 : vector<16xf32> to vector<16xf32>
    %sub3A_2228 = arith.subf %get3A_2218, %get3A_2227 : vector<16xf32>
    %get3A_2229 = arith.constant 384 : index
    %get3A_2230 = tpu.vector_load %arg9[%get3A_2229] {strides = array<i32>} : memref<768xf32, #tpu.memory_space<vmem>>, vector<16xf32>,
    %get3A_2231 = vector.shape_cast %get3A_2230 : vector<16xf32> to vector<16xf32>
    %sub3A_2232 = arith.subf %get3A_2221, %get3A_2231 : vector<16xf32>
    %get3A_2233 = arith.constant 640 : index
    %get3A_2234 = tpu.vector_load %arg9[%get3A_2233] {strides = array<i32>} : memref<768xf32, #tpu.memory_space<vmem>>, vector<16xf32>,
    %get3A_2235 = vector.shape_cast %get3A_2234 : vector<16xf32> to vector<16xf32>
    %sub3A_2236 = arith.subf %get3A_2224, %get3A_2235 : vector<16xf32>
    %mul3A_2237 = arith.mulf %sub3A_2228, %sub3A_2228 : vector<16xf32>
    %mul3A_2238 = arith.mulf %sub3A_2232, %sub3A_2232 : vector<16xf32>
    %add3A_2239 = arith.addf %mul3A_2237, %mul3A_2238 : vector<16xf32>
    %mul3A_2240 = arith.mulf %sub3A_2236, %sub3A_2236 : vector<16xf32>
    %add3A_2241 = arith.addf %add3A_2239, %mul3A_2240 : vector<16xf32>
    %bitcast_convert_type3A_2242 = tpu.bitcast %add3A_2241 : vector<16xf32> -> vector<16xi32>
    %shift_right_arithmetic3A_2243 = arith.constant 1 : i32
    %shift_right_arithmetic3A_2244 = vector.broadcast %shift_right_arithmetic3A_2243 : i32 to vector<16xi32>
    %shift_right_arithmetic3A_2245 = arith.shrsi %bitcast_convert_type3A_2242, %shift_right_arithmetic3A_2244 : vector<16xi32>
    %sub3A_2246 = arith.constant 1597463007 : i32
    %sub3A_2247 = vector.broadcast %sub3A_2246 : i32 to vector<16xi32>
    %sub3A_2248 = arith.subi %sub3A_2247, %shift_right_arithmetic3A_2245 : vector<16xi32>
    %bitcast_convert_type3A_2249 = tpu.bitcast %sub3A_2248 : vector<16xi32> -> vector<16xf32>
    %mul3A_2250 = arith.constant 5.000000e-01 : f32
    %mul3A_2251 = vector.broadcast %mul3A_2250 : f32 to vector<16xf32>
    %mul3A_2252 = arith.mulf %mul3A_2251, %add3A_2241 : vector<16xf32>
    %mul3A_2253 = arith.mulf %mul3A_2252, %bitcast_convert_type3A_2249 : vector<16xf32>
    %mul3A_2254 = arith.mulf %mul3A_2253, %bitcast_convert_type3A_2249 : vector<16xf32>
    %sub3A_2255 = arith.constant 1.500000e+00 : f32
    %sub3A_2256 = vector.broadcast %sub3A_2255 : f32 to vector<16xf32>
    %sub3A_2257 = arith.subf %sub3A_2256, %mul3A_2254 : vector<16xf32>
    %mul3A_2258 = arith.mulf %bitcast_convert_type3A_2249, %sub3A_2257 : vector<16xf32>
    %mul3A_2259 = arith.constant 5.000000e-01 : f32
    %mul3A_2260 = vector.broadcast %mul3A_2259 : f32 to vector<16xf32>
    %mul3A_2261 = arith.mulf %mul3A_2260, %add3A_2241 : vector<16xf32>
    %mul3A_2262 = arith.mulf %mul3A_2261, %mul3A_2258 : vector<16xf32>
    %mul3A_2263 = arith.mulf %mul3A_2262, %mul3A_2258 : vector<16xf32>
    %sub3A_2264 = arith.constant 1.500000e+00 : f32
    %sub3A_2265 = vector.broadcast %sub3A_2264 : f32 to vector<16xf32>
    %sub3A_2266 = arith.subf %sub3A_2265, %mul3A_2263 : vector<16xf32>
    %mul3A_2267 = arith.mulf %mul3A_2258, %sub3A_2266 : vector<16xf32>
    %mul3A_2268 = arith.constant 5.000000e-01 : f32
    %mul3A_2269 = vector.broadcast %mul3A_2268 : f32 to vector<16xf32>
    %mul3A_2270 = arith.mulf %mul3A_2269, %add3A_2241 : vector<16xf32>
    %mul3A_2271 = arith.mulf %mul3A_2270, %mul3A_2267 : vector<16xf32>
    %mul3A_2272 = arith.mulf %mul3A_2271, %mul3A_2267 : vector<16xf32>
    %sub3A_2273 = arith.constant 1.500000e+00 : f32
    %sub3A_2274 = vector.broadcast %sub3A_2273 : f32 to vector<16xf32>
    %sub3A_2275 = arith.subf %sub3A_2274, %mul3A_2272 : vector<16xf32>
    %mul3A_2276 = arith.mulf %mul3A_2267, %sub3A_2275 : vector<16xf32>
    %mul3A_2277 = arith.constant 5.000000e-01 : f32
    %mul3A_2278 = vector.broadcast %mul3A_2277 : f32 to vector<16xf32>
    %mul3A_2279 = arith.mulf %mul3A_2278, %add3A_2241 : vector<16xf32>
    %mul3A_2280 = arith.mulf %mul3A_2279, %mul3A_2276 : vector<16xf32>
    %mul3A_2281 = arith.mulf %mul3A_2280, %mul3A_2276 : vector<16xf32>
    %sub3A_2282 = arith.constant 1.500000e+00 : f32
    %sub3A_2283 = vector.broadcast %sub3A_2282 : f32 to vector<16xf32>
    %sub3A_2284 = arith.subf %sub3A_2283, %mul3A_2281 : vector<16xf32>
    %mul3A_2285 = arith.mulf %mul3A_2276, %sub3A_2284 : vector<16xf32>
    %lt3A_2286 = arith.constant 1.000000e-35 : f32
    %lt3A_2287 = vector.broadcast %lt3A_2286 : f32 to vector<16xf32>
    %lt3A_2288 = arith.cmpf olt, %add3A_2241, %lt3A_2287 : vector<16xf32>
    %mul3A_2289 = arith.mulf %add3A_2241, %mul3A_2285 : vector<16xf32>
    %jit3A_2290 = arith.constant 0.000000e+00 : f32
    %broadcast_in_dim3A_2291 = vector.broadcast %jit3A_2290 : f32 to vector<16xf32>
    %select_n3A_2292 = arith.select %lt3A_2288, %broadcast_in_dim3A_2291, %mul3A_2289 : vector<16xi1>, vector<16xf32>
    %add3A_2293 = arith.addf %add3A_2146, %select_n3A_2292 : vector<16xf32>
    %get3A_2294 = arith.constant 128 : index
    %get3A_2295 = tpu.vector_load %arg10[%get3A_2294] {strides = array<i32>} : memref<768xf32, #tpu.memory_space<vmem>>, vector<16xf32>,
    %get3A_2296 = vector.shape_cast %get3A_2295 : vector<16xf32> to vector<16xf32>
    %sub3A_2297 = arith.subf %get3A_2218, %get3A_2296 : vector<16xf32>
    %get3A_2298 = arith.constant 384 : index
    %get3A_2299 = tpu.vector_load %arg10[%get3A_2298] {strides = array<i32>} : memref<768xf32, #tpu.memory_space<vmem>>, vector<16xf32>,
    %get3A_2300 = vector.shape_cast %get3A_2299 : vector<16xf32> to vector<16xf32>
    %sub3A_2301 = arith.subf %get3A_2221, %get3A_2300 : vector<16xf32>
    %get3A_2302 = arith.constant 640 : index
    %get3A_2303 = tpu.vector_load %arg10[%get3A_2302] {strides = array<i32>} : memref<768xf32, #tpu.memory_space<vmem>>, vector<16xf32>,
    %get3A_2304 = vector.shape_cast %get3A_2303 : vector<16xf32> to vector<16xf32>
    %sub3A_2305 = arith.subf %get3A_2224, %get3A_2304 : vector<16xf32>
    %mul3A_2306 = arith.mulf %sub3A_2297, %sub3A_2297 : vector<16xf32>
    %mul3A_2307 = arith.mulf %sub3A_2301, %sub3A_2301 : vector<16xf32>
    %add3A_2308 = arith.addf %mul3A_2306, %mul3A_2307 : vector<16xf32>
    %mul3A_2309 = arith.mulf %sub3A_2305, %sub3A_2305 : vector<16xf32>
    %add3A_2310 = arith.addf %add3A_2308, %mul3A_2309 : vector<16xf32>
    %bitcast_convert_type3A_2311 = tpu.bitcast %add3A_2310 : vector<16xf32> -> vector<16xi32>
    %shift_right_arithmetic3A_2312 = arith.constant 1 : i32
    %shift_right_arithmetic3A_2313 = vector.broadcast %shift_right_arithmetic3A_2312 : i32 to vector<16xi32>
    %shift_right_arithmetic3A_2314 = arith.shrsi %bitcast_convert_type3A_2311, %shift_right_arithmetic3A_2313 : vector<16xi32>
    %sub3A_2315 = arith.constant 1597463007 : i32
    %sub3A_2316 = vector.broadcast %sub3A_2315 : i32 to vector<16xi32>
    %sub3A_2317 = arith.subi %sub3A_2316, %shift_right_arithmetic3A_2314 : vector<16xi32>
    %bitcast_convert_type3A_2318 = tpu.bitcast %sub3A_2317 : vector<16xi32> -> vector<16xf32>
    %mul3A_2319 = arith.constant 5.000000e-01 : f32
    %mul3A_2320 = vector.broadcast %mul3A_2319 : f32 to vector<16xf32>
    %mul3A_2321 = arith.mulf %mul3A_2320, %add3A_2310 : vector<16xf32>
    %mul3A_2322 = arith.mulf %mul3A_2321, %bitcast_convert_type3A_2318 : vector<16xf32>
    %mul3A_2323 = arith.mulf %mul3A_2322, %bitcast_convert_type3A_2318 : vector<16xf32>
    %sub3A_2324 = arith.constant 1.500000e+00 : f32
    %sub3A_2325 = vector.broadcast %sub3A_2324 : f32 to vector<16xf32>
    %sub3A_2326 = arith.subf %sub3A_2325, %mul3A_2323 : vector<16xf32>
    %mul3A_2327 = arith.mulf %bitcast_convert_type3A_2318, %sub3A_2326 : vector<16xf32>
    %mul3A_2328 = arith.constant 5.000000e-01 : f32
    %mul3A_2329 = vector.broadcast %mul3A_2328 : f32 to vector<16xf32>
    %mul3A_2330 = arith.mulf %mul3A_2329, %add3A_2310 : vector<16xf32>
    %mul3A_2331 = arith.mulf %mul3A_2330, %mul3A_2327 : vector<16xf32>
    %mul3A_2332 = arith.mulf %mul3A_2331, %mul3A_2327 : vector<16xf32>
    %sub3A_2333 = arith.constant 1.500000e+00 : f32
    %sub3A_2334 = vector.broadcast %sub3A_2333 : f32 to vector<16xf32>
    %sub3A_2335 = arith.subf %sub3A_2334, %mul3A_2332 : vector<16xf32>
    %mul3A_2336 = arith.mulf %mul3A_2327, %sub3A_2335 : vector<16xf32>
    %mul3A_2337 = arith.constant 5.000000e-01 : f32
    %mul3A_2338 = vector.broadcast %mul3A_2337 : f32 to vector<16xf32>
    %mul3A_2339 = arith.mulf %mul3A_2338, %add3A_2310 : vector<16xf32>
    %mul3A_2340 = arith.mulf %mul3A_2339, %mul3A_2336 : vector<16xf32>
    %mul3A_2341 = arith.mulf %mul3A_2340, %mul3A_2336 : vector<16xf32>
    %sub3A_2342 = arith.constant 1.500000e+00 : f32
    %sub3A_2343 = vector.broadcast %sub3A_2342 : f32 to vector<16xf32>
    %sub3A_2344 = arith.subf %sub3A_2343, %mul3A_2341 : vector<16xf32>
    %mul3A_2345 = arith.mulf %mul3A_2336, %sub3A_2344 : vector<16xf32>
    %mul3A_2346 = arith.constant 5.000000e-01 : f32
    %mul3A_2347 = vector.broadcast %mul3A_2346 : f32 to vector<16xf32>
    %mul3A_2348 = arith.mulf %mul3A_2347, %add3A_2310 : vector<16xf32>
    %mul3A_2349 = arith.mulf %mul3A_2348, %mul3A_2345 : vector<16xf32>
    %mul3A_2350 = arith.mulf %mul3A_2349, %mul3A_2345 : vector<16xf32>
    %sub3A_2351 = arith.constant 1.500000e+00 : f32
    %sub3A_2352 = vector.broadcast %sub3A_2351 : f32 to vector<16xf32>
    %sub3A_2353 = arith.subf %sub3A_2352, %mul3A_2350 : vector<16xf32>
    %mul3A_2354 = arith.mulf %mul3A_2345, %sub3A_2353 : vector<16xf32>
    %lt3A_2355 = arith.constant 1.000000e-35 : f32
    %lt3A_2356 = vector.broadcast %lt3A_2355 : f32 to vector<16xf32>
    %lt3A_2357 = arith.cmpf olt, %add3A_2310, %lt3A_2356 : vector<16xf32>
    %mul3A_2358 = arith.mulf %add3A_2310, %mul3A_2354 : vector<16xf32>
    %jit3A_2359 = arith.constant 0.000000e+00 : f32
    %broadcast_in_dim3A_2360 = vector.broadcast %jit3A_2359 : f32 to vector<16xf32>
    %select_n3A_2361 = arith.select %lt3A_2357, %broadcast_in_dim3A_2360, %mul3A_2358 : vector<16xi1>, vector<16xf32>
    %add3A_2362 = arith.addf %add3A_2215, %select_n3A_2361 : vector<16xf32>
    %get3A_2363 = arith.constant 400 : index
    %get3A_2364 = tpu.vector_load %arg7[%get3A_2363] {strides = array<i32>} : memref<1024xf32, #tpu.memory_space<vmem>>, vector<16xf32>,
    %get3A_2365 = vector.shape_cast %get3A_2364 : vector<16xf32> to vector<16xf32>
    %get3A_2366 = arith.constant 656 : index
    %get3A_2367 = tpu.vector_load %arg7[%get3A_2366] {strides = array<i32>} : memref<1024xf32, #tpu.memory_space<vmem>>, vector<16xf32>,
    %get3A_2368 = vector.shape_cast %get3A_2367 : vector<16xf32> to vector<16xf32>
    %get3A_2369 = arith.constant 912 : index
    %get3A_2370 = tpu.vector_load %arg7[%get3A_2369] {strides = array<i32>} : memref<1024xf32, #tpu.memory_space<vmem>>, vector<16xf32>,
    %get3A_2371 = vector.shape_cast %get3A_2370 : vector<16xf32> to vector<16xf32>
    %get3A_2372 = arith.constant 144 : index
    %get3A_2373 = tpu.vector_load %arg9[%get3A_2372] {strides = array<i32>} : memref<768xf32, #tpu.memory_space<vmem>>, vector<16xf32>,
    %get3A_2374 = vector.shape_cast %get3A_2373 : vector<16xf32> to vector<16xf32>
    %sub3A_2375 = arith.subf %get3A_2365, %get3A_2374 : vector<16xf32>
    %get3A_2376 = arith.constant 400 : index
    %get3A_2377 = tpu.vector_load %arg9[%get3A_2376] {strides = array<i32>} : memref<768xf32, #tpu.memory_space<vmem>>, vector<16xf32>,
    %get3A_2378 = vector.shape_cast %get3A_2377 : vector<16xf32> to vector<16xf32>
    %sub3A_2379 = arith.subf %get3A_2368, %get3A_2378 : vector<16xf32>
    %get3A_2380 = arith.constant 656 : index
    %get3A_2381 = tpu.vector_load %arg9[%get3A_2380] {strides = array<i32>} : memref<768xf32, #tpu.memory_space<vmem>>, vector<16xf32>,
    %get3A_2382 = vector.shape_cast %get3A_2381 : vector<16xf32> to vector<16xf32>
    %sub3A_2383 = arith.subf %get3A_2371, %get3A_2382 : vector<16xf32>
    %mul3A_2384 = arith.mulf %sub3A_2375, %sub3A_2375 : vector<16xf32>
    %mul3A_2385 = arith.mulf %sub3A_2379, %sub3A_2379 : vector<16xf32>
    %add3A_2386 = arith.addf %mul3A_2384, %mul3A_2385 : vector<16xf32>
    %mul3A_2387 = arith.mulf %sub3A_2383, %sub3A_2383 : vector<16xf32>
    %add3A_2388 = arith.addf %add3A_2386, %mul3A_2387 : vector<16xf32>
    %bitcast_convert_type3A_2389 = tpu.bitcast %add3A_2388 : vector<16xf32> -> vector<16xi32>
    %shift_right_arithmetic3A_2390 = arith.constant 1 : i32
    %shift_right_arithmetic3A_2391 = vector.broadcast %shift_right_arithmetic3A_2390 : i32 to vector<16xi32>
    %shift_right_arithmetic3A_2392 = arith.shrsi %bitcast_convert_type3A_2389, %shift_right_arithmetic3A_2391 : vector<16xi32>
    %sub3A_2393 = arith.constant 1597463007 : i32
    %sub3A_2394 = vector.broadcast %sub3A_2393 : i32 to vector<16xi32>
    %sub3A_2395 = arith.subi %sub3A_2394, %shift_right_arithmetic3A_2392 : vector<16xi32>
    %bitcast_convert_type3A_2396 = tpu.bitcast %sub3A_2395 : vector<16xi32> -> vector<16xf32>
    %mul3A_2397 = arith.constant 5.000000e-01 : f32
    %mul3A_2398 = vector.broadcast %mul3A_2397 : f32 to vector<16xf32>
    %mul3A_2399 = arith.mulf %mul3A_2398, %add3A_2388 : vector<16xf32>
    %mul3A_2400 = arith.mulf %mul3A_2399, %bitcast_convert_type3A_2396 : vector<16xf32>
    %mul3A_2401 = arith.mulf %mul3A_2400, %bitcast_convert_type3A_2396 : vector<16xf32>
    %sub3A_2402 = arith.constant 1.500000e+00 : f32
    %sub3A_2403 = vector.broadcast %sub3A_2402 : f32 to vector<16xf32>
    %sub3A_2404 = arith.subf %sub3A_2403, %mul3A_2401 : vector<16xf32>
    %mul3A_2405 = arith.mulf %bitcast_convert_type3A_2396, %sub3A_2404 : vector<16xf32>
    %mul3A_2406 = arith.constant 5.000000e-01 : f32
    %mul3A_2407 = vector.broadcast %mul3A_2406 : f32 to vector<16xf32>
    %mul3A_2408 = arith.mulf %mul3A_2407, %add3A_2388 : vector<16xf32>
    %mul3A_2409 = arith.mulf %mul3A_2408, %mul3A_2405 : vector<16xf32>
    %mul3A_2410 = arith.mulf %mul3A_2409, %mul3A_2405 : vector<16xf32>
    %sub3A_2411 = arith.constant 1.500000e+00 : f32
    %sub3A_2412 = vector.broadcast %sub3A_2411 : f32 to vector<16xf32>
    %sub3A_2413 = arith.subf %sub3A_2412, %mul3A_2410 : vector<16xf32>
    %mul3A_2414 = arith.mulf %mul3A_2405, %sub3A_2413 : vector<16xf32>
    %mul3A_2415 = arith.constant 5.000000e-01 : f32
    %mul3A_2416 = vector.broadcast %mul3A_2415 : f32 to vector<16xf32>
    %mul3A_2417 = arith.mulf %mul3A_2416, %add3A_2388 : vector<16xf32>
    %mul3A_2418 = arith.mulf %mul3A_2417, %mul3A_2414 : vector<16xf32>
    %mul3A_2419 = arith.mulf %mul3A_2418, %mul3A_2414 : vector<16xf32>
    %sub3A_2420 = arith.constant 1.500000e+00 : f32
    %sub3A_2421 = vector.broadcast %sub3A_2420 : f32 to vector<16xf32>
    %sub3A_2422 = arith.subf %sub3A_2421, %mul3A_2419 : vector<16xf32>
    %mul3A_2423 = arith.mulf %mul3A_2414, %sub3A_2422 : vector<16xf32>
    %mul3A_2424 = arith.constant 5.000000e-01 : f32
    %mul3A_2425 = vector.broadcast %mul3A_2424 : f32 to vector<16xf32>
    %mul3A_2426 = arith.mulf %mul3A_2425, %add3A_2388 : vector<16xf32>
    %mul3A_2427 = arith.mulf %mul3A_2426, %mul3A_2423 : vector<16xf32>
    %mul3A_2428 = arith.mulf %mul3A_2427, %mul3A_2423 : vector<16xf32>
    %sub3A_2429 = arith.constant 1.500000e+00 : f32
    %sub3A_2430 = vector.broadcast %sub3A_2429 : f32 to vector<16xf32>
    %sub3A_2431 = arith.subf %sub3A_2430, %mul3A_2428 : vector<16xf32>
    %mul3A_2432 = arith.mulf %mul3A_2423, %sub3A_2431 : vector<16xf32>
    %lt3A_2433 = arith.constant 1.000000e-35 : f32
    %lt3A_2434 = vector.broadcast %lt3A_2433 : f32 to vector<16xf32>
    %lt3A_2435 = arith.cmpf olt, %add3A_2388, %lt3A_2434 : vector<16xf32>
    %mul3A_2436 = arith.mulf %add3A_2388, %mul3A_2432 : vector<16xf32>
    %jit3A_2437 = arith.constant 0.000000e+00 : f32
    %broadcast_in_dim3A_2438 = vector.broadcast %jit3A_2437 : f32 to vector<16xf32>
    %select_n3A_2439 = arith.select %lt3A_2435, %broadcast_in_dim3A_2438, %mul3A_2436 : vector<16xi1>, vector<16xf32>
    %add3A_2440 = arith.addf %add3A_2293, %select_n3A_2439 : vector<16xf32>
    %get3A_2441 = arith.constant 144 : index
    %get3A_2442 = tpu.vector_load %arg10[%get3A_2441] {strides = array<i32>} : memref<768xf32, #tpu.memory_space<vmem>>, vector<16xf32>,
    %get3A_2443 = vector.shape_cast %get3A_2442 : vector<16xf32> to vector<16xf32>
    %sub3A_2444 = arith.subf %get3A_2365, %get3A_2443 : vector<16xf32>
    %get3A_2445 = arith.constant 400 : index
    %get3A_2446 = tpu.vector_load %arg10[%get3A_2445] {strides = array<i32>} : memref<768xf32, #tpu.memory_space<vmem>>, vector<16xf32>,
    %get3A_2447 = vector.shape_cast %get3A_2446 : vector<16xf32> to vector<16xf32>
    %sub3A_2448 = arith.subf %get3A_2368, %get3A_2447 : vector<16xf32>
    %get3A_2449 = arith.constant 656 : index
    %get3A_2450 = tpu.vector_load %arg10[%get3A_2449] {strides = array<i32>} : memref<768xf32, #tpu.memory_space<vmem>>, vector<16xf32>,
    %get3A_2451 = vector.shape_cast %get3A_2450 : vector<16xf32> to vector<16xf32>
    %sub3A_2452 = arith.subf %get3A_2371, %get3A_2451 : vector<16xf32>
    %mul3A_2453 = arith.mulf %sub3A_2444, %sub3A_2444 : vector<16xf32>
    %mul3A_2454 = arith.mulf %sub3A_2448, %sub3A_2448 : vector<16xf32>
    %add3A_2455 = arith.addf %mul3A_2453, %mul3A_2454 : vector<16xf32>
    %mul3A_2456 = arith.mulf %sub3A_2452, %sub3A_2452 : vector<16xf32>
    %add3A_2457 = arith.addf %add3A_2455, %mul3A_2456 : vector<16xf32>
    %bitcast_convert_type3A_2458 = tpu.bitcast %add3A_2457 : vector<16xf32> -> vector<16xi32>
    %shift_right_arithmetic3A_2459 = arith.constant 1 : i32
    %shift_right_arithmetic3A_2460 = vector.broadcast %shift_right_arithmetic3A_2459 : i32 to vector<16xi32>
    %shift_right_arithmetic3A_2461 = arith.shrsi %bitcast_convert_type3A_2458, %shift_right_arithmetic3A_2460 : vector<16xi32>
    %sub3A_2462 = arith.constant 1597463007 : i32
    %sub3A_2463 = vector.broadcast %sub3A_2462 : i32 to vector<16xi32>
    %sub3A_2464 = arith.subi %sub3A_2463, %shift_right_arithmetic3A_2461 : vector<16xi32>
    %bitcast_convert_type3A_2465 = tpu.bitcast %sub3A_2464 : vector<16xi32> -> vector<16xf32>
    %mul3A_2466 = arith.constant 5.000000e-01 : f32
    %mul3A_2467 = vector.broadcast %mul3A_2466 : f32 to vector<16xf32>
    %mul3A_2468 = arith.mulf %mul3A_2467, %add3A_2457 : vector<16xf32>
    %mul3A_2469 = arith.mulf %mul3A_2468, %bitcast_convert_type3A_2465 : vector<16xf32>
    %mul3A_2470 = arith.mulf %mul3A_2469, %bitcast_convert_type3A_2465 : vector<16xf32>
    %sub3A_2471 = arith.constant 1.500000e+00 : f32
    %sub3A_2472 = vector.broadcast %sub3A_2471 : f32 to vector<16xf32>
    %sub3A_2473 = arith.subf %sub3A_2472, %mul3A_2470 : vector<16xf32>
    %mul3A_2474 = arith.mulf %bitcast_convert_type3A_2465, %sub3A_2473 : vector<16xf32>
    %mul3A_2475 = arith.constant 5.000000e-01 : f32
    %mul3A_2476 = vector.broadcast %mul3A_2475 : f32 to vector<16xf32>
    %mul3A_2477 = arith.mulf %mul3A_2476, %add3A_2457 : vector<16xf32>
    %mul3A_2478 = arith.mulf %mul3A_2477, %mul3A_2474 : vector<16xf32>
    %mul3A_2479 = arith.mulf %mul3A_2478, %mul3A_2474 : vector<16xf32>
    %sub3A_2480 = arith.constant 1.500000e+00 : f32
    %sub3A_2481 = vector.broadcast %sub3A_2480 : f32 to vector<16xf32>
    %sub3A_2482 = arith.subf %sub3A_2481, %mul3A_2479 : vector<16xf32>
    %mul3A_2483 = arith.mulf %mul3A_2474, %sub3A_2482 : vector<16xf32>
    %mul3A_2484 = arith.constant 5.000000e-01 : f32
    %mul3A_2485 = vector.broadcast %mul3A_2484 : f32 to vector<16xf32>
    %mul3A_2486 = arith.mulf %mul3A_2485, %add3A_2457 : vector<16xf32>
    %mul3A_2487 = arith.mulf %mul3A_2486, %mul3A_2483 : vector<16xf32>
    %mul3A_2488 = arith.mulf %mul3A_2487, %mul3A_2483 : vector<16xf32>
    %sub3A_2489 = arith.constant 1.500000e+00 : f32
    %sub3A_2490 = vector.broadcast %sub3A_2489 : f32 to vector<16xf32>
    %sub3A_2491 = arith.subf %sub3A_2490, %mul3A_2488 : vector<16xf32>
    %mul3A_2492 = arith.mulf %mul3A_2483, %sub3A_2491 : vector<16xf32>
    %mul3A_2493 = arith.constant 5.000000e-01 : f32
    %mul3A_2494 = vector.broadcast %mul3A_2493 : f32 to vector<16xf32>
    %mul3A_2495 = arith.mulf %mul3A_2494, %add3A_2457 : vector<16xf32>
    %mul3A_2496 = arith.mulf %mul3A_2495, %mul3A_2492 : vector<16xf32>
    %mul3A_2497 = arith.mulf %mul3A_2496, %mul3A_2492 : vector<16xf32>
    %sub3A_2498 = arith.constant 1.500000e+00 : f32
    %sub3A_2499 = vector.broadcast %sub3A_2498 : f32 to vector<16xf32>
    %sub3A_2500 = arith.subf %sub3A_2499, %mul3A_2497 : vector<16xf32>
    %mul3A_2501 = arith.mulf %mul3A_2492, %sub3A_2500 : vector<16xf32>
    %lt3A_2502 = arith.constant 1.000000e-35 : f32
    %lt3A_2503 = vector.broadcast %lt3A_2502 : f32 to vector<16xf32>
    %lt3A_2504 = arith.cmpf olt, %add3A_2457, %lt3A_2503 : vector<16xf32>
    %mul3A_2505 = arith.mulf %add3A_2457, %mul3A_2501 : vector<16xf32>
    %jit3A_2506 = arith.constant 0.000000e+00 : f32
    %broadcast_in_dim3A_2507 = vector.broadcast %jit3A_2506 : f32 to vector<16xf32>
    %select_n3A_2508 = arith.select %lt3A_2504, %broadcast_in_dim3A_2507, %mul3A_2505 : vector<16xi1>, vector<16xf32>
    %add3A_2509 = arith.addf %add3A_2362, %select_n3A_2508 : vector<16xf32>
    %get3A_2510 = arith.constant 416 : index
    %get3A_2511 = tpu.vector_load %arg7[%get3A_2510] {strides = array<i32>} : memref<1024xf32, #tpu.memory_space<vmem>>, vector<16xf32>,
    %get3A_2512 = vector.shape_cast %get3A_2511 : vector<16xf32> to vector<16xf32>
    %get3A_2513 = arith.constant 672 : index
    %get3A_2514 = tpu.vector_load %arg7[%get3A_2513] {strides = array<i32>} : memref<1024xf32, #tpu.memory_space<vmem>>, vector<16xf32>,
    %get3A_2515 = vector.shape_cast %get3A_2514 : vector<16xf32> to vector<16xf32>
    %get3A_2516 = arith.constant 928 : index
    %get3A_2517 = tpu.vector_load %arg7[%get3A_2516] {strides = array<i32>} : memref<1024xf32, #tpu.memory_space<vmem>>, vector<16xf32>,
    %get3A_2518 = vector.shape_cast %get3A_2517 : vector<16xf32> to vector<16xf32>
    %get3A_2519 = arith.constant 160 : index
    %get3A_2520 = tpu.vector_load %arg9[%get3A_2519] {strides = array<i32>} : memref<768xf32, #tpu.memory_space<vmem>>, vector<16xf32>,
    %get3A_2521 = vector.shape_cast %get3A_2520 : vector<16xf32> to vector<16xf32>
    %sub3A_2522 = arith.subf %get3A_2512, %get3A_2521 : vector<16xf32>
    %get3A_2523 = arith.constant 416 : index
    %get3A_2524 = tpu.vector_load %arg9[%get3A_2523] {strides = array<i32>} : memref<768xf32, #tpu.memory_space<vmem>>, vector<16xf32>,
    %get3A_2525 = vector.shape_cast %get3A_2524 : vector<16xf32> to vector<16xf32>
    %sub3A_2526 = arith.subf %get3A_2515, %get3A_2525 : vector<16xf32>
    %get3A_2527 = arith.constant 672 : index
    %get3A_2528 = tpu.vector_load %arg9[%get3A_2527] {strides = array<i32>} : memref<768xf32, #tpu.memory_space<vmem>>, vector<16xf32>,
    %get3A_2529 = vector.shape_cast %get3A_2528 : vector<16xf32> to vector<16xf32>
    %sub3A_2530 = arith.subf %get3A_2518, %get3A_2529 : vector<16xf32>
    %mul3A_2531 = arith.mulf %sub3A_2522, %sub3A_2522 : vector<16xf32>
    %mul3A_2532 = arith.mulf %sub3A_2526, %sub3A_2526 : vector<16xf32>
    %add3A_2533 = arith.addf %mul3A_2531, %mul3A_2532 : vector<16xf32>
    %mul3A_2534 = arith.mulf %sub3A_2530, %sub3A_2530 : vector<16xf32>
    %add3A_2535 = arith.addf %add3A_2533, %mul3A_2534 : vector<16xf32>
    %bitcast_convert_type3A_2536 = tpu.bitcast %add3A_2535 : vector<16xf32> -> vector<16xi32>
    %shift_right_arithmetic3A_2537 = arith.constant 1 : i32
    %shift_right_arithmetic3A_2538 = vector.broadcast %shift_right_arithmetic3A_2537 : i32 to vector<16xi32>
    %shift_right_arithmetic3A_2539 = arith.shrsi %bitcast_convert_type3A_2536, %shift_right_arithmetic3A_2538 : vector<16xi32>
    %sub3A_2540 = arith.constant 1597463007 : i32
    %sub3A_2541 = vector.broadcast %sub3A_2540 : i32 to vector<16xi32>
    %sub3A_2542 = arith.subi %sub3A_2541, %shift_right_arithmetic3A_2539 : vector<16xi32>
    %bitcast_convert_type3A_2543 = tpu.bitcast %sub3A_2542 : vector<16xi32> -> vector<16xf32>
    %mul3A_2544 = arith.constant 5.000000e-01 : f32
    %mul3A_2545 = vector.broadcast %mul3A_2544 : f32 to vector<16xf32>
    %mul3A_2546 = arith.mulf %mul3A_2545, %add3A_2535 : vector<16xf32>
    %mul3A_2547 = arith.mulf %mul3A_2546, %bitcast_convert_type3A_2543 : vector<16xf32>
    %mul3A_2548 = arith.mulf %mul3A_2547, %bitcast_convert_type3A_2543 : vector<16xf32>
    %sub3A_2549 = arith.constant 1.500000e+00 : f32
    %sub3A_2550 = vector.broadcast %sub3A_2549 : f32 to vector<16xf32>
    %sub3A_2551 = arith.subf %sub3A_2550, %mul3A_2548 : vector<16xf32>
    %mul3A_2552 = arith.mulf %bitcast_convert_type3A_2543, %sub3A_2551 : vector<16xf32>
    %mul3A_2553 = arith.constant 5.000000e-01 : f32
    %mul3A_2554 = vector.broadcast %mul3A_2553 : f32 to vector<16xf32>
    %mul3A_2555 = arith.mulf %mul3A_2554, %add3A_2535 : vector<16xf32>
    %mul3A_2556 = arith.mulf %mul3A_2555, %mul3A_2552 : vector<16xf32>
    %mul3A_2557 = arith.mulf %mul3A_2556, %mul3A_2552 : vector<16xf32>
    %sub3A_2558 = arith.constant 1.500000e+00 : f32
    %sub3A_2559 = vector.broadcast %sub3A_2558 : f32 to vector<16xf32>
    %sub3A_2560 = arith.subf %sub3A_2559, %mul3A_2557 : vector<16xf32>
    %mul3A_2561 = arith.mulf %mul3A_2552, %sub3A_2560 : vector<16xf32>
    %mul3A_2562 = arith.constant 5.000000e-01 : f32
    %mul3A_2563 = vector.broadcast %mul3A_2562 : f32 to vector<16xf32>
    %mul3A_2564 = arith.mulf %mul3A_2563, %add3A_2535 : vector<16xf32>
    %mul3A_2565 = arith.mulf %mul3A_2564, %mul3A_2561 : vector<16xf32>
    %mul3A_2566 = arith.mulf %mul3A_2565, %mul3A_2561 : vector<16xf32>
    %sub3A_2567 = arith.constant 1.500000e+00 : f32
    %sub3A_2568 = vector.broadcast %sub3A_2567 : f32 to vector<16xf32>
    %sub3A_2569 = arith.subf %sub3A_2568, %mul3A_2566 : vector<16xf32>
    %mul3A_2570 = arith.mulf %mul3A_2561, %sub3A_2569 : vector<16xf32>
    %mul3A_2571 = arith.constant 5.000000e-01 : f32
    %mul3A_2572 = vector.broadcast %mul3A_2571 : f32 to vector<16xf32>
    %mul3A_2573 = arith.mulf %mul3A_2572, %add3A_2535 : vector<16xf32>
    %mul3A_2574 = arith.mulf %mul3A_2573, %mul3A_2570 : vector<16xf32>
    %mul3A_2575 = arith.mulf %mul3A_2574, %mul3A_2570 : vector<16xf32>
    %sub3A_2576 = arith.constant 1.500000e+00 : f32
    %sub3A_2577 = vector.broadcast %sub3A_2576 : f32 to vector<16xf32>
    %sub3A_2578 = arith.subf %sub3A_2577, %mul3A_2575 : vector<16xf32>
    %mul3A_2579 = arith.mulf %mul3A_2570, %sub3A_2578 : vector<16xf32>
    %lt3A_2580 = arith.constant 1.000000e-35 : f32
    %lt3A_2581 = vector.broadcast %lt3A_2580 : f32 to vector<16xf32>
    %lt3A_2582 = arith.cmpf olt, %add3A_2535, %lt3A_2581 : vector<16xf32>
    %mul3A_2583 = arith.mulf %add3A_2535, %mul3A_2579 : vector<16xf32>
    %jit3A_2584 = arith.constant 0.000000e+00 : f32
    %broadcast_in_dim3A_2585 = vector.broadcast %jit3A_2584 : f32 to vector<16xf32>
    %select_n3A_2586 = arith.select %lt3A_2582, %broadcast_in_dim3A_2585, %mul3A_2583 : vector<16xi1>, vector<16xf32>
    %add3A_2587 = arith.addf %add3A_2440, %select_n3A_2586 : vector<16xf32>
    %get3A_2588 = arith.constant 160 : index
    %get3A_2589 = tpu.vector_load %arg10[%get3A_2588] {strides = array<i32>} : memref<768xf32, #tpu.memory_space<vmem>>, vector<16xf32>,
    %get3A_2590 = vector.shape_cast %get3A_2589 : vector<16xf32> to vector<16xf32>
    %sub3A_2591 = arith.subf %get3A_2512, %get3A_2590 : vector<16xf32>
    %get3A_2592 = arith.constant 416 : index
    %get3A_2593 = tpu.vector_load %arg10[%get3A_2592] {strides = array<i32>} : memref<768xf32, #tpu.memory_space<vmem>>, vector<16xf32>,
    %get3A_2594 = vector.shape_cast %get3A_2593 : vector<16xf32> to vector<16xf32>
    %sub3A_2595 = arith.subf %get3A_2515, %get3A_2594 : vector<16xf32>
    %get3A_2596 = arith.constant 672 : index
    %get3A_2597 = tpu.vector_load %arg10[%get3A_2596] {strides = array<i32>} : memref<768xf32, #tpu.memory_space<vmem>>, vector<16xf32>,
    %get3A_2598 = vector.shape_cast %get3A_2597 : vector<16xf32> to vector<16xf32>
    %sub3A_2599 = arith.subf %get3A_2518, %get3A_2598 : vector<16xf32>
    %mul3A_2600 = arith.mulf %sub3A_2591, %sub3A_2591 : vector<16xf32>
    %mul3A_2601 = arith.mulf %sub3A_2595, %sub3A_2595 : vector<16xf32>
    %add3A_2602 = arith.addf %mul3A_2600, %mul3A_2601 : vector<16xf32>
    %mul3A_2603 = arith.mulf %sub3A_2599, %sub3A_2599 : vector<16xf32>
    %add3A_2604 = arith.addf %add3A_2602, %mul3A_2603 : vector<16xf32>
    %bitcast_convert_type3A_2605 = tpu.bitcast %add3A_2604 : vector<16xf32> -> vector<16xi32>
    %shift_right_arithmetic3A_2606 = arith.constant 1 : i32
    %shift_right_arithmetic3A_2607 = vector.broadcast %shift_right_arithmetic3A_2606 : i32 to vector<16xi32>
    %shift_right_arithmetic3A_2608 = arith.shrsi %bitcast_convert_type3A_2605, %shift_right_arithmetic3A_2607 : vector<16xi32>
    %sub3A_2609 = arith.constant 1597463007 : i32
    %sub3A_2610 = vector.broadcast %sub3A_2609 : i32 to vector<16xi32>
    %sub3A_2611 = arith.subi %sub3A_2610, %shift_right_arithmetic3A_2608 : vector<16xi32>
    %bitcast_convert_type3A_2612 = tpu.bitcast %sub3A_2611 : vector<16xi32> -> vector<16xf32>
    %mul3A_2613 = arith.constant 5.000000e-01 : f32
    %mul3A_2614 = vector.broadcast %mul3A_2613 : f32 to vector<16xf32>
    %mul3A_2615 = arith.mulf %mul3A_2614, %add3A_2604 : vector<16xf32>
    %mul3A_2616 = arith.mulf %mul3A_2615, %bitcast_convert_type3A_2612 : vector<16xf32>
    %mul3A_2617 = arith.mulf %mul3A_2616, %bitcast_convert_type3A_2612 : vector<16xf32>
    %sub3A_2618 = arith.constant 1.500000e+00 : f32
    %sub3A_2619 = vector.broadcast %sub3A_2618 : f32 to vector<16xf32>
    %sub3A_2620 = arith.subf %sub3A_2619, %mul3A_2617 : vector<16xf32>
    %mul3A_2621 = arith.mulf %bitcast_convert_type3A_2612, %sub3A_2620 : vector<16xf32>
    %mul3A_2622 = arith.constant 5.000000e-01 : f32
    %mul3A_2623 = vector.broadcast %mul3A_2622 : f32 to vector<16xf32>
    %mul3A_2624 = arith.mulf %mul3A_2623, %add3A_2604 : vector<16xf32>
    %mul3A_2625 = arith.mulf %mul3A_2624, %mul3A_2621 : vector<16xf32>
    %mul3A_2626 = arith.mulf %mul3A_2625, %mul3A_2621 : vector<16xf32>
    %sub3A_2627 = arith.constant 1.500000e+00 : f32
    %sub3A_2628 = vector.broadcast %sub3A_2627 : f32 to vector<16xf32>
    %sub3A_2629 = arith.subf %sub3A_2628, %mul3A_2626 : vector<16xf32>
    %mul3A_2630 = arith.mulf %mul3A_2621, %sub3A_2629 : vector<16xf32>
    %mul3A_2631 = arith.constant 5.000000e-01 : f32
    %mul3A_2632 = vector.broadcast %mul3A_2631 : f32 to vector<16xf32>
    %mul3A_2633 = arith.mulf %mul3A_2632, %add3A_2604 : vector<16xf32>
    %mul3A_2634 = arith.mulf %mul3A_2633, %mul3A_2630 : vector<16xf32>
    %mul3A_2635 = arith.mulf %mul3A_2634, %mul3A_2630 : vector<16xf32>
    %sub3A_2636 = arith.constant 1.500000e+00 : f32
    %sub3A_2637 = vector.broadcast %sub3A_2636 : f32 to vector<16xf32>
    %sub3A_2638 = arith.subf %sub3A_2637, %mul3A_2635 : vector<16xf32>
    %mul3A_2639 = arith.mulf %mul3A_2630, %sub3A_2638 : vector<16xf32>
    %mul3A_2640 = arith.constant 5.000000e-01 : f32
    %mul3A_2641 = vector.broadcast %mul3A_2640 : f32 to vector<16xf32>
    %mul3A_2642 = arith.mulf %mul3A_2641, %add3A_2604 : vector<16xf32>
    %mul3A_2643 = arith.mulf %mul3A_2642, %mul3A_2639 : vector<16xf32>
    %mul3A_2644 = arith.mulf %mul3A_2643, %mul3A_2639 : vector<16xf32>
    %sub3A_2645 = arith.constant 1.500000e+00 : f32
    %sub3A_2646 = vector.broadcast %sub3A_2645 : f32 to vector<16xf32>
    %sub3A_2647 = arith.subf %sub3A_2646, %mul3A_2644 : vector<16xf32>
    %mul3A_2648 = arith.mulf %mul3A_2639, %sub3A_2647 : vector<16xf32>
    %lt3A_2649 = arith.constant 1.000000e-35 : f32
    %lt3A_2650 = vector.broadcast %lt3A_2649 : f32 to vector<16xf32>
    %lt3A_2651 = arith.cmpf olt, %add3A_2604, %lt3A_2650 : vector<16xf32>
    %mul3A_2652 = arith.mulf %add3A_2604, %mul3A_2648 : vector<16xf32>
    %jit3A_2653 = arith.constant 0.000000e+00 : f32
    %broadcast_in_dim3A_2654 = vector.broadcast %jit3A_2653 : f32 to vector<16xf32>
    %select_n3A_2655 = arith.select %lt3A_2651, %broadcast_in_dim3A_2654, %mul3A_2652 : vector<16xi1>, vector<16xf32>
    %add3A_2656 = arith.addf %add3A_2509, %select_n3A_2655 : vector<16xf32>
    %get3A_2657 = arith.constant 432 : index
    %get3A_2658 = tpu.vector_load %arg7[%get3A_2657] {strides = array<i32>} : memref<1024xf32, #tpu.memory_space<vmem>>, vector<16xf32>,
    %get3A_2659 = vector.shape_cast %get3A_2658 : vector<16xf32> to vector<16xf32>
    %get3A_2660 = arith.constant 688 : index
    %get3A_2661 = tpu.vector_load %arg7[%get3A_2660] {strides = array<i32>} : memref<1024xf32, #tpu.memory_space<vmem>>, vector<16xf32>,
    %get3A_2662 = vector.shape_cast %get3A_2661 : vector<16xf32> to vector<16xf32>
    %get3A_2663 = arith.constant 944 : index
    %get3A_2664 = tpu.vector_load %arg7[%get3A_2663] {strides = array<i32>} : memref<1024xf32, #tpu.memory_space<vmem>>, vector<16xf32>,
    %get3A_2665 = vector.shape_cast %get3A_2664 : vector<16xf32> to vector<16xf32>
    %get3A_2666 = arith.constant 176 : index
    %get3A_2667 = tpu.vector_load %arg9[%get3A_2666] {strides = array<i32>} : memref<768xf32, #tpu.memory_space<vmem>>, vector<16xf32>,
    %get3A_2668 = vector.shape_cast %get3A_2667 : vector<16xf32> to vector<16xf32>
    %sub3A_2669 = arith.subf %get3A_2659, %get3A_2668 : vector<16xf32>
    %get3A_2670 = arith.constant 432 : index
    %get3A_2671 = tpu.vector_load %arg9[%get3A_2670] {strides = array<i32>} : memref<768xf32, #tpu.memory_space<vmem>>, vector<16xf32>,
    %get3A_2672 = vector.shape_cast %get3A_2671 : vector<16xf32> to vector<16xf32>
    %sub3A_2673 = arith.subf %get3A_2662, %get3A_2672 : vector<16xf32>
    %get3A_2674 = arith.constant 688 : index
    %get3A_2675 = tpu.vector_load %arg9[%get3A_2674] {strides = array<i32>} : memref<768xf32, #tpu.memory_space<vmem>>, vector<16xf32>,
    %get3A_2676 = vector.shape_cast %get3A_2675 : vector<16xf32> to vector<16xf32>
    %sub3A_2677 = arith.subf %get3A_2665, %get3A_2676 : vector<16xf32>
    %mul3A_2678 = arith.mulf %sub3A_2669, %sub3A_2669 : vector<16xf32>
    %mul3A_2679 = arith.mulf %sub3A_2673, %sub3A_2673 : vector<16xf32>
    %add3A_2680 = arith.addf %mul3A_2678, %mul3A_2679 : vector<16xf32>
    %mul3A_2681 = arith.mulf %sub3A_2677, %sub3A_2677 : vector<16xf32>
    %add3A_2682 = arith.addf %add3A_2680, %mul3A_2681 : vector<16xf32>
    %bitcast_convert_type3A_2683 = tpu.bitcast %add3A_2682 : vector<16xf32> -> vector<16xi32>
    %shift_right_arithmetic3A_2684 = arith.constant 1 : i32
    %shift_right_arithmetic3A_2685 = vector.broadcast %shift_right_arithmetic3A_2684 : i32 to vector<16xi32>
    %shift_right_arithmetic3A_2686 = arith.shrsi %bitcast_convert_type3A_2683, %shift_right_arithmetic3A_2685 : vector<16xi32>
    %sub3A_2687 = arith.constant 1597463007 : i32
    %sub3A_2688 = vector.broadcast %sub3A_2687 : i32 to vector<16xi32>
    %sub3A_2689 = arith.subi %sub3A_2688, %shift_right_arithmetic3A_2686 : vector<16xi32>
    %bitcast_convert_type3A_2690 = tpu.bitcast %sub3A_2689 : vector<16xi32> -> vector<16xf32>
    %mul3A_2691 = arith.constant 5.000000e-01 : f32
    %mul3A_2692 = vector.broadcast %mul3A_2691 : f32 to vector<16xf32>
    %mul3A_2693 = arith.mulf %mul3A_2692, %add3A_2682 : vector<16xf32>
    %mul3A_2694 = arith.mulf %mul3A_2693, %bitcast_convert_type3A_2690 : vector<16xf32>
    %mul3A_2695 = arith.mulf %mul3A_2694, %bitcast_convert_type3A_2690 : vector<16xf32>
    %sub3A_2696 = arith.constant 1.500000e+00 : f32
    %sub3A_2697 = vector.broadcast %sub3A_2696 : f32 to vector<16xf32>
    %sub3A_2698 = arith.subf %sub3A_2697, %mul3A_2695 : vector<16xf32>
    %mul3A_2699 = arith.mulf %bitcast_convert_type3A_2690, %sub3A_2698 : vector<16xf32>
    %mul3A_2700 = arith.constant 5.000000e-01 : f32
    %mul3A_2701 = vector.broadcast %mul3A_2700 : f32 to vector<16xf32>
    %mul3A_2702 = arith.mulf %mul3A_2701, %add3A_2682 : vector<16xf32>
    %mul3A_2703 = arith.mulf %mul3A_2702, %mul3A_2699 : vector<16xf32>
    %mul3A_2704 = arith.mulf %mul3A_2703, %mul3A_2699 : vector<16xf32>
    %sub3A_2705 = arith.constant 1.500000e+00 : f32
    %sub3A_2706 = vector.broadcast %sub3A_2705 : f32 to vector<16xf32>
    %sub3A_2707 = arith.subf %sub3A_2706, %mul3A_2704 : vector<16xf32>
    %mul3A_2708 = arith.mulf %mul3A_2699, %sub3A_2707 : vector<16xf32>
    %mul3A_2709 = arith.constant 5.000000e-01 : f32
    %mul3A_2710 = vector.broadcast %mul3A_2709 : f32 to vector<16xf32>
    %mul3A_2711 = arith.mulf %mul3A_2710, %add3A_2682 : vector<16xf32>
    %mul3A_2712 = arith.mulf %mul3A_2711, %mul3A_2708 : vector<16xf32>
    %mul3A_2713 = arith.mulf %mul3A_2712, %mul3A_2708 : vector<16xf32>
    %sub3A_2714 = arith.constant 1.500000e+00 : f32
    %sub3A_2715 = vector.broadcast %sub3A_2714 : f32 to vector<16xf32>
    %sub3A_2716 = arith.subf %sub3A_2715, %mul3A_2713 : vector<16xf32>
    %mul3A_2717 = arith.mulf %mul3A_2708, %sub3A_2716 : vector<16xf32>
    %mul3A_2718 = arith.constant 5.000000e-01 : f32
    %mul3A_2719 = vector.broadcast %mul3A_2718 : f32 to vector<16xf32>
    %mul3A_2720 = arith.mulf %mul3A_2719, %add3A_2682 : vector<16xf32>
    %mul3A_2721 = arith.mulf %mul3A_2720, %mul3A_2717 : vector<16xf32>
    %mul3A_2722 = arith.mulf %mul3A_2721, %mul3A_2717 : vector<16xf32>
    %sub3A_2723 = arith.constant 1.500000e+00 : f32
    %sub3A_2724 = vector.broadcast %sub3A_2723 : f32 to vector<16xf32>
    %sub3A_2725 = arith.subf %sub3A_2724, %mul3A_2722 : vector<16xf32>
    %mul3A_2726 = arith.mulf %mul3A_2717, %sub3A_2725 : vector<16xf32>
    %lt3A_2727 = arith.constant 1.000000e-35 : f32
    %lt3A_2728 = vector.broadcast %lt3A_2727 : f32 to vector<16xf32>
    %lt3A_2729 = arith.cmpf olt, %add3A_2682, %lt3A_2728 : vector<16xf32>
    %mul3A_2730 = arith.mulf %add3A_2682, %mul3A_2726 : vector<16xf32>
    %jit3A_2731 = arith.constant 0.000000e+00 : f32
    %broadcast_in_dim3A_2732 = vector.broadcast %jit3A_2731 : f32 to vector<16xf32>
    %select_n3A_2733 = arith.select %lt3A_2729, %broadcast_in_dim3A_2732, %mul3A_2730 : vector<16xi1>, vector<16xf32>
    %add3A_2734 = arith.addf %add3A_2587, %select_n3A_2733 : vector<16xf32>
    %get3A_2735 = arith.constant 176 : index
    %get3A_2736 = tpu.vector_load %arg10[%get3A_2735] {strides = array<i32>} : memref<768xf32, #tpu.memory_space<vmem>>, vector<16xf32>,
    %get3A_2737 = vector.shape_cast %get3A_2736 : vector<16xf32> to vector<16xf32>
    %sub3A_2738 = arith.subf %get3A_2659, %get3A_2737 : vector<16xf32>
    %get3A_2739 = arith.constant 432 : index
    %get3A_2740 = tpu.vector_load %arg10[%get3A_2739] {strides = array<i32>} : memref<768xf32, #tpu.memory_space<vmem>>, vector<16xf32>,
    %get3A_2741 = vector.shape_cast %get3A_2740 : vector<16xf32> to vector<16xf32>
    %sub3A_2742 = arith.subf %get3A_2662, %get3A_2741 : vector<16xf32>
    %get3A_2743 = arith.constant 688 : index
    %get3A_2744 = tpu.vector_load %arg10[%get3A_2743] {strides = array<i32>} : memref<768xf32, #tpu.memory_space<vmem>>, vector<16xf32>,
    %get3A_2745 = vector.shape_cast %get3A_2744 : vector<16xf32> to vector<16xf32>
    %sub3A_2746 = arith.subf %get3A_2665, %get3A_2745 : vector<16xf32>
    %mul3A_2747 = arith.mulf %sub3A_2738, %sub3A_2738 : vector<16xf32>
    %mul3A_2748 = arith.mulf %sub3A_2742, %sub3A_2742 : vector<16xf32>
    %add3A_2749 = arith.addf %mul3A_2747, %mul3A_2748 : vector<16xf32>
    %mul3A_2750 = arith.mulf %sub3A_2746, %sub3A_2746 : vector<16xf32>
    %add3A_2751 = arith.addf %add3A_2749, %mul3A_2750 : vector<16xf32>
    %bitcast_convert_type3A_2752 = tpu.bitcast %add3A_2751 : vector<16xf32> -> vector<16xi32>
    %shift_right_arithmetic3A_2753 = arith.constant 1 : i32
    %shift_right_arithmetic3A_2754 = vector.broadcast %shift_right_arithmetic3A_2753 : i32 to vector<16xi32>
    %shift_right_arithmetic3A_2755 = arith.shrsi %bitcast_convert_type3A_2752, %shift_right_arithmetic3A_2754 : vector<16xi32>
    %sub3A_2756 = arith.constant 1597463007 : i32
    %sub3A_2757 = vector.broadcast %sub3A_2756 : i32 to vector<16xi32>
    %sub3A_2758 = arith.subi %sub3A_2757, %shift_right_arithmetic3A_2755 : vector<16xi32>
    %bitcast_convert_type3A_2759 = tpu.bitcast %sub3A_2758 : vector<16xi32> -> vector<16xf32>
    %mul3A_2760 = arith.constant 5.000000e-01 : f32
    %mul3A_2761 = vector.broadcast %mul3A_2760 : f32 to vector<16xf32>
    %mul3A_2762 = arith.mulf %mul3A_2761, %add3A_2751 : vector<16xf32>
    %mul3A_2763 = arith.mulf %mul3A_2762, %bitcast_convert_type3A_2759 : vector<16xf32>
    %mul3A_2764 = arith.mulf %mul3A_2763, %bitcast_convert_type3A_2759 : vector<16xf32>
    %sub3A_2765 = arith.constant 1.500000e+00 : f32
    %sub3A_2766 = vector.broadcast %sub3A_2765 : f32 to vector<16xf32>
    %sub3A_2767 = arith.subf %sub3A_2766, %mul3A_2764 : vector<16xf32>
    %mul3A_2768 = arith.mulf %bitcast_convert_type3A_2759, %sub3A_2767 : vector<16xf32>
    %mul3A_2769 = arith.constant 5.000000e-01 : f32
    %mul3A_2770 = vector.broadcast %mul3A_2769 : f32 to vector<16xf32>
    %mul3A_2771 = arith.mulf %mul3A_2770, %add3A_2751 : vector<16xf32>
    %mul3A_2772 = arith.mulf %mul3A_2771, %mul3A_2768 : vector<16xf32>
    %mul3A_2773 = arith.mulf %mul3A_2772, %mul3A_2768 : vector<16xf32>
    %sub3A_2774 = arith.constant 1.500000e+00 : f32
    %sub3A_2775 = vector.broadcast %sub3A_2774 : f32 to vector<16xf32>
    %sub3A_2776 = arith.subf %sub3A_2775, %mul3A_2773 : vector<16xf32>
    %mul3A_2777 = arith.mulf %mul3A_2768, %sub3A_2776 : vector<16xf32>
    %mul3A_2778 = arith.constant 5.000000e-01 : f32
    %mul3A_2779 = vector.broadcast %mul3A_2778 : f32 to vector<16xf32>
    %mul3A_2780 = arith.mulf %mul3A_2779, %add3A_2751 : vector<16xf32>
    %mul3A_2781 = arith.mulf %mul3A_2780, %mul3A_2777 : vector<16xf32>
    %mul3A_2782 = arith.mulf %mul3A_2781, %mul3A_2777 : vector<16xf32>
    %sub3A_2783 = arith.constant 1.500000e+00 : f32
    %sub3A_2784 = vector.broadcast %sub3A_2783 : f32 to vector<16xf32>
    %sub3A_2785 = arith.subf %sub3A_2784, %mul3A_2782 : vector<16xf32>
    %mul3A_2786 = arith.mulf %mul3A_2777, %sub3A_2785 : vector<16xf32>
    %mul3A_2787 = arith.constant 5.000000e-01 : f32
    %mul3A_2788 = vector.broadcast %mul3A_2787 : f32 to vector<16xf32>
    %mul3A_2789 = arith.mulf %mul3A_2788, %add3A_2751 : vector<16xf32>
    %mul3A_2790 = arith.mulf %mul3A_2789, %mul3A_2786 : vector<16xf32>
    %mul3A_2791 = arith.mulf %mul3A_2790, %mul3A_2786 : vector<16xf32>
    %sub3A_2792 = arith.constant 1.500000e+00 : f32
    %sub3A_2793 = vector.broadcast %sub3A_2792 : f32 to vector<16xf32>
    %sub3A_2794 = arith.subf %sub3A_2793, %mul3A_2791 : vector<16xf32>
    %mul3A_2795 = arith.mulf %mul3A_2786, %sub3A_2794 : vector<16xf32>
    %lt3A_2796 = arith.constant 1.000000e-35 : f32
    %lt3A_2797 = vector.broadcast %lt3A_2796 : f32 to vector<16xf32>
    %lt3A_2798 = arith.cmpf olt, %add3A_2751, %lt3A_2797 : vector<16xf32>
    %mul3A_2799 = arith.mulf %add3A_2751, %mul3A_2795 : vector<16xf32>
    %jit3A_2800 = arith.constant 0.000000e+00 : f32
    %broadcast_in_dim3A_2801 = vector.broadcast %jit3A_2800 : f32 to vector<16xf32>
    %select_n3A_2802 = arith.select %lt3A_2798, %broadcast_in_dim3A_2801, %mul3A_2799 : vector<16xi1>, vector<16xf32>
    %add3A_2803 = arith.addf %add3A_2656, %select_n3A_2802 : vector<16xf32>
    %get3A_2804 = arith.constant 448 : index
    %get3A_2805 = tpu.vector_load %arg7[%get3A_2804] {strides = array<i32>} : memref<1024xf32, #tpu.memory_space<vmem>>, vector<16xf32>,
    %get3A_2806 = vector.shape_cast %get3A_2805 : vector<16xf32> to vector<16xf32>
    %get3A_2807 = arith.constant 704 : index
    %get3A_2808 = tpu.vector_load %arg7[%get3A_2807] {strides = array<i32>} : memref<1024xf32, #tpu.memory_space<vmem>>, vector<16xf32>,
    %get3A_2809 = vector.shape_cast %get3A_2808 : vector<16xf32> to vector<16xf32>
    %get3A_2810 = arith.constant 960 : index
    %get3A_2811 = tpu.vector_load %arg7[%get3A_2810] {strides = array<i32>} : memref<1024xf32, #tpu.memory_space<vmem>>, vector<16xf32>,
    %get3A_2812 = vector.shape_cast %get3A_2811 : vector<16xf32> to vector<16xf32>
    %get3A_2813 = arith.constant 192 : index
    %get3A_2814 = tpu.vector_load %arg9[%get3A_2813] {strides = array<i32>} : memref<768xf32, #tpu.memory_space<vmem>>, vector<16xf32>,
    %get3A_2815 = vector.shape_cast %get3A_2814 : vector<16xf32> to vector<16xf32>
    %sub3A_2816 = arith.subf %get3A_2806, %get3A_2815 : vector<16xf32>
    %get3A_2817 = arith.constant 448 : index
    %get3A_2818 = tpu.vector_load %arg9[%get3A_2817] {strides = array<i32>} : memref<768xf32, #tpu.memory_space<vmem>>, vector<16xf32>,
    %get3A_2819 = vector.shape_cast %get3A_2818 : vector<16xf32> to vector<16xf32>
    %sub3A_2820 = arith.subf %get3A_2809, %get3A_2819 : vector<16xf32>
    %get3A_2821 = arith.constant 704 : index
    %get3A_2822 = tpu.vector_load %arg9[%get3A_2821] {strides = array<i32>} : memref<768xf32, #tpu.memory_space<vmem>>, vector<16xf32>,
    %get3A_2823 = vector.shape_cast %get3A_2822 : vector<16xf32> to vector<16xf32>
    %sub3A_2824 = arith.subf %get3A_2812, %get3A_2823 : vector<16xf32>
    %mul3A_2825 = arith.mulf %sub3A_2816, %sub3A_2816 : vector<16xf32>
    %mul3A_2826 = arith.mulf %sub3A_2820, %sub3A_2820 : vector<16xf32>
    %add3A_2827 = arith.addf %mul3A_2825, %mul3A_2826 : vector<16xf32>
    %mul3A_2828 = arith.mulf %sub3A_2824, %sub3A_2824 : vector<16xf32>
    %add3A_2829 = arith.addf %add3A_2827, %mul3A_2828 : vector<16xf32>
    %bitcast_convert_type3A_2830 = tpu.bitcast %add3A_2829 : vector<16xf32> -> vector<16xi32>
    %shift_right_arithmetic3A_2831 = arith.constant 1 : i32
    %shift_right_arithmetic3A_2832 = vector.broadcast %shift_right_arithmetic3A_2831 : i32 to vector<16xi32>
    %shift_right_arithmetic3A_2833 = arith.shrsi %bitcast_convert_type3A_2830, %shift_right_arithmetic3A_2832 : vector<16xi32>
    %sub3A_2834 = arith.constant 1597463007 : i32
    %sub3A_2835 = vector.broadcast %sub3A_2834 : i32 to vector<16xi32>
    %sub3A_2836 = arith.subi %sub3A_2835, %shift_right_arithmetic3A_2833 : vector<16xi32>
    %bitcast_convert_type3A_2837 = tpu.bitcast %sub3A_2836 : vector<16xi32> -> vector<16xf32>
    %mul3A_2838 = arith.constant 5.000000e-01 : f32
    %mul3A_2839 = vector.broadcast %mul3A_2838 : f32 to vector<16xf32>
    %mul3A_2840 = arith.mulf %mul3A_2839, %add3A_2829 : vector<16xf32>
    %mul3A_2841 = arith.mulf %mul3A_2840, %bitcast_convert_type3A_2837 : vector<16xf32>
    %mul3A_2842 = arith.mulf %mul3A_2841, %bitcast_convert_type3A_2837 : vector<16xf32>
    %sub3A_2843 = arith.constant 1.500000e+00 : f32
    %sub3A_2844 = vector.broadcast %sub3A_2843 : f32 to vector<16xf32>
    %sub3A_2845 = arith.subf %sub3A_2844, %mul3A_2842 : vector<16xf32>
    %mul3A_2846 = arith.mulf %bitcast_convert_type3A_2837, %sub3A_2845 : vector<16xf32>
    %mul3A_2847 = arith.constant 5.000000e-01 : f32
    %mul3A_2848 = vector.broadcast %mul3A_2847 : f32 to vector<16xf32>
    %mul3A_2849 = arith.mulf %mul3A_2848, %add3A_2829 : vector<16xf32>
    %mul3A_2850 = arith.mulf %mul3A_2849, %mul3A_2846 : vector<16xf32>
    %mul3A_2851 = arith.mulf %mul3A_2850, %mul3A_2846 : vector<16xf32>
    %sub3A_2852 = arith.constant 1.500000e+00 : f32
    %sub3A_2853 = vector.broadcast %sub3A_2852 : f32 to vector<16xf32>
    %sub3A_2854 = arith.subf %sub3A_2853, %mul3A_2851 : vector<16xf32>
    %mul3A_2855 = arith.mulf %mul3A_2846, %sub3A_2854 : vector<16xf32>
    %mul3A_2856 = arith.constant 5.000000e-01 : f32
    %mul3A_2857 = vector.broadcast %mul3A_2856 : f32 to vector<16xf32>
    %mul3A_2858 = arith.mulf %mul3A_2857, %add3A_2829 : vector<16xf32>
    %mul3A_2859 = arith.mulf %mul3A_2858, %mul3A_2855 : vector<16xf32>
    %mul3A_2860 = arith.mulf %mul3A_2859, %mul3A_2855 : vector<16xf32>
    %sub3A_2861 = arith.constant 1.500000e+00 : f32
    %sub3A_2862 = vector.broadcast %sub3A_2861 : f32 to vector<16xf32>
    %sub3A_2863 = arith.subf %sub3A_2862, %mul3A_2860 : vector<16xf32>
    %mul3A_2864 = arith.mulf %mul3A_2855, %sub3A_2863 : vector<16xf32>
    %mul3A_2865 = arith.constant 5.000000e-01 : f32
    %mul3A_2866 = vector.broadcast %mul3A_2865 : f32 to vector<16xf32>
    %mul3A_2867 = arith.mulf %mul3A_2866, %add3A_2829 : vector<16xf32>
    %mul3A_2868 = arith.mulf %mul3A_2867, %mul3A_2864 : vector<16xf32>
    %mul3A_2869 = arith.mulf %mul3A_2868, %mul3A_2864 : vector<16xf32>
    %sub3A_2870 = arith.constant 1.500000e+00 : f32
    %sub3A_2871 = vector.broadcast %sub3A_2870 : f32 to vector<16xf32>
    %sub3A_2872 = arith.subf %sub3A_2871, %mul3A_2869 : vector<16xf32>
    %mul3A_2873 = arith.mulf %mul3A_2864, %sub3A_2872 : vector<16xf32>
    %lt3A_2874 = arith.constant 1.000000e-35 : f32
    %lt3A_2875 = vector.broadcast %lt3A_2874 : f32 to vector<16xf32>
    %lt3A_2876 = arith.cmpf olt, %add3A_2829, %lt3A_2875 : vector<16xf32>
    %mul3A_2877 = arith.mulf %add3A_2829, %mul3A_2873 : vector<16xf32>
    %jit3A_2878 = arith.constant 0.000000e+00 : f32
    %broadcast_in_dim3A_2879 = vector.broadcast %jit3A_2878 : f32 to vector<16xf32>
    %select_n3A_2880 = arith.select %lt3A_2876, %broadcast_in_dim3A_2879, %mul3A_2877 : vector<16xi1>, vector<16xf32>
    %add3A_2881 = arith.addf %add3A_2734, %select_n3A_2880 : vector<16xf32>
    %get3A_2882 = arith.constant 192 : index
    %get3A_2883 = tpu.vector_load %arg10[%get3A_2882] {strides = array<i32>} : memref<768xf32, #tpu.memory_space<vmem>>, vector<16xf32>,
    %get3A_2884 = vector.shape_cast %get3A_2883 : vector<16xf32> to vector<16xf32>
    %sub3A_2885 = arith.subf %get3A_2806, %get3A_2884 : vector<16xf32>
    %get3A_2886 = arith.constant 448 : index
    %get3A_2887 = tpu.vector_load %arg10[%get3A_2886] {strides = array<i32>} : memref<768xf32, #tpu.memory_space<vmem>>, vector<16xf32>,
    %get3A_2888 = vector.shape_cast %get3A_2887 : vector<16xf32> to vector<16xf32>
    %sub3A_2889 = arith.subf %get3A_2809, %get3A_2888 : vector<16xf32>
    %get3A_2890 = arith.constant 704 : index
    %get3A_2891 = tpu.vector_load %arg10[%get3A_2890] {strides = array<i32>} : memref<768xf32, #tpu.memory_space<vmem>>, vector<16xf32>,
    %get3A_2892 = vector.shape_cast %get3A_2891 : vector<16xf32> to vector<16xf32>
    %sub3A_2893 = arith.subf %get3A_2812, %get3A_2892 : vector<16xf32>
    %mul3A_2894 = arith.mulf %sub3A_2885, %sub3A_2885 : vector<16xf32>
    %mul3A_2895 = arith.mulf %sub3A_2889, %sub3A_2889 : vector<16xf32>
    %add3A_2896 = arith.addf %mul3A_2894, %mul3A_2895 : vector<16xf32>
    %mul3A_2897 = arith.mulf %sub3A_2893, %sub3A_2893 : vector<16xf32>
    %add3A_2898 = arith.addf %add3A_2896, %mul3A_2897 : vector<16xf32>
    %bitcast_convert_type3A_2899 = tpu.bitcast %add3A_2898 : vector<16xf32> -> vector<16xi32>
    %shift_right_arithmetic3A_2900 = arith.constant 1 : i32
    %shift_right_arithmetic3A_2901 = vector.broadcast %shift_right_arithmetic3A_2900 : i32 to vector<16xi32>
    %shift_right_arithmetic3A_2902 = arith.shrsi %bitcast_convert_type3A_2899, %shift_right_arithmetic3A_2901 : vector<16xi32>
    %sub3A_2903 = arith.constant 1597463007 : i32
    %sub3A_2904 = vector.broadcast %sub3A_2903 : i32 to vector<16xi32>
    %sub3A_2905 = arith.subi %sub3A_2904, %shift_right_arithmetic3A_2902 : vector<16xi32>
    %bitcast_convert_type3A_2906 = tpu.bitcast %sub3A_2905 : vector<16xi32> -> vector<16xf32>
    %mul3A_2907 = arith.constant 5.000000e-01 : f32
    %mul3A_2908 = vector.broadcast %mul3A_2907 : f32 to vector<16xf32>
    %mul3A_2909 = arith.mulf %mul3A_2908, %add3A_2898 : vector<16xf32>
    %mul3A_2910 = arith.mulf %mul3A_2909, %bitcast_convert_type3A_2906 : vector<16xf32>
    %mul3A_2911 = arith.mulf %mul3A_2910, %bitcast_convert_type3A_2906 : vector<16xf32>
    %sub3A_2912 = arith.constant 1.500000e+00 : f32
    %sub3A_2913 = vector.broadcast %sub3A_2912 : f32 to vector<16xf32>
    %sub3A_2914 = arith.subf %sub3A_2913, %mul3A_2911 : vector<16xf32>
    %mul3A_2915 = arith.mulf %bitcast_convert_type3A_2906, %sub3A_2914 : vector<16xf32>
    %mul3A_2916 = arith.constant 5.000000e-01 : f32
    %mul3A_2917 = vector.broadcast %mul3A_2916 : f32 to vector<16xf32>
    %mul3A_2918 = arith.mulf %mul3A_2917, %add3A_2898 : vector<16xf32>
    %mul3A_2919 = arith.mulf %mul3A_2918, %mul3A_2915 : vector<16xf32>
    %mul3A_2920 = arith.mulf %mul3A_2919, %mul3A_2915 : vector<16xf32>
    %sub3A_2921 = arith.constant 1.500000e+00 : f32
    %sub3A_2922 = vector.broadcast %sub3A_2921 : f32 to vector<16xf32>
    %sub3A_2923 = arith.subf %sub3A_2922, %mul3A_2920 : vector<16xf32>
    %mul3A_2924 = arith.mulf %mul3A_2915, %sub3A_2923 : vector<16xf32>
    %mul3A_2925 = arith.constant 5.000000e-01 : f32
    %mul3A_2926 = vector.broadcast %mul3A_2925 : f32 to vector<16xf32>
    %mul3A_2927 = arith.mulf %mul3A_2926, %add3A_2898 : vector<16xf32>
    %mul3A_2928 = arith.mulf %mul3A_2927, %mul3A_2924 : vector<16xf32>
    %mul3A_2929 = arith.mulf %mul3A_2928, %mul3A_2924 : vector<16xf32>
    %sub3A_2930 = arith.constant 1.500000e+00 : f32
    %sub3A_2931 = vector.broadcast %sub3A_2930 : f32 to vector<16xf32>
    %sub3A_2932 = arith.subf %sub3A_2931, %mul3A_2929 : vector<16xf32>
    %mul3A_2933 = arith.mulf %mul3A_2924, %sub3A_2932 : vector<16xf32>
    %mul3A_2934 = arith.constant 5.000000e-01 : f32
    %mul3A_2935 = vector.broadcast %mul3A_2934 : f32 to vector<16xf32>
    %mul3A_2936 = arith.mulf %mul3A_2935, %add3A_2898 : vector<16xf32>
    %mul3A_2937 = arith.mulf %mul3A_2936, %mul3A_2933 : vector<16xf32>
    %mul3A_2938 = arith.mulf %mul3A_2937, %mul3A_2933 : vector<16xf32>
    %sub3A_2939 = arith.constant 1.500000e+00 : f32
    %sub3A_2940 = vector.broadcast %sub3A_2939 : f32 to vector<16xf32>
    %sub3A_2941 = arith.subf %sub3A_2940, %mul3A_2938 : vector<16xf32>
    %mul3A_2942 = arith.mulf %mul3A_2933, %sub3A_2941 : vector<16xf32>
    %lt3A_2943 = arith.constant 1.000000e-35 : f32
    %lt3A_2944 = vector.broadcast %lt3A_2943 : f32 to vector<16xf32>
    %lt3A_2945 = arith.cmpf olt, %add3A_2898, %lt3A_2944 : vector<16xf32>
    %mul3A_2946 = arith.mulf %add3A_2898, %mul3A_2942 : vector<16xf32>
    %jit3A_2947 = arith.constant 0.000000e+00 : f32
    %broadcast_in_dim3A_2948 = vector.broadcast %jit3A_2947 : f32 to vector<16xf32>
    %select_n3A_2949 = arith.select %lt3A_2945, %broadcast_in_dim3A_2948, %mul3A_2946 : vector<16xi1>, vector<16xf32>
    %add3A_2950 = arith.addf %add3A_2803, %select_n3A_2949 : vector<16xf32>
    %get3A_2951 = arith.constant 464 : index
    %get3A_2952 = tpu.vector_load %arg7[%get3A_2951] {strides = array<i32>} : memref<1024xf32, #tpu.memory_space<vmem>>, vector<16xf32>,
    %get3A_2953 = vector.shape_cast %get3A_2952 : vector<16xf32> to vector<16xf32>
    %get3A_2954 = arith.constant 720 : index
    %get3A_2955 = tpu.vector_load %arg7[%get3A_2954] {strides = array<i32>} : memref<1024xf32, #tpu.memory_space<vmem>>, vector<16xf32>,
    %get3A_2956 = vector.shape_cast %get3A_2955 : vector<16xf32> to vector<16xf32>
    %get3A_2957 = arith.constant 976 : index
    %get3A_2958 = tpu.vector_load %arg7[%get3A_2957] {strides = array<i32>} : memref<1024xf32, #tpu.memory_space<vmem>>, vector<16xf32>,
    %get3A_2959 = vector.shape_cast %get3A_2958 : vector<16xf32> to vector<16xf32>
    %get3A_2960 = arith.constant 208 : index
    %get3A_2961 = tpu.vector_load %arg9[%get3A_2960] {strides = array<i32>} : memref<768xf32, #tpu.memory_space<vmem>>, vector<16xf32>,
    %get3A_2962 = vector.shape_cast %get3A_2961 : vector<16xf32> to vector<16xf32>
    %sub3A_2963 = arith.subf %get3A_2953, %get3A_2962 : vector<16xf32>
    %get3A_2964 = arith.constant 464 : index
    %get3A_2965 = tpu.vector_load %arg9[%get3A_2964] {strides = array<i32>} : memref<768xf32, #tpu.memory_space<vmem>>, vector<16xf32>,
    %get3A_2966 = vector.shape_cast %get3A_2965 : vector<16xf32> to vector<16xf32>
    %sub3A_2967 = arith.subf %get3A_2956, %get3A_2966 : vector<16xf32>
    %get3A_2968 = arith.constant 720 : index
    %get3A_2969 = tpu.vector_load %arg9[%get3A_2968] {strides = array<i32>} : memref<768xf32, #tpu.memory_space<vmem>>, vector<16xf32>,
    %get3A_2970 = vector.shape_cast %get3A_2969 : vector<16xf32> to vector<16xf32>
    %sub3A_2971 = arith.subf %get3A_2959, %get3A_2970 : vector<16xf32>
    %mul3A_2972 = arith.mulf %sub3A_2963, %sub3A_2963 : vector<16xf32>
    %mul3A_2973 = arith.mulf %sub3A_2967, %sub3A_2967 : vector<16xf32>
    %add3A_2974 = arith.addf %mul3A_2972, %mul3A_2973 : vector<16xf32>
    %mul3A_2975 = arith.mulf %sub3A_2971, %sub3A_2971 : vector<16xf32>
    %add3A_2976 = arith.addf %add3A_2974, %mul3A_2975 : vector<16xf32>
    %bitcast_convert_type3A_2977 = tpu.bitcast %add3A_2976 : vector<16xf32> -> vector<16xi32>
    %shift_right_arithmetic3A_2978 = arith.constant 1 : i32
    %shift_right_arithmetic3A_2979 = vector.broadcast %shift_right_arithmetic3A_2978 : i32 to vector<16xi32>
    %shift_right_arithmetic3A_2980 = arith.shrsi %bitcast_convert_type3A_2977, %shift_right_arithmetic3A_2979 : vector<16xi32>
    %sub3A_2981 = arith.constant 1597463007 : i32
    %sub3A_2982 = vector.broadcast %sub3A_2981 : i32 to vector<16xi32>
    %sub3A_2983 = arith.subi %sub3A_2982, %shift_right_arithmetic3A_2980 : vector<16xi32>
    %bitcast_convert_type3A_2984 = tpu.bitcast %sub3A_2983 : vector<16xi32> -> vector<16xf32>
    %mul3A_2985 = arith.constant 5.000000e-01 : f32
    %mul3A_2986 = vector.broadcast %mul3A_2985 : f32 to vector<16xf32>
    %mul3A_2987 = arith.mulf %mul3A_2986, %add3A_2976 : vector<16xf32>
    %mul3A_2988 = arith.mulf %mul3A_2987, %bitcast_convert_type3A_2984 : vector<16xf32>
    %mul3A_2989 = arith.mulf %mul3A_2988, %bitcast_convert_type3A_2984 : vector<16xf32>
    %sub3A_2990 = arith.constant 1.500000e+00 : f32
    %sub3A_2991 = vector.broadcast %sub3A_2990 : f32 to vector<16xf32>
    %sub3A_2992 = arith.subf %sub3A_2991, %mul3A_2989 : vector<16xf32>
    %mul3A_2993 = arith.mulf %bitcast_convert_type3A_2984, %sub3A_2992 : vector<16xf32>
    %mul3A_2994 = arith.constant 5.000000e-01 : f32
    %mul3A_2995 = vector.broadcast %mul3A_2994 : f32 to vector<16xf32>
    %mul3A_2996 = arith.mulf %mul3A_2995, %add3A_2976 : vector<16xf32>
    %mul3A_2997 = arith.mulf %mul3A_2996, %mul3A_2993 : vector<16xf32>
    %mul3A_2998 = arith.mulf %mul3A_2997, %mul3A_2993 : vector<16xf32>
    %sub3A_2999 = arith.constant 1.500000e+00 : f32
    %sub3A_3000 = vector.broadcast %sub3A_2999 : f32 to vector<16xf32>
    %sub3A_3001 = arith.subf %sub3A_3000, %mul3A_2998 : vector<16xf32>
    %mul3A_3002 = arith.mulf %mul3A_2993, %sub3A_3001 : vector<16xf32>
    %mul3A_3003 = arith.constant 5.000000e-01 : f32
    %mul3A_3004 = vector.broadcast %mul3A_3003 : f32 to vector<16xf32>
    %mul3A_3005 = arith.mulf %mul3A_3004, %add3A_2976 : vector<16xf32>
    %mul3A_3006 = arith.mulf %mul3A_3005, %mul3A_3002 : vector<16xf32>
    %mul3A_3007 = arith.mulf %mul3A_3006, %mul3A_3002 : vector<16xf32>
    %sub3A_3008 = arith.constant 1.500000e+00 : f32
    %sub3A_3009 = vector.broadcast %sub3A_3008 : f32 to vector<16xf32>
    %sub3A_3010 = arith.subf %sub3A_3009, %mul3A_3007 : vector<16xf32>
    %mul3A_3011 = arith.mulf %mul3A_3002, %sub3A_3010 : vector<16xf32>
    %mul3A_3012 = arith.constant 5.000000e-01 : f32
    %mul3A_3013 = vector.broadcast %mul3A_3012 : f32 to vector<16xf32>
    %mul3A_3014 = arith.mulf %mul3A_3013, %add3A_2976 : vector<16xf32>
    %mul3A_3015 = arith.mulf %mul3A_3014, %mul3A_3011 : vector<16xf32>
    %mul3A_3016 = arith.mulf %mul3A_3015, %mul3A_3011 : vector<16xf32>
    %sub3A_3017 = arith.constant 1.500000e+00 : f32
    %sub3A_3018 = vector.broadcast %sub3A_3017 : f32 to vector<16xf32>
    %sub3A_3019 = arith.subf %sub3A_3018, %mul3A_3016 : vector<16xf32>
    %mul3A_3020 = arith.mulf %mul3A_3011, %sub3A_3019 : vector<16xf32>
    %lt3A_3021 = arith.constant 1.000000e-35 : f32
    %lt3A_3022 = vector.broadcast %lt3A_3021 : f32 to vector<16xf32>
    %lt3A_3023 = arith.cmpf olt, %add3A_2976, %lt3A_3022 : vector<16xf32>
    %mul3A_3024 = arith.mulf %add3A_2976, %mul3A_3020 : vector<16xf32>
    %jit3A_3025 = arith.constant 0.000000e+00 : f32
    %broadcast_in_dim3A_3026 = vector.broadcast %jit3A_3025 : f32 to vector<16xf32>
    %select_n3A_3027 = arith.select %lt3A_3023, %broadcast_in_dim3A_3026, %mul3A_3024 : vector<16xi1>, vector<16xf32>
    %add3A_3028 = arith.addf %add3A_2881, %select_n3A_3027 : vector<16xf32>
    %get3A_3029 = arith.constant 208 : index
    %get3A_3030 = tpu.vector_load %arg10[%get3A_3029] {strides = array<i32>} : memref<768xf32, #tpu.memory_space<vmem>>, vector<16xf32>,
    %get3A_3031 = vector.shape_cast %get3A_3030 : vector<16xf32> to vector<16xf32>
    %sub3A_3032 = arith.subf %get3A_2953, %get3A_3031 : vector<16xf32>
    %get3A_3033 = arith.constant 464 : index
    %get3A_3034 = tpu.vector_load %arg10[%get3A_3033] {strides = array<i32>} : memref<768xf32, #tpu.memory_space<vmem>>, vector<16xf32>,
    %get3A_3035 = vector.shape_cast %get3A_3034 : vector<16xf32> to vector<16xf32>
    %sub3A_3036 = arith.subf %get3A_2956, %get3A_3035 : vector<16xf32>
    %get3A_3037 = arith.constant 720 : index
    %get3A_3038 = tpu.vector_load %arg10[%get3A_3037] {strides = array<i32>} : memref<768xf32, #tpu.memory_space<vmem>>, vector<16xf32>,
    %get3A_3039 = vector.shape_cast %get3A_3038 : vector<16xf32> to vector<16xf32>
    %sub3A_3040 = arith.subf %get3A_2959, %get3A_3039 : vector<16xf32>
    %mul3A_3041 = arith.mulf %sub3A_3032, %sub3A_3032 : vector<16xf32>
    %mul3A_3042 = arith.mulf %sub3A_3036, %sub3A_3036 : vector<16xf32>
    %add3A_3043 = arith.addf %mul3A_3041, %mul3A_3042 : vector<16xf32>
    %mul3A_3044 = arith.mulf %sub3A_3040, %sub3A_3040 : vector<16xf32>
    %add3A_3045 = arith.addf %add3A_3043, %mul3A_3044 : vector<16xf32>
    %bitcast_convert_type3A_3046 = tpu.bitcast %add3A_3045 : vector<16xf32> -> vector<16xi32>
    %shift_right_arithmetic3A_3047 = arith.constant 1 : i32
    %shift_right_arithmetic3A_3048 = vector.broadcast %shift_right_arithmetic3A_3047 : i32 to vector<16xi32>
    %shift_right_arithmetic3A_3049 = arith.shrsi %bitcast_convert_type3A_3046, %shift_right_arithmetic3A_3048 : vector<16xi32>
    %sub3A_3050 = arith.constant 1597463007 : i32
    %sub3A_3051 = vector.broadcast %sub3A_3050 : i32 to vector<16xi32>
    %sub3A_3052 = arith.subi %sub3A_3051, %shift_right_arithmetic3A_3049 : vector<16xi32>
    %bitcast_convert_type3A_3053 = tpu.bitcast %sub3A_3052 : vector<16xi32> -> vector<16xf32>
    %mul3A_3054 = arith.constant 5.000000e-01 : f32
    %mul3A_3055 = vector.broadcast %mul3A_3054 : f32 to vector<16xf32>
    %mul3A_3056 = arith.mulf %mul3A_3055, %add3A_3045 : vector<16xf32>
    %mul3A_3057 = arith.mulf %mul3A_3056, %bitcast_convert_type3A_3053 : vector<16xf32>
    %mul3A_3058 = arith.mulf %mul3A_3057, %bitcast_convert_type3A_3053 : vector<16xf32>
    %sub3A_3059 = arith.constant 1.500000e+00 : f32
    %sub3A_3060 = vector.broadcast %sub3A_3059 : f32 to vector<16xf32>
    %sub3A_3061 = arith.subf %sub3A_3060, %mul3A_3058 : vector<16xf32>
    %mul3A_3062 = arith.mulf %bitcast_convert_type3A_3053, %sub3A_3061 : vector<16xf32>
    %mul3A_3063 = arith.constant 5.000000e-01 : f32
    %mul3A_3064 = vector.broadcast %mul3A_3063 : f32 to vector<16xf32>
    %mul3A_3065 = arith.mulf %mul3A_3064, %add3A_3045 : vector<16xf32>
    %mul3A_3066 = arith.mulf %mul3A_3065, %mul3A_3062 : vector<16xf32>
    %mul3A_3067 = arith.mulf %mul3A_3066, %mul3A_3062 : vector<16xf32>
    %sub3A_3068 = arith.constant 1.500000e+00 : f32
    %sub3A_3069 = vector.broadcast %sub3A_3068 : f32 to vector<16xf32>
    %sub3A_3070 = arith.subf %sub3A_3069, %mul3A_3067 : vector<16xf32>
    %mul3A_3071 = arith.mulf %mul3A_3062, %sub3A_3070 : vector<16xf32>
    %mul3A_3072 = arith.constant 5.000000e-01 : f32
    %mul3A_3073 = vector.broadcast %mul3A_3072 : f32 to vector<16xf32>
    %mul3A_3074 = arith.mulf %mul3A_3073, %add3A_3045 : vector<16xf32>
    %mul3A_3075 = arith.mulf %mul3A_3074, %mul3A_3071 : vector<16xf32>
    %mul3A_3076 = arith.mulf %mul3A_3075, %mul3A_3071 : vector<16xf32>
    %sub3A_3077 = arith.constant 1.500000e+00 : f32
    %sub3A_3078 = vector.broadcast %sub3A_3077 : f32 to vector<16xf32>
    %sub3A_3079 = arith.subf %sub3A_3078, %mul3A_3076 : vector<16xf32>
    %mul3A_3080 = arith.mulf %mul3A_3071, %sub3A_3079 : vector<16xf32>
    %mul3A_3081 = arith.constant 5.000000e-01 : f32
    %mul3A_3082 = vector.broadcast %mul3A_3081 : f32 to vector<16xf32>
    %mul3A_3083 = arith.mulf %mul3A_3082, %add3A_3045 : vector<16xf32>
    %mul3A_3084 = arith.mulf %mul3A_3083, %mul3A_3080 : vector<16xf32>
    %mul3A_3085 = arith.mulf %mul3A_3084, %mul3A_3080 : vector<16xf32>
    %sub3A_3086 = arith.constant 1.500000e+00 : f32
    %sub3A_3087 = vector.broadcast %sub3A_3086 : f32 to vector<16xf32>
    %sub3A_3088 = arith.subf %sub3A_3087, %mul3A_3085 : vector<16xf32>
    %mul3A_3089 = arith.mulf %mul3A_3080, %sub3A_3088 : vector<16xf32>
    %lt3A_3090 = arith.constant 1.000000e-35 : f32
    %lt3A_3091 = vector.broadcast %lt3A_3090 : f32 to vector<16xf32>
    %lt3A_3092 = arith.cmpf olt, %add3A_3045, %lt3A_3091 : vector<16xf32>
    %mul3A_3093 = arith.mulf %add3A_3045, %mul3A_3089 : vector<16xf32>
    %jit3A_3094 = arith.constant 0.000000e+00 : f32
    %broadcast_in_dim3A_3095 = vector.broadcast %jit3A_3094 : f32 to vector<16xf32>
    %select_n3A_3096 = arith.select %lt3A_3092, %broadcast_in_dim3A_3095, %mul3A_3093 : vector<16xi1>, vector<16xf32>
    %add3A_3097 = arith.addf %add3A_2950, %select_n3A_3096 : vector<16xf32>
    %get3A_3098 = arith.constant 480 : index
    %get3A_3099 = tpu.vector_load %arg7[%get3A_3098] {strides = array<i32>} : memref<1024xf32, #tpu.memory_space<vmem>>, vector<16xf32>,
    %get3A_3100 = vector.shape_cast %get3A_3099 : vector<16xf32> to vector<16xf32>
    %get3A_3101 = arith.constant 736 : index
    %get3A_3102 = tpu.vector_load %arg7[%get3A_3101] {strides = array<i32>} : memref<1024xf32, #tpu.memory_space<vmem>>, vector<16xf32>,
    %get3A_3103 = vector.shape_cast %get3A_3102 : vector<16xf32> to vector<16xf32>
    %get3A_3104 = arith.constant 992 : index
    %get3A_3105 = tpu.vector_load %arg7[%get3A_3104] {strides = array<i32>} : memref<1024xf32, #tpu.memory_space<vmem>>, vector<16xf32>,
    %get3A_3106 = vector.shape_cast %get3A_3105 : vector<16xf32> to vector<16xf32>
    %get3A_3107 = arith.constant 224 : index
    %get3A_3108 = tpu.vector_load %arg9[%get3A_3107] {strides = array<i32>} : memref<768xf32, #tpu.memory_space<vmem>>, vector<16xf32>,
    %get3A_3109 = vector.shape_cast %get3A_3108 : vector<16xf32> to vector<16xf32>
    %sub3A_3110 = arith.subf %get3A_3100, %get3A_3109 : vector<16xf32>
    %get3A_3111 = arith.constant 480 : index
    %get3A_3112 = tpu.vector_load %arg9[%get3A_3111] {strides = array<i32>} : memref<768xf32, #tpu.memory_space<vmem>>, vector<16xf32>,
    %get3A_3113 = vector.shape_cast %get3A_3112 : vector<16xf32> to vector<16xf32>
    %sub3A_3114 = arith.subf %get3A_3103, %get3A_3113 : vector<16xf32>
    %get3A_3115 = arith.constant 736 : index
    %get3A_3116 = tpu.vector_load %arg9[%get3A_3115] {strides = array<i32>} : memref<768xf32, #tpu.memory_space<vmem>>, vector<16xf32>,
    %get3A_3117 = vector.shape_cast %get3A_3116 : vector<16xf32> to vector<16xf32>
    %sub3A_3118 = arith.subf %get3A_3106, %get3A_3117 : vector<16xf32>
    %mul3A_3119 = arith.mulf %sub3A_3110, %sub3A_3110 : vector<16xf32>
    %mul3A_3120 = arith.mulf %sub3A_3114, %sub3A_3114 : vector<16xf32>
    %add3A_3121 = arith.addf %mul3A_3119, %mul3A_3120 : vector<16xf32>
    %mul3A_3122 = arith.mulf %sub3A_3118, %sub3A_3118 : vector<16xf32>
    %add3A_3123 = arith.addf %add3A_3121, %mul3A_3122 : vector<16xf32>
    %bitcast_convert_type3A_3124 = tpu.bitcast %add3A_3123 : vector<16xf32> -> vector<16xi32>
    %shift_right_arithmetic3A_3125 = arith.constant 1 : i32
    %shift_right_arithmetic3A_3126 = vector.broadcast %shift_right_arithmetic3A_3125 : i32 to vector<16xi32>
    %shift_right_arithmetic3A_3127 = arith.shrsi %bitcast_convert_type3A_3124, %shift_right_arithmetic3A_3126 : vector<16xi32>
    %sub3A_3128 = arith.constant 1597463007 : i32
    %sub3A_3129 = vector.broadcast %sub3A_3128 : i32 to vector<16xi32>
    %sub3A_3130 = arith.subi %sub3A_3129, %shift_right_arithmetic3A_3127 : vector<16xi32>
    %bitcast_convert_type3A_3131 = tpu.bitcast %sub3A_3130 : vector<16xi32> -> vector<16xf32>
    %mul3A_3132 = arith.constant 5.000000e-01 : f32
    %mul3A_3133 = vector.broadcast %mul3A_3132 : f32 to vector<16xf32>
    %mul3A_3134 = arith.mulf %mul3A_3133, %add3A_3123 : vector<16xf32>
    %mul3A_3135 = arith.mulf %mul3A_3134, %bitcast_convert_type3A_3131 : vector<16xf32>
    %mul3A_3136 = arith.mulf %mul3A_3135, %bitcast_convert_type3A_3131 : vector<16xf32>
    %sub3A_3137 = arith.constant 1.500000e+00 : f32
    %sub3A_3138 = vector.broadcast %sub3A_3137 : f32 to vector<16xf32>
    %sub3A_3139 = arith.subf %sub3A_3138, %mul3A_3136 : vector<16xf32>
    %mul3A_3140 = arith.mulf %bitcast_convert_type3A_3131, %sub3A_3139 : vector<16xf32>
    %mul3A_3141 = arith.constant 5.000000e-01 : f32
    %mul3A_3142 = vector.broadcast %mul3A_3141 : f32 to vector<16xf32>
    %mul3A_3143 = arith.mulf %mul3A_3142, %add3A_3123 : vector<16xf32>
    %mul3A_3144 = arith.mulf %mul3A_3143, %mul3A_3140 : vector<16xf32>
    %mul3A_3145 = arith.mulf %mul3A_3144, %mul3A_3140 : vector<16xf32>
    %sub3A_3146 = arith.constant 1.500000e+00 : f32
    %sub3A_3147 = vector.broadcast %sub3A_3146 : f32 to vector<16xf32>
    %sub3A_3148 = arith.subf %sub3A_3147, %mul3A_3145 : vector<16xf32>
    %mul3A_3149 = arith.mulf %mul3A_3140, %sub3A_3148 : vector<16xf32>
    %mul3A_3150 = arith.constant 5.000000e-01 : f32
    %mul3A_3151 = vector.broadcast %mul3A_3150 : f32 to vector<16xf32>
    %mul3A_3152 = arith.mulf %mul3A_3151, %add3A_3123 : vector<16xf32>
    %mul3A_3153 = arith.mulf %mul3A_3152, %mul3A_3149 : vector<16xf32>
    %mul3A_3154 = arith.mulf %mul3A_3153, %mul3A_3149 : vector<16xf32>
    %sub3A_3155 = arith.constant 1.500000e+00 : f32
    %sub3A_3156 = vector.broadcast %sub3A_3155 : f32 to vector<16xf32>
    %sub3A_3157 = arith.subf %sub3A_3156, %mul3A_3154 : vector<16xf32>
    %mul3A_3158 = arith.mulf %mul3A_3149, %sub3A_3157 : vector<16xf32>
    %mul3A_3159 = arith.constant 5.000000e-01 : f32
    %mul3A_3160 = vector.broadcast %mul3A_3159 : f32 to vector<16xf32>
    %mul3A_3161 = arith.mulf %mul3A_3160, %add3A_3123 : vector<16xf32>
    %mul3A_3162 = arith.mulf %mul3A_3161, %mul3A_3158 : vector<16xf32>
    %mul3A_3163 = arith.mulf %mul3A_3162, %mul3A_3158 : vector<16xf32>
    %sub3A_3164 = arith.constant 1.500000e+00 : f32
    %sub3A_3165 = vector.broadcast %sub3A_3164 : f32 to vector<16xf32>
    %sub3A_3166 = arith.subf %sub3A_3165, %mul3A_3163 : vector<16xf32>
    %mul3A_3167 = arith.mulf %mul3A_3158, %sub3A_3166 : vector<16xf32>
    %lt3A_3168 = arith.constant 1.000000e-35 : f32
    %lt3A_3169 = vector.broadcast %lt3A_3168 : f32 to vector<16xf32>
    %lt3A_3170 = arith.cmpf olt, %add3A_3123, %lt3A_3169 : vector<16xf32>
    %mul3A_3171 = arith.mulf %add3A_3123, %mul3A_3167 : vector<16xf32>
    %jit3A_3172 = arith.constant 0.000000e+00 : f32
    %broadcast_in_dim3A_3173 = vector.broadcast %jit3A_3172 : f32 to vector<16xf32>
    %select_n3A_3174 = arith.select %lt3A_3170, %broadcast_in_dim3A_3173, %mul3A_3171 : vector<16xi1>, vector<16xf32>
    %add3A_3175 = arith.addf %add3A_3028, %select_n3A_3174 : vector<16xf32>
    %get3A_3176 = arith.constant 224 : index
    %get3A_3177 = tpu.vector_load %arg10[%get3A_3176] {strides = array<i32>} : memref<768xf32, #tpu.memory_space<vmem>>, vector<16xf32>,
    %get3A_3178 = vector.shape_cast %get3A_3177 : vector<16xf32> to vector<16xf32>
    %sub3A_3179 = arith.subf %get3A_3100, %get3A_3178 : vector<16xf32>
    %get3A_3180 = arith.constant 480 : index
    %get3A_3181 = tpu.vector_load %arg10[%get3A_3180] {strides = array<i32>} : memref<768xf32, #tpu.memory_space<vmem>>, vector<16xf32>,
    %get3A_3182 = vector.shape_cast %get3A_3181 : vector<16xf32> to vector<16xf32>
    %sub3A_3183 = arith.subf %get3A_3103, %get3A_3182 : vector<16xf32>
    %get3A_3184 = arith.constant 736 : index
    %get3A_3185 = tpu.vector_load %arg10[%get3A_3184] {strides = array<i32>} : memref<768xf32, #tpu.memory_space<vmem>>, vector<16xf32>,
    %get3A_3186 = vector.shape_cast %get3A_3185 : vector<16xf32> to vector<16xf32>
    %sub3A_3187 = arith.subf %get3A_3106, %get3A_3186 : vector<16xf32>
    %mul3A_3188 = arith.mulf %sub3A_3179, %sub3A_3179 : vector<16xf32>
    %mul3A_3189 = arith.mulf %sub3A_3183, %sub3A_3183 : vector<16xf32>
    %add3A_3190 = arith.addf %mul3A_3188, %mul3A_3189 : vector<16xf32>
    %mul3A_3191 = arith.mulf %sub3A_3187, %sub3A_3187 : vector<16xf32>
    %add3A_3192 = arith.addf %add3A_3190, %mul3A_3191 : vector<16xf32>
    %bitcast_convert_type3A_3193 = tpu.bitcast %add3A_3192 : vector<16xf32> -> vector<16xi32>
    %shift_right_arithmetic3A_3194 = arith.constant 1 : i32
    %shift_right_arithmetic3A_3195 = vector.broadcast %shift_right_arithmetic3A_3194 : i32 to vector<16xi32>
    %shift_right_arithmetic3A_3196 = arith.shrsi %bitcast_convert_type3A_3193, %shift_right_arithmetic3A_3195 : vector<16xi32>
    %sub3A_3197 = arith.constant 1597463007 : i32
    %sub3A_3198 = vector.broadcast %sub3A_3197 : i32 to vector<16xi32>
    %sub3A_3199 = arith.subi %sub3A_3198, %shift_right_arithmetic3A_3196 : vector<16xi32>
    %bitcast_convert_type3A_3200 = tpu.bitcast %sub3A_3199 : vector<16xi32> -> vector<16xf32>
    %mul3A_3201 = arith.constant 5.000000e-01 : f32
    %mul3A_3202 = vector.broadcast %mul3A_3201 : f32 to vector<16xf32>
    %mul3A_3203 = arith.mulf %mul3A_3202, %add3A_3192 : vector<16xf32>
    %mul3A_3204 = arith.mulf %mul3A_3203, %bitcast_convert_type3A_3200 : vector<16xf32>
    %mul3A_3205 = arith.mulf %mul3A_3204, %bitcast_convert_type3A_3200 : vector<16xf32>
    %sub3A_3206 = arith.constant 1.500000e+00 : f32
    %sub3A_3207 = vector.broadcast %sub3A_3206 : f32 to vector<16xf32>
    %sub3A_3208 = arith.subf %sub3A_3207, %mul3A_3205 : vector<16xf32>
    %mul3A_3209 = arith.mulf %bitcast_convert_type3A_3200, %sub3A_3208 : vector<16xf32>
    %mul3A_3210 = arith.constant 5.000000e-01 : f32
    %mul3A_3211 = vector.broadcast %mul3A_3210 : f32 to vector<16xf32>
    %mul3A_3212 = arith.mulf %mul3A_3211, %add3A_3192 : vector<16xf32>
    %mul3A_3213 = arith.mulf %mul3A_3212, %mul3A_3209 : vector<16xf32>
    %mul3A_3214 = arith.mulf %mul3A_3213, %mul3A_3209 : vector<16xf32>
    %sub3A_3215 = arith.constant 1.500000e+00 : f32
    %sub3A_3216 = vector.broadcast %sub3A_3215 : f32 to vector<16xf32>
    %sub3A_3217 = arith.subf %sub3A_3216, %mul3A_3214 : vector<16xf32>
    %mul3A_3218 = arith.mulf %mul3A_3209, %sub3A_3217 : vector<16xf32>
    %mul3A_3219 = arith.constant 5.000000e-01 : f32
    %mul3A_3220 = vector.broadcast %mul3A_3219 : f32 to vector<16xf32>
    %mul3A_3221 = arith.mulf %mul3A_3220, %add3A_3192 : vector<16xf32>
    %mul3A_3222 = arith.mulf %mul3A_3221, %mul3A_3218 : vector<16xf32>
    %mul3A_3223 = arith.mulf %mul3A_3222, %mul3A_3218 : vector<16xf32>
    %sub3A_3224 = arith.constant 1.500000e+00 : f32
    %sub3A_3225 = vector.broadcast %sub3A_3224 : f32 to vector<16xf32>
    %sub3A_3226 = arith.subf %sub3A_3225, %mul3A_3223 : vector<16xf32>
    %mul3A_3227 = arith.mulf %mul3A_3218, %sub3A_3226 : vector<16xf32>
    %mul3A_3228 = arith.constant 5.000000e-01 : f32
    %mul3A_3229 = vector.broadcast %mul3A_3228 : f32 to vector<16xf32>
    %mul3A_3230 = arith.mulf %mul3A_3229, %add3A_3192 : vector<16xf32>
    %mul3A_3231 = arith.mulf %mul3A_3230, %mul3A_3227 : vector<16xf32>
    %mul3A_3232 = arith.mulf %mul3A_3231, %mul3A_3227 : vector<16xf32>
    %sub3A_3233 = arith.constant 1.500000e+00 : f32
    %sub3A_3234 = vector.broadcast %sub3A_3233 : f32 to vector<16xf32>
    %sub3A_3235 = arith.subf %sub3A_3234, %mul3A_3232 : vector<16xf32>
    %mul3A_3236 = arith.mulf %mul3A_3227, %sub3A_3235 : vector<16xf32>
    %lt3A_3237 = arith.constant 1.000000e-35 : f32
    %lt3A_3238 = vector.broadcast %lt3A_3237 : f32 to vector<16xf32>
    %lt3A_3239 = arith.cmpf olt, %add3A_3192, %lt3A_3238 : vector<16xf32>
    %mul3A_3240 = arith.mulf %add3A_3192, %mul3A_3236 : vector<16xf32>
    %jit3A_3241 = arith.constant 0.000000e+00 : f32
    %broadcast_in_dim3A_3242 = vector.broadcast %jit3A_3241 : f32 to vector<16xf32>
    %select_n3A_3243 = arith.select %lt3A_3239, %broadcast_in_dim3A_3242, %mul3A_3240 : vector<16xi1>, vector<16xf32>
    %add3A_3244 = arith.addf %add3A_3097, %select_n3A_3243 : vector<16xf32>
    %get3A_3245 = arith.constant 496 : index
    %get3A_3246 = tpu.vector_load %arg7[%get3A_3245] {strides = array<i32>} : memref<1024xf32, #tpu.memory_space<vmem>>, vector<16xf32>,
    %get3A_3247 = vector.shape_cast %get3A_3246 : vector<16xf32> to vector<16xf32>
    %get3A_3248 = arith.constant 752 : index
    %get3A_3249 = tpu.vector_load %arg7[%get3A_3248] {strides = array<i32>} : memref<1024xf32, #tpu.memory_space<vmem>>, vector<16xf32>,
    %get3A_3250 = vector.shape_cast %get3A_3249 : vector<16xf32> to vector<16xf32>
    %get3A_3251 = arith.constant 1008 : index
    %get3A_3252 = tpu.vector_load %arg7[%get3A_3251] {strides = array<i32>} : memref<1024xf32, #tpu.memory_space<vmem>>, vector<16xf32>,
    %get3A_3253 = vector.shape_cast %get3A_3252 : vector<16xf32> to vector<16xf32>
    %get3A_3254 = arith.constant 240 : index
    %get3A_3255 = tpu.vector_load %arg9[%get3A_3254] {strides = array<i32>} : memref<768xf32, #tpu.memory_space<vmem>>, vector<16xf32>,
    %get3A_3256 = vector.shape_cast %get3A_3255 : vector<16xf32> to vector<16xf32>
    %sub3A_3257 = arith.subf %get3A_3247, %get3A_3256 : vector<16xf32>
    %get3A_3258 = arith.constant 496 : index
    %get3A_3259 = tpu.vector_load %arg9[%get3A_3258] {strides = array<i32>} : memref<768xf32, #tpu.memory_space<vmem>>, vector<16xf32>,
    %get3A_3260 = vector.shape_cast %get3A_3259 : vector<16xf32> to vector<16xf32>
    %sub3A_3261 = arith.subf %get3A_3250, %get3A_3260 : vector<16xf32>
    %get3A_3262 = arith.constant 752 : index
    %get3A_3263 = tpu.vector_load %arg9[%get3A_3262] {strides = array<i32>} : memref<768xf32, #tpu.memory_space<vmem>>, vector<16xf32>,
    %get3A_3264 = vector.shape_cast %get3A_3263 : vector<16xf32> to vector<16xf32>
    %sub3A_3265 = arith.subf %get3A_3253, %get3A_3264 : vector<16xf32>
    %mul3A_3266 = arith.mulf %sub3A_3257, %sub3A_3257 : vector<16xf32>
    %mul3A_3267 = arith.mulf %sub3A_3261, %sub3A_3261 : vector<16xf32>
    %add3A_3268 = arith.addf %mul3A_3266, %mul3A_3267 : vector<16xf32>
    %mul3A_3269 = arith.mulf %sub3A_3265, %sub3A_3265 : vector<16xf32>
    %add3A_3270 = arith.addf %add3A_3268, %mul3A_3269 : vector<16xf32>
    %bitcast_convert_type3A_3271 = tpu.bitcast %add3A_3270 : vector<16xf32> -> vector<16xi32>
    %shift_right_arithmetic3A_3272 = arith.constant 1 : i32
    %shift_right_arithmetic3A_3273 = vector.broadcast %shift_right_arithmetic3A_3272 : i32 to vector<16xi32>
    %shift_right_arithmetic3A_3274 = arith.shrsi %bitcast_convert_type3A_3271, %shift_right_arithmetic3A_3273 : vector<16xi32>
    %sub3A_3275 = arith.constant 1597463007 : i32
    %sub3A_3276 = vector.broadcast %sub3A_3275 : i32 to vector<16xi32>
    %sub3A_3277 = arith.subi %sub3A_3276, %shift_right_arithmetic3A_3274 : vector<16xi32>
    %bitcast_convert_type3A_3278 = tpu.bitcast %sub3A_3277 : vector<16xi32> -> vector<16xf32>
    %mul3A_3279 = arith.constant 5.000000e-01 : f32
    %mul3A_3280 = vector.broadcast %mul3A_3279 : f32 to vector<16xf32>
    %mul3A_3281 = arith.mulf %mul3A_3280, %add3A_3270 : vector<16xf32>
    %mul3A_3282 = arith.mulf %mul3A_3281, %bitcast_convert_type3A_3278 : vector<16xf32>
    %mul3A_3283 = arith.mulf %mul3A_3282, %bitcast_convert_type3A_3278 : vector<16xf32>
    %sub3A_3284 = arith.constant 1.500000e+00 : f32
    %sub3A_3285 = vector.broadcast %sub3A_3284 : f32 to vector<16xf32>
    %sub3A_3286 = arith.subf %sub3A_3285, %mul3A_3283 : vector<16xf32>
    %mul3A_3287 = arith.mulf %bitcast_convert_type3A_3278, %sub3A_3286 : vector<16xf32>
    %mul3A_3288 = arith.constant 5.000000e-01 : f32
    %mul3A_3289 = vector.broadcast %mul3A_3288 : f32 to vector<16xf32>
    %mul3A_3290 = arith.mulf %mul3A_3289, %add3A_3270 : vector<16xf32>
    %mul3A_3291 = arith.mulf %mul3A_3290, %mul3A_3287 : vector<16xf32>
    %mul3A_3292 = arith.mulf %mul3A_3291, %mul3A_3287 : vector<16xf32>
    %sub3A_3293 = arith.constant 1.500000e+00 : f32
    %sub3A_3294 = vector.broadcast %sub3A_3293 : f32 to vector<16xf32>
    %sub3A_3295 = arith.subf %sub3A_3294, %mul3A_3292 : vector<16xf32>
    %mul3A_3296 = arith.mulf %mul3A_3287, %sub3A_3295 : vector<16xf32>
    %mul3A_3297 = arith.constant 5.000000e-01 : f32
    %mul3A_3298 = vector.broadcast %mul3A_3297 : f32 to vector<16xf32>
    %mul3A_3299 = arith.mulf %mul3A_3298, %add3A_3270 : vector<16xf32>
    %mul3A_3300 = arith.mulf %mul3A_3299, %mul3A_3296 : vector<16xf32>
    %mul3A_3301 = arith.mulf %mul3A_3300, %mul3A_3296 : vector<16xf32>
    %sub3A_3302 = arith.constant 1.500000e+00 : f32
    %sub3A_3303 = vector.broadcast %sub3A_3302 : f32 to vector<16xf32>
    %sub3A_3304 = arith.subf %sub3A_3303, %mul3A_3301 : vector<16xf32>
    %mul3A_3305 = arith.mulf %mul3A_3296, %sub3A_3304 : vector<16xf32>
    %mul3A_3306 = arith.constant 5.000000e-01 : f32
    %mul3A_3307 = vector.broadcast %mul3A_3306 : f32 to vector<16xf32>
    %mul3A_3308 = arith.mulf %mul3A_3307, %add3A_3270 : vector<16xf32>
    %mul3A_3309 = arith.mulf %mul3A_3308, %mul3A_3305 : vector<16xf32>
    %mul3A_3310 = arith.mulf %mul3A_3309, %mul3A_3305 : vector<16xf32>
    %sub3A_3311 = arith.constant 1.500000e+00 : f32
    %sub3A_3312 = vector.broadcast %sub3A_3311 : f32 to vector<16xf32>
    %sub3A_3313 = arith.subf %sub3A_3312, %mul3A_3310 : vector<16xf32>
    %mul3A_3314 = arith.mulf %mul3A_3305, %sub3A_3313 : vector<16xf32>
    %lt3A_3315 = arith.constant 1.000000e-35 : f32
    %lt3A_3316 = vector.broadcast %lt3A_3315 : f32 to vector<16xf32>
    %lt3A_3317 = arith.cmpf olt, %add3A_3270, %lt3A_3316 : vector<16xf32>
    %mul3A_3318 = arith.mulf %add3A_3270, %mul3A_3314 : vector<16xf32>
    %jit3A_3319 = arith.constant 0.000000e+00 : f32
    %broadcast_in_dim3A_3320 = vector.broadcast %jit3A_3319 : f32 to vector<16xf32>
    %select_n3A_3321 = arith.select %lt3A_3317, %broadcast_in_dim3A_3320, %mul3A_3318 : vector<16xi1>, vector<16xf32>
    %add3A_3322 = arith.addf %add3A_3175, %select_n3A_3321 : vector<16xf32>
    %get3A_3323 = arith.constant 240 : index
    %get3A_3324 = tpu.vector_load %arg10[%get3A_3323] {strides = array<i32>} : memref<768xf32, #tpu.memory_space<vmem>>, vector<16xf32>,
    %get3A_3325 = vector.shape_cast %get3A_3324 : vector<16xf32> to vector<16xf32>
    %sub3A_3326 = arith.subf %get3A_3247, %get3A_3325 : vector<16xf32>
    %get3A_3327 = arith.constant 496 : index
    %get3A_3328 = tpu.vector_load %arg10[%get3A_3327] {strides = array<i32>} : memref<768xf32, #tpu.memory_space<vmem>>, vector<16xf32>,
    %get3A_3329 = vector.shape_cast %get3A_3328 : vector<16xf32> to vector<16xf32>
    %sub3A_3330 = arith.subf %get3A_3250, %get3A_3329 : vector<16xf32>
    %get3A_3331 = arith.constant 752 : index
    %get3A_3332 = tpu.vector_load %arg10[%get3A_3331] {strides = array<i32>} : memref<768xf32, #tpu.memory_space<vmem>>, vector<16xf32>,
    %get3A_3333 = vector.shape_cast %get3A_3332 : vector<16xf32> to vector<16xf32>
    %sub3A_3334 = arith.subf %get3A_3253, %get3A_3333 : vector<16xf32>
    %mul3A_3335 = arith.mulf %sub3A_3326, %sub3A_3326 : vector<16xf32>
    %mul3A_3336 = arith.mulf %sub3A_3330, %sub3A_3330 : vector<16xf32>
    %add3A_3337 = arith.addf %mul3A_3335, %mul3A_3336 : vector<16xf32>
    %mul3A_3338 = arith.mulf %sub3A_3334, %sub3A_3334 : vector<16xf32>
    %add3A_3339 = arith.addf %add3A_3337, %mul3A_3338 : vector<16xf32>
    %bitcast_convert_type3A_3340 = tpu.bitcast %add3A_3339 : vector<16xf32> -> vector<16xi32>
    %shift_right_arithmetic3A_3341 = arith.constant 1 : i32
    %shift_right_arithmetic3A_3342 = vector.broadcast %shift_right_arithmetic3A_3341 : i32 to vector<16xi32>
    %shift_right_arithmetic3A_3343 = arith.shrsi %bitcast_convert_type3A_3340, %shift_right_arithmetic3A_3342 : vector<16xi32>
    %sub3A_3344 = arith.constant 1597463007 : i32
    %sub3A_3345 = vector.broadcast %sub3A_3344 : i32 to vector<16xi32>
    %sub3A_3346 = arith.subi %sub3A_3345, %shift_right_arithmetic3A_3343 : vector<16xi32>
    %bitcast_convert_type3A_3347 = tpu.bitcast %sub3A_3346 : vector<16xi32> -> vector<16xf32>
    %mul3A_3348 = arith.constant 5.000000e-01 : f32
    %mul3A_3349 = vector.broadcast %mul3A_3348 : f32 to vector<16xf32>
    %mul3A_3350 = arith.mulf %mul3A_3349, %add3A_3339 : vector<16xf32>
    %mul3A_3351 = arith.mulf %mul3A_3350, %bitcast_convert_type3A_3347 : vector<16xf32>
    %mul3A_3352 = arith.mulf %mul3A_3351, %bitcast_convert_type3A_3347 : vector<16xf32>
    %sub3A_3353 = arith.constant 1.500000e+00 : f32
    %sub3A_3354 = vector.broadcast %sub3A_3353 : f32 to vector<16xf32>
    %sub3A_3355 = arith.subf %sub3A_3354, %mul3A_3352 : vector<16xf32>
    %mul3A_3356 = arith.mulf %bitcast_convert_type3A_3347, %sub3A_3355 : vector<16xf32>
    %mul3A_3357 = arith.constant 5.000000e-01 : f32
    %mul3A_3358 = vector.broadcast %mul3A_3357 : f32 to vector<16xf32>
    %mul3A_3359 = arith.mulf %mul3A_3358, %add3A_3339 : vector<16xf32>
    %mul3A_3360 = arith.mulf %mul3A_3359, %mul3A_3356 : vector<16xf32>
    %mul3A_3361 = arith.mulf %mul3A_3360, %mul3A_3356 : vector<16xf32>
    %sub3A_3362 = arith.constant 1.500000e+00 : f32
    %sub3A_3363 = vector.broadcast %sub3A_3362 : f32 to vector<16xf32>
    %sub3A_3364 = arith.subf %sub3A_3363, %mul3A_3361 : vector<16xf32>
    %mul3A_3365 = arith.mulf %mul3A_3356, %sub3A_3364 : vector<16xf32>
    %mul3A_3366 = arith.constant 5.000000e-01 : f32
    %mul3A_3367 = vector.broadcast %mul3A_3366 : f32 to vector<16xf32>
    %mul3A_3368 = arith.mulf %mul3A_3367, %add3A_3339 : vector<16xf32>
    %mul3A_3369 = arith.mulf %mul3A_3368, %mul3A_3365 : vector<16xf32>
    %mul3A_3370 = arith.mulf %mul3A_3369, %mul3A_3365 : vector<16xf32>
    %sub3A_3371 = arith.constant 1.500000e+00 : f32
    %sub3A_3372 = vector.broadcast %sub3A_3371 : f32 to vector<16xf32>
    %sub3A_3373 = arith.subf %sub3A_3372, %mul3A_3370 : vector<16xf32>
    %mul3A_3374 = arith.mulf %mul3A_3365, %sub3A_3373 : vector<16xf32>
    %mul3A_3375 = arith.constant 5.000000e-01 : f32
    %mul3A_3376 = vector.broadcast %mul3A_3375 : f32 to vector<16xf32>
    %mul3A_3377 = arith.mulf %mul3A_3376, %add3A_3339 : vector<16xf32>
    %mul3A_3378 = arith.mulf %mul3A_3377, %mul3A_3374 : vector<16xf32>
    %mul3A_3379 = arith.mulf %mul3A_3378, %mul3A_3374 : vector<16xf32>
    %sub3A_3380 = arith.constant 1.500000e+00 : f32
    %sub3A_3381 = vector.broadcast %sub3A_3380 : f32 to vector<16xf32>
    %sub3A_3382 = arith.subf %sub3A_3381, %mul3A_3379 : vector<16xf32>
    %mul3A_3383 = arith.mulf %mul3A_3374, %sub3A_3382 : vector<16xf32>
    %lt3A_3384 = arith.constant 1.000000e-35 : f32
    %lt3A_3385 = vector.broadcast %lt3A_3384 : f32 to vector<16xf32>
    %lt3A_3386 = arith.cmpf olt, %add3A_3339, %lt3A_3385 : vector<16xf32>
    %mul3A_3387 = arith.mulf %add3A_3339, %mul3A_3383 : vector<16xf32>
    %jit3A_3388 = arith.constant 0.000000e+00 : f32
    %broadcast_in_dim3A_3389 = vector.broadcast %jit3A_3388 : f32 to vector<16xf32>
    %select_n3A_3390 = arith.select %lt3A_3386, %broadcast_in_dim3A_3389, %mul3A_3387 : vector<16xi1>, vector<16xf32>
    %add3A_3391 = arith.addf %add3A_3244, %select_n3A_3390 : vector<16xf32>
    %swap3A_3392 = arith.constant 0 : index
    %swap3A_3393 = tpu.vector_load %arg11[%swap3A_3392] {strides = array<i32>} : memref<16xf32, #tpu.memory_space<vmem>>, vector<16xf32>,
    %swap3A_3394 = vector.shape_cast %swap3A_3393 : vector<16xf32> to vector<16xf32>
    %swap3A_3395 = vector.shape_cast %add3A_3322 : vector<16xf32> to vector<16xf32>
    tpu.vector_store %arg11[%swap3A_3392], %swap3A_3395 {strides = array<i32>} : memref<16xf32, #tpu.memory_space<vmem>>, vector<16xf32>,
    "tpu.region"() ({
      %run_scoped3A = tpu.sem_alloc : memref<!tpu.dma_semaphore, #tpu.memory_space<semaphore_mem>>
      %dma_start3A_3400 = arith.constant 0 : i32
      %dma_start3A_3401 = tpu.memref_slice %arg4[%add3A, %dma_start3A_3400] : memref<32x16xf32, #tpu.memory_space<hbm>> -> memref<1x16xf32, #tpu.memory_space<hbm>>
      %dma_start3A_3402 = tpu.memref_squeeze %dma_start3A_3401 : memref<1x16xf32, #tpu.memory_space<hbm>> -> memref<16xf32, #tpu.memory_space<hbm>>
      %dma_start3A_3403 = arith.constant 0 : i32
      %dma_start3A_3404 = tpu.memref_slice %arg4[%add3A, %dma_start3A_3403] : memref<32x16xf32, #tpu.memory_space<hbm>> -> memref<1x16xf32, #tpu.memory_space<hbm>>
      %dma_start3A_3405 = tpu.memref_squeeze %dma_start3A_3404 : memref<1x16xf32, #tpu.memory_space<hbm>> -> memref<16xf32, #tpu.memory_space<hbm>>
      tpu.enqueue_dma source(%arg11 : memref<16xf32, #tpu.memory_space<vmem>>) target(%dma_start3A_3405 : memref<16xf32, #tpu.memory_space<hbm>>) target_semaphore(%run_scoped3A : memref<!tpu.dma_semaphore, #tpu.memory_space<semaphore_mem>>)
      %dma_wait3A_3406 = arith.constant 0 : i32
      %dma_wait3A_3407 = tpu.memref_slice %arg4[%add3A, %dma_wait3A_3406] : memref<32x16xf32, #tpu.memory_space<hbm>> -> memref<1x16xf32, #tpu.memory_space<hbm>>
      %dma_wait3A_3408 = tpu.memref_squeeze %dma_wait3A_3407 : memref<1x16xf32, #tpu.memory_space<hbm>> -> memref<16xf32, #tpu.memory_space<hbm>>
      %dma_wait3A_3409 = arith.constant 0 : i32
      %dma_wait3A_3410 = tpu.memref_slice %arg4[%add3A, %dma_wait3A_3409] : memref<32x16xf32, #tpu.memory_space<hbm>> -> memref<1x16xf32, #tpu.memory_space<hbm>>
      %dma_wait3A_3411 = tpu.memref_squeeze %dma_wait3A_3410 : memref<1x16xf32, #tpu.memory_space<hbm>> -> memref<16xf32, #tpu.memory_space<hbm>>
      tpu.wait_dma2 semaphore(%run_scoped3A : memref<!tpu.dma_semaphore, #tpu.memory_space<semaphore_mem>>) src(%arg11 : memref<16xf32, #tpu.memory_space<vmem>>) dst(%dma_wait3A_3411 : memref<16xf32, #tpu.memory_space<hbm>>)
      tpu.yield
    }) : () -> ()
    %swap3A_3396 = arith.constant 0 : index
    %swap3A_3397 = tpu.vector_load %arg11[%swap3A_3396] {strides = array<i32>} : memref<16xf32, #tpu.memory_space<vmem>>, vector<16xf32>,
    %swap3A_3398 = vector.shape_cast %swap3A_3397 : vector<16xf32> to vector<16xf32>
    %swap3A_3399 = vector.shape_cast %add3A_3391 : vector<16xf32> to vector<16xf32>
    tpu.vector_store %arg11[%swap3A_3396], %swap3A_3399 {strides = array<i32>} : memref<16xf32, #tpu.memory_space<vmem>>, vector<16xf32>,
    "tpu.region"() ({
      %run_scoped3A = tpu.sem_alloc : memref<!tpu.dma_semaphore, #tpu.memory_space<semaphore_mem>>
      %dma_start3A_3400 = arith.constant 0 : i32
      %dma_start3A_3401 = tpu.memref_slice %arg5[%add3A, %dma_start3A_3400] : memref<32x16xf32, #tpu.memory_space<hbm>> -> memref<1x16xf32, #tpu.memory_space<hbm>>
      %dma_start3A_3402 = tpu.memref_squeeze %dma_start3A_3401 : memref<1x16xf32, #tpu.memory_space<hbm>> -> memref<16xf32, #tpu.memory_space<hbm>>
      %dma_start3A_3403 = arith.constant 0 : i32
      %dma_start3A_3404 = tpu.memref_slice %arg5[%add3A, %dma_start3A_3403] : memref<32x16xf32, #tpu.memory_space<hbm>> -> memref<1x16xf32, #tpu.memory_space<hbm>>
      %dma_start3A_3405 = tpu.memref_squeeze %dma_start3A_3404 : memref<1x16xf32, #tpu.memory_space<hbm>> -> memref<16xf32, #tpu.memory_space<hbm>>
      tpu.enqueue_dma source(%arg11 : memref<16xf32, #tpu.memory_space<vmem>>) target(%dma_start3A_3405 : memref<16xf32, #tpu.memory_space<hbm>>) target_semaphore(%run_scoped3A : memref<!tpu.dma_semaphore, #tpu.memory_space<semaphore_mem>>)
      %dma_wait3A_3406 = arith.constant 0 : i32
      %dma_wait3A_3407 = tpu.memref_slice %arg5[%add3A, %dma_wait3A_3406] : memref<32x16xf32, #tpu.memory_space<hbm>> -> memref<1x16xf32, #tpu.memory_space<hbm>>
      %dma_wait3A_3408 = tpu.memref_squeeze %dma_wait3A_3407 : memref<1x16xf32, #tpu.memory_space<hbm>> -> memref<16xf32, #tpu.memory_space<hbm>>
      %dma_wait3A_3409 = arith.constant 0 : i32
      %dma_wait3A_3410 = tpu.memref_slice %arg5[%add3A, %dma_wait3A_3409] : memref<32x16xf32, #tpu.memory_space<hbm>> -> memref<1x16xf32, #tpu.memory_space<hbm>>
      %dma_wait3A_3411 = tpu.memref_squeeze %dma_wait3A_3410 : memref<1x16xf32, #tpu.memory_space<hbm>> -> memref<16xf32, #tpu.memory_space<hbm>>
      tpu.wait_dma2 semaphore(%run_scoped3A : memref<!tpu.dma_semaphore, #tpu.memory_space<semaphore_mem>>) src(%arg11 : memref<16xf32, #tpu.memory_space<vmem>>) dst(%dma_wait3A_3411 : memref<16xf32, #tpu.memory_space<hbm>>)
      tpu.yield
    }) : () -> ()
    return
  }
}

module attributes {stable_mosaic.version = 14 : i64} {
  func.func @_select_body(%arg0: i32, %arg1: memref<1024x3xf32, #tpu.memory_space<vmem>>, %arg2: memref<3x8192xf32, #tpu.memory_space<vmem>>, %arg3: memref<3x3xf32, #tpu.memory_space<vmem>>, %arg4: memref<1x3xf32, #tpu.memory_space<vmem>>, %arg5: memref<1024x4xf32, #tpu.memory_space<vmem>>) attributes {dimension_semantics = [#tpu.dimension_semantics<arbitrary>], iteration_bounds = array<i64: 8>, scalar_prefetch = 0 : i64, scratch_operands = 0 : i64, tpu.core_type = #tpu.core_type<tc>, window_params = [{transform_indices = @transform_0, window_bounds = array<i64: 1024, 3>}, {pipeline_mode = #tpu.pipeline_mode<synchronous>, transform_indices = @transform_1, window_bounds = array<i64: 3, 8192>}, {pipeline_mode = #tpu.pipeline_mode<synchronous>, transform_indices = @transform_2, window_bounds = array<i64: 3, 3>}, {pipeline_mode = #tpu.pipeline_mode<synchronous>, transform_indices = @transform_3, window_bounds = array<i64: 1, 3>}, {transform_indices = @transform_4, window_bounds = array<i64: 1024, 4>}]} {
    %get3A = arith.constant 0 : index
    %get3A_0 = arith.constant 0 : index
    %get3A_1 = vector.load %arg1[%get3A, %get3A_0] : memref<1024x3xf32, #tpu.memory_space<vmem>>, vector<1024x3xf32>
    %get3A_2 = arith.constant 0 : index
    %get3A_3 = arith.constant 0 : index
    %get3A_4 = vector.load %arg3[%get3A_2, %get3A_3] : memref<3x3xf32, #tpu.memory_space<vmem>>, vector<3x3xf32>
    %transpose3A = tpu.transpose %get3A_4, [1, 0] : vector<3x3xf32> -> vector<3x3xf32>
    %dot_general3A = arith.constant dense<0.000000e+00> : vector<1024x3xf32>
    %dot_general3A_5 = tpu.matmul %get3A_1, %transpose3A, %dot_general3A {dimension_numbers = #tpu.dot_dimension_numbers<[1], [0], [0], [1], [0, 0, 1, 1], [], []>, transpose_lhs_hint = false} : vector<1024x3xf32>, vector<3x3xf32>, vector<1024x3xf32> -> vector<1024x3xf32>
    %get3A_6 = arith.constant 0 : index
    %get3A_7 = arith.constant 0 : index
    %get3A_8 = vector.load %arg4[%get3A_6, %get3A_7] : memref<1x3xf32, #tpu.memory_space<vmem>>, vector<1x3xf32>
    %add3A = vector.broadcast %get3A_8 : vector<1x3xf32> to vector<1024x3xf32>
    %add3A_9 = arith.addf %dot_general3A_5, %add3A : vector<1024x3xf32>
    %convert_element_type3A = arith.truncf %add3A_9 : vector<1024x3xf32> to vector<1024x3xbf16>
    %mul3A = arith.constant -2.000000e+00 : bf16
    %mul3A_10 = vector.broadcast %mul3A : bf16 to vector<1024x3xbf16>
    %mul3A_11 = arith.mulf %mul3A_10, %convert_element_type3A : vector<1024x3xbf16>
    %broadcast_in_dim3A = arith.constant 1.000000e+00 : bf16
    %broadcast_in_dim3A_12 = vector.broadcast %broadcast_in_dim3A : bf16 to vector<1024x3xbf16>
    %concatenate3A = tpu.concatenate %mul3A_11, %broadcast_in_dim3A_12 in 1 : vector<1024x3xbf16>, vector<1024x3xbf16> -> vector<1024x6xbf16>
    %get3A_13 = arith.constant 0 : index
    %get3A_14 = arith.constant 0 : index
    %get3A_15 = vector.load %arg2[%get3A_13, %get3A_14] : memref<3x8192xf32, #tpu.memory_space<vmem>>, vector<3x8192xf32>
    %convert_element_type3A_16 = arith.truncf %get3A_15 : vector<3x8192xf32> to vector<3x8192xbf16>
    %slice3A = vector.extract_strided_slice %get3A_15 {offsets = [0, 0], sizes = [1, 8192], strides = [1, 1]} : vector<3x8192xf32> to vector<1x8192xf32>
    %slice3A_17 = vector.extract_strided_slice %get3A_15 {offsets = [0, 0], sizes = [1, 8192], strides = [1, 1]} : vector<3x8192xf32> to vector<1x8192xf32>
    %mul3A_18 = arith.mulf %slice3A, %slice3A_17 : vector<1x8192xf32>
    %slice3A_19 = vector.extract_strided_slice %get3A_15 {offsets = [1, 0], sizes = [1, 8192], strides = [1, 1]} : vector<3x8192xf32> to vector<1x8192xf32>
    %slice3A_20 = vector.extract_strided_slice %get3A_15 {offsets = [1, 0], sizes = [1, 8192], strides = [1, 1]} : vector<3x8192xf32> to vector<1x8192xf32>
    %mul3A_21 = arith.mulf %slice3A_19, %slice3A_20 : vector<1x8192xf32>
    %add3A_22 = arith.addf %mul3A_18, %mul3A_21 : vector<1x8192xf32>
    %slice3A_23 = vector.extract_strided_slice %get3A_15 {offsets = [2, 0], sizes = [1, 8192], strides = [1, 1]} : vector<3x8192xf32> to vector<1x8192xf32>
    %slice3A_24 = vector.extract_strided_slice %get3A_15 {offsets = [2, 0], sizes = [1, 8192], strides = [1, 1]} : vector<3x8192xf32> to vector<1x8192xf32>
    %mul3A_25 = arith.mulf %slice3A_23, %slice3A_24 : vector<1x8192xf32>
    %add3A_26 = arith.addf %add3A_22, %mul3A_25 : vector<1x8192xf32>
    %convert_element_type3A_27 = arith.truncf %add3A_26 : vector<1x8192xf32> to vector<1x8192xbf16>
    %convert_element_type3A_28 = arith.extf %convert_element_type3A_27 : vector<1x8192xbf16> to vector<1x8192xf32>
    %sub3A = arith.subf %add3A_26, %convert_element_type3A_28 : vector<1x8192xf32>
    %convert_element_type3A_29 = arith.truncf %sub3A : vector<1x8192xf32> to vector<1x8192xbf16>
    %convert_element_type3A_30 = arith.extf %convert_element_type3A_29 : vector<1x8192xbf16> to vector<1x8192xf32>
    %sub3A_31 = arith.subf %sub3A, %convert_element_type3A_30 : vector<1x8192xf32>
    %convert_element_type3A_32 = arith.truncf %sub3A_31 : vector<1x8192xf32> to vector<1x8192xbf16>
    %concatenate3A_33 = tpu.concatenate %convert_element_type3A_16, %convert_element_type3A_27, %convert_element_type3A_29, %convert_element_type3A_32 in 0 : vector<3x8192xbf16>, vector<1x8192xbf16>, vector<1x8192xbf16>, vector<1x8192xbf16> -> vector<6x8192xbf16>
    %broadcast_in_dim3A_34 = arith.constant 0x7F800000 : f32
    %broadcast_in_dim3A_35 = vector.broadcast %broadcast_in_dim3A_34 : f32 to vector<1024x128xf32>
    %broadcast_in_dim3A_36 = arith.constant 0.000000e+00 : f32
    %broadcast_in_dim3A_37 = vector.broadcast %broadcast_in_dim3A_36 : f32 to vector<1024x128xf32>
    %slice3A_38 = vector.extract_strided_slice %concatenate3A_33 {offsets = [0, 0], sizes = [6, 2048], strides = [1, 1]} : vector<6x8192xbf16> to vector<6x2048xbf16>
    %dot_general3A_39 = arith.constant dense<0.000000e+00> : vector<1024x2048xf32>
    %dot_general3A_40 = tpu.matmul %concatenate3A, %slice3A_38, %dot_general3A_39 {dimension_numbers = #tpu.dot_dimension_numbers<[1], [0], [0], [1], [0, 0, 1, 1], [], []>, transpose_lhs_hint = false} : vector<1024x6xbf16>, vector<6x2048xbf16>, vector<1024x2048xf32> -> vector<1024x2048xf32>
    %slice3A_41 = vector.extract_strided_slice %dot_general3A_40 {offsets = [0, 0], sizes = [1024, 128], strides = [1, 1]} : vector<1024x2048xf32> to vector<1024x128xf32>
    %lt3A = arith.cmpf olt, %slice3A_41, %broadcast_in_dim3A_35 : vector<1024x128xf32>
    %select_n3A = arith.select %lt3A, %slice3A_41, %broadcast_in_dim3A_35 : vector<1024x128xi1>, vector<1024x128xf32>
    %jit3A = arith.constant 0.000000e+00 : f32
    %broadcast_in_dim3A_42 = vector.broadcast %jit3A : f32 to vector<1024x128xf32>
    %select_n3A_43 = arith.select %lt3A, %broadcast_in_dim3A_42, %broadcast_in_dim3A_37 : vector<1024x128xi1>, vector<1024x128xf32>
    %slice3A_44 = vector.extract_strided_slice %dot_general3A_40 {offsets = [0, 128], sizes = [1024, 128], strides = [1, 1]} : vector<1024x2048xf32> to vector<1024x128xf32>
    %lt3A_45 = arith.cmpf olt, %slice3A_44, %select_n3A : vector<1024x128xf32>
    %select_n3A_46 = arith.select %lt3A_45, %slice3A_44, %select_n3A : vector<1024x128xi1>, vector<1024x128xf32>
    %jit3A_47 = arith.constant 1.000000e+00 : f32
    %broadcast_in_dim3A_48 = vector.broadcast %jit3A_47 : f32 to vector<1024x128xf32>
    %select_n3A_49 = arith.select %lt3A_45, %broadcast_in_dim3A_48, %select_n3A_43 : vector<1024x128xi1>, vector<1024x128xf32>
    %slice3A_50 = vector.extract_strided_slice %dot_general3A_40 {offsets = [0, 256], sizes = [1024, 128], strides = [1, 1]} : vector<1024x2048xf32> to vector<1024x128xf32>
    %lt3A_51 = arith.cmpf olt, %slice3A_50, %select_n3A_46 : vector<1024x128xf32>
    %select_n3A_52 = arith.select %lt3A_51, %slice3A_50, %select_n3A_46 : vector<1024x128xi1>, vector<1024x128xf32>
    %jit3A_53 = arith.constant 2.000000e+00 : f32
    %broadcast_in_dim3A_54 = vector.broadcast %jit3A_53 : f32 to vector<1024x128xf32>
    %select_n3A_55 = arith.select %lt3A_51, %broadcast_in_dim3A_54, %select_n3A_49 : vector<1024x128xi1>, vector<1024x128xf32>
    %slice3A_56 = vector.extract_strided_slice %dot_general3A_40 {offsets = [0, 384], sizes = [1024, 128], strides = [1, 1]} : vector<1024x2048xf32> to vector<1024x128xf32>
    %lt3A_57 = arith.cmpf olt, %slice3A_56, %select_n3A_52 : vector<1024x128xf32>
    %select_n3A_58 = arith.select %lt3A_57, %slice3A_56, %select_n3A_52 : vector<1024x128xi1>, vector<1024x128xf32>
    %jit3A_59 = arith.constant 3.000000e+00 : f32
    %broadcast_in_dim3A_60 = vector.broadcast %jit3A_59 : f32 to vector<1024x128xf32>
    %select_n3A_61 = arith.select %lt3A_57, %broadcast_in_dim3A_60, %select_n3A_55 : vector<1024x128xi1>, vector<1024x128xf32>
    %slice3A_62 = vector.extract_strided_slice %dot_general3A_40 {offsets = [0, 512], sizes = [1024, 128], strides = [1, 1]} : vector<1024x2048xf32> to vector<1024x128xf32>
    %lt3A_63 = arith.cmpf olt, %slice3A_62, %select_n3A_58 : vector<1024x128xf32>
    %select_n3A_64 = arith.select %lt3A_63, %slice3A_62, %select_n3A_58 : vector<1024x128xi1>, vector<1024x128xf32>
    %jit3A_65 = arith.constant 4.000000e+00 : f32
    %broadcast_in_dim3A_66 = vector.broadcast %jit3A_65 : f32 to vector<1024x128xf32>
    %select_n3A_67 = arith.select %lt3A_63, %broadcast_in_dim3A_66, %select_n3A_61 : vector<1024x128xi1>, vector<1024x128xf32>
    %slice3A_68 = vector.extract_strided_slice %dot_general3A_40 {offsets = [0, 640], sizes = [1024, 128], strides = [1, 1]} : vector<1024x2048xf32> to vector<1024x128xf32>
    %lt3A_69 = arith.cmpf olt, %slice3A_68, %select_n3A_64 : vector<1024x128xf32>
    %select_n3A_70 = arith.select %lt3A_69, %slice3A_68, %select_n3A_64 : vector<1024x128xi1>, vector<1024x128xf32>
    %jit3A_71 = arith.constant 5.000000e+00 : f32
    %broadcast_in_dim3A_72 = vector.broadcast %jit3A_71 : f32 to vector<1024x128xf32>
    %select_n3A_73 = arith.select %lt3A_69, %broadcast_in_dim3A_72, %select_n3A_67 : vector<1024x128xi1>, vector<1024x128xf32>
    %slice3A_74 = vector.extract_strided_slice %dot_general3A_40 {offsets = [0, 768], sizes = [1024, 128], strides = [1, 1]} : vector<1024x2048xf32> to vector<1024x128xf32>
    %lt3A_75 = arith.cmpf olt, %slice3A_74, %select_n3A_70 : vector<1024x128xf32>
    %select_n3A_76 = arith.select %lt3A_75, %slice3A_74, %select_n3A_70 : vector<1024x128xi1>, vector<1024x128xf32>
    %jit3A_77 = arith.constant 6.000000e+00 : f32
    %broadcast_in_dim3A_78 = vector.broadcast %jit3A_77 : f32 to vector<1024x128xf32>
    %select_n3A_79 = arith.select %lt3A_75, %broadcast_in_dim3A_78, %select_n3A_73 : vector<1024x128xi1>, vector<1024x128xf32>
    %slice3A_80 = vector.extract_strided_slice %dot_general3A_40 {offsets = [0, 896], sizes = [1024, 128], strides = [1, 1]} : vector<1024x2048xf32> to vector<1024x128xf32>
    %lt3A_81 = arith.cmpf olt, %slice3A_80, %select_n3A_76 : vector<1024x128xf32>
    %select_n3A_82 = arith.select %lt3A_81, %slice3A_80, %select_n3A_76 : vector<1024x128xi1>, vector<1024x128xf32>
    %jit3A_83 = arith.constant 7.000000e+00 : f32
    %broadcast_in_dim3A_84 = vector.broadcast %jit3A_83 : f32 to vector<1024x128xf32>
    %select_n3A_85 = arith.select %lt3A_81, %broadcast_in_dim3A_84, %select_n3A_79 : vector<1024x128xi1>, vector<1024x128xf32>
    %slice3A_86 = vector.extract_strided_slice %dot_general3A_40 {offsets = [0, 1024], sizes = [1024, 128], strides = [1, 1]} : vector<1024x2048xf32> to vector<1024x128xf32>
    %lt3A_87 = arith.cmpf olt, %slice3A_86, %select_n3A_82 : vector<1024x128xf32>
    %select_n3A_88 = arith.select %lt3A_87, %slice3A_86, %select_n3A_82 : vector<1024x128xi1>, vector<1024x128xf32>
    %jit3A_89 = arith.constant 8.000000e+00 : f32
    %broadcast_in_dim3A_90 = vector.broadcast %jit3A_89 : f32 to vector<1024x128xf32>
    %select_n3A_91 = arith.select %lt3A_87, %broadcast_in_dim3A_90, %select_n3A_85 : vector<1024x128xi1>, vector<1024x128xf32>
    %slice3A_92 = vector.extract_strided_slice %dot_general3A_40 {offsets = [0, 1152], sizes = [1024, 128], strides = [1, 1]} : vector<1024x2048xf32> to vector<1024x128xf32>
    %lt3A_93 = arith.cmpf olt, %slice3A_92, %select_n3A_88 : vector<1024x128xf32>
    %select_n3A_94 = arith.select %lt3A_93, %slice3A_92, %select_n3A_88 : vector<1024x128xi1>, vector<1024x128xf32>
    %jit3A_95 = arith.constant 9.000000e+00 : f32
    %broadcast_in_dim3A_96 = vector.broadcast %jit3A_95 : f32 to vector<1024x128xf32>
    %select_n3A_97 = arith.select %lt3A_93, %broadcast_in_dim3A_96, %select_n3A_91 : vector<1024x128xi1>, vector<1024x128xf32>
    %slice3A_98 = vector.extract_strided_slice %dot_general3A_40 {offsets = [0, 1280], sizes = [1024, 128], strides = [1, 1]} : vector<1024x2048xf32> to vector<1024x128xf32>
    %lt3A_99 = arith.cmpf olt, %slice3A_98, %select_n3A_94 : vector<1024x128xf32>
    %select_n3A_100 = arith.select %lt3A_99, %slice3A_98, %select_n3A_94 : vector<1024x128xi1>, vector<1024x128xf32>
    %jit3A_101 = arith.constant 1.000000e+01 : f32
    %broadcast_in_dim3A_102 = vector.broadcast %jit3A_101 : f32 to vector<1024x128xf32>
    %select_n3A_103 = arith.select %lt3A_99, %broadcast_in_dim3A_102, %select_n3A_97 : vector<1024x128xi1>, vector<1024x128xf32>
    %slice3A_104 = vector.extract_strided_slice %dot_general3A_40 {offsets = [0, 1408], sizes = [1024, 128], strides = [1, 1]} : vector<1024x2048xf32> to vector<1024x128xf32>
    %lt3A_105 = arith.cmpf olt, %slice3A_104, %select_n3A_100 : vector<1024x128xf32>
    %select_n3A_106 = arith.select %lt3A_105, %slice3A_104, %select_n3A_100 : vector<1024x128xi1>, vector<1024x128xf32>
    %jit3A_107 = arith.constant 1.100000e+01 : f32
    %broadcast_in_dim3A_108 = vector.broadcast %jit3A_107 : f32 to vector<1024x128xf32>
    %select_n3A_109 = arith.select %lt3A_105, %broadcast_in_dim3A_108, %select_n3A_103 : vector<1024x128xi1>, vector<1024x128xf32>
    %slice3A_110 = vector.extract_strided_slice %dot_general3A_40 {offsets = [0, 1536], sizes = [1024, 128], strides = [1, 1]} : vector<1024x2048xf32> to vector<1024x128xf32>
    %lt3A_111 = arith.cmpf olt, %slice3A_110, %select_n3A_106 : vector<1024x128xf32>
    %select_n3A_112 = arith.select %lt3A_111, %slice3A_110, %select_n3A_106 : vector<1024x128xi1>, vector<1024x128xf32>
    %jit3A_113 = arith.constant 1.200000e+01 : f32
    %broadcast_in_dim3A_114 = vector.broadcast %jit3A_113 : f32 to vector<1024x128xf32>
    %select_n3A_115 = arith.select %lt3A_111, %broadcast_in_dim3A_114, %select_n3A_109 : vector<1024x128xi1>, vector<1024x128xf32>
    %slice3A_116 = vector.extract_strided_slice %dot_general3A_40 {offsets = [0, 1664], sizes = [1024, 128], strides = [1, 1]} : vector<1024x2048xf32> to vector<1024x128xf32>
    %lt3A_117 = arith.cmpf olt, %slice3A_116, %select_n3A_112 : vector<1024x128xf32>
    %select_n3A_118 = arith.select %lt3A_117, %slice3A_116, %select_n3A_112 : vector<1024x128xi1>, vector<1024x128xf32>
    %jit3A_119 = arith.constant 1.300000e+01 : f32
    %broadcast_in_dim3A_120 = vector.broadcast %jit3A_119 : f32 to vector<1024x128xf32>
    %select_n3A_121 = arith.select %lt3A_117, %broadcast_in_dim3A_120, %select_n3A_115 : vector<1024x128xi1>, vector<1024x128xf32>
    %slice3A_122 = vector.extract_strided_slice %dot_general3A_40 {offsets = [0, 1792], sizes = [1024, 128], strides = [1, 1]} : vector<1024x2048xf32> to vector<1024x128xf32>
    %lt3A_123 = arith.cmpf olt, %slice3A_122, %select_n3A_118 : vector<1024x128xf32>
    %select_n3A_124 = arith.select %lt3A_123, %slice3A_122, %select_n3A_118 : vector<1024x128xi1>, vector<1024x128xf32>
    %jit3A_125 = arith.constant 1.400000e+01 : f32
    %broadcast_in_dim3A_126 = vector.broadcast %jit3A_125 : f32 to vector<1024x128xf32>
    %select_n3A_127 = arith.select %lt3A_123, %broadcast_in_dim3A_126, %select_n3A_121 : vector<1024x128xi1>, vector<1024x128xf32>
    %slice3A_128 = vector.extract_strided_slice %dot_general3A_40 {offsets = [0, 1920], sizes = [1024, 128], strides = [1, 1]} : vector<1024x2048xf32> to vector<1024x128xf32>
    %lt3A_129 = arith.cmpf olt, %slice3A_128, %select_n3A_124 : vector<1024x128xf32>
    %select_n3A_130 = arith.select %lt3A_129, %slice3A_128, %select_n3A_124 : vector<1024x128xi1>, vector<1024x128xf32>
    %jit3A_131 = arith.constant 1.500000e+01 : f32
    %broadcast_in_dim3A_132 = vector.broadcast %jit3A_131 : f32 to vector<1024x128xf32>
    %select_n3A_133 = arith.select %lt3A_129, %broadcast_in_dim3A_132, %select_n3A_127 : vector<1024x128xi1>, vector<1024x128xf32>
    %slice3A_134 = vector.extract_strided_slice %concatenate3A_33 {offsets = [0, 2048], sizes = [6, 2048], strides = [1, 1]} : vector<6x8192xbf16> to vector<6x2048xbf16>
    %dot_general3A_135 = arith.constant dense<0.000000e+00> : vector<1024x2048xf32>
    %dot_general3A_136 = tpu.matmul %concatenate3A, %slice3A_134, %dot_general3A_135 {dimension_numbers = #tpu.dot_dimension_numbers<[1], [0], [0], [1], [0, 0, 1, 1], [], []>, transpose_lhs_hint = false} : vector<1024x6xbf16>, vector<6x2048xbf16>, vector<1024x2048xf32> -> vector<1024x2048xf32>
    %slice3A_137 = vector.extract_strided_slice %dot_general3A_136 {offsets = [0, 0], sizes = [1024, 128], strides = [1, 1]} : vector<1024x2048xf32> to vector<1024x128xf32>
    %lt3A_138 = arith.cmpf olt, %slice3A_137, %select_n3A_130 : vector<1024x128xf32>
    %select_n3A_139 = arith.select %lt3A_138, %slice3A_137, %select_n3A_130 : vector<1024x128xi1>, vector<1024x128xf32>
    %jit3A_140 = arith.constant 1.600000e+01 : f32
    %broadcast_in_dim3A_141 = vector.broadcast %jit3A_140 : f32 to vector<1024x128xf32>
    %select_n3A_142 = arith.select %lt3A_138, %broadcast_in_dim3A_141, %select_n3A_133 : vector<1024x128xi1>, vector<1024x128xf32>
    %slice3A_143 = vector.extract_strided_slice %dot_general3A_136 {offsets = [0, 128], sizes = [1024, 128], strides = [1, 1]} : vector<1024x2048xf32> to vector<1024x128xf32>
    %lt3A_144 = arith.cmpf olt, %slice3A_143, %select_n3A_139 : vector<1024x128xf32>
    %select_n3A_145 = arith.select %lt3A_144, %slice3A_143, %select_n3A_139 : vector<1024x128xi1>, vector<1024x128xf32>
    %jit3A_146 = arith.constant 1.700000e+01 : f32
    %broadcast_in_dim3A_147 = vector.broadcast %jit3A_146 : f32 to vector<1024x128xf32>
    %select_n3A_148 = arith.select %lt3A_144, %broadcast_in_dim3A_147, %select_n3A_142 : vector<1024x128xi1>, vector<1024x128xf32>
    %slice3A_149 = vector.extract_strided_slice %dot_general3A_136 {offsets = [0, 256], sizes = [1024, 128], strides = [1, 1]} : vector<1024x2048xf32> to vector<1024x128xf32>
    %lt3A_150 = arith.cmpf olt, %slice3A_149, %select_n3A_145 : vector<1024x128xf32>
    %select_n3A_151 = arith.select %lt3A_150, %slice3A_149, %select_n3A_145 : vector<1024x128xi1>, vector<1024x128xf32>
    %jit3A_152 = arith.constant 1.800000e+01 : f32
    %broadcast_in_dim3A_153 = vector.broadcast %jit3A_152 : f32 to vector<1024x128xf32>
    %select_n3A_154 = arith.select %lt3A_150, %broadcast_in_dim3A_153, %select_n3A_148 : vector<1024x128xi1>, vector<1024x128xf32>
    %slice3A_155 = vector.extract_strided_slice %dot_general3A_136 {offsets = [0, 384], sizes = [1024, 128], strides = [1, 1]} : vector<1024x2048xf32> to vector<1024x128xf32>
    %lt3A_156 = arith.cmpf olt, %slice3A_155, %select_n3A_151 : vector<1024x128xf32>
    %select_n3A_157 = arith.select %lt3A_156, %slice3A_155, %select_n3A_151 : vector<1024x128xi1>, vector<1024x128xf32>
    %jit3A_158 = arith.constant 1.900000e+01 : f32
    %broadcast_in_dim3A_159 = vector.broadcast %jit3A_158 : f32 to vector<1024x128xf32>
    %select_n3A_160 = arith.select %lt3A_156, %broadcast_in_dim3A_159, %select_n3A_154 : vector<1024x128xi1>, vector<1024x128xf32>
    %slice3A_161 = vector.extract_strided_slice %dot_general3A_136 {offsets = [0, 512], sizes = [1024, 128], strides = [1, 1]} : vector<1024x2048xf32> to vector<1024x128xf32>
    %lt3A_162 = arith.cmpf olt, %slice3A_161, %select_n3A_157 : vector<1024x128xf32>
    %select_n3A_163 = arith.select %lt3A_162, %slice3A_161, %select_n3A_157 : vector<1024x128xi1>, vector<1024x128xf32>
    %jit3A_164 = arith.constant 2.000000e+01 : f32
    %broadcast_in_dim3A_165 = vector.broadcast %jit3A_164 : f32 to vector<1024x128xf32>
    %select_n3A_166 = arith.select %lt3A_162, %broadcast_in_dim3A_165, %select_n3A_160 : vector<1024x128xi1>, vector<1024x128xf32>
    %slice3A_167 = vector.extract_strided_slice %dot_general3A_136 {offsets = [0, 640], sizes = [1024, 128], strides = [1, 1]} : vector<1024x2048xf32> to vector<1024x128xf32>
    %lt3A_168 = arith.cmpf olt, %slice3A_167, %select_n3A_163 : vector<1024x128xf32>
    %select_n3A_169 = arith.select %lt3A_168, %slice3A_167, %select_n3A_163 : vector<1024x128xi1>, vector<1024x128xf32>
    %jit3A_170 = arith.constant 2.100000e+01 : f32
    %broadcast_in_dim3A_171 = vector.broadcast %jit3A_170 : f32 to vector<1024x128xf32>
    %select_n3A_172 = arith.select %lt3A_168, %broadcast_in_dim3A_171, %select_n3A_166 : vector<1024x128xi1>, vector<1024x128xf32>
    %slice3A_173 = vector.extract_strided_slice %dot_general3A_136 {offsets = [0, 768], sizes = [1024, 128], strides = [1, 1]} : vector<1024x2048xf32> to vector<1024x128xf32>
    %lt3A_174 = arith.cmpf olt, %slice3A_173, %select_n3A_169 : vector<1024x128xf32>
    %select_n3A_175 = arith.select %lt3A_174, %slice3A_173, %select_n3A_169 : vector<1024x128xi1>, vector<1024x128xf32>
    %jit3A_176 = arith.constant 2.200000e+01 : f32
    %broadcast_in_dim3A_177 = vector.broadcast %jit3A_176 : f32 to vector<1024x128xf32>
    %select_n3A_178 = arith.select %lt3A_174, %broadcast_in_dim3A_177, %select_n3A_172 : vector<1024x128xi1>, vector<1024x128xf32>
    %slice3A_179 = vector.extract_strided_slice %dot_general3A_136 {offsets = [0, 896], sizes = [1024, 128], strides = [1, 1]} : vector<1024x2048xf32> to vector<1024x128xf32>
    %lt3A_180 = arith.cmpf olt, %slice3A_179, %select_n3A_175 : vector<1024x128xf32>
    %select_n3A_181 = arith.select %lt3A_180, %slice3A_179, %select_n3A_175 : vector<1024x128xi1>, vector<1024x128xf32>
    %jit3A_182 = arith.constant 2.300000e+01 : f32
    %broadcast_in_dim3A_183 = vector.broadcast %jit3A_182 : f32 to vector<1024x128xf32>
    %select_n3A_184 = arith.select %lt3A_180, %broadcast_in_dim3A_183, %select_n3A_178 : vector<1024x128xi1>, vector<1024x128xf32>
    %slice3A_185 = vector.extract_strided_slice %dot_general3A_136 {offsets = [0, 1024], sizes = [1024, 128], strides = [1, 1]} : vector<1024x2048xf32> to vector<1024x128xf32>
    %lt3A_186 = arith.cmpf olt, %slice3A_185, %select_n3A_181 : vector<1024x128xf32>
    %select_n3A_187 = arith.select %lt3A_186, %slice3A_185, %select_n3A_181 : vector<1024x128xi1>, vector<1024x128xf32>
    %jit3A_188 = arith.constant 2.400000e+01 : f32
    %broadcast_in_dim3A_189 = vector.broadcast %jit3A_188 : f32 to vector<1024x128xf32>
    %select_n3A_190 = arith.select %lt3A_186, %broadcast_in_dim3A_189, %select_n3A_184 : vector<1024x128xi1>, vector<1024x128xf32>
    %slice3A_191 = vector.extract_strided_slice %dot_general3A_136 {offsets = [0, 1152], sizes = [1024, 128], strides = [1, 1]} : vector<1024x2048xf32> to vector<1024x128xf32>
    %lt3A_192 = arith.cmpf olt, %slice3A_191, %select_n3A_187 : vector<1024x128xf32>
    %select_n3A_193 = arith.select %lt3A_192, %slice3A_191, %select_n3A_187 : vector<1024x128xi1>, vector<1024x128xf32>
    %jit3A_194 = arith.constant 2.500000e+01 : f32
    %broadcast_in_dim3A_195 = vector.broadcast %jit3A_194 : f32 to vector<1024x128xf32>
    %select_n3A_196 = arith.select %lt3A_192, %broadcast_in_dim3A_195, %select_n3A_190 : vector<1024x128xi1>, vector<1024x128xf32>
    %slice3A_197 = vector.extract_strided_slice %dot_general3A_136 {offsets = [0, 1280], sizes = [1024, 128], strides = [1, 1]} : vector<1024x2048xf32> to vector<1024x128xf32>
    %lt3A_198 = arith.cmpf olt, %slice3A_197, %select_n3A_193 : vector<1024x128xf32>
    %select_n3A_199 = arith.select %lt3A_198, %slice3A_197, %select_n3A_193 : vector<1024x128xi1>, vector<1024x128xf32>
    %jit3A_200 = arith.constant 2.600000e+01 : f32
    %broadcast_in_dim3A_201 = vector.broadcast %jit3A_200 : f32 to vector<1024x128xf32>
    %select_n3A_202 = arith.select %lt3A_198, %broadcast_in_dim3A_201, %select_n3A_196 : vector<1024x128xi1>, vector<1024x128xf32>
    %slice3A_203 = vector.extract_strided_slice %dot_general3A_136 {offsets = [0, 1408], sizes = [1024, 128], strides = [1, 1]} : vector<1024x2048xf32> to vector<1024x128xf32>
    %lt3A_204 = arith.cmpf olt, %slice3A_203, %select_n3A_199 : vector<1024x128xf32>
    %select_n3A_205 = arith.select %lt3A_204, %slice3A_203, %select_n3A_199 : vector<1024x128xi1>, vector<1024x128xf32>
    %jit3A_206 = arith.constant 2.700000e+01 : f32
    %broadcast_in_dim3A_207 = vector.broadcast %jit3A_206 : f32 to vector<1024x128xf32>
    %select_n3A_208 = arith.select %lt3A_204, %broadcast_in_dim3A_207, %select_n3A_202 : vector<1024x128xi1>, vector<1024x128xf32>
    %slice3A_209 = vector.extract_strided_slice %dot_general3A_136 {offsets = [0, 1536], sizes = [1024, 128], strides = [1, 1]} : vector<1024x2048xf32> to vector<1024x128xf32>
    %lt3A_210 = arith.cmpf olt, %slice3A_209, %select_n3A_205 : vector<1024x128xf32>
    %select_n3A_211 = arith.select %lt3A_210, %slice3A_209, %select_n3A_205 : vector<1024x128xi1>, vector<1024x128xf32>
    %jit3A_212 = arith.constant 2.800000e+01 : f32
    %broadcast_in_dim3A_213 = vector.broadcast %jit3A_212 : f32 to vector<1024x128xf32>
    %select_n3A_214 = arith.select %lt3A_210, %broadcast_in_dim3A_213, %select_n3A_208 : vector<1024x128xi1>, vector<1024x128xf32>
    %slice3A_215 = vector.extract_strided_slice %dot_general3A_136 {offsets = [0, 1664], sizes = [1024, 128], strides = [1, 1]} : vector<1024x2048xf32> to vector<1024x128xf32>
    %lt3A_216 = arith.cmpf olt, %slice3A_215, %select_n3A_211 : vector<1024x128xf32>
    %select_n3A_217 = arith.select %lt3A_216, %slice3A_215, %select_n3A_211 : vector<1024x128xi1>, vector<1024x128xf32>
    %jit3A_218 = arith.constant 2.900000e+01 : f32
    %broadcast_in_dim3A_219 = vector.broadcast %jit3A_218 : f32 to vector<1024x128xf32>
    %select_n3A_220 = arith.select %lt3A_216, %broadcast_in_dim3A_219, %select_n3A_214 : vector<1024x128xi1>, vector<1024x128xf32>
    %slice3A_221 = vector.extract_strided_slice %dot_general3A_136 {offsets = [0, 1792], sizes = [1024, 128], strides = [1, 1]} : vector<1024x2048xf32> to vector<1024x128xf32>
    %lt3A_222 = arith.cmpf olt, %slice3A_221, %select_n3A_217 : vector<1024x128xf32>
    %select_n3A_223 = arith.select %lt3A_222, %slice3A_221, %select_n3A_217 : vector<1024x128xi1>, vector<1024x128xf32>
    %jit3A_224 = arith.constant 3.000000e+01 : f32
    %broadcast_in_dim3A_225 = vector.broadcast %jit3A_224 : f32 to vector<1024x128xf32>
    %select_n3A_226 = arith.select %lt3A_222, %broadcast_in_dim3A_225, %select_n3A_220 : vector<1024x128xi1>, vector<1024x128xf32>
    %slice3A_227 = vector.extract_strided_slice %dot_general3A_136 {offsets = [0, 1920], sizes = [1024, 128], strides = [1, 1]} : vector<1024x2048xf32> to vector<1024x128xf32>
    %lt3A_228 = arith.cmpf olt, %slice3A_227, %select_n3A_223 : vector<1024x128xf32>
    %select_n3A_229 = arith.select %lt3A_228, %slice3A_227, %select_n3A_223 : vector<1024x128xi1>, vector<1024x128xf32>
    %jit3A_230 = arith.constant 3.100000e+01 : f32
    %broadcast_in_dim3A_231 = vector.broadcast %jit3A_230 : f32 to vector<1024x128xf32>
    %select_n3A_232 = arith.select %lt3A_228, %broadcast_in_dim3A_231, %select_n3A_226 : vector<1024x128xi1>, vector<1024x128xf32>
    %slice3A_233 = vector.extract_strided_slice %concatenate3A_33 {offsets = [0, 4096], sizes = [6, 2048], strides = [1, 1]} : vector<6x8192xbf16> to vector<6x2048xbf16>
    %dot_general3A_234 = arith.constant dense<0.000000e+00> : vector<1024x2048xf32>
    %dot_general3A_235 = tpu.matmul %concatenate3A, %slice3A_233, %dot_general3A_234 {dimension_numbers = #tpu.dot_dimension_numbers<[1], [0], [0], [1], [0, 0, 1, 1], [], []>, transpose_lhs_hint = false} : vector<1024x6xbf16>, vector<6x2048xbf16>, vector<1024x2048xf32> -> vector<1024x2048xf32>
    %slice3A_236 = vector.extract_strided_slice %dot_general3A_235 {offsets = [0, 0], sizes = [1024, 128], strides = [1, 1]} : vector<1024x2048xf32> to vector<1024x128xf32>
    %lt3A_237 = arith.cmpf olt, %slice3A_236, %select_n3A_229 : vector<1024x128xf32>
    %select_n3A_238 = arith.select %lt3A_237, %slice3A_236, %select_n3A_229 : vector<1024x128xi1>, vector<1024x128xf32>
    %jit3A_239 = arith.constant 3.200000e+01 : f32
    %broadcast_in_dim3A_240 = vector.broadcast %jit3A_239 : f32 to vector<1024x128xf32>
    %select_n3A_241 = arith.select %lt3A_237, %broadcast_in_dim3A_240, %select_n3A_232 : vector<1024x128xi1>, vector<1024x128xf32>
    %slice3A_242 = vector.extract_strided_slice %dot_general3A_235 {offsets = [0, 128], sizes = [1024, 128], strides = [1, 1]} : vector<1024x2048xf32> to vector<1024x128xf32>
    %lt3A_243 = arith.cmpf olt, %slice3A_242, %select_n3A_238 : vector<1024x128xf32>
    %select_n3A_244 = arith.select %lt3A_243, %slice3A_242, %select_n3A_238 : vector<1024x128xi1>, vector<1024x128xf32>
    %jit3A_245 = arith.constant 3.300000e+01 : f32
    %broadcast_in_dim3A_246 = vector.broadcast %jit3A_245 : f32 to vector<1024x128xf32>
    %select_n3A_247 = arith.select %lt3A_243, %broadcast_in_dim3A_246, %select_n3A_241 : vector<1024x128xi1>, vector<1024x128xf32>
    %slice3A_248 = vector.extract_strided_slice %dot_general3A_235 {offsets = [0, 256], sizes = [1024, 128], strides = [1, 1]} : vector<1024x2048xf32> to vector<1024x128xf32>
    %lt3A_249 = arith.cmpf olt, %slice3A_248, %select_n3A_244 : vector<1024x128xf32>
    %select_n3A_250 = arith.select %lt3A_249, %slice3A_248, %select_n3A_244 : vector<1024x128xi1>, vector<1024x128xf32>
    %jit3A_251 = arith.constant 3.400000e+01 : f32
    %broadcast_in_dim3A_252 = vector.broadcast %jit3A_251 : f32 to vector<1024x128xf32>
    %select_n3A_253 = arith.select %lt3A_249, %broadcast_in_dim3A_252, %select_n3A_247 : vector<1024x128xi1>, vector<1024x128xf32>
    %slice3A_254 = vector.extract_strided_slice %dot_general3A_235 {offsets = [0, 384], sizes = [1024, 128], strides = [1, 1]} : vector<1024x2048xf32> to vector<1024x128xf32>
    %lt3A_255 = arith.cmpf olt, %slice3A_254, %select_n3A_250 : vector<1024x128xf32>
    %select_n3A_256 = arith.select %lt3A_255, %slice3A_254, %select_n3A_250 : vector<1024x128xi1>, vector<1024x128xf32>
    %jit3A_257 = arith.constant 3.500000e+01 : f32
    %broadcast_in_dim3A_258 = vector.broadcast %jit3A_257 : f32 to vector<1024x128xf32>
    %select_n3A_259 = arith.select %lt3A_255, %broadcast_in_dim3A_258, %select_n3A_253 : vector<1024x128xi1>, vector<1024x128xf32>
    %slice3A_260 = vector.extract_strided_slice %dot_general3A_235 {offsets = [0, 512], sizes = [1024, 128], strides = [1, 1]} : vector<1024x2048xf32> to vector<1024x128xf32>
    %lt3A_261 = arith.cmpf olt, %slice3A_260, %select_n3A_256 : vector<1024x128xf32>
    %select_n3A_262 = arith.select %lt3A_261, %slice3A_260, %select_n3A_256 : vector<1024x128xi1>, vector<1024x128xf32>
    %jit3A_263 = arith.constant 3.600000e+01 : f32
    %broadcast_in_dim3A_264 = vector.broadcast %jit3A_263 : f32 to vector<1024x128xf32>
    %select_n3A_265 = arith.select %lt3A_261, %broadcast_in_dim3A_264, %select_n3A_259 : vector<1024x128xi1>, vector<1024x128xf32>
    %slice3A_266 = vector.extract_strided_slice %dot_general3A_235 {offsets = [0, 640], sizes = [1024, 128], strides = [1, 1]} : vector<1024x2048xf32> to vector<1024x128xf32>
    %lt3A_267 = arith.cmpf olt, %slice3A_266, %select_n3A_262 : vector<1024x128xf32>
    %select_n3A_268 = arith.select %lt3A_267, %slice3A_266, %select_n3A_262 : vector<1024x128xi1>, vector<1024x128xf32>
    %jit3A_269 = arith.constant 3.700000e+01 : f32
    %broadcast_in_dim3A_270 = vector.broadcast %jit3A_269 : f32 to vector<1024x128xf32>
    %select_n3A_271 = arith.select %lt3A_267, %broadcast_in_dim3A_270, %select_n3A_265 : vector<1024x128xi1>, vector<1024x128xf32>
    %slice3A_272 = vector.extract_strided_slice %dot_general3A_235 {offsets = [0, 768], sizes = [1024, 128], strides = [1, 1]} : vector<1024x2048xf32> to vector<1024x128xf32>
    %lt3A_273 = arith.cmpf olt, %slice3A_272, %select_n3A_268 : vector<1024x128xf32>
    %select_n3A_274 = arith.select %lt3A_273, %slice3A_272, %select_n3A_268 : vector<1024x128xi1>, vector<1024x128xf32>
    %jit3A_275 = arith.constant 3.800000e+01 : f32
    %broadcast_in_dim3A_276 = vector.broadcast %jit3A_275 : f32 to vector<1024x128xf32>
    %select_n3A_277 = arith.select %lt3A_273, %broadcast_in_dim3A_276, %select_n3A_271 : vector<1024x128xi1>, vector<1024x128xf32>
    %slice3A_278 = vector.extract_strided_slice %dot_general3A_235 {offsets = [0, 896], sizes = [1024, 128], strides = [1, 1]} : vector<1024x2048xf32> to vector<1024x128xf32>
    %lt3A_279 = arith.cmpf olt, %slice3A_278, %select_n3A_274 : vector<1024x128xf32>
    %select_n3A_280 = arith.select %lt3A_279, %slice3A_278, %select_n3A_274 : vector<1024x128xi1>, vector<1024x128xf32>
    %jit3A_281 = arith.constant 3.900000e+01 : f32
    %broadcast_in_dim3A_282 = vector.broadcast %jit3A_281 : f32 to vector<1024x128xf32>
    %select_n3A_283 = arith.select %lt3A_279, %broadcast_in_dim3A_282, %select_n3A_277 : vector<1024x128xi1>, vector<1024x128xf32>
    %slice3A_284 = vector.extract_strided_slice %dot_general3A_235 {offsets = [0, 1024], sizes = [1024, 128], strides = [1, 1]} : vector<1024x2048xf32> to vector<1024x128xf32>
    %lt3A_285 = arith.cmpf olt, %slice3A_284, %select_n3A_280 : vector<1024x128xf32>
    %select_n3A_286 = arith.select %lt3A_285, %slice3A_284, %select_n3A_280 : vector<1024x128xi1>, vector<1024x128xf32>
    %jit3A_287 = arith.constant 4.000000e+01 : f32
    %broadcast_in_dim3A_288 = vector.broadcast %jit3A_287 : f32 to vector<1024x128xf32>
    %select_n3A_289 = arith.select %lt3A_285, %broadcast_in_dim3A_288, %select_n3A_283 : vector<1024x128xi1>, vector<1024x128xf32>
    %slice3A_290 = vector.extract_strided_slice %dot_general3A_235 {offsets = [0, 1152], sizes = [1024, 128], strides = [1, 1]} : vector<1024x2048xf32> to vector<1024x128xf32>
    %lt3A_291 = arith.cmpf olt, %slice3A_290, %select_n3A_286 : vector<1024x128xf32>
    %select_n3A_292 = arith.select %lt3A_291, %slice3A_290, %select_n3A_286 : vector<1024x128xi1>, vector<1024x128xf32>
    %jit3A_293 = arith.constant 4.100000e+01 : f32
    %broadcast_in_dim3A_294 = vector.broadcast %jit3A_293 : f32 to vector<1024x128xf32>
    %select_n3A_295 = arith.select %lt3A_291, %broadcast_in_dim3A_294, %select_n3A_289 : vector<1024x128xi1>, vector<1024x128xf32>
    %slice3A_296 = vector.extract_strided_slice %dot_general3A_235 {offsets = [0, 1280], sizes = [1024, 128], strides = [1, 1]} : vector<1024x2048xf32> to vector<1024x128xf32>
    %lt3A_297 = arith.cmpf olt, %slice3A_296, %select_n3A_292 : vector<1024x128xf32>
    %select_n3A_298 = arith.select %lt3A_297, %slice3A_296, %select_n3A_292 : vector<1024x128xi1>, vector<1024x128xf32>
    %jit3A_299 = arith.constant 4.200000e+01 : f32
    %broadcast_in_dim3A_300 = vector.broadcast %jit3A_299 : f32 to vector<1024x128xf32>
    %select_n3A_301 = arith.select %lt3A_297, %broadcast_in_dim3A_300, %select_n3A_295 : vector<1024x128xi1>, vector<1024x128xf32>
    %slice3A_302 = vector.extract_strided_slice %dot_general3A_235 {offsets = [0, 1408], sizes = [1024, 128], strides = [1, 1]} : vector<1024x2048xf32> to vector<1024x128xf32>
    %lt3A_303 = arith.cmpf olt, %slice3A_302, %select_n3A_298 : vector<1024x128xf32>
    %select_n3A_304 = arith.select %lt3A_303, %slice3A_302, %select_n3A_298 : vector<1024x128xi1>, vector<1024x128xf32>
    %jit3A_305 = arith.constant 4.300000e+01 : f32
    %broadcast_in_dim3A_306 = vector.broadcast %jit3A_305 : f32 to vector<1024x128xf32>
    %select_n3A_307 = arith.select %lt3A_303, %broadcast_in_dim3A_306, %select_n3A_301 : vector<1024x128xi1>, vector<1024x128xf32>
    %slice3A_308 = vector.extract_strided_slice %dot_general3A_235 {offsets = [0, 1536], sizes = [1024, 128], strides = [1, 1]} : vector<1024x2048xf32> to vector<1024x128xf32>
    %lt3A_309 = arith.cmpf olt, %slice3A_308, %select_n3A_304 : vector<1024x128xf32>
    %select_n3A_310 = arith.select %lt3A_309, %slice3A_308, %select_n3A_304 : vector<1024x128xi1>, vector<1024x128xf32>
    %jit3A_311 = arith.constant 4.400000e+01 : f32
    %broadcast_in_dim3A_312 = vector.broadcast %jit3A_311 : f32 to vector<1024x128xf32>
    %select_n3A_313 = arith.select %lt3A_309, %broadcast_in_dim3A_312, %select_n3A_307 : vector<1024x128xi1>, vector<1024x128xf32>
    %slice3A_314 = vector.extract_strided_slice %dot_general3A_235 {offsets = [0, 1664], sizes = [1024, 128], strides = [1, 1]} : vector<1024x2048xf32> to vector<1024x128xf32>
    %lt3A_315 = arith.cmpf olt, %slice3A_314, %select_n3A_310 : vector<1024x128xf32>
    %select_n3A_316 = arith.select %lt3A_315, %slice3A_314, %select_n3A_310 : vector<1024x128xi1>, vector<1024x128xf32>
    %jit3A_317 = arith.constant 4.500000e+01 : f32
    %broadcast_in_dim3A_318 = vector.broadcast %jit3A_317 : f32 to vector<1024x128xf32>
    %select_n3A_319 = arith.select %lt3A_315, %broadcast_in_dim3A_318, %select_n3A_313 : vector<1024x128xi1>, vector<1024x128xf32>
    %slice3A_320 = vector.extract_strided_slice %dot_general3A_235 {offsets = [0, 1792], sizes = [1024, 128], strides = [1, 1]} : vector<1024x2048xf32> to vector<1024x128xf32>
    %lt3A_321 = arith.cmpf olt, %slice3A_320, %select_n3A_316 : vector<1024x128xf32>
    %select_n3A_322 = arith.select %lt3A_321, %slice3A_320, %select_n3A_316 : vector<1024x128xi1>, vector<1024x128xf32>
    %jit3A_323 = arith.constant 4.600000e+01 : f32
    %broadcast_in_dim3A_324 = vector.broadcast %jit3A_323 : f32 to vector<1024x128xf32>
    %select_n3A_325 = arith.select %lt3A_321, %broadcast_in_dim3A_324, %select_n3A_319 : vector<1024x128xi1>, vector<1024x128xf32>
    %slice3A_326 = vector.extract_strided_slice %dot_general3A_235 {offsets = [0, 1920], sizes = [1024, 128], strides = [1, 1]} : vector<1024x2048xf32> to vector<1024x128xf32>
    %lt3A_327 = arith.cmpf olt, %slice3A_326, %select_n3A_322 : vector<1024x128xf32>
    %select_n3A_328 = arith.select %lt3A_327, %slice3A_326, %select_n3A_322 : vector<1024x128xi1>, vector<1024x128xf32>
    %jit3A_329 = arith.constant 4.700000e+01 : f32
    %broadcast_in_dim3A_330 = vector.broadcast %jit3A_329 : f32 to vector<1024x128xf32>
    %select_n3A_331 = arith.select %lt3A_327, %broadcast_in_dim3A_330, %select_n3A_325 : vector<1024x128xi1>, vector<1024x128xf32>
    %slice3A_332 = vector.extract_strided_slice %concatenate3A_33 {offsets = [0, 6144], sizes = [6, 2048], strides = [1, 1]} : vector<6x8192xbf16> to vector<6x2048xbf16>
    %dot_general3A_333 = arith.constant dense<0.000000e+00> : vector<1024x2048xf32>
    %dot_general3A_334 = tpu.matmul %concatenate3A, %slice3A_332, %dot_general3A_333 {dimension_numbers = #tpu.dot_dimension_numbers<[1], [0], [0], [1], [0, 0, 1, 1], [], []>, transpose_lhs_hint = false} : vector<1024x6xbf16>, vector<6x2048xbf16>, vector<1024x2048xf32> -> vector<1024x2048xf32>
    %slice3A_335 = vector.extract_strided_slice %dot_general3A_334 {offsets = [0, 0], sizes = [1024, 128], strides = [1, 1]} : vector<1024x2048xf32> to vector<1024x128xf32>
    %lt3A_336 = arith.cmpf olt, %slice3A_335, %select_n3A_328 : vector<1024x128xf32>
    %select_n3A_337 = arith.select %lt3A_336, %slice3A_335, %select_n3A_328 : vector<1024x128xi1>, vector<1024x128xf32>
    %jit3A_338 = arith.constant 4.800000e+01 : f32
    %broadcast_in_dim3A_339 = vector.broadcast %jit3A_338 : f32 to vector<1024x128xf32>
    %select_n3A_340 = arith.select %lt3A_336, %broadcast_in_dim3A_339, %select_n3A_331 : vector<1024x128xi1>, vector<1024x128xf32>
    %slice3A_341 = vector.extract_strided_slice %dot_general3A_334 {offsets = [0, 128], sizes = [1024, 128], strides = [1, 1]} : vector<1024x2048xf32> to vector<1024x128xf32>
    %lt3A_342 = arith.cmpf olt, %slice3A_341, %select_n3A_337 : vector<1024x128xf32>
    %select_n3A_343 = arith.select %lt3A_342, %slice3A_341, %select_n3A_337 : vector<1024x128xi1>, vector<1024x128xf32>
    %jit3A_344 = arith.constant 4.900000e+01 : f32
    %broadcast_in_dim3A_345 = vector.broadcast %jit3A_344 : f32 to vector<1024x128xf32>
    %select_n3A_346 = arith.select %lt3A_342, %broadcast_in_dim3A_345, %select_n3A_340 : vector<1024x128xi1>, vector<1024x128xf32>
    %slice3A_347 = vector.extract_strided_slice %dot_general3A_334 {offsets = [0, 256], sizes = [1024, 128], strides = [1, 1]} : vector<1024x2048xf32> to vector<1024x128xf32>
    %lt3A_348 = arith.cmpf olt, %slice3A_347, %select_n3A_343 : vector<1024x128xf32>
    %select_n3A_349 = arith.select %lt3A_348, %slice3A_347, %select_n3A_343 : vector<1024x128xi1>, vector<1024x128xf32>
    %jit3A_350 = arith.constant 5.000000e+01 : f32
    %broadcast_in_dim3A_351 = vector.broadcast %jit3A_350 : f32 to vector<1024x128xf32>
    %select_n3A_352 = arith.select %lt3A_348, %broadcast_in_dim3A_351, %select_n3A_346 : vector<1024x128xi1>, vector<1024x128xf32>
    %slice3A_353 = vector.extract_strided_slice %dot_general3A_334 {offsets = [0, 384], sizes = [1024, 128], strides = [1, 1]} : vector<1024x2048xf32> to vector<1024x128xf32>
    %lt3A_354 = arith.cmpf olt, %slice3A_353, %select_n3A_349 : vector<1024x128xf32>
    %select_n3A_355 = arith.select %lt3A_354, %slice3A_353, %select_n3A_349 : vector<1024x128xi1>, vector<1024x128xf32>
    %jit3A_356 = arith.constant 5.100000e+01 : f32
    %broadcast_in_dim3A_357 = vector.broadcast %jit3A_356 : f32 to vector<1024x128xf32>
    %select_n3A_358 = arith.select %lt3A_354, %broadcast_in_dim3A_357, %select_n3A_352 : vector<1024x128xi1>, vector<1024x128xf32>
    %slice3A_359 = vector.extract_strided_slice %dot_general3A_334 {offsets = [0, 512], sizes = [1024, 128], strides = [1, 1]} : vector<1024x2048xf32> to vector<1024x128xf32>
    %lt3A_360 = arith.cmpf olt, %slice3A_359, %select_n3A_355 : vector<1024x128xf32>
    %select_n3A_361 = arith.select %lt3A_360, %slice3A_359, %select_n3A_355 : vector<1024x128xi1>, vector<1024x128xf32>
    %jit3A_362 = arith.constant 5.200000e+01 : f32
    %broadcast_in_dim3A_363 = vector.broadcast %jit3A_362 : f32 to vector<1024x128xf32>
    %select_n3A_364 = arith.select %lt3A_360, %broadcast_in_dim3A_363, %select_n3A_358 : vector<1024x128xi1>, vector<1024x128xf32>
    %slice3A_365 = vector.extract_strided_slice %dot_general3A_334 {offsets = [0, 640], sizes = [1024, 128], strides = [1, 1]} : vector<1024x2048xf32> to vector<1024x128xf32>
    %lt3A_366 = arith.cmpf olt, %slice3A_365, %select_n3A_361 : vector<1024x128xf32>
    %select_n3A_367 = arith.select %lt3A_366, %slice3A_365, %select_n3A_361 : vector<1024x128xi1>, vector<1024x128xf32>
    %jit3A_368 = arith.constant 5.300000e+01 : f32
    %broadcast_in_dim3A_369 = vector.broadcast %jit3A_368 : f32 to vector<1024x128xf32>
    %select_n3A_370 = arith.select %lt3A_366, %broadcast_in_dim3A_369, %select_n3A_364 : vector<1024x128xi1>, vector<1024x128xf32>
    %slice3A_371 = vector.extract_strided_slice %dot_general3A_334 {offsets = [0, 768], sizes = [1024, 128], strides = [1, 1]} : vector<1024x2048xf32> to vector<1024x128xf32>
    %lt3A_372 = arith.cmpf olt, %slice3A_371, %select_n3A_367 : vector<1024x128xf32>
    %select_n3A_373 = arith.select %lt3A_372, %slice3A_371, %select_n3A_367 : vector<1024x128xi1>, vector<1024x128xf32>
    %jit3A_374 = arith.constant 5.400000e+01 : f32
    %broadcast_in_dim3A_375 = vector.broadcast %jit3A_374 : f32 to vector<1024x128xf32>
    %select_n3A_376 = arith.select %lt3A_372, %broadcast_in_dim3A_375, %select_n3A_370 : vector<1024x128xi1>, vector<1024x128xf32>
    %slice3A_377 = vector.extract_strided_slice %dot_general3A_334 {offsets = [0, 896], sizes = [1024, 128], strides = [1, 1]} : vector<1024x2048xf32> to vector<1024x128xf32>
    %lt3A_378 = arith.cmpf olt, %slice3A_377, %select_n3A_373 : vector<1024x128xf32>
    %select_n3A_379 = arith.select %lt3A_378, %slice3A_377, %select_n3A_373 : vector<1024x128xi1>, vector<1024x128xf32>
    %jit3A_380 = arith.constant 5.500000e+01 : f32
    %broadcast_in_dim3A_381 = vector.broadcast %jit3A_380 : f32 to vector<1024x128xf32>
    %select_n3A_382 = arith.select %lt3A_378, %broadcast_in_dim3A_381, %select_n3A_376 : vector<1024x128xi1>, vector<1024x128xf32>
    %slice3A_383 = vector.extract_strided_slice %dot_general3A_334 {offsets = [0, 1024], sizes = [1024, 128], strides = [1, 1]} : vector<1024x2048xf32> to vector<1024x128xf32>
    %lt3A_384 = arith.cmpf olt, %slice3A_383, %select_n3A_379 : vector<1024x128xf32>
    %select_n3A_385 = arith.select %lt3A_384, %slice3A_383, %select_n3A_379 : vector<1024x128xi1>, vector<1024x128xf32>
    %jit3A_386 = arith.constant 5.600000e+01 : f32
    %broadcast_in_dim3A_387 = vector.broadcast %jit3A_386 : f32 to vector<1024x128xf32>
    %select_n3A_388 = arith.select %lt3A_384, %broadcast_in_dim3A_387, %select_n3A_382 : vector<1024x128xi1>, vector<1024x128xf32>
    %slice3A_389 = vector.extract_strided_slice %dot_general3A_334 {offsets = [0, 1152], sizes = [1024, 128], strides = [1, 1]} : vector<1024x2048xf32> to vector<1024x128xf32>
    %lt3A_390 = arith.cmpf olt, %slice3A_389, %select_n3A_385 : vector<1024x128xf32>
    %select_n3A_391 = arith.select %lt3A_390, %slice3A_389, %select_n3A_385 : vector<1024x128xi1>, vector<1024x128xf32>
    %jit3A_392 = arith.constant 5.700000e+01 : f32
    %broadcast_in_dim3A_393 = vector.broadcast %jit3A_392 : f32 to vector<1024x128xf32>
    %select_n3A_394 = arith.select %lt3A_390, %broadcast_in_dim3A_393, %select_n3A_388 : vector<1024x128xi1>, vector<1024x128xf32>
    %slice3A_395 = vector.extract_strided_slice %dot_general3A_334 {offsets = [0, 1280], sizes = [1024, 128], strides = [1, 1]} : vector<1024x2048xf32> to vector<1024x128xf32>
    %lt3A_396 = arith.cmpf olt, %slice3A_395, %select_n3A_391 : vector<1024x128xf32>
    %select_n3A_397 = arith.select %lt3A_396, %slice3A_395, %select_n3A_391 : vector<1024x128xi1>, vector<1024x128xf32>
    %jit3A_398 = arith.constant 5.800000e+01 : f32
    %broadcast_in_dim3A_399 = vector.broadcast %jit3A_398 : f32 to vector<1024x128xf32>
    %select_n3A_400 = arith.select %lt3A_396, %broadcast_in_dim3A_399, %select_n3A_394 : vector<1024x128xi1>, vector<1024x128xf32>
    %slice3A_401 = vector.extract_strided_slice %dot_general3A_334 {offsets = [0, 1408], sizes = [1024, 128], strides = [1, 1]} : vector<1024x2048xf32> to vector<1024x128xf32>
    %lt3A_402 = arith.cmpf olt, %slice3A_401, %select_n3A_397 : vector<1024x128xf32>
    %select_n3A_403 = arith.select %lt3A_402, %slice3A_401, %select_n3A_397 : vector<1024x128xi1>, vector<1024x128xf32>
    %jit3A_404 = arith.constant 5.900000e+01 : f32
    %broadcast_in_dim3A_405 = vector.broadcast %jit3A_404 : f32 to vector<1024x128xf32>
    %select_n3A_406 = arith.select %lt3A_402, %broadcast_in_dim3A_405, %select_n3A_400 : vector<1024x128xi1>, vector<1024x128xf32>
    %slice3A_407 = vector.extract_strided_slice %dot_general3A_334 {offsets = [0, 1536], sizes = [1024, 128], strides = [1, 1]} : vector<1024x2048xf32> to vector<1024x128xf32>
    %lt3A_408 = arith.cmpf olt, %slice3A_407, %select_n3A_403 : vector<1024x128xf32>
    %select_n3A_409 = arith.select %lt3A_408, %slice3A_407, %select_n3A_403 : vector<1024x128xi1>, vector<1024x128xf32>
    %jit3A_410 = arith.constant 6.000000e+01 : f32
    %broadcast_in_dim3A_411 = vector.broadcast %jit3A_410 : f32 to vector<1024x128xf32>
    %select_n3A_412 = arith.select %lt3A_408, %broadcast_in_dim3A_411, %select_n3A_406 : vector<1024x128xi1>, vector<1024x128xf32>
    %slice3A_413 = vector.extract_strided_slice %dot_general3A_334 {offsets = [0, 1664], sizes = [1024, 128], strides = [1, 1]} : vector<1024x2048xf32> to vector<1024x128xf32>
    %lt3A_414 = arith.cmpf olt, %slice3A_413, %select_n3A_409 : vector<1024x128xf32>
    %select_n3A_415 = arith.select %lt3A_414, %slice3A_413, %select_n3A_409 : vector<1024x128xi1>, vector<1024x128xf32>
    %jit3A_416 = arith.constant 6.100000e+01 : f32
    %broadcast_in_dim3A_417 = vector.broadcast %jit3A_416 : f32 to vector<1024x128xf32>
    %select_n3A_418 = arith.select %lt3A_414, %broadcast_in_dim3A_417, %select_n3A_412 : vector<1024x128xi1>, vector<1024x128xf32>
    %slice3A_419 = vector.extract_strided_slice %dot_general3A_334 {offsets = [0, 1792], sizes = [1024, 128], strides = [1, 1]} : vector<1024x2048xf32> to vector<1024x128xf32>
    %lt3A_420 = arith.cmpf olt, %slice3A_419, %select_n3A_415 : vector<1024x128xf32>
    %select_n3A_421 = arith.select %lt3A_420, %slice3A_419, %select_n3A_415 : vector<1024x128xi1>, vector<1024x128xf32>
    %jit3A_422 = arith.constant 6.200000e+01 : f32
    %broadcast_in_dim3A_423 = vector.broadcast %jit3A_422 : f32 to vector<1024x128xf32>
    %select_n3A_424 = arith.select %lt3A_420, %broadcast_in_dim3A_423, %select_n3A_418 : vector<1024x128xi1>, vector<1024x128xf32>
    %slice3A_425 = vector.extract_strided_slice %dot_general3A_334 {offsets = [0, 1920], sizes = [1024, 128], strides = [1, 1]} : vector<1024x2048xf32> to vector<1024x128xf32>
    %lt3A_426 = arith.cmpf olt, %slice3A_425, %select_n3A_421 : vector<1024x128xf32>
    %select_n3A_427 = arith.select %lt3A_426, %slice3A_425, %select_n3A_421 : vector<1024x128xi1>, vector<1024x128xf32>
    %jit3A_428 = arith.constant 6.300000e+01 : f32
    %broadcast_in_dim3A_429 = vector.broadcast %jit3A_428 : f32 to vector<1024x128xf32>
    %select_n3A_430 = arith.select %lt3A_426, %broadcast_in_dim3A_429, %select_n3A_424 : vector<1024x128xi1>, vector<1024x128xf32>
    %reduce_min3A = arith.constant dense<0x7F800000> : vector<1024xf32>
    %reduce_min3A_431 = vector.multi_reduction <minimumf>, %select_n3A_427, %reduce_min3A [1] : vector<1024x128xf32> to vector<1024xf32>
    %broadcast_in_dim3A_432 = vector.shape_cast %reduce_min3A_431 : vector<1024xf32> to vector<1024x1xf32>
    %iota3A = tpu.iota {dimensions = array<i32: 1>} : vector<1024x128xi32>
    %convert_element_type3A_433 = arith.sitofp %iota3A : vector<1024x128xi32> to vector<1024x128xf32>
    %mul3A_434 = arith.constant 1.280000e+02 : f32
    %mul3A_435 = vector.broadcast %mul3A_434 : f32 to vector<1024x128xf32>
    %mul3A_436 = arith.mulf %select_n3A_430, %mul3A_435 : vector<1024x128xf32>
    %add3A_437 = arith.addf %mul3A_436, %convert_element_type3A_433 : vector<1024x128xf32>
    %eq3A = vector.broadcast %broadcast_in_dim3A_432 : vector<1024x1xf32> to vector<1024x128xf32>
    %eq3A_438 = arith.cmpf oeq, %select_n3A_427, %eq3A : vector<1024x128xf32>
    %jit3A_439 = arith.constant 1.638400e+04 : f32
    %broadcast_in_dim3A_440 = vector.broadcast %jit3A_439 : f32 to vector<1024x128xf32>
    %select_n3A_441 = arith.select %eq3A_438, %add3A_437, %broadcast_in_dim3A_440 : vector<1024x128xi1>, vector<1024x128xf32>
    %reduce_min3A_442 = arith.constant dense<0x7F800000> : vector<1024xf32>
    %reduce_min3A_443 = vector.multi_reduction <minimumf>, %select_n3A_441, %reduce_min3A_442 [1] : vector<1024x128xf32> to vector<1024xf32>
    %broadcast_in_dim3A_444 = vector.shape_cast %reduce_min3A_443 : vector<1024xf32> to vector<1024x1xf32>
    %concatenate3A_445 = tpu.concatenate %broadcast_in_dim3A_444, %add3A_9 in 1 : vector<1024x1xf32>, vector<1024x3xf32> -> vector<1024x4xf32>
    %swap3A = arith.constant 0 : index
    %swap3A_446 = arith.constant 0 : index
    %swap3A_447 = vector.load %arg5[%swap3A, %swap3A_446] : memref<1024x4xf32, #tpu.memory_space<vmem>>, vector<1024x4xf32>
    tpu.vector_store %arg5[%swap3A, %swap3A_446], %concatenate3A_445 {strides = array<i32>} : memref<1024x4xf32, #tpu.memory_space<vmem>>, vector<1024x4xf32>,
    return
  }
  func.func @transform_0(%arg0: i32) -> (i32, i32) {
    %c0_i32 = arith.constant 0 : i32
    %c0_i32_0 = arith.constant 0 : i32
    return %arg0, %c0_i32 : i32, i32
  }
  func.func @transform_1(%arg0: i32) -> (i32, i32) {
    %c0_i32 = arith.constant 0 : i32
    %c0_i32_0 = arith.constant 0 : i32
    %c0_i32_1 = arith.constant 0 : i32
    return %c0_i32, %c0_i32_0 : i32, i32
  }
  func.func @transform_2(%arg0: i32) -> (i32, i32) {
    %c0_i32 = arith.constant 0 : i32
    %c0_i32_0 = arith.constant 0 : i32
    %c0_i32_1 = arith.constant 0 : i32
    return %c0_i32, %c0_i32_0 : i32, i32
  }
  func.func @transform_3(%arg0: i32) -> (i32, i32) {
    %c0_i32 = arith.constant 0 : i32
    %c0_i32_0 = arith.constant 0 : i32
    %c0_i32_1 = arith.constant 0 : i32
    return %c0_i32, %c0_i32_0 : i32, i32
  }
  func.func @transform_4(%arg0: i32) -> (i32, i32) {
    %c0_i32 = arith.constant 0 : i32
    %c0_i32_0 = arith.constant 0 : i32
    return %arg0, %c0_i32 : i32, i32
  }
}

</mosaic_0001>

<sc_bundles>
// kernel: kernel.4.cloned.1.call-start
scs
__scs_entry_jumppad:
0x0: {  	(pc) =	sbr.rel $0x88, $3  }
0x1: {  	(tag) =	ssettag $0x0;
	lr =	simm.s32 $0x1  }
0x2: {  	[smem:$0x3F9C] =	sst lr;
	_ =	strace $0xD0000000  }
0x3: {  	_ = 	snop  }
0x4: {  	_ = 	snop  }
0x5: {  	_ = 	snop  }
0x6: {  	_ = 	snop  }
0x7: {  	_ = 	snop  }
__scs_overlays_trampoline_lowered:
0x8: {  	[smem:$0x3FAB] =	sst s0  }
0x9: {  	[smem:$0x3FAC] =	sst s1  }
0xa: {  	[smem:$0x3FAD] =	sst s2  }
0xb: {  	[smem:$0x3FAE] =	sst s3  }
0xc: {  	[smem:$0x3FAF] =	sst s4  }
0xd: {  	[smem:$0x3FB0] =	sst s5  }
0xe: {  	[smem:$0x3FB1] =	sst s6  }
0xf: {  	[smem:$0x3FB2] =	sst s7  }
0x10: {  	[smem:$0x3FB3] =	sst s8  }
0x11: {  	[smem:$0x3FB4] =	sst s9;
	s0 =	simm.s32 @!p0 $0x0  }
0x12: {  	s1 =	sld [smem:$0x3F9A];
	s0 =	simm.s32 @p0 $0x1  }
0x13: {  	[smem:$0x3FB5] =	sst s0;
	s0 =	simm.s32 @!p1 $0x0  }
0x14: {  	s2 =	sld [smem:$0x3F99];
	s0 =	simm.s32 @p1 $0x1  }
0x15: {  	[smem:$0x3FB6] =	sst s0;
	s0 =	simm.s32 @!p2 $0x0  }
0x16: {  	s3 =	sld [smem:$0x3FDB];
	s0 =	simm.s32 @p2 $0x1  }
0x17: {  	s4 =	simm.s32 $0x1BF5;
	[smem:$0x3FB8] =	sst s0  }
0x18: {  	s0 =	sld [smem:$0x3F9B];
	_ =	swait.ge [sflag:s4], $0x0  }
0x19: {  	s7 =	sld [smem:$0x3F9C]  }
0x1a: {  	s8 =	sadd.s32 $0xFFFFE003, lr  }
0x1b: {  	s9 =	sadd.s32 $0xFFFFFEF7, lr;
	s5 =	simm.s32 $0xFFFFFFFF;
	p2 =	slt.u32 s8, $0xFFFFF086  }
0x1c: {  	p1 =	slt.u32 s9, $0xF7A;
	s5 =	simm.s32 @!p2 $0x0  }
0x1d: {  	s5 =	simm.s32 @p1 $0x1;
	p0 =	seq.s32 s7, s2  }
0x1e: {  	s7 =	smul.u32 @!p0 $0xF7A, s2;
	p2 =	seq.s32 @!p0 s5, $0x0  }
0x1f: {  	s9 =	smul.u32 $0xF7A, s1;
	s8 =	simm.s32 @!p0 $0x1BF5;
	p2 =	por !p2, p0  }
0x20: {  	[sflag:s8] =	ssyncset.s32 @!p0 $0xFFFFF086;
	s6 =	sadd.s32 @!p0 s3, s7;
	s7 =	simm.s32 @!p0 $0x108  }
0x21: {  	s3 =	sadd.s32 s3, s9;
	s6 =	sadd.s32 @!p0 $0x88, s6;
	s7 =	simm.s32 @p2 $0x1082  }
0x22: {  	[simem:s7], [sflag:s8] =	dma.local @!p0 [hbm:s6], $0xF7A  }
0x23: {  	s9 =	sor.u32 $0xD0000000, s2;
	s6 =	simm.s32 $0x108;
	_ =	swait.ge @!p0 [sflag:s8], $0x0  }
0x24: {  	s3 =	sadd.s32 $0x88, s3;
	s6 =	simm.s32 @!p1 $0x1082;
	[sflag:s4] =	ssyncset.s32 $0xFFFFF086  }
0x25: {  	[simem:s6], [sflag:s4] =	dma.local [hbm:s3], $0xF7A  }
0x26: {  	[smem:$0x3F9C] =	sst s1;
	(tag) =	ssettag s2;
	_ =	strace s9  }
0x27: {  	s1 =	sld [smem:$0x3FAC]  }
0x28: {  	s2 =	sld [smem:$0x3FAD]  }
0x29: {  	s4 =	sld [smem:$0x3FAF]  }
0x2a: {  	p0 =	seq.s32 s5, $0x0;
	s5 =	sld [smem:$0x3FB0]  }
0x2b: {  	s6 =	sld [smem:$0x3FB1]  }
0x2c: {  	s7 =	sld [smem:$0x3FB2]  }
0x2d: {  	s3 =	simm.s32 $0x108;
	s8 =	sld [smem:$0x3FB3]  }
0x2e: {  	s3 =	simm.s32 @!p0 $0x1082;
	s9 =	sld [smem:$0x3FB4]  }
0x2f: {  	lr =	sadd.s32 s0, s3;
	s0 =	sld [smem:$0x3FAB]  }
0x30: {  	s3 =	sld [smem:$0x3FAE]  }
0x31: {  	[smem:$0x3FB7] =	sst s10  }
0x32: {  	s10 =	sld [smem:$0x3FB5];
	_ =	sdelay $0x3  }
0x33: {  	p0 =	seq.s32 s10, $0x1;
	s10 =	sld [smem:$0x3FB7];
	_ =	sdelay $0x3  }
0x34: {  	[smem:$0x3FB7] =	sst s10  }
0x35: {  	s10 =	sld [smem:$0x3FB6];
	_ =	sdelay $0x3  }
0x36: {  	p1 =	seq.s32 s10, $0x1;
	s10 =	sld [smem:$0x3FB7];
	_ =	sdelay $0x3  }
0x37: {  	[smem:$0x3FB7] =	sst s10  }
0x38: {  	s10 =	sld [smem:$0x3FB8]  }
0x39: {  	_ = 	snop;
	(pc) =	sbr.ind lr, $3  }
0x3a: {  	_ = 	snop  }
0x3b: {  	_ = 	snop  }
0x3c: {  	p2 =	seq.s32 s10, $0x1;
	s10 =	sld [smem:$0x3FB7]  }
0x3d: {  	_ =	shalt  }
0x3e: {  	_ =	shalt  }
0x3f: {  	_ =	shalt  }
0x40: {  	_ =	shalt  }
0x41: {  	_ =	shalt  }
0x42: {  	_ =	shalt  }
0x43: {  	_ =	shalt  }
0x44: {  	_ =	shalt  }
0x45: {  	_ =	shalt  }
0x46: {  	_ =	shalt  }
0x47: {  	_ =	shalt  }
0x48: {  	_ =	shalt  }
0x49: {  	_ =	shalt  }
0x4a: {  	_ =	shalt  }
0x4b: {  	_ =	shalt  }
0x4c: {  	_ =	shalt  }
0x4d: {  	_ =	shalt  }
0x4e: {  	_ =	shalt  }
0x4f: {  	_ =	shalt  }
0x50: {  	_ =	shalt  }
0x51: {  	_ =	shalt  }
0x52: {  	_ =	shalt  }
0x53: {  	_ =	shalt  }
0x54: {  	_ =	shalt  }
0x55: {  	_ =	shalt  }
0x56: {  	_ =	shalt  }
0x57: {  	_ =	shalt  }
0x58: {  	_ =	shalt  }
0x59: {  	_ =	shalt  }
0x5a: {  	_ =	shalt  }
0x5b: {  	_ =	shalt  }
0x5c: {  	_ =	shalt  }
0x5d: {  	_ =	shalt  }
0x5e: {  	_ =	shalt  }
0x5f: {  	_ =	shalt  }
0x60: {  	_ =	shalt  }
0x61: {  	_ =	shalt  }
0x62: {  	_ =	shalt  }
0x63: {  	_ =	shalt  }
0x64: {  	_ =	shalt  }
0x65: {  	_ =	shalt  }
0x66: {  	_ =	shalt  }
0x67: {  	_ =	shalt  }
0x68: {  	_ =	shalt  }
0x69: {  	_ =	shalt  }
0x6a: {  	_ =	shalt  }
0x6b: {  	_ =	shalt  }
0x6c: {  	_ =	shalt  }
0x6d: {  	_ =	shalt  }
0x6e: {  	_ =	shalt  }
0x6f: {  	_ =	shalt  }
0x70: {  	_ =	shalt  }
0x71: {  	_ =	shalt  }
0x72: {  	_ =	shalt  }
0x73: {  	_ =	shalt  }
0x74: {  	_ =	shalt  }
0x75: {  	_ =	shalt  }
0x76: {  	_ =	shalt  }
0x77: {  	_ =	shalt  }
0x78: {  	_ =	shalt  }
0x79: {  	_ =	shalt  }
0x7a: {  	_ =	shalt  }
0x7b: {  	_ =	shalt  }
0x7c: {  	_ =	shalt  }
0x7d: {  	_ =	shalt  }
0x7e: {  	_ =	shalt  }
0x7f: {  	_ =	shalt  }
0x80: {  	_ =	shalt  }
0x81: {  	_ =	shalt  }
0x82: {  	_ =	shalt  }
0x83: {  	_ =	shalt  }
0x84: {  	_ =	shalt  }
0x85: {  	_ =	shalt  }
0x86: {  	_ =	shalt  }
0x87: {  	_ =	shalt  }
.Lfunc_end0:
.L_simem_size_0:
called_computation_lowered:
.L_overlay_start_0:
0x88: {  	s2 =	sld [smem:$0x3FD9]  }
0x89: {  	s3 =	sld [smem:$0x3FFE];
	_ =	sdelay $0x1  }
0x8a: {  	s1 =	srdreg.scid  }
0x8b: {  	s0 =	sand.u32 $0x1, s1  }
0x8c: {  	s16 =	sshll.u32 s0, $0xA;
	s2 =	sadd.s32 s3, s2  }
0x8d: {  	s2 =	sadd.s32 s2, s16  }
0x8e: {  	[smem:$0x3FC3] =	sst s2  }
0x8f: {  	_ = 	snop  }
0x90: {  	(tm) =	ssettm $0x1  }
0x91: {  	s17 =	sld [smem:$0x3FFB];
	_ =	sdelay $0x3  }
0x92: {  	_ =	strace s17  }
0x93: {  	s2 =	sld [smem:$0x3FFC];
	_ =	sdelay $0x3  }
0x94: {  	_ =	strace s2  }
0x95: {  	s2 =	sld [smem:$0x3FFD];
	_ =	sdelay $0x3  }
0x96: {  	_ =	strace s2  }
0x97: {  	_ =	strace $0x8FFFFFFF  }
0x98: {  	s18 =	sld [smem:$0x3FDB];
	_ =	sdelay $0x1  }
0x99: {  	s19 =	simm.s32 $_scs_section_size  }
0x9a: {  	s4 =	simm.s32 $_size__tile_overlayer_lowered;
	s5 =	simm.s32 $_tile_overlayer_lowered  }
0x9b: {  	s22 =	simm.s32 $0x1BFF;
	s21 =	sshll.u32 s5, $0x1;
	s2 =	sadd.s32 s19, s18  }
0x9c: {  	s6 =	simm.s32 $0x0;
	s20 =	sshll.u32 s4, $0x1;
	s4 =	sadd.s32 s21, s2  }
0x9d: {  	[timem:s6], [sflag:s22] =	dma.local [hbm:s4], s20  }
0x9e: {  	_ =	swait.ge [sflag:s22], s20  }
0x9f: {  	s3 =	ssub.s32 $0x0, s20;
	[sflag:s22] =	ssyncset.done $0x0  }
0xa0: {  	[sflag:s22] =	ssyncadd.s32 s3;
	_ =	sdelay $0x1  }
0xa1: {  	s23 =	simm.s32 $0x1B8B  }
0xa2: {  	_ =	swait.ge [sflag:s23], $0x1  }
0xa3: {  	[sflag:s23] =	ssyncset.done $0x0  }
0xa4: {  	s25 =	simm.s32 $0x1B8E;
	s24 =	sld [smem:$0x3FFE];
	[sflag:s23] =	ssyncadd.s32 $0xFFFFFFFF  }
0xa5: {  	s26 =	simm.s32 $execute0_lowered;
	[smem:$0x3FD2] =	sst s25  }
0xa6: {  	s4 =	sshll.u32 s26, $0x1;
	_ =	strace $0x80000046;
	[dreg:$0x1] =	wrdreg $0xFFFFFFFF  }
0xa7: {  	s28 =	simm.s32 $_size_execute0_lowered;
	s2 =	sadd.s32 s2, s4;
	[dreg:$0x0] =	wrdreg $0x0  }
0xa8: {  	s4 =	sshll.u32 s28, $0x1;
	[dreg:$0x2] =	wrdreg s2  }
0xa9: {  	[dreg:$0x3] =	wrdreg s4  }
0xaa: {  	[dreg:$0x4] =	wrdreg $0xC0  }
0xab: {  	_ =	task [dreg:s6], $0x5FFFF  }
0xac: {  	[dreg:$0x1] =	wrdreg $0xFFFFFFFF  }
0xad: {  	[dreg:$0x0] =	wrdreg $0x60  }
0xae: {  	[dreg:$0x2] =	wrdreg s24  }
0xaf: {  	[dreg:$0x3] =	wrdreg $0x9  }
0xb0: {  	_ =	task.clear_ibuf [dreg:s6], $0x4FFFF;
	_ =	strace $0x90000046  }
0xb1: {  	s29 =	simm.s32 $0x9;
	_ =	strace $0x80000048  }
0xb2: {  	_ =	swait.ge [sflag:s29], $0x1  }
0xb3: {  	[sflag:s29] =	ssyncadd.s32 $0xFFFFFFFF  }
0xb4: {  	_ =	strace $0x90000048  }
0xb5: {  	_ =	sfence  }
0xb6: {  	s30 =	sld [smem:$0x0];
	_ =	sdelay $0x2  }
0xb7: {  	s31 =	sshll.u32 s1, $0xD;
	s1 =	sshrl.u32 s1, $0x2  }
0xb8: {  	s3 =	sand.u32 $0x4000, s31;
	s1 =	sadd.s32 s1, s30  }
0xb9: {  	s0 =	sor.u32 s3, s0;
	s1 =	sshll.u32 s1, $0x11  }
0xba: {  	s0 =	sor.u32 s1, s0  }
0xbb: {  	s0 =	sadd.s32 $0x8F2B, s0  }
0xbc: {  	[sflag:s0] =	ssyncadd.remote.s32 $0x1  }
0xbd: {  	_ =	sfence.sel $0xFFFF  }
0xbe: {  	[dreg:$0x0] =	wrdreg $0xFFFFFFFF;
	(pc) =	sbr.abs _section_cstart, $3  }
0xbf: {  	[dreg:$0x1] =	wrdreg $0xFFFFFFFF  }
0xc0: {  	_ =	task.clear_ibuf [dreg:s6], $0x2FFFF;
	_ =	strace $0x9FFFFFFF  }
0xc1: {  	(tm) =	ssettm $0x7FFFFFFF  }
tec
execute0_lowered:
.L_overlay_start_1:
0x0: {  	(tag) =	ssettag $0x1  }
0x1: {  	s3 =	srdreg.scid;
	s1 =	stileid.u32  }
0x2: {  	s5 =	rddreg [dreg:$0x0];
	s4 =	sand.u32 $0x1, s3;
	s28 =	sshll.u32 s1, $0x1  }
0x3: {  	s2 =	simm.s32 $0x0;
	v0 =	vlaneseq.u32;
	s3 =	sadd.s32 $0x200, s5;
	s6 =	sor.u32 s4, s28  }
0x4: {  	v0 =	vmul.u32 $0x4, v0;
	s8 =	ssub.s32 $0x2, s4;
	s4 =	sadd.s32 $0xE00, s5;
	s7 =	sshll.u32 s6, $0x4  }
0x5: {  	s9 =	sadd.s32 s7, s5;
	s5 =	sshll.u32 s6, $0x5;
	s6 =	sshll.u32 s6, $0xA  }
0x6: {  	[smem:$0x7FF] =	sst s2;
	s30 =	sor.u32 $0x40, s6;
	v47 =	vor.u32 s6, v0  }
0x7: {  	_ =	strace $0x80000047;
	s31 =	sor.u32 $0x80, s6;
	v1 =	vor.u32 s30, v0;
	[tilespmem:$0x1FEE0] =	vst v47  }
0x8: {  	s11 =	sor.u32 $0xC0, s6;
	v62 =	vor.u32 s31, v0;
	[tilespmem:$0x1FC00] =	vst v1  }
0x9: {  	s12 =	sor.u32 $0x100, s6;
	v63 =	vor.u32 s11, v0;
	[tilespmem:$0x1FC10] =	vst v62  }
0xa: {  	s13 =	sor.u32 $0x140, s6;
	v4 =	vor.u32 s12, v0;
	[tilespmem:$0x1FC20] =	vst v63  }
0xb: {  	s14 =	sor.u32 $0x180, s6;
	v5 =	vor.u32 s13, v0;
	[tilespmem:$0x1FC30] =	vst v4  }
0xc: {  	s15 =	sor.u32 $0x1C0, s6;
	v6 =	vor.u32 s14, v0;
	[tilespmem:$0x1FC40] =	vst v5  }
0xd: {  	s16 =	sor.u32 $0x200, s6;
	v7 =	vor.u32 s15, v0;
	[tilespmem:$0x1FC50] =	vst v6  }
0xe: {  	s17 =	sor.u32 $0x240, s6;
	v8 =	vor.u32 s16, v0;
	[tilespmem:$0x1FC60] =	vst v7  }
0xf: {  	s18 =	sor.u32 $0x280, s6;
	v9 =	vor.u32 s17, v0;
	[tilespmem:$0x1FC70] =	vst v8  }
0x10: {  	s19 =	sor.u32 $0x2C0, s6;
	v10 =	vor.u32 s18, v0;
	[tilespmem:$0x1FC80] =	vst v9  }
0x11: {  	s20 =	sor.u32 $0x300, s6;
	v11 =	vor.u32 s19, v0;
	[tilespmem:$0x1FC90] =	vst v10  }
0x12: {  	s21 =	sor.u32 $0x340, s6;
	v12 =	vor.u32 s20, v0;
	[tilespmem:$0x1FCA0] =	vst v11  }
0x13: {  	s22 =	sor.u32 $0x380, s6;
	v13 =	vor.u32 s21, v0;
	[tilespmem:$0x1FCB0] =	vst v12  }
0x14: {  	s23 =	sor.u32 $0x3C0, s6;
	v14 =	vor.u32 s22, v0;
	[tilespmem:$0x1FCC0] =	vst v13  }
0x15: {  	s0 =	sor.u32 $0x1, s6;
	v15 =	vor.u32 s23, v0;
	[tilespmem:$0x1FCD0] =	vst v14  }
0x16: {  	s24 =	sor.u32 $0x41, s6;
	v16 =	vor.u32 s0, v0;
	[tilespmem:$0x1FCE0] =	vst v15  }
0x17: {  	s29 =	sshrl.u32 s8, $0x1;
	s25 =	sor.u32 $0x81, s6;
	v17 =	vor.u32 s24, v0;
	[tilespmem:$0x1FCF0] =	vst v16  }
0x18: {  	s10 =	ssub.s32 s8, s29;
	s8 =	sor.u32 $0xC1, s6;
	v18 =	vor.u32 s25, v0;
	[tilespmem:$0x1FD00] =	vst v17  }
0x19: {  	s26 =	sor.u32 $0x181, s6;
	v19 =	vor.u32 s8, v0;
	[tilespmem:$0x1FD10] =	vst v18  }
0x1a: {  	s28 =	sor.u32 $0x1C1, s6;
	v22 =	vor.u32 s26, v0;
	[tilespmem:$0x1FD20] =	vst v19  }
0x1b: {  	s29 =	sor.u32 $0x201, s6;
	v23 =	vor.u32 s28, v0;
	[tilespmem:$0x1FD50] =	vst v22  }
0x1c: {  	s11 =	sor.u32 $0x101, s6;
	v24 =	vor.u32 s29, v0;
	[tilespmem:$0x1FD60] =	vst v23  }
0x1d: {  	s12 =	sor.u32 $0x141, s6;
	v20 =	vor.u32 s11, v0;
	[tilespmem:$0x1FD70] =	vst v24  }
0x1e: {  	s30 =	sor.u32 $0x241, s6;
	v21 =	vor.u32 s12, v0;
	[tilespmem:$0x1FD30] =	vst v20  }
0x1f: {  	s17 =	sor.u32 $0x281, s6;
	v25 =	vor.u32 s30, v0;
	[tilespmem:$0x1FD40] =	vst v21  }
0x20: {  	s18 =	sor.u32 $0x2C1, s6;
	v26 =	vor.u32 s17, v0;
	[tilespmem:$0x1FD80] =	vst v25  }
0x21: {  	s31 =	sor.u32 $0x301, s6;
	v27 =	vor.u32 s18, v0;
	[tilespmem:$0x1FD90] =	vst v26  }
0x22: {  	s20 =	sor.u32 $0x341, s6;
	v28 =	vor.u32 s31, v0;
	[tilespmem:$0x1FDA0] =	vst v27  }
0x23: {  	s21 =	sor.u32 $0x381, s6;
	v29 =	vor.u32 s20, v0;
	[tilespmem:$0x1FDB0] =	vst v28  }
0x24: {  	s0 =	sor.u32 $0x3C1, s6;
	v30 =	vor.u32 s21, v0;
	[tilespmem:$0x1FDC0] =	vst v29  }
0x25: {  	s22 =	sor.u32 $0x2, s6;
	v31 =	vor.u32 s0, v0;
	[tilespmem:$0x1FDD0] =	vst v30  }
0x26: {  	s23 =	sor.u32 $0x42, s6;
	v32 =	vor.u32 s22, v0;
	[tilespmem:$0x1FDE0] =	vst v31  }
0x27: {  	s8 =	sor.u32 $0x82, s6;
	v33 =	vor.u32 s23, v0;
	[tilespmem:$0x1FDF0] =	vst v32  }
0x28: {  	s24 =	sor.u32 $0xC2, s6;
	v34 =	vor.u32 s8, v0;
	[tilespmem:$0x1FE00] =	vst v33  }
0x29: {  	s25 =	sor.u32 $0x102, s6;
	v35 =	vor.u32 s24, v0;
	[tilespmem:$0x1FE10] =	vst v34  }
0x2a: {  	s13 =	sor.u32 $0x182, s6;
	v36 =	vor.u32 s25, v0;
	[tilespmem:$0x1FE20] =	vst v35  }
0x2b: {  	s26 =	sor.u32 $0x1C2, s6;
	v38 =	vor.u32 s13, v0;
	[tilespmem:$0x1FE30] =	vst v36  }
0x2c: {  	s28 =	sor.u32 $0x202, s6;
	v39 =	vor.u32 s26, v0;
	[tilespmem:$0x1FE50] =	vst v38  }
0x2d: {  	s29 =	sor.u32 $0x242, s6;
	v40 =	vor.u32 s28, v0;
	[tilespmem:$0x1FE60] =	vst v39  }
0x2e: {  	s19 =	sor.u32 $0x302, s6;
	v41 =	vor.u32 s29, v0;
	[tilespmem:$0x1FE70] =	vst v40  }
0x2f: {  	s14 =	sor.u32 $0x1C3, s6;
	v44 =	vor.u32 s19, v0;
	[tilespmem:$0x1FE80] =	vst v41  }
0x30: {  	s12 =	sor.u32 $0x142, s6;
	v56 =	vor.u32 s14, v0;
	[tilespmem:$0x1FEB0] =	vst v44  }
0x31: {  	s30 =	sor.u32 $0x282, s6;
	v37 =	vor.u32 s12, v0;
	[tilespmem:$0x1FF70] =	vst v56  }
0x32: {  	s18 =	sor.u32 $0x2C2, s6;
	v42 =	vor.u32 s30, v0;
	[tilespmem:$0x1FE40] =	vst v37  }
0x33: {  	s31 =	sor.u32 $0x342, s6;
	v43 =	vor.u32 s18, v0;
	[tilespmem:$0x1FE90] =	vst v42  }
0x34: {  	s0 =	sor.u32 $0x382, s6;
	v45 =	vor.u32 s31, v0;
	[tilespmem:$0x1FEA0] =	vst v43  }
0x35: {  	s20 =	sor.u32 $0x3C2, s6;
	v46 =	vor.u32 s0, v0;
	[tilespmem:$0x1FEC0] =	vst v45  }
0x36: {  	s21 =	sor.u32 $0x3, s6;
	v48 =	vor.u32 s20, v0;
	[tilespmem:$0x1FED0] =	vst v46  }
0x37: {  	s8 =	sor.u32 $0x43, s6;
	v49 =	vor.u32 s21, v0;
	[tilespmem:$0x1FEF0] =	vst v48  }
0x38: {  	s22 =	sor.u32 $0x83, s6;
	v50 =	vor.u32 s8, v0;
	[tilespmem:$0x1FF00] =	vst v49  }
0x39: {  	s23 =	sor.u32 $0xC3, s6;
	v51 =	vor.u32 s22, v0;
	[tilespmem:$0x1FF10] =	vst v50  }
0x3a: {  	s11 =	sor.u32 $0x103, s6;
	v52 =	vor.u32 s23, v0;
	[tilespmem:$0x1FF20] =	vst v51  }
0x3b: {  	s24 =	sor.u32 $0x143, s6;
	v53 =	vor.u32 s11, v0;
	[tilespmem:$0x1FF30] =	vst v52  }
0x3c: {  	s25 =	sor.u32 $0x183, s6;
	v54 =	vor.u32 s24, v0;
	[tilespmem:$0x1FF40] =	vst v53  }
0x3d: {  	s26 =	sor.u32 $0x203, s6;
	v55 =	vor.u32 s25, v0;
	[tilespmem:$0x1FF50] =	vst v54  }
0x3e: {  	s28 =	sor.u32 $0x243, s6;
	v57 =	vor.u32 s26, v0;
	[tilespmem:$0x1FF60] =	vst v55  }
0x3f: {  	s5 =	sadd.s32 s3, s5;
	s10 =	smax.u32 s10, $0x1;
	s17 =	sor.u32 $0x283, s6;
	v58 =	vor.u32 s28, v0;
	[tilespmem:$0x1FF80] =	vst v57  }
0x40: {  	s7 =	sadd.s32 $0x800, s5;
	s15 =	simm.s32 $0x1;
	s29 =	sor.u32 $0x2C3, s6;
	v59 =	vor.u32 s17, v0;
	[tilespmem:$0x1FF90] =	vst v58  }
0x41: {  	s16 =	simm.s32 $0x300;
	s13 =	simm.s32 $0xF00;
	s30 =	sor.u32 $0x303, s6;
	v60 =	vor.u32 s29, v0;
	[tilespmem:$0x1FFA0] =	vst v59  }
0x42: {  	s14 =	simm.s32 $0x1000;
	s19 =	simm.s32 $0x2;
	s31 =	sor.u32 $0x343, s6;
	[tilespmem:$0x1FFB0] =	vst v60;
	v61 =	vor.u32 s30, v0  }
0x43: {  	s0 =	sor.u32 $0x383, s6;
	s21 =	sor.u32 $0x3C3, s6;
	s6 =	sadd.s32 $0x400, s5;
	v62 =	vor.u32 s31, v0;
	[tilespmem:$0x1FFC0] =	vst v61  }
0x44: {  	s8 =	sadd.s32 $0x1E00, s9;
	s9 =	sadd.s32 $0x2000, s9;
	s11 =	simm.s32 $0x400;
	v63 =	vor.u32 s0, v0;
	[tilespmem:$0x1FFD0] =	vst v62  }
0x45: {  	s12 =	simm.s32 $0xE00;
	s17 =	simm.s32 $0x800;
	s18 =	simm.s32 $0xB00;
	v0 =	vor.u32 s21, v0;
	[tilespmem:$0x1FFE0] =	vst v63  }
0x46: {  	s20 =	simm.s32 $0x3;
	s22 =	simm.s32 $0x4;
	s21 =	simm.s32 $0x1100;
	[tilespmem:$0x1FFF0] =	vst v0  }
.LBB2_1:
0x47: {  	v0 =	vld [tilespmem:$0x1FEE0]  }
0x48: {  	v54 =	vld [tilespmem:$0x1FC00]  }
0x49: {  	v55 =	vld [tilespmem:$0x1FC10]  }
0x4a: {  	v56 =	vld [tilespmem:$0x1FC20]  }
0x4b: {  	v57 =	vld [tilespmem:$0x1FC30]  }
0x4c: {  	v58 =	vld [tilespmem:$0x1FC40];
	[tilespmem:$0x0] =	vst v0  }
0x4d: {  	v59 =	vld [tilespmem:$0x1FC50];
	[tilespmem:$0x10] =	vst v54  }
0x4e: {  	v60 =	vld [tilespmem:$0x1FC60];
	[tilespmem:$0x20] =	vst v55  }
0x4f: {  	v61 =	vld [tilespmem:$0x1FC70];
	[tilespmem:$0x30] =	vst v56  }
0x50: {  	v62 =	vld [tilespmem:$0x1FC80];
	[tilespmem:$0x40] =	vst v57  }
0x51: {  	v63 =	vld [tilespmem:$0x1FC90];
	[tilespmem:$0x50] =	vst v58  }
0x52: {  	v4 =	vld [tilespmem:$0x1FCA0];
	[tilespmem:$0x60] =	vst v59  }
0x53: {  	v5 =	vld [tilespmem:$0x1FCB0];
	[tilespmem:$0x70] =	vst v60  }
0x54: {  	v6 =	vld [tilespmem:$0x1FCC0];
	[tilespmem:$0x80] =	vst v61  }
0x55: {  	v7 =	vld [tilespmem:$0x1FCD0];
	[tilespmem:$0x90] =	vst v62  }
0x56: {  	v8 =	vld [tilespmem:$0x1FCE0];
	[tilespmem:$0xA0] =	vst v63  }
0x57: {  	v9 =	vld [tilespmem:$0x1FCF0];
	[tilespmem:$0xB0] =	vst v4  }
0x58: {  	v10 =	vld [tilespmem:$0x1FD00];
	[tilespmem:$0xC0] =	vst v5  }
0x59: {  	v11 =	vld [tilespmem:$0x1FD10];
	[tilespmem:$0xD0] =	vst v6  }
0x5a: {  	v12 =	vld [tilespmem:$0x1FD20];
	[tilespmem:$0xE0] =	vst v7  }
0x5b: {  	v13 =	vld [tilespmem:$0x1FD30];
	[tilespmem:$0xF0] =	vst v8  }
0x5c: {  	v14 =	vld [tilespmem:$0x1FD40];
	[tilespmem:$0x100] =	vst v9  }
0x5d: {  	v15 =	vld [tilespmem:$0x1FD50];
	[tilespmem:$0x110] =	vst v10  }
0x5e: {  	v16 =	vld [tilespmem:$0x1FD60];
	[tilespmem:$0x120] =	vst v11  }
0x5f: {  	v17 =	vld [tilespmem:$0x1FD70];
	[tilespmem:$0x130] =	vst v12  }
0x60: {  	v18 =	vld [tilespmem:$0x1FD80];
	[tilespmem:$0x140] =	vst v13  }
0x61: {  	v19 =	vld [tilespmem:$0x1FD90];
	[tilespmem:$0x150] =	vst v14  }
0x62: {  	v20 =	vld [tilespmem:$0x1FDA0];
	[tilespmem:$0x160] =	vst v15  }
0x63: {  	v21 =	vld [tilespmem:$0x1FDB0];
	[tilespmem:$0x170] =	vst v16  }
0x64: {  	v22 =	vld [tilespmem:$0x1FDC0];
	[tilespmem:$0x180] =	vst v17  }
0x65: {  	v23 =	vld [tilespmem:$0x1FDD0];
	[tilespmem:$0x190] =	vst v18  }
0x66: {  	v24 =	vld [tilespmem:$0x1FDE0];
	[tilespmem:$0x1A0] =	vst v19  }
0x67: {  	v25 =	vld [tilespmem:$0x1FDF0];
	[tilespmem:$0x1B0] =	vst v20  }
0x68: {  	v26 =	vld [tilespmem:$0x1FE00];
	[tilespmem:$0x1C0] =	vst v21  }
0x69: {  	v27 =	vld [tilespmem:$0x1FE10];
	[tilespmem:$0x1D0] =	vst v22  }
0x6a: {  	v28 =	vld [tilespmem:$0x1FE20];
	[tilespmem:$0x1E0] =	vst v23  }
0x6b: {  	v29 =	vld [tilespmem:$0x1FE30];
	[tilespmem:$0x1F0] =	vst v24  }
0x6c: {  	v30 =	vld [tilespmem:$0x1FE40];
	[tilespmem:$0x200] =	vst v25  }
0x6d: {  	v31 =	vld [tilespmem:$0x1FE50];
	[tilespmem:$0x210] =	vst v26  }
0x6e: {  	v32 =	vld [tilespmem:$0x1FE60];
	[tilespmem:$0x220] =	vst v27  }
0x6f: {  	v33 =	vld [tilespmem:$0x1FE70];
	[tilespmem:$0x230] =	vst v28  }
0x70: {  	v34 =	vld [tilespmem:$0x1FE80];
	[tilespmem:$0x240] =	vst v29  }
0x71: {  	v35 =	vld [tilespmem:$0x1FE90];
	[tilespmem:$0x250] =	vst v30  }
0x72: {  	v36 =	vld [tilespmem:$0x1FEA0];
	[tilespmem:$0x260] =	vst v31  }
0x73: {  	v37 =	vld [tilespmem:$0x1FEB0];
	[tilespmem:$0x270] =	vst v32  }
0x74: {  	v38 =	vld [tilespmem:$0x1FEC0];
	[tilespmem:$0x280] =	vst v33  }
0x75: {  	v39 =	vld [tilespmem:$0x1FED0];
	[tilespmem:$0x290] =	vst v34  }
0x76: {  	v40 =	vld [tilespmem:$0x1FEF0];
	[tilespmem:$0x2A0] =	vst v35  }
0x77: {  	v41 =	vld [tilespmem:$0x1FF00];
	[tilespmem:$0x2B0] =	vst v36  }
0x78: {  	v42 =	vld [tilespmem:$0x1FF10];
	[tilespmem:$0x2C0] =	vst v37  }
0x79: {  	v43 =	vld [tilespmem:$0x1FF20];
	[tilespmem:$0x2D0] =	vst v38  }
0x7a: {  	v44 =	vld [tilespmem:$0x1FF30];
	[tilespmem:$0x2E0] =	vst v39  }
0x7b: {  	v45 =	vld [tilespmem:$0x1FF40];
	[tilespmem:$0x2F0] =	vst v40  }
0x7c: {  	v46 =	vld [tilespmem:$0x1FF50];
	[tilespmem:$0x300] =	vst v41  }
0x7d: {  	v47 =	vld [tilespmem:$0x1FF60];
	[tilespmem:$0x310] =	vst v42  }
0x7e: {  	v48 =	vld [tilespmem:$0x1FF70];
	[tilespmem:$0x320] =	vst v43  }
0x7f: {  	v49 =	vld [tilespmem:$0x1FF80];
	[tilespmem:$0x330] =	vst v44  }
0x80: {  	v50 =	vld [tilespmem:$0x1FF90];
	[tilespmem:$0x340] =	vst v45  }
0x81: {  	v51 =	vld [tilespmem:$0x1FFA0];
	[tilespmem:$0x350] =	vst v46  }
0x82: {  	v52 =	vld [tilespmem:$0x1FFB0];
	[tilespmem:$0x360] =	vst v47  }
0x83: {  	v53 =	vld [tilespmem:$0x1FFC0];
	[tilespmem:$0x370] =	vst v48  }
0x84: {  	[tilespmem:$0x380] =	vst v49;
	v54 =	vld [tilespmem:$0x1FFD0]  }
0x85: {  	[tilespmem:$0x390] =	vst v50;
	v55 =	vld [tilespmem:$0x1FFE0]  }
0x86: {  	[tilespmem:$0x3A0] =	vst v51;
	v56 =	vld [tilespmem:$0x1FFF0]  }
0x87: {  	[tilespmem:$0x3B0] =	vst v52  }
0x88: {  	[tilespmem:$0x3C0] =	vst v53  }
0x89: {  	[tilespmem:$0x3D0] =	vst v54  }
0x8a: {  	[tilespmem:$0x3E0] =	vst v55  }
0x8b: {  	[tilespmem:$0x3F0] =	vst v56  }
0x8c: {  	[tilespmem:s11], [sflag:$0x1] =	stream.indirect.gather [hbm4b:s4+s11], $0x1, s2, s11, $0xb8;
	[tilespmem:$0x1180] =	vst v63  }
0x8d: {  	_ = 	snop  }
0x8e: {  	[tilespmem:s12], [sflag:$0x3] =	stream.linear.gather [hbm4b:s5+s2], $0x100, $0x38;
	[tilespmem:$0x1180] =	vst v63  }
0x8f: {  	_ = 	snop  }
0x90: {  	[tilespmem:s13], [sflag:$0x3] =	stream.linear.gather [hbm4b:s6+s2], $0x100, $0x38;
	[tilespmem:$0x1180] =	vst v63  }
0x91: {  	_ = 	snop  }
0x92: {  	[tilespmem:s14], [sflag:$0x3] =	stream.linear.gather [hbm4b:s7+s2], $0x100, $0x38;
	[tilespmem:$0x1180] =	vst v63  }
0x93: {  	_ =	swait.ge [sflag:s15], $0x400  }
0x94: {  	[sflag:s15] =	ssyncset.done $0x0  }
0x95: {  	[sflag:s15] =	ssyncadd.s32 $0xFFFFFC00  }
0x96: {  	v57 =	vld [tilespmem:$0x400]  }
0x97: {  	v1 =	vld [tilespmem:$0x410]  }
0x98: {  	v2 =	vld [tilespmem:$0x420]  }
0x99: {  	v48 =	vld [tilespmem:$0x4F0];
	_ =	sdelay $0x1  }
0x9a: {  	v0 =	vtrunc.f32 v57  }
0x9b: {  	v1 =	vtrunc.f32 v1;
	v0 =	vcvt.f32.s32 v0  }
0x9c: {  	v2 =	vtrunc.f32 v2;
	v1 =	vcvt.f32.s32 v1  }
0x9d: {  	v53 =	vtrunc.f32 v48;
	v61 =	vcvt.f32.s32 v2;
	[tilespmem:$0x800] =	vst v0  }
0x9e: {  	v55 =	vcvt.f32.s32 v53;
	[tilespmem:$0x810] =	vst v1  }
0x9f: {  	v62 =	vld [tilespmem:$0x440];
	[tilespmem:$0x820] =	vst v61  }
0xa0: {  	v3 =	vadd.s32 $0x2000, v0;
	[tilespmem:$0x8F0] =	vst v55  }
0xa1: {  	v0 =	vadd.s32 $0x4000, v0;
	[tilespmem:$0x900] =	vst v3  }
0xa2: {  	v59 =	vadd.s32 $0x2000, v1;
	[tilespmem:$0xA00] =	vst v0  }
0xa3: {  	v60 =	vadd.s32 $0x4000, v1;
	[tilespmem:$0x910] =	vst v59  }
0xa4: {  	v12 =	vld [tilespmem:$0x460];
	v2 =	vtrunc.f32 v62;
	v63 =	vadd.s32 $0x2000, v61;
	[tilespmem:$0xA10] =	vst v60  }
0xa5: {  	v11 =	vcvt.f32.s32 v2;
	v6 =	vadd.s32 $0x4000, v61;
	[tilespmem:$0x920] =	vst v63  }
0xa6: {  	[tilespmem:$0xA20] =	vst v6  }
0xa7: {  	v20 =	vld [tilespmem:$0x480];
	v56 =	vadd.s32 $0x2000, v55;
	[tilespmem:$0x840] =	vst v11  }
0xa8: {  	v58 =	vld [tilespmem:$0x430];
	v57 =	vadd.s32 $0x4000, v55;
	[tilespmem:$0x9F0] =	vst v56  }
0xa9: {  	v2 =	vtrunc.f32 v12;
	v13 =	vadd.s32 $0x2000, v11;
	[tilespmem:$0xAF0] =	vst v57  }
0xaa: {  	v19 =	vcvt.f32.s32 v2;
	v14 =	vadd.s32 $0x4000, v11;
	[tilespmem:$0x940] =	vst v13  }
0xab: {  	v28 =	vld [tilespmem:$0x4A0];
	[tilespmem:$0xA40] =	vst v14  }
0xac: {  	v2 =	vtrunc.f32 v20;
	[tilespmem:$0x860] =	vst v19;
	v21 =	vadd.s32 $0x2000, v19  }
0xad: {  	v3 =	vtrunc.f32 v58;
	v27 =	vcvt.f32.s32 v2;
	v22 =	vadd.s32 $0x4000, v19;
	[tilespmem:$0x960] =	vst v21  }
0xae: {  	v8 =	vld [tilespmem:$0x450];
	v7 =	vcvt.f32.s32 v3;
	[tilespmem:$0xA60] =	vst v22  }
0xaf: {  	[tilespmem:$0x880] =	vst v27  }
0xb0: {  	v2 =	vtrunc.f32 v28;
	v29 =	vadd.s32 $0x2000, v27;
	[tilespmem:$0x830] =	vst v7  }
0xb1: {  	v36 =	vld [tilespmem:$0x4C0];
	v35 =	vcvt.f32.s32 v2;
	v30 =	vadd.s32 $0x4000, v27;
	[tilespmem:$0x980] =	vst v29  }
0xb2: {  	[tilespmem:$0xA80] =	vst v30  }
0xb3: {  	v3 =	vtrunc.f32 v8;
	v9 =	vadd.s32 $0x2000, v7;
	[tilespmem:$0x8A0] =	vst v35  }
0xb4: {  	v16 =	vld [tilespmem:$0x470];
	v15 =	vcvt.f32.s32 v3;
	v10 =	vadd.s32 $0x4000, v7;
	[tilespmem:$0x930] =	vst v9  }
0xb5: {  	[tilespmem:$0xA30] =	vst v10  }
0xb6: {  	v2 =	vtrunc.f32 v36;
	v37 =	vadd.s32 $0x2000, v35;
	[tilespmem:$0x850] =	vst v15  }
0xb7: {  	v44 =	vld [tilespmem:$0x4E0];
	v43 =	vcvt.f32.s32 v2;
	v38 =	vadd.s32 $0x4000, v35;
	[tilespmem:$0x9A0] =	vst v37  }
0xb8: {  	[tilespmem:$0xAA0] =	vst v38  }
0xb9: {  	v3 =	vtrunc.f32 v16;
	v17 =	vadd.s32 $0x2000, v15;
	[tilespmem:$0x8C0] =	vst v43  }
0xba: {  	v24 =	vld [tilespmem:$0x490];
	v23 =	vcvt.f32.s32 v3;
	v18 =	vadd.s32 $0x4000, v15;
	[tilespmem:$0x950] =	vst v17  }
0xbb: {  	[tilespmem:$0xA50] =	vst v18  }
0xbc: {  	v2 =	vtrunc.f32 v44;
	v45 =	vadd.s32 $0x2000, v43;
	[tilespmem:$0x870] =	vst v23  }
0xbd: {  	v51 =	vcvt.f32.s32 v2;
	v46 =	vadd.s32 $0x4000, v43;
	[tilespmem:$0x9C0] =	vst v45  }
0xbe: {  	[tilespmem:$0xAC0] =	vst v46  }
0xbf: {  	v32 =	vld [tilespmem:$0x4B0];
	v3 =	vtrunc.f32 v24;
	v25 =	vadd.s32 $0x2000, v23;
	[tilespmem:$0x8E0] =	vst v51  }
0xc0: {  	v31 =	vcvt.f32.s32 v3;
	v26 =	vadd.s32 $0x4000, v23;
	[tilespmem:$0x970] =	vst v25  }
0xc1: {  	[tilespmem:$0xA70] =	vst v26  }
0xc2: {  	v40 =	vld [tilespmem:$0x4D0];
	v52 =	vadd.s32 $0x2000, v51;
	[tilespmem:$0x890] =	vst v31  }
0xc3: {  	v54 =	vadd.s32 $0x4000, v51;
	[tilespmem:$0x9E0] =	vst v52  }
0xc4: {  	v3 =	vtrunc.f32 v32;
	v33 =	vadd.s32 $0x2000, v31;
	[tilespmem:$0xAE0] =	vst v54  }
0xc5: {  	v39 =	vcvt.f32.s32 v3;
	v34 =	vadd.s32 $0x4000, v31;
	[tilespmem:$0x990] =	vst v33  }
0xc6: {  	[tilespmem:$0xA90] =	vst v34  }
0xc7: {  	v3 =	vtrunc.f32 v40;
	[tilespmem:$0x8B0] =	vst v39;
	v41 =	vadd.s32 $0x2000, v39  }
0xc8: {  	v47 =	vcvt.f32.s32 v3;
	v42 =	vadd.s32 $0x4000, v39;
	[tilespmem:$0x9B0] =	vst v41  }
0xc9: {  	[tilespmem:$0xAB0] =	vst v42  }
0xca: {  	[tilespmem:$0x8D0] =	vst v47;
	v49 =	vadd.s32 $0x2000, v47  }
0xcb: {  	v50 =	vadd.s32 $0x4000, v47;
	[tilespmem:$0x9D0] =	vst v49  }
0xcc: {  	[tilespmem:$0xAD0] =	vst v50  }
0xcd: {  	[tilespmem:s18], [sflag:$0x2] =	stream.indirect.gather [hbm4b:s3+s16], $0x1, s17, s16, $0xb8;
	[tilespmem:$0x1180] =	vst v63  }
0xce: {  	_ =	swait.ge [sflag:s19], $0x300  }
0xcf: {  	[sflag:s19] =	ssyncset.done $0x0  }
0xd0: {  	[sflag:s19] =	ssyncadd.s32 $0xFFFFFD00  }
0xd1: {  	_ =	swait.ge [sflag:s20], $0x100  }
0xd2: {  	[sflag:s20] =	ssyncset.done $0x0  }
0xd3: {  	[sflag:s20] =	ssyncadd.s32 $0xFFFFFF00  }
0xd4: {  	_ =	swait.ge [sflag:s20], $0x100  }
0xd5: {  	[sflag:s20] =	ssyncset.done $0x0  }
0xd6: {  	[sflag:s20] =	ssyncadd.s32 $0xFFFFFF00  }
0xd7: {  	_ =	swait.ge [sflag:s20], $0x100  }
0xd8: {  	[sflag:s20] =	ssyncset.done $0x0  }
0xd9: {  	[sflag:s20] =	ssyncadd.s32 $0xFFFFFF00  }
0xda: {  	v44 =	vld [tilespmem:$0x500]  }
0xdb: {  	v43 =	vld [tilespmem:$0x600]  }
0xdc: {  	v58 =	vld [tilespmem:$0xB00]  }
0xdd: {  	v59 =	vld [tilespmem:$0xC00]  }
0xde: {  	v42 =	vld [tilespmem:$0x700]  }
0xdf: {  	v60 =	vld [tilespmem:$0xD00]  }
0xe0: {  	v33 =	vld [tilespmem:$0x510]  }
0xe1: {  	v34 =	vld [tilespmem:$0x610]  }
0xe2: {  	v61 =	vld [tilespmem:$0xB10]  }
0xe3: {  	v63 =	vld [tilespmem:$0xC10];
	_ =	sdelay $0x1  }
0xe4: {  	v37 =	vld [tilespmem:$0x710];
	v0 =	vsub.f32 v44, v58;
	v1 =	vsub.f32 v43, v59  }
0xe5: {  	v12 =	vld [tilespmem:$0xD10];
	v2 =	vsub.f32 v42, v60  }
0xe6: {  	v0 =	vmul.f32 v0, v0;
	v1 =	vmul.f32 v1, v1  }
0xe7: {  	v3 =	vsub.f32 v33, v61;
	v62 =	vmul.f32 v2, v2;
	v2 =	vsub.f32 v34, v63  }
0xe8: {  	v40 =	vld [tilespmem:$0x520];
	v0 =	vadd.f32 v1, v0  }
0xe9: {  	v41 =	vld [tilespmem:$0x620];
	v3 =	vmul.f32 v3, v3;
	v2 =	vmul.f32 v2, v2  }
0xea: {  	v13 =	vld [tilespmem:$0xB20];
	v8 =	vadd.f32 v62, v0;
	v0 =	vsub.f32 v37, v12  }
0xeb: {  	v14 =	vld [tilespmem:$0xC20];
	v2 =	vadd.f32 v2, v3  }
0xec: {  	v39 =	vld [tilespmem:$0x720];
	v1 =	vshra.s32 v8, $0x1;
	v5 =	vmul.f32 $5.000000000e-01, v8;
	v0 =	vmul.f32 v0, v0  }
0xed: {  	v15 =	vld [tilespmem:$0xD20];
	v1 =	vsub.s32 $0x5F3759DF, v1  }
0xee: {  	v17 =	vld [tilespmem:$0x530];
	v4 =	vmul.f32 v1, v5;
	v6 =	vadd.f32 v0, v2  }
0xef: {  	v20 =	vld [tilespmem:$0x630]  }
0xf0: {  	v18 =	vld [tilespmem:$0x730];
	v4 =	vmul.f32 v1, v4;
	v2 =	vshra.s32 v6, $0x1;
	v7 =	vmul.f32 $5.000000000e-01, v6  }
0xf1: {  	v25 =	vld [tilespmem:$0x540];
	v2 =	vsub.s32 $0x5F3759DF, v2  }
0xf2: {  	v19 =	vld [tilespmem:$0xB40];
	v4 =	vsub.f32 $1.500000000e+00, v4;
	v10 =	vmul.f32 v2, v7  }
0xf3: {  	v3 =	vsub.f32 v40, v13;
	v12 =	vld [tilespmem:$0xD30];
	v0 =	vsub.f32 v41, v14  }
0xf4: {  	v21 =	vld [tilespmem:$0xB30];
	v1 =	vmul.f32 v1, v4;
	v10 =	vmul.f32 v2, v10  }
0xf5: {  	v22 =	vld [tilespmem:$0xC30];
	v3 =	vmul.f32 v3, v3;
	v0 =	vmul.f32 v0, v0;
	v4 =	vsub.f32 v39, v15  }
0xf6: {  	v9 =	vmul.f32 v1, v5;
	v10 =	vsub.f32 $1.500000000e+00, v10  }
0xf7: {  	v46 =	vld [tilespmem:$0x650];
	v31 =	vsub.f32 v25, v19;
	v0 =	vadd.f32 v0, v3;
	v16 =	vmul.f32 v4, v4  }
0xf8: {  	[tilespmem:$0x1FB80] =	vst v25;
	v25 =	vld [tilespmem:$0xC50];
	v12 =	vsub.f32 v18, v12;
	v9 =	vmul.f32 v9, v1;
	v2 =	vmul.f32 v2, v10  }
0xf9: {  	v11 =	vadd.f32 v16, v0;
	v16 =	vsub.f32 v17, v21  }
0xfa: {  	v0 =	vsub.f32 v20, v22;
	v9 =	vsub.f32 $1.500000000e+00, v9;
	v23 =	vmul.f32 v2, v7  }
0xfb: {  	v26 =	vld [tilespmem:$0x640];
	v24 =	vshra.s32 v11, $0x1;
	v13 =	vmul.f32 $5.000000000e-01, v11;
	v16 =	vmul.f32 v16, v16  }
0xfc: {  	v21 =	vld [tilespmem:$0xC40];
	v0 =	vmul.f32 v0, v0;
	v10 =	vsub.s32 $0x5F3759DF, v24;
	v9 =	vmul.f32 v9, v1  }
0xfd: {  	v25 =	vsub.f32 v46, v25;
	v3 =	vmul.f32 v23, v2;
	v15 =	vmul.f32 v10, v13  }
0xfe: {  	v12 =	vmul.f32 v12, v12;
	v0 =	vadd.f32 v0, v16;
	v1 =	vmul.f32 v9, v5  }
0xff: {  	v45 =	vld [tilespmem:$0x550];
	v3 =	vsub.f32 $1.500000000e+00, v3;
	v15 =	vmul.f32 v10, v15  }
0x100: {  	v48 =	vld [tilespmem:$0xB50];
	v25 =	vmul.f32 v25, v25;
	v12 =	vadd.f32 v12, v0;
	v14 =	vmul.f32 v1, v9  }
0x101: {  	v32 =	vsub.f32 v26, v21;
	v2 =	vmul.f32 v3, v2;
	v27 =	vsub.f32 $1.500000000e+00, v15  }
0x102: {  	v36 =	vshra.s32 v12, $0x1;
	v21 =	vmul.f32 $5.000000000e-01, v12;
	v14 =	vsub.f32 $1.500000000e+00, v14  }
0x103: {  	v19 =	vsub.s32 $0x5F3759DF, v36;
	v29 =	vmul.f32 v2, v7;
	v3 =	vmul.f32 v10, v27  }
0x104: {  	v28 =	vld [tilespmem:$0xD40];
	v23 =	vmul.f32 v19, v21;
	v22 =	vmul.f32 v14, v9  }
0x105: {  	v55 =	vsub.f32 v45, v48;
	v9 =	vld [tilespmem:$0x740];
	v30 =	vmul.f32 v29, v2;
	v35 =	vmul.f32 v3, v13  }
0x106: {  	vm0 =	vlt.f32 v8, $1.000000020e-35;
	vm11 =	vlt.f32 v6, $1.000000020e-35;
	v15 =	vmul.f32 v32, v32  }
0x107: {  	v23 =	vmul.f32 v19, v23;
	v0 =	vsub.f32 $1.500000000e+00, v30;
	v16 =	vmul.f32 v35, v3  }
0x108: {  	vm12 =	vlt.f32 v11, $1.000000020e-35;
	v10 =	vmul.f32 v31, v31;
	v5 =	vmul.f32 v22, v5  }
0x109: {  	v49 =	vsub.f32 $1.500000000e+00, v23;
	v38 =	vmul.f32 v0, v2;
	v16 =	vsub.f32 $1.500000000e+00, v16  }
0x10a: {  	v51 =	vld [tilespmem:$0x750];
	v30 =	vmul.f32 v55, v55;
	v5 =	vmul.f32 v5, v22;
	v14 =	vsub.f32 v9, v28  }
0x10b: {  	v56 =	vld [tilespmem:$0x560];
	v10 =	vadd.f32 v15, v10;
	v7 =	vmul.f32 v38, v7;
	v47 =	vmul.f32 v16, v3  }
0x10c: {  	v28 =	vld [tilespmem:$0xD50];
	v5 =	vsub.f32 $1.500000000e+00, v5;
	v16 =	vmul.f32 v19, v49;
	v14 =	vmul.f32 v14, v14  }
0x10d: {  	v57 =	vld [tilespmem:$0x660];
	[tilespmem:$0x1FB90] =	vst v26;
	vm13 =	vlt.f32 v12, $1.000000020e-35;
	v26 =	vmul.f32 v7, v38;
	v27 =	vmul.f32 v47, v13  }
0x10e: {  	v59 =	vld [tilespmem:$0xB60];
	v5 =	vmul.f32 v5, v22;
	v54 =	vmul.f32 v16, v21;
	v14 =	vadd.f32 v14, v10  }
0x10f: {  	v62 =	vld [tilespmem:$0xC60];
	v60 =	vadd.f32 v25, v30;
	v53 =	vmul.f32 v27, v47;
	v26 =	vsub.f32 $1.500000000e+00, v26  }
0x110: {  	v29 =	vmul.f32 v5, v8;
	v27 =	vmul.f32 v54, v16;
	v50 =	vshra.s32 v14, $0x1  }
0x111: {  	v28 =	vsub.f32 v51, v28;
	v24 =	vmul.f32 $5.000000000e-01, v14;
	v23 =	vsub.s32 $0x5F3759DF, v50  }
0x112: {  	v22 =	vsub.f32 $1.500000000e+00, v53;
	v15 =	vmul.f32 v26, v38;
	v58 =	vsub.f32 $1.500000000e+00, v27  }
0x113: {  	v61 =	vmul.f32 v28, v28;
	v26 =	vsub.f32 v56, v59;
	v52 =	vmul.f32 v23, v24  }
0x114: {  	v27 =	vsub.f32 v57, v62;
	v22 =	vmul.f32 v22, v47;
	v2 =	vmul.f32 v58, v16  }
0x115: {  	v3 =	vmul.f32 v15, v6;
	v15 =	vadd.f32 v61, v60;
	v26 =	vmul.f32 v26, v26  }
0x116: {  	v36 =	vadd.f32 $0.0e+00, v29;
	v27 =	vmul.f32 v27, v27;
	v19 =	vmul.f32 v23, v52  }
0x117: {  	[tilespmem:$0x1FBA0] =	vst v45;
	v10 =	vld [tilespmem:$0x760];
	v38 =	vmul.f32 v2, v21;
	v45 =	vshra.s32 v15, $0x1;
	v31 =	vmul.f32 $5.000000000e-01, v15  }
0x118: {  	v5 =	vld [tilespmem:$0xD60];
	v63 =	vmul.f32 v22, v13;
	v19 =	vsub.f32 $1.500000000e+00, v19;
	v30 =	vsub.s32 $0x5F3759DF, v45  }
0x119: {  	v25 =	vld [tilespmem:$0x770];
	vm14 =	vlt.f32 v14, $1.000000020e-35;
	v29 =	vmul.f32 v38, v2;
	v32 =	vmul.f32 v30, v31  }
0x11a: {  	v48 =	vsel vm0, $0x0, v36;
	v45 =	vld [tilespmem:$0xD70];
	v8 =	vmul.f32 v63, v22;
	v19 =	vmul.f32 v23, v19  }
0x11b: {  	[tilespmem:$0x1FBB0] =	vst v46;
	v47 =	vadd.f32 v27, v26;
	v29 =	vsub.f32 $1.500000000e+00, v29;
	v46 =	vmul.f32 v30, v32  }
0x11c: {  	v28 =	vsel vm11, $0x0, v3;
	v8 =	vsub.f32 $1.500000000e+00, v8;
	v4 =	vmul.f32 v19, v24  }
0x11d: {  	[tilespmem:$0x1FBC0] =	vst v51;
	v54 =	vld [tilespmem:$0xB70];
	v23 =	vsub.f32 v10, v5;
	v49 =	vmul.f32 v29, v2;
	v51 =	vsub.f32 $1.500000000e+00, v46  }
0x11e: {  	v13 =	vld [tilespmem:$0x570];
	vm15 =	vlt.f32 v15, $1.000000020e-35;
	v8 =	vmul.f32 v8, v22;
	v16 =	vmul.f32 v4, v19  }
0x11f: {  	v1 =	vld [tilespmem:$0xC80];
	v23 =	vmul.f32 v23, v23;
	v63 =	vsub.f32 v25, v45;
	v22 =	vmul.f32 v30, v51  }
0x120: {  	[tilespmem:$0x1FBD0] =	vst v56;
	v56 =	vld [tilespmem:$0xC70];
	v52 =	vmul.f32 v49, v21;
	v46 =	vmul.f32 v8, v11;
	v16 =	vsub.f32 $1.500000000e+00, v16  }
0x121: {  	v26 =	vadd.f32 v28, v48;
	v8 =	vld [tilespmem:$0x680];
	v3 =	vmul.f32 v63, v63;
	v36 =	vmul.f32 v22, v31  }
0x122: {  	v6 =	vmul.f32 v52, v49;
	v35 =	vmul.f32 v16, v19;
	v16 =	vadd.f32 v23, v47;
	v19 =	vld [tilespmem:$0x670]  }
0x123: {  	v62 =	vld [tilespmem:$0xB80];
	v5 =	vsel vm12, $0x0, v46;
	v23 =	vsub.f32 v13, v54;
	v59 =	vmul.f32 v36, v22  }
0x124: {  	v61 =	vld [tilespmem:$0x580];
	v50 =	vmul.f32 v35, v24;
	v55 =	vshra.s32 v16, $0x1;
	v29 =	vmul.f32 $5.000000000e-01, v16  }
0x125: {  	[tilespmem:$0x1FBE0] =	vst v57;
	v54 =	vadd.f32 v5, v26;
	v58 =	vsub.f32 $1.500000000e+00, v6;
	v57 =	vsub.s32 $0x5F3759DF, v55  }
0x126: {  	v28 =	vsub.f32 $1.500000000e+00, v59;
	v53 =	vmul.f32 v50, v35;
	v38 =	vmul.f32 v57, v29  }
0x127: {  	v23 =	vmul.f32 v23, v23;
	v51 =	vsub.f32 v8, v1;
	v30 =	vsub.f32 v19, v56  }
0x128: {  	v4 =	vld [tilespmem:$0xD80];
	v28 =	vmul.f32 v28, v22;
	v21 =	vsub.f32 $1.500000000e+00, v53;
	v60 =	vmul.f32 v57, v38  }
0x129: {  	v11 =	vld [tilespmem:$0x780];
	v27 =	vmul.f32 v58, v49;
	v50 =	vsub.f32 v61, v62;
	v30 =	vmul.f32 v30, v30  }
0x12a: {  	v7 =	vmul.f32 v28, v31;
	v21 =	vmul.f32 v21, v35;
	v35 =	vsub.f32 $1.500000000e+00, v60  }
0x12b: {  	v36 =	vmul.f32 v51, v51;
	v6 =	vmul.f32 v27, v12;
	v2 =	vadd.f32 v30, v23  }
0x12c: {  	vm4 =	vlt.f32 v16, $1.000000020e-35;
	v49 =	vmul.f32 v7, v28;
	v32 =	vmul.f32 v57, v35  }
0x12d: {  	v27 =	vmul.f32 v50, v50;
	v24 =	vmul.f32 v21, v24;
	v22 =	vadd.f32 v3, v2  }
0x12e: {  	v30 =	vsub.f32 v11, v4;
	v23 =	vsub.f32 $1.500000000e+00, v49;
	v48 =	vmul.f32 v32, v29  }
0x12f: {  	v24 =	vmul.f32 v24, v21;
	v53 =	vshra.s32 v22, $0x1;
	v47 =	vmul.f32 $5.000000000e-01, v22  }
0x130: {  	v26 =	vld [tilespmem:$0x690];
	v23 =	vmul.f32 v23, v28;
	v52 =	vmul.f32 v48, v32;
	v46 =	vsub.s32 $0x5F3759DF, v53  }
0x131: {  	v62 =	vld [tilespmem:$0xC90];
	v27 =	vadd.f32 v36, v27;
	v24 =	vsub.f32 $1.500000000e+00, v24;
	v48 =	vmul.f32 v46, v47  }
0x132: {  	v30 =	vmul.f32 v30, v30;
	v49 =	vld [tilespmem:$0xB90];
	v57 =	vmul.f32 v23, v31;
	v45 =	vsub.f32 $1.500000000e+00, v52  }
0x133: {  	v38 =	vsel vm13, $0x0, v6;
	v24 =	vmul.f32 v24, v21;
	v21 =	vld [tilespmem:$0x590];
	v56 =	vmul.f32 v46, v48  }
0x134: {  	v0 =	vld [tilespmem:$0xD90];
	v12 =	vmul.f32 v57, v23;
	v55 =	vmul.f32 v45, v32;
	v32 =	vadd.f32 v30, v27  }
0x135: {  	v38 =	vadd.f32 v38, v54;
	v27 =	vld [tilespmem:$0x790];
	v14 =	vmul.f32 v24, v14;
	v59 =	vsub.f32 $1.500000000e+00, v56  }
0x136: {  	v12 =	vsub.f32 $1.500000000e+00, v12;
	v58 =	vmul.f32 v55, v29;
	v60 =	vshra.s32 v32, $0x1  }
0x137: {  	[tilespmem:$0x1FBF0] =	vst v61;
	v45 =	vmul.f32 $5.000000000e-01, v32;
	v61 =	vsub.s32 $0x5F3759DF, v60;
	v31 =	vmul.f32 v46, v59  }
0x138: {  	v53 =	vsub.f32 v21, v49;
	v46 =	vsub.f32 v26, v62;
	v30 =	vmul.f32 v58, v55  }
0x139: {  	v5 =	vld [tilespmem:$0xCA0];
	v14 =	vsel vm14, $0x0, v14;
	v35 =	vmul.f32 v61, v45;
	v50 =	vmul.f32 v31, v47  }
0x13a: {  	v36 =	vld [tilespmem:$0x6A0];
	v57 =	vsub.f32 v27, v0;
	v28 =	vmul.f32 v53, v53;
	v58 =	vmul.f32 v46, v46  }
0x13b: {  	v3 =	vld [tilespmem:$0xBA0];
	v12 =	vmul.f32 v12, v23;
	v63 =	vsub.f32 $1.500000000e+00, v30;
	v51 =	vmul.f32 v61, v35  }
0x13c: {  	v35 =	vld [tilespmem:$0x5A0];
	v1 =	vmul.f32 v50, v31;
	v28 =	vadd.f32 v58, v28;
	v62 =	vmul.f32 v57, v57  }
0x13d: {  	v24 =	vmul.f32 v63, v55;
	v2 =	vsub.f32 $1.500000000e+00, v51;
	v51 =	vadd.f32 v14, v38;
	v38 =	vld [tilespmem:$0x7A0]  }
0x13e: {  	vm5 =	vlt.f32 v22, $1.000000020e-35;
	vm6 =	vlt.f32 v32, $1.000000020e-35;
	v55 =	vld [tilespmem:$0xDA0];
	v6 =	vsub.f32 $1.500000000e+00, v1  }
0x13f: {  	v54 =	vmul.f32 v12, v15;
	v15 =	vld [tilespmem:$0x6B0];
	v53 =	vadd.f32 v62, v28;
	v4 =	vmul.f32 v24, v29  }
0x140: {  	v1 =	vld [tilespmem:$0xCB0];
	v7 =	vmul.f32 v61, v2;
	v29 =	vsub.f32 v36, v5;
	v31 =	vmul.f32 v6, v31  }
0x141: {  	v60 =	vsub.f32 v35, v3;
	v2 =	vshra.s32 v53, $0x1;
	v14 =	vmul.f32 v4, v24  }
0x142: {  	vm7 =	vlt.f32 v53, $1.000000020e-35;
	v56 =	vmul.f32 v7, v45;
	v29 =	vmul.f32 v29, v29  }
0x143: {  	v12 =	vld [tilespmem:$0x5B0];
	v6 =	vsub.s32 $0x5F3759DF, v2;
	v59 =	vmul.f32 v31, v47;
	v48 =	vsub.f32 v38, v55  }
0x144: {  	v49 =	vmul.f32 v60, v60;
	v55 =	vld [tilespmem:$0xBB0];
	v61 =	vmul.f32 v56, v7;
	v14 =	vsub.f32 $1.500000000e+00, v14  }
0x145: {  	v56 =	vmul.f32 $5.000000000e-01, v53;
	v30 =	vsub.f32 v15, v1;
	v46 =	vmul.f32 v59, v31  }
0x146: {  	v63 =	vadd.f32 v29, v49;
	v0 =	vmul.f32 v48, v48;
	v50 =	vsub.f32 $1.500000000e+00, v61  }
0x147: {  	v3 =	vld [tilespmem:$0xDB0];
	v14 =	vmul.f32 v14, v24;
	v48 =	vmul.f32 v6, v56;
	v61 =	vsel vm15, $0x0, v54  }
0x148: {  	v24 =	vld [tilespmem:$0x7B0];
	v30 =	vmul.f32 v30, v30;
	v46 =	vsub.f32 $1.500000000e+00, v46;
	v52 =	vadd.f32 v0, v63  }
0x149: {  	v51 =	vadd.f32 v61, v51;
	v23 =	vmul.f32 v50, v7;
	v60 =	vsub.f32 v12, v55  }
0x14a: {  	v48 =	vmul.f32 v6, v48;
	v7 =	vshra.s32 v52, $0x1;
	v57 =	vmul.f32 $5.000000000e-01, v52  }
0x14b: {  	v4 =	vmul.f32 v46, v31;
	v5 =	vmul.f32 v23, v45;
	v49 =	vsub.s32 $0x5F3759DF, v7  }
0x14c: {  	v50 =	vmul.f32 v60, v60;
	v48 =	vsub.f32 $1.500000000e+00, v48;
	v62 =	vmul.f32 v49, v57  }
0x14d: {  	v28 =	vsub.f32 v24, v3;
	v47 =	vmul.f32 v4, v47;
	v31 =	vmul.f32 v5, v23  }
0x14e: {  	vm8 =	vlt.f32 v52, $1.000000020e-35;
	v46 =	vmul.f32 v6, v48;
	v48 =	vmul.f32 v14, v16  }
0x14f: {  	v60 =	vld [tilespmem:$0xBC0];
	v30 =	vadd.f32 v30, v50;
	v54 =	vmul.f32 v49, v62;
	v28 =	vmul.f32 v28, v28  }
0x150: {  	v14 =	vld [tilespmem:$0x7C0];
	v47 =	vmul.f32 v47, v4;
	v31 =	vsub.f32 $1.500000000e+00, v31;
	v1 =	vmul.f32 v46, v56  }
0x151: {  	v6 =	vld [tilespmem:$0xCC0];
	v48 =	vsel vm4, $0x0, v48;
	v63 =	vsub.f32 $1.500000000e+00, v54;
	v50 =	vadd.f32 v28, v30  }
0x152: {  	v0 =	vsub.f32 $1.500000000e+00, v47;
	v23 =	vmul.f32 v31, v23;
	v31 =	vld [tilespmem:$0x6C0];
	v47 =	vmul.f32 v1, v46  }
0x153: {  	v1 =	vld [tilespmem:$0xDC0];
	v49 =	vmul.f32 v49, v63;
	v2 =	vshra.s32 v50, $0x1;
	v54 =	vmul.f32 $5.000000000e-01, v50  }
0x154: {  	v28 =	vld [tilespmem:$0x5C0];
	v29 =	vmul.f32 v0, v4;
	v45 =	vmul.f32 v23, v45;
	v58 =	vsub.s32 $0x5F3759DF, v2  }
0x155: {  	v5 =	vsub.f32 $1.500000000e+00, v47;
	v3 =	vmul.f32 v49, v57;
	v59 =	vmul.f32 v58, v54  }
0x156: {  	v48 =	vadd.f32 v48, v51;
	v2 =	vmul.f32 v29, v22;
	v4 =	vmul.f32 v45, v23  }
0x157: {  	v30 =	vld [tilespmem:$0x5D0];
	v45 =	vmul.f32 v5, v46;
	v7 =	vmul.f32 v3, v49;
	v47 =	vsub.f32 v31, v6  }
0x158: {  	v29 =	vld [tilespmem:$0x6D0];
	v0 =	vmul.f32 v58, v59;
	v59 =	vsub.f32 v14, v1;
	v61 =	vsub.f32 $1.500000000e+00, v4  }
0x159: {  	v3 =	vmul.f32 v45, v56;
	v4 =	vsub.f32 v28, v60;
	v60 =	vld [tilespmem:$0xCD0];
	v62 =	vsub.f32 $1.500000000e+00, v7  }
0x15a: {  	v55 =	vsub.f32 $1.500000000e+00, v0;
	v47 =	vmul.f32 v47, v47;
	v6 =	vmul.f32 v59, v59;
	v7 =	vld [tilespmem:$0xCE0]  }
0x15b: {  	vm9 =	vlt.f32 v50, $1.000000020e-35;
	v51 =	vmul.f32 v61, v23;
	v23 =	vld [tilespmem:$0x6E0];
	v61 =	vmul.f32 v62, v49  }
0x15c: {  	v46 =	vsel vm5, $0x0, v2;
	v0 =	vmul.f32 v4, v4;
	v55 =	vmul.f32 v58, v55;
	v58 =	vld [tilespmem:$0xBD0]  }
0x15d: {  	v16 =	vld [tilespmem:$0x7D0];
	v4 =	vadd.f32 v46, v48;
	v49 =	vmul.f32 v3, v45;
	v62 =	vmul.f32 v61, v57  }
0x15e: {  	v22 =	vld [tilespmem:$0x5E0];
	v0 =	vadd.f32 v47, v0;
	v51 =	vmul.f32 v51, v32;
	v63 =	vmul.f32 v55, v54  }
0x15f: {  	v5 =	vsub.f32 $1.500000000e+00, v49;
	v2 =	vsub.f32 v29, v60;
	v46 =	vmul.f32 v62, v61;
	v62 =	vld [tilespmem:$0xBE0]  }
0x160: {  	v49 =	vadd.f32 v6, v0;
	v48 =	vmul.f32 v63, v55;
	v63 =	vld [tilespmem:$0xDD0];
	v59 =	vsub.f32 v23, v7  }
0x161: {  	v47 =	vmul.f32 v5, v45;
	v6 =	vmul.f32 v2, v2;
	v0 =	vsub.f32 v30, v58  }
0x162: {  	v1 =	vshra.s32 v49, $0x1;
	v46 =	vsub.f32 $1.500000000e+00, v46;
	v59 =	vmul.f32 v59, v59  }
0x163: {  	v32 =	vld [tilespmem:$0x7E0];
	v48 =	vsub.f32 $1.500000000e+00, v48;
	v2 =	vmul.f32 v47, v56;
	v45 =	vmul.f32 v0, v0  }
0x164: {  	v3 =	vmul.f32 v46, v61;
	v46 =	vld [tilespmem:$0xDE0];
	v61 =	vmul.f32 $5.000000000e-01, v49;
	v5 =	vsub.f32 v22, v62  }
0x165: {  	v62 =	vsub.s32 $0x5F3759DF, v1;
	v0 =	vsub.f32 v16, v63;
	v63 =	vmul.f32 v2, v47  }
0x166: {  	v60 =	vsel vm6, $0x0, v51;
	v1 =	vmul.f32 v62, v61;
	v57 =	vmul.f32 v3, v57  }
0x167: {  	v55 =	vmul.f32 v48, v55;
	v45 =	vadd.f32 v6, v45;
	v7 =	vmul.f32 v5, v5  }
0x168: {  	v63 =	vsub.f32 $1.500000000e+00, v63;
	v6 =	vmul.f32 v62, v1;
	v57 =	vmul.f32 v57, v3  }
0x169: {  	v46 =	vsub.f32 v32, v46;
	v5 =	vadd.f32 v59, v7;
	v7 =	vmul.f32 v0, v0  }
0x16a: {  	v59 =	vmul.f32 v55, v54;
	v58 =	vsub.f32 $1.500000000e+00, v6;
	v57 =	vsub.f32 $1.500000000e+00, v57  }
0x16b: {  	v63 =	vmul.f32 v63, v47;
	v46 =	vmul.f32 v46, v46;
	v51 =	vadd.f32 v7, v45  }
0x16c: {  	v47 =	vld [tilespmem:$0x7F0];
	v7 =	vadd.f32 v60, v4;
	v56 =	vmul.f32 v62, v58;
	v3 =	vmul.f32 v57, v3  }
0x16d: {  	v57 =	vld [tilespmem:$0xDF0];
	v48 =	vadd.f32 v46, v5;
	v45 =	vshra.s32 v51, $0x1;
	v58 =	vmul.f32 $5.000000000e-01, v51  }
0x16e: {  	v59 =	vmul.f32 v59, v55;
	v4 =	vld [tilespmem:$0xBF0];
	v62 =	vsub.s32 $0x5F3759DF, v45;
	v1 =	vmul.f32 v56, v61  }
0x16f: {  	v45 =	vld [tilespmem:$0x5F0];
	v46 =	vshra.s32 v48, $0x1;
	v6 =	vmul.f32 $5.000000000e-01, v48;
	v2 =	vmul.f32 v62, v58  }
0x170: {  	vm10 =	vlt.f32 v49, $1.000000020e-35;
	v5 =	vld [tilespmem:$0xCF0];
	v0 =	vsub.s32 $0x5F3759DF, v46;
	v1 =	vmul.f32 v1, v56  }
0x171: {  	v59 =	vsub.f32 $1.500000000e+00, v59;
	v46 =	vld [tilespmem:$0x6F0];
	v60 =	vmul.f32 v0, v6;
	v2 =	vmul.f32 v62, v2  }
0x172: {  	vm11 =	vlt.f32 v51, $1.000000020e-35;
	v3 =	vmul.f32 v3, v52;
	v57 =	vsub.f32 v47, v57  }
0x173: {  	v1 =	vsub.f32 $1.500000000e+00, v1;
	v60 =	vmul.f32 v0, v60;
	v2 =	vsub.f32 $1.500000000e+00, v2  }
0x174: {  	v55 =	vmul.f32 v59, v55;
	v4 =	vsub.f32 v45, v4;
	v57 =	vmul.f32 v57, v57  }
0x175: {  	v1 =	vmul.f32 v1, v56;
	v60 =	vsub.f32 $1.500000000e+00, v60;
	v2 =	vmul.f32 v62, v2  }
0x176: {  	v59 =	vld [tilespmem:$0xE00];
	v62 =	vmul.f32 v63, v53;
	v5 =	vsub.f32 v46, v5;
	v53 =	vmul.f32 v55, v54  }
0x177: {  	vm12 =	vlt.f32 v48, $1.000000020e-35;
	v4 =	vmul.f32 v4, v4;
	v0 =	vmul.f32 v0, v60  }
0x178: {  	v63 =	vsel vm7, $0x0, v62;
	v5 =	vmul.f32 v5, v5;
	v60 =	vmul.f32 v1, v61  }
0x179: {  	v54 =	vmul.f32 v2, v58;
	v7 =	vadd.f32 v63, v7;
	v63 =	vmul.f32 v53, v55  }
0x17a: {  	v3 =	vsel vm8, $0x0, v3;
	v62 =	vmul.f32 v0, v6;
	v60 =	vmul.f32 v60, v1  }
0x17b: {  	v44 =	vsub.f32 v44, v59;
	v4 =	vadd.f32 v5, v4;
	v54 =	vmul.f32 v54, v2  }
0x17c: {  	v5 =	vsub.f32 $1.500000000e+00, v63;
	v56 =	vmul.f32 v62, v0;
	v53 =	vsub.f32 $1.500000000e+00, v60;
	v60 =	vld [tilespmem:$0xF00]  }
0x17d: {  	v44 =	vmul.f32 v44, v44;
	v54 =	vsub.f32 $1.500000000e+00, v54;
	v52 =	vadd.f32 v57, v4;
	v4 =	vld [tilespmem:$0x1000]  }
0x17e: {  	v5 =	vmul.f32 v5, v55;
	v56 =	vsub.f32 $1.500000000e+00, v56;
	v1 =	vmul.f32 v53, v1  }
0x17f: {  	v57 =	vld [tilespmem:$0xE10];
	v2 =	vmul.f32 v54, v2;
	v62 =	vshra.s32 v52, $0x1;
	v55 =	vmul.f32 $5.000000000e-01, v52  }
0x180: {  	v54 =	vsub.s32 $0x5F3759DF, v62;
	v0 =	vmul.f32 v56, v0;
	v53 =	vmul.f32 v1, v61  }
0x181: {  	v63 =	vmul.f32 v2, v58;
	v43 =	vsub.f32 v43, v60;
	v60 =	vmul.f32 v54, v55  }
0x182: {  	v4 =	vsub.f32 v42, v4;
	v53 =	vmul.f32 v53, v1;
	v62 =	vmul.f32 v0, v6  }
0x183: {  	v3 =	vadd.f32 v3, v7;
	v7 =	vmul.f32 v63, v2;
	v61 =	vmul.f32 v43, v43  }
0x184: {  	v33 =	vsub.f32 v33, v57;
	v56 =	vmul.f32 v54, v60;
	v4 =	vmul.f32 v4, v4  }
0x185: {  	v53 =	vsub.f32 $1.500000000e+00, v53;
	v43 =	vmul.f32 v62, v0;
	v7 =	vsub.f32 $1.500000000e+00, v7  }
0x186: {  	v33 =	vmul.f32 v33, v33;
	v42 =	vadd.f32 v61, v44;
	v44 =	vld [tilespmem:$0xF10];
	v63 =	vsub.f32 $1.500000000e+00, v56  }
0x187: {  	v61 =	vld [tilespmem:$0xE20];
	v1 =	vmul.f32 v53, v1;
	v60 =	vsub.f32 $1.500000000e+00, v43;
	v2 =	vmul.f32 v7, v2  }
0x188: {  	v56 =	vld [tilespmem:$0x1010];
	v42 =	vadd.f32 v4, v42;
	v4 =	vmul.f32 v5, v50;
	v7 =	vmul.f32 v54, v63  }
0x189: {  	vm13 =	vlt.f32 v52, $1.000000020e-35;
	v50 =	vld [tilespmem:$0xF20];
	v0 =	vmul.f32 v60, v0;
	v1 =	vmul.f32 v1, v49  }
0x18a: {  	v54 =	vld [tilespmem:$0x1020];
	v5 =	vmul.f32 $5.000000000e-01, v42;
	v62 =	vshra.s32 v42, $0x1;
	v63 =	vmul.f32 v7, v55  }
0x18b: {  	v4 =	vsel vm9, $0x0, v4;
	vm1 =	vlt.f32 v42, $1.000000020e-35;
	v53 =	vsub.s32 $0x5F3759DF, v62  }
0x18c: {  	v34 =	vsub.f32 v34, v44;
	v40 =	vsub.f32 v40, v61;
	v61 =	vmul.f32 v2, v58  }
0x18d: {  	v37 =	vsub.f32 v37, v56;
	v6 =	vmul.f32 v0, v6;
	v60 =	vmul.f32 v53, v5  }
0x18e: {  	v62 =	vmul.f32 v63, v7;
	v41 =	vsub.f32 v41, v50;
	v34 =	vmul.f32 v34, v34  }
0x18f: {  	v40 =	vmul.f32 v40, v40;
	v39 =	vsub.f32 v39, v54;
	v54 =	vmul.f32 v37, v37  }
0x190: {  	v3 =	vadd.f32 v4, v3;
	v57 =	vmul.f32 v61, v2;
	v6 =	vmul.f32 v6, v0  }
0x191: {  	v44 =	vmul.f32 v53, v60;
	v63 =	vsub.f32 $1.500000000e+00, v62;
	v41 =	vmul.f32 v41, v41  }
0x192: {  	v33 =	vadd.f32 v34, v33;
	v39 =	vmul.f32 v39, v39;
	v6 =	vsub.f32 $1.500000000e+00, v6  }
0x193: {  	v44 =	vsub.f32 $1.500000000e+00, v44;
	v7 =	vmul.f32 v63, v7;
	v56 =	vadd.f32 v41, v40  }
0x194: {  	v34 =	vadd.f32 v54, v33;
	v40 =	vsub.f32 $1.500000000e+00, v57;
	v0 =	vmul.f32 v6, v0  }
0x195: {  	v41 =	vmul.f32 v53, v44;
	v58 =	vmul.f32 v7, v55;
	v33 =	vadd.f32 v39, v56  }
0x196: {  	v39 =	vmul.f32 $5.000000000e-01, v34;
	v60 =	vshra.s32 v34, $0x1;
	v2 =	vmul.f32 v40, v2  }
0x197: {  	v59 =	vmul.f32 v41, v5;
	v44 =	vsub.s32 $0x5F3759DF, v60;
	v43 =	vmul.f32 v58, v7  }
0x198: {  	v60 =	vld [tilespmem:$0xE30];
	v50 =	vmul.f32 $5.000000000e-01, v33;
	v61 =	vshra.s32 v33, $0x1;
	v62 =	vmul.f32 v44, v39  }
0x199: {  	v53 =	vsub.s32 $0x5F3759DF, v61;
	v37 =	vmul.f32 v59, v41;
	v43 =	vsub.f32 $1.500000000e+00, v43  }
0x19a: {  	v1 =	vsel vm10, $0x0, v1;
	v63 =	vmul.f32 v53, v50;
	v54 =	vmul.f32 v44, v62;
	v62 =	vld [tilespmem:$0xF30]  }
0x19b: {  	v1 =	vadd.f32 v1, v3;
	v56 =	vld [tilespmem:$0x1040];
	v0 =	vmul.f32 v0, v48;
	v6 =	vmul.f32 v43, v7  }
0x19c: {  	v37 =	vsub.f32 $1.500000000e+00, v37;
	v61 =	vmul.f32 v53, v63;
	v63 =	vsub.f32 $1.500000000e+00, v54;
	v54 =	vld [tilespmem:$0x1030]  }
0x19d: {  	v2 =	vmul.f32 v2, v51;
	v17 =	vsub.f32 v17, v60;
	v58 =	vmul.f32 v6, v55  }
0x19e: {  	v37 =	vmul.f32 v37, v41;
	v40 =	vsub.f32 $1.500000000e+00, v61;
	v4 =	vmul.f32 v44, v63  }
0x19f: {  	v17 =	vmul.f32 v17, v17;
	v20 =	vsub.f32 v20, v62;
	v41 =	vmul.f32 v58, v6  }
0x1a0: {  	v9 =	vsub.f32 v9, v56;
	v60 =	vmul.f32 v37, v5;
	v59 =	vmul.f32 v4, v39  }
0x1a1: {  	v49 =	vld [tilespmem:$0xE40];
	v40 =	vmul.f32 v53, v40;
	v20 =	vmul.f32 v20, v20;
	v7 =	vsub.f32 v18, v54  }
0x1a2: {  	v61 =	vsub.f32 $1.500000000e+00, v41;
	v3 =	vmul.f32 v60, v37;
	v60 =	vld [tilespmem:$0x1FB80];
	v43 =	vmul.f32 v59, v4  }
0x1a3: {  	v53 =	vld [tilespmem:$0xF40];
	v63 =	vmul.f32 v40, v50;
	v17 =	vadd.f32 v20, v17;
	v7 =	vmul.f32 v7, v7  }
0x1a4: {  	v3 =	vsub.f32 $1.500000000e+00, v3;
	v6 =	vmul.f32 v61, v6;
	v61 =	vld [tilespmem:$0x1FB90];
	v62 =	vsub.f32 $1.500000000e+00, v43  }
0x1a5: {  	v9 =	vmul.f32 v9, v9;
	v54 =	vmul.f32 v63, v40;
	v17 =	vadd.f32 v7, v17  }
0x1a6: {  	vm2 =	vlt.f32 v34, $1.000000020e-35;
	v3 =	vmul.f32 v3, v37;
	v4 =	vmul.f32 v62, v4  }
0x1a7: {  	v18 =	vsub.f32 $1.500000000e+00, v54;
	v20 =	vsub.f32 v60, v49;
	v43 =	vmul.f32 $5.000000000e-01, v17  }
0x1a8: {  	v57 =	vshra.s32 v17, $0x1;
	v5 =	vmul.f32 v3, v5;
	v55 =	vmul.f32 v4, v39  }
0x1a9: {  	v44 =	vsub.s32 $0x5F3759DF, v57;
	v58 =	vmul.f32 v18, v40;
	v40 =	vsub.f32 v61, v53  }
0x1aa: {  	v0 =	vsel vm12, $0x0, v0;
	v20 =	vmul.f32 v20, v20;
	v59 =	vmul.f32 v44, v43  }
0x1ab: {  	v2 =	vsel vm11, $0x0, v2;
	v7 =	vmul.f32 v55, v4;
	v62 =	vmul.f32 v40, v40  }
0x1ac: {  	v1 =	vadd.f32 v2, v1;
	v56 =	vld [tilespmem:$0x1050];
	v5 =	vmul.f32 v5, v3;
	v18 =	vmul.f32 v44, v59  }
0x1ad: {  	v40 =	vmul.f32 v58, v50;
	v7 =	vsub.f32 $1.500000000e+00, v7;
	v20 =	vadd.f32 v62, v20;
	v62 =	vld [tilespmem:$0x1FBC0]  }
0x1ae: {  	vm14 =	vlt.f32 v33, $1.000000020e-35;
	v54 =	vld [tilespmem:$0xF50];
	v5 =	vsub.f32 $1.500000000e+00, v5;
	v63 =	vsub.f32 $1.500000000e+00, v18  }
0x1af: {  	v61 =	vld [tilespmem:$0x1FBB0];
	v48 =	vmul.f32 v40, v58;
	v4 =	vmul.f32 v7, v4;
	v9 =	vadd.f32 v9, v20  }
0x1b0: {  	v1 =	vadd.f32 v0, v1;
	v49 =	vld [tilespmem:$0xE50];
	v3 =	vmul.f32 v5, v3;
	v7 =	vmul.f32 v44, v63  }
0x1b1: {  	v5 =	vsub.f32 $1.500000000e+00, v48;
	v63 =	vld [tilespmem:$0xE60];
	v41 =	vmul.f32 v4, v39;
	v40 =	vmul.f32 $5.000000000e-01, v9  }
0x1b2: {  	v55 =	vshra.s32 v9, $0x1;
	v53 =	vmul.f32 v7, v43;
	v0 =	vsub.f32 v62, v56;
	v56 =	vld [tilespmem:$0x1FBD0]  }
0x1b3: {  	v60 =	vld [tilespmem:$0x1FBA0];
	v2 =	vmul.f32 v5, v58;
	v51 =	vmul.f32 v41, v4;
	v41 =	vsub.s32 $0x5F3759DF, v55  }
0x1b4: {  	v18 =	vsub.f32 v61, v54;
	v37 =	vmul.f32 v53, v7;
	v57 =	vmul.f32 v41, v40  }
0x1b5: {  	v3 =	vmul.f32 v3, v42;
	v59 =	vmul.f32 v2, v50;
	v20 =	vsub.f32 $1.500000000e+00, v51  }
0x1b6: {  	v18 =	vmul.f32 v18, v18;
	v58 =	vsub.f32 $1.500000000e+00, v37;
	v5 =	vmul.f32 v41, v57  }
0x1b7: {  	v37 =	vmul.f32 v59, v2;
	v20 =	vmul.f32 v20, v4;
	v39 =	vsub.f32 v56, v63;
	v63 =	vld [tilespmem:$0x1070]  }
0x1b8: {  	v4 =	vmul.f32 v6, v52;
	v6 =	vmul.f32 v58, v7;
	v7 =	vsub.f32 v60, v49;
	v49 =	vld [tilespmem:$0xF60]  }
0x1b9: {  	v3 =	vadd.f32 $0.0e+00, v3;
	v0 =	vmul.f32 v0, v0;
	v5 =	vsub.f32 $1.500000000e+00, v5;
	v58 =	vld [tilespmem:$0x1FBE0]  }
0x1ba: {  	v61 =	vld [tilespmem:$0xE70];
	v50 =	vsub.f32 $1.500000000e+00, v37;
	v20 =	vmul.f32 v20, v34;
	v39 =	vmul.f32 v39, v39  }
0x1bb: {  	v53 =	vld [tilespmem:$0x1060];
	v3 =	vsel vm1, $0x0, v3;
	v7 =	vmul.f32 v7, v7;
	v48 =	vmul.f32 v6, v43  }
0x1bc: {  	v62 =	vld [tilespmem:$0xF70];
	v5 =	vmul.f32 v41, v5;
	v2 =	vmul.f32 v50, v2;
	v20 =	vsel vm2, $0x0, v20  }
0x1bd: {  	v7 =	vadd.f32 v18, v7;
	v51 =	vmul.f32 v48, v6;
	v3 =	vadd.f32 v20, v3  }
0x1be: {  	v52 =	vmul.f32 v5, v40;
	v25 =	vsub.f32 v25, v63;
	v41 =	vsub.f32 v58, v49  }
0x1bf: {  	v2 =	vmul.f32 v2, v33;
	v7 =	vadd.f32 v0, v7;
	v54 =	vsub.f32 $1.500000000e+00, v51  }
0x1c0: {  	v63 =	vld [tilespmem:$0x1080];
	v55 =	vmul.f32 v52, v5;
	v0 =	vsub.f32 v10, v53;
	v10 =	vsub.f32 v13, v61  }
0x1c1: {  	v51 =	vsub.f32 v19, v62;
	v41 =	vmul.f32 v41, v41;
	v37 =	vmul.f32 $5.000000000e-01, v7  }
0x1c2: {  	v58 =	vld [tilespmem:$0xF80];
	v57 =	vshra.s32 v7, $0x1;
	v6 =	vmul.f32 v54, v6;
	v0 =	vmul.f32 v0, v0  }
0x1c3: {  	v59 =	vsub.f32 $1.500000000e+00, v55;
	v10 =	vmul.f32 v10, v10;
	v13 =	vmul.f32 v51, v51  }
0x1c4: {  	v54 =	vmul.f32 v25, v25;
	v42 =	vsub.s32 $0x5F3759DF, v57;
	v39 =	vadd.f32 v41, v39  }
0x1c5: {  	v57 =	vsel vm14, $0x0, v2;
	v11 =	vsub.f32 v11, v63;
	v60 =	vmul.f32 v42, v37  }
0x1c6: {  	v5 =	vmul.f32 v59, v5;
	v43 =	vmul.f32 v6, v43;
	v10 =	vadd.f32 v13, v10  }
0x1c7: {  	v3 =	vadd.f32 v57, v3;
	v8 =	vsub.f32 v8, v58;
	v57 =	vld [tilespmem:$0x1090];
	v11 =	vmul.f32 v11, v11  }
0x1c8: {  	v0 =	vadd.f32 v0, v39;
	v34 =	vmul.f32 v42, v60;
	v44 =	vmul.f32 v5, v40  }
0x1c9: {  	v48 =	vmul.f32 v43, v6;
	v2 =	vadd.f32 v54, v10;
	v8 =	vmul.f32 v8, v8  }
0x1ca: {  	v56 =	vld [tilespmem:$0xE80];
	v50 =	vshra.s32 v0, $0x1;
	v19 =	vmul.f32 $5.000000000e-01, v0;
	v34 =	vsub.f32 $1.500000000e+00, v34  }
0x1cb: {  	v51 =	vld [tilespmem:$0x1FBF0];
	v20 =	vmul.f32 v44, v5;
	v39 =	vsub.f32 $1.500000000e+00, v48;
	v61 =	vshra.s32 v2, $0x1  }
0x1cc: {  	v25 =	vmul.f32 $5.000000000e-01, v2;
	v33 =	vsub.s32 $0x5F3759DF, v61;
	v27 =	vsub.f32 v27, v57  }
0x1cd: {  	v49 =	vmul.f32 v42, v34;
	v34 =	vsub.s32 $0x5F3759DF, v50;
	v6 =	vmul.f32 v39, v6  }
0x1ce: {  	v20 =	vsub.f32 $1.500000000e+00, v20;
	v48 =	vmul.f32 v33, v25;
	v53 =	vmul.f32 v34, v19  }
0x1cf: {  	v42 =	vmul.f32 v27, v27;
	v52 =	vmul.f32 v49, v37  }
0x1d0: {  	v39 =	vsub.f32 v51, v56;
	v5 =	vmul.f32 v20, v5;
	v41 =	vmul.f32 v33, v48  }
0x1d1: {  	v55 =	vmul.f32 v34, v53;
	v18 =	vmul.f32 v52, v49  }
0x1d2: {  	vm15 =	vlt.f32 v17, $1.000000020e-35;
	v39 =	vmul.f32 v39, v39;
	v20 =	vmul.f32 v5, v40  }
0x1d3: {  	v61 =	vld [tilespmem:$0x10A0];
	v6 =	vmul.f32 v6, v17;
	v60 =	vsub.f32 $1.500000000e+00, v55;
	v18 =	vsub.f32 $1.500000000e+00, v18  }
0x1d4: {  	v41 =	vsub.f32 $1.500000000e+00, v41;
	v8 =	vadd.f32 v8, v39;
	v55 =	vld [tilespmem:$0xF90];
	v20 =	vmul.f32 v20, v5  }
0x1d5: {  	v54 =	vld [tilespmem:$0xE90];
	v6 =	vsel vm15, $0x0, v6;
	v59 =	vmul.f32 v18, v49;
	v18 =	vmul.f32 v34, v60  }
0x1d6: {  	v39 =	vadd.f32 v6, v3;
	v56 =	vmul.f32 v33, v41;
	v52 =	vsub.f32 $1.500000000e+00, v20  }
0x1d7: {  	v3 =	vadd.f32 v11, v8;
	v62 =	vmul.f32 v59, v37;
	v50 =	vmul.f32 v18, v19  }
0x1d8: {  	v8 =	vsub.f32 v38, v61;
	v60 =	vmul.f32 v56, v25;
	v5 =	vmul.f32 v52, v5  }
0x1d9: {  	v58 =	vld [tilespmem:$0xEA0];
	v13 =	vsub.f32 v26, v55;
	v49 =	vmul.f32 v62, v59;
	v53 =	vmul.f32 v50, v18  }
0x1da: {  	v41 =	vmul.f32 v5, v9;
	v62 =	vsub.f32 v21, v54;
	v5 =	vmul.f32 v60, v56;
	v60 =	vld [tilespmem:$0xEB0]  }
0x1db: {  	v8 =	vmul.f32 v8, v8;
	v17 =	vsub.f32 $1.500000000e+00, v49;
	v20 =	vsub.f32 $1.500000000e+00, v53  }
0x1dc: {  	v26 =	vmul.f32 $5.000000000e-01, v3;
	v11 =	vmul.f32 v62, v62;
	v5 =	vsub.f32 $1.500000000e+00, v5  }
0x1dd: {  	v62 =	vld [tilespmem:$0xFB0];
	v10 =	vmul.f32 v17, v59;
	v18 =	vmul.f32 v20, v18  }
0x1de: {  	v34 =	vsub.f32 v35, v58;
	v13 =	vmul.f32 v13, v13;
	v59 =	vld [tilespmem:$0xFA0];
	v17 =	vmul.f32 v5, v56  }
0x1df: {  	v12 =	vsub.f32 v12, v60;
	v60 =	vld [tilespmem:$0x10C0];
	v37 =	vmul.f32 v10, v37;
	v63 =	vmul.f32 v18, v19  }
0x1e0: {  	v43 =	vmul.f32 v34, v34;
	v11 =	vadd.f32 v13, v11;
	v52 =	vmul.f32 v17, v25  }
0x1e1: {  	v20 =	vmul.f32 v37, v10;
	v37 =	vshra.s32 v3, $0x1;
	v21 =	vmul.f32 v63, v18  }
0x1e2: {  	v15 =	vsub.f32 v15, v62;
	v12 =	vmul.f32 v12, v12;
	v33 =	vsub.s32 $0x5F3759DF, v37  }
0x1e3: {  	v6 =	vsub.f32 v36, v59;
	v40 =	vmul.f32 v33, v26;
	v49 =	vsub.f32 $1.500000000e+00, v21  }
0x1e4: {  	v15 =	vmul.f32 v15, v15;
	v37 =	vld [tilespmem:$0x10D0];
	v20 =	vsub.f32 $1.500000000e+00, v20;
	v14 =	vsub.f32 v14, v60  }
0x1e5: {  	v44 =	vmul.f32 v6, v6;
	v6 =	vadd.f32 v42, v11;
	v35 =	vmul.f32 v33, v40  }
0x1e6: {  	v13 =	vmul.f32 v49, v18;
	v10 =	vmul.f32 v20, v10  }
0x1e7: {  	v14 =	vmul.f32 v14, v14;
	v48 =	vadd.f32 v44, v43;
	v51 =	vshra.s32 v6, $0x1  }
0x1e8: {  	v27 =	vmul.f32 $5.000000000e-01, v6;
	v50 =	vsub.f32 $1.500000000e+00, v35;
	v54 =	vsub.s32 $0x5F3759DF, v51  }
0x1e9: {  	v19 =	vmul.f32 v13, v19;
	v10 =	vmul.f32 v10, v7;
	v16 =	vsub.f32 v16, v37  }
0x1ea: {  	v5 =	vadd.f32 v8, v48;
	v55 =	vmul.f32 v54, v27;
	v8 =	vmul.f32 v52, v17  }
0x1eb: {  	v53 =	vmul.f32 v33, v50;
	v19 =	vmul.f32 v19, v13  }
0x1ec: {  	vm4 =	vlt.f32 v9, $1.000000020e-35;
	v38 =	vld [tilespmem:$0x10B0];
	v16 =	vmul.f32 v16, v16;
	v34 =	vmul.f32 $5.000000000e-01, v5  }
0x1ed: {  	v51 =	vld [tilespmem:$0xEC0];
	v56 =	vshra.s32 v5, $0x1;
	v58 =	vmul.f32 v54, v55;
	v8 =	vsub.f32 $1.500000000e+00, v8  }
0x1ee: {  	v57 =	vmul.f32 v53, v26;
	v35 =	vsub.s32 $0x5F3759DF, v56;
	v19 =	vsub.f32 $1.500000000e+00, v19  }
0x1ef: {  	v59 =	vmul.f32 v35, v34;
	v9 =	vsub.f32 $1.500000000e+00, v58;
	v17 =	vmul.f32 v8, v17  }
0x1f0: {  	vm5 =	vlt.f32 v7, $1.000000020e-35;
	v61 =	vmul.f32 v57, v53;
	v13 =	vmul.f32 v19, v13  }
0x1f1: {  	vm6 =	vlt.f32 v0, $1.000000020e-35;
	v33 =	vmul.f32 v35, v59;
	v63 =	vmul.f32 v54, v9  }
0x1f2: {  	v9 =	vsub.f32 v24, v38;
	v43 =	vmul.f32 v17, v25;
	v25 =	vsub.f32 v28, v51  }
0x1f3: {  	v13 =	vmul.f32 v13, v0;
	v40 =	vsub.f32 $1.500000000e+00, v33;
	v21 =	vmul.f32 v63, v27  }
0x1f4: {  	v18 =	vsub.f32 $1.500000000e+00, v61;
	v9 =	vmul.f32 v9, v9;
	v49 =	vmul.f32 v43, v17  }
0x1f5: {  	v12 =	vadd.f32 v15, v12;
	v25 =	vmul.f32 v25, v25;
	v20 =	vmul.f32 v35, v40  }
0x1f6: {  	v41 =	vsel vm4, $0x0, v41;
	v11 =	vmul.f32 v18, v53;
	v21 =	vmul.f32 v21, v63  }
0x1f7: {  	v18 =	vadd.f32 v41, v39;
	v53 =	vld [tilespmem:$0xFC0];
	v8 =	vadd.f32 v9, v12;
	v42 =	vmul.f32 v20, v34  }
0x1f8: {  	v15 =	vsub.f32 $1.500000000e+00, v49;
	v48 =	vmul.f32 v11, v26;
	v21 =	vsub.f32 $1.500000000e+00, v21  }
0x1f9: {  	v39 =	vld [tilespmem:$0xEE0];
	v9 =	vmul.f32 $5.000000000e-01, v8;
	v55 =	vshra.s32 v8, $0x1;
	v44 =	vmul.f32 v42, v20  }
0x1fa: {  	v52 =	vmul.f32 v48, v11;
	v24 =	vsub.s32 $0x5F3759DF, v55;
	v21 =	vmul.f32 v21, v63  }
0x1fb: {  	v15 =	vmul.f32 v15, v17;
	v48 =	vld [tilespmem:$0x10F0];
	v57 =	vmul.f32 v24, v9;
	v50 =	vsub.f32 $1.500000000e+00, v44  }
0x1fc: {  	v12 =	vsub.f32 v31, v53;
	v19 =	vsub.f32 $1.500000000e+00, v52;
	v54 =	vmul.f32 v21, v27  }
0x1fd: {  	v10 =	vsel vm5, $0x0, v10;
	v42 =	vld [tilespmem:$0xEF0];
	v7 =	vmul.f32 v24, v57;
	v20 =	vmul.f32 v50, v20  }
0x1fe: {  	v22 =	vsub.f32 v22, v39;
	v12 =	vmul.f32 v12, v12;
	v11 =	vmul.f32 v19, v11  }
0x1ff: {  	v61 =	vld [tilespmem:$0xED0];
	v10 =	vadd.f32 v10, v18;
	v33 =	vmul.f32 v54, v21;
	v56 =	vmul.f32 v20, v34  }
0x200: {  	v22 =	vmul.f32 v22, v22;
	v7 =	vsub.f32 $1.500000000e+00, v7;
	v54 =	vsub.f32 v47, v48  }
0x201: {  	v31 =	vmul.f32 v11, v26;
	v58 =	vsub.f32 $1.500000000e+00, v33;
	v59 =	vmul.f32 v56, v20  }
0x202: {  	v41 =	vld [tilespmem:$0x10E0];
	v18 =	vsub.f32 v45, v42;
	v24 =	vmul.f32 v24, v7;
	v33 =	vadd.f32 v12, v25  }
0x203: {  	v63 =	vld [tilespmem:$0xFD0];
	v57 =	vmul.f32 v54, v54;
	v17 =	vmul.f32 v58, v21;
	v19 =	vsub.f32 $1.500000000e+00, v59  }
0x204: {  	v18 =	vmul.f32 v18, v18;
	v21 =	vsub.f32 v30, v61;
	v38 =	vmul.f32 v24, v9  }
0x205: {  	vm7 =	vlt.f32 v2, $1.000000020e-35;
	v35 =	vmul.f32 v17, v27;
	v62 =	vmul.f32 v19, v20  }
0x206: {  	v40 =	vld [tilespmem:$0xFE0];
	v7 =	vadd.f32 v14, v33;
	v27 =	vmul.f32 v38, v24;
	v21 =	vmul.f32 v21, v21  }
0x207: {  	v14 =	vsub.f32 v32, v41;
	v20 =	vmul.f32 v31, v11;
	v36 =	vmul.f32 v62, v34  }
0x208: {  	v43 =	vld [tilespmem:$0xFF0];
	v26 =	vmul.f32 $5.000000000e-01, v7;
	v12 =	vmul.f32 v35, v17;
	v19 =	vsub.f32 v29, v63  }
0x209: {  	v44 =	vshra.s32 v7, $0x1;
	v20 =	vsub.f32 $1.500000000e+00, v20;
	v25 =	vmul.f32 v36, v62  }
0x20a: {  	v27 =	vsub.f32 $1.500000000e+00, v27;
	v12 =	vsub.f32 $1.500000000e+00, v12;
	v19 =	vmul.f32 v19, v19  }
0x20b: {  	v11 =	vmul.f32 v20, v11;
	v20 =	vsub.f32 v23, v40;
	v25 =	vsub.f32 $1.500000000e+00, v25  }
0x20c: {  	v24 =	vmul.f32 v27, v24;
	v12 =	vmul.f32 v12, v17;
	v19 =	vadd.f32 v19, v21  }
0x20d: {  	v20 =	vmul.f32 v20, v20;
	v17 =	vmul.f32 v25, v62;
	v25 =	vsub.f32 v46, v43  }
0x20e: {  	v14 =	vmul.f32 v14, v14;
	v21 =	vsub.s32 $0x5F3759DF, v44;
	v16 =	vadd.f32 v16, v19  }
0x20f: {  	v49 =	vmul.f32 v24, v9;
	v20 =	vadd.f32 v20, v22;
	v53 =	vmul.f32 v25, v25  }
0x210: {  	v50 =	vmul.f32 v21, v26;
	v51 =	vmul.f32 $5.000000000e-01, v16;
	v52 =	vshra.s32 v16, $0x1  }
0x211: {  	v55 =	vsub.s32 $0x5F3759DF, v52;
	v14 =	vadd.f32 v14, v20;
	v18 =	vadd.f32 v53, v18  }
0x212: {  	vm8 =	vlt.f32 v3, $1.000000020e-35;
	v19 =	vmul.f32 v21, v50;
	v56 =	vmul.f32 v55, v51  }
0x213: {  	v58 =	vmul.f32 $5.000000000e-01, v14;
	v59 =	vshra.s32 v14, $0x1;
	v18 =	vadd.f32 v57, v18  }
0x214: {  	v19 =	vsub.f32 $1.500000000e+00, v19;
	v20 =	vmul.f32 v55, v56;
	v29 =	vsub.s32 $0x5F3759DF, v59  }
0x215: {  	v61 =	vmul.f32 v29, v58;
	v62 =	vmul.f32 $5.000000000e-01, v18;
	v22 =	vshra.s32 v18, $0x1  }
0x216: {  	v60 =	vmul.f32 v21, v19;
	v20 =	vsub.f32 $1.500000000e+00, v20;
	v22 =	vsub.s32 $0x5F3759DF, v22  }
0x217: {  	vm9 =	vlt.f32 v6, $1.000000020e-35;
	v19 =	vmul.f32 v29, v61;
	v33 =	vmul.f32 v22, v62  }
0x218: {  	v13 =	vsel vm6, $0x0, v13;
	v63 =	vmul.f32 v60, v26;
	v20 =	vmul.f32 v55, v20  }
0x219: {  	v23 =	vmul.f32 v49, v24;
	v19 =	vsub.f32 $1.500000000e+00, v19;
	v27 =	vmul.f32 v22, v33  }
0x21a: {  	v10 =	vadd.f32 v13, v10;
	v30 =	vmul.f32 v63, v60;
	v34 =	vmul.f32 v20, v51  }
0x21b: {  	v15 =	vmul.f32 v15, v2;
	v19 =	vmul.f32 v29, v19;
	v27 =	vsub.f32 $1.500000000e+00, v27  }
0x21c: {  	v23 =	vsub.f32 $1.500000000e+00, v23;
	v35 =	vsub.f32 $1.500000000e+00, v30;
	v13 =	vmul.f32 v34, v20  }
0x21d: {  	vm10 =	vlt.f32 v5, $1.000000020e-35;
	v37 =	vmul.f32 v19, v58;
	v22 =	vmul.f32 v22, v27  }
0x21e: {  	v36 =	vmul.f32 v23, v24;
	v0 =	vmul.f32 v35, v60;
	v13 =	vsub.f32 $1.500000000e+00, v13  }
0x21f: {  	v15 =	vsel vm7, $0x0, v15;
	v23 =	vmul.f32 v37, v19;
	v38 =	vmul.f32 v22, v62  }
0x220: {  	v10 =	vadd.f32 v15, v10;
	v41 =	vmul.f32 v0, v26;
	v13 =	vmul.f32 v13, v20  }
0x221: {  	v11 =	vmul.f32 v11, v3;
	v40 =	vsub.f32 $1.500000000e+00, v23;
	v15 =	vmul.f32 v38, v22  }
0x222: {  	vm11 =	vlt.f32 v8, $1.000000020e-35;
	v44 =	vmul.f32 v41, v0;
	v43 =	vmul.f32 v13, v51  }
0x223: {  	v39 =	vmul.f32 v12, v6;
	v42 =	vmul.f32 v40, v19;
	v15 =	vsub.f32 $1.500000000e+00, v15  }
0x224: {  	v9 =	vmul.f32 v36, v9;
	v45 =	vmul.f32 v43, v13;
	v19 =	vsub.f32 $1.500000000e+00, v44  }
0x225: {  	v11 =	vsel vm8, $0x0, v11;
	v46 =	vmul.f32 v42, v58;
	v15 =	vmul.f32 v15, v22  }
0x226: {  	v9 =	vmul.f32 v9, v36;
	v6 =	vsub.f32 $1.500000000e+00, v45;
	v0 =	vmul.f32 v19, v0  }
0x227: {  	v10 =	vadd.f32 v11, v10;
	v12 =	vmul.f32 v46, v42;
	v47 =	vmul.f32 v15, v62  }
0x228: {  	v3 =	vsel vm9, $0x0, v39;
	v6 =	vmul.f32 v6, v13;
	v49 =	vmul.f32 v0, v26  }
0x229: {  	v3 =	vadd.f32 v3, v10;
	v12 =	vsub.f32 $1.500000000e+00, v12;
	v10 =	vmul.f32 v47, v15  }
0x22a: {  	v9 =	vsub.f32 $1.500000000e+00, v9;
	v51 =	vmul.f32 v6, v51;
	v52 =	vmul.f32 v49, v0  }
0x22b: {  	v48 =	vmul.f32 v17, v5;
	v50 =	vmul.f32 v12, v42;
	v10 =	vsub.f32 $1.500000000e+00, v10  }
0x22c: {  	v2 =	vmul.f32 v9, v36;
	v11 =	vmul.f32 v51, v6;
	v9 =	vsub.f32 $1.500000000e+00, v52  }
0x22d: {  	vm12 =	vlt.f32 v7, $1.000000020e-35;
	v54 =	vmul.f32 v50, v58;
	v10 =	vmul.f32 v10, v15  }
0x22e: {  	v53 =	vsel vm10, $0x0, v48;
	v2 =	vmul.f32 v2, v8;
	v0 =	vmul.f32 v9, v0  }
0x22f: {  	v11 =	vsub.f32 $1.500000000e+00, v11;
	v55 =	vmul.f32 v54, v50;
	v56 =	vmul.f32 v10, v62  }
0x230: {  	v3 =	vadd.f32 v53, v3;
	v2 =	vsel vm11, $0x0, v2;
	v0 =	vmul.f32 v0, v7  }
0x231: {  	v6 =	vmul.f32 v11, v6;
	v57 =	vsub.f32 $1.500000000e+00, v55;
	v58 =	vmul.f32 v56, v10  }
0x232: {  	v4 =	vsel vm13, $0x0, v4;
	v2 =	vadd.f32 v2, v3;
	v0 =	vsel vm12, $0x0, v0  }
0x233: {  	v6 =	vmul.f32 v6, v16;
	v5 =	vmul.f32 v57, v50;
	v3 =	vsub.f32 $1.500000000e+00, v58  }
0x234: {  	v1 =	vadd.f32 v4, v1;
	vm13 =	vlt.f32 v16, $1.000000020e-35;
	v0 =	vadd.f32 v0, v2  }
0x235: {  	v60 =	vsel vm13, $0x0, v6;
	v61 =	vmul.f32 v5, v14;
	v59 =	vmul.f32 v3, v10  }
0x236: {  	vm14 =	vlt.f32 v14, $1.000000020e-35;
	v0 =	vadd.f32 v60, v0  }
0x237: {  	[tilespmem:$0x1100] =	vst v1;
	v62 =	vsel vm14, $0x0, v61;
	v2 =	vmul.f32 v59, v18  }
0x238: {  	[hbm4b:s8+s2] =	stream.linear.scatter [tilespmem:s21], [sflag:$0x4], $0x80, $0x38;
	vm15 =	vlt.f32 v18, $1.000000020e-35;
	v0 =	vadd.f32 v62, v0;
	[tilespmem:$0x1180] =	vst v63  }
0x239: {  	_ =	swait.ge [sflag:s22], $0x80;
	v63 =	vsel vm15, $0x0, v2  }
0x23a: {  	[sflag:s22] =	ssyncset.done $0x0;
	v0 =	vadd.f32 v63, v0  }
0x23b: {  	p0 =	sne.s32 s10, $0x1;
	[sflag:s22] =	ssyncadd.s32 $0xFFFFFF80  }
.Ltmp0:
0x23c: {  	[tilespmem:$0x1100] =	vst v0;
	(pc) =	sbr.rel @p0 .LBB2_1-.Ltmp0, $4  }
0x23d: {  	[hbm4b:s9+s2] =	stream.linear.scatter [tilespmem:s21], [sflag:$0x4], $0x80, $0x38;
	[tilespmem:$0x1180] =	vst v63  }
0x23e: {  	_ =	swait.ge [sflag:s22], $0x80  }
0x23f: {  	[sflag:s22] =	ssyncset.done $0x0  }
0x240: {  	s10 =	sadd.s32 $0xFFFFFFFF, s10;
	[sflag:s22] =	ssyncadd.s32 $0xFFFFFF80  }
0x241: {  	_ =	sfence.sel $0x180000  }
0x242: {  	[bflag:$0x0] =	sbarrier.arrive $0xFFFF  }
0x243: {  	_ =	strace $0x90000047  }
0x244: {  	[bflag:$0x2] =	sbarrier.arrive $0xFFFF  }
0x245: {  	p0 =	sne.s32 s1, $0x0;
	s0 =	rddreg [dreg:$0x1]  }
0x246: {  	s0 =	sadd.s32 @!p0 $0x100000, s0  }
0x247: {  	[sflag:s0] =	ssyncadd.tile.s32 @!p0 $0x1;
	_ =	shalt  }
.Lfunc_end2:
_tile_overlayer_lowered:
.L_overlay_start_2:
0x248: {  	(tag) =	ssettag $0x2  }
0x249: {  	s0 =	rddreg [dreg:$0x0];
	s2 =	stileid.u32  }
0x24a: {  	s1 =	rddreg [dreg:$0x1];
	p0 =	sne.s32 s2, $0x0  }
0x24b: {  	s3 =	rddreg [dreg:$0x2];
	[bflag:$0x3] =	sbarrier.arrive $0xFFFF;
	s2 =	simm.s32 @!p0 $0x1C04  }
0x24c: {  	[timem:s3], [sflag:s2] =	dma.local @!p0 [hbm:s0], s1  }
0x24d: {  	s0 =	simm.s32 @!p0 $0x4  }
0x24e: {  	_ =	swait.ge @!p0 [sflag:s0], s1  }
0x24f: {  	s1 =	ssub.s32 @!p0 $0x0, s1;
	[sflag:s0] =	ssyncset.done @!p0 $0x0  }
0x250: {  	[sflag:s0] =	ssyncadd.s32 @!p0 s1  }
0x251: {  	[bflag:$0x3] =	sbarrier.arrive $0xFFFF  }
0x252: {  	_ =	shalt  }

</sc_bundles>
